<compile_context>
chip_gen: v7x
topology: tpu7x:2x2x1
jax: 0.10.2.dev20260603
libtpu: 0.0.44.dev20260713+nightly
codegen_flags: <defaults>
</compile_context>

<pallas_src>
import functools

import jax
import jax.numpy as jnp
from jax import lax
from jax.experimental import pallas as pl
from jax.experimental.pallas import tpu as pltpu
from jax.experimental.pallas import tpu_sc as plsc

N = 100000
E = 6400000
NC = 2
NS = 16
TILES = NC * NS
EPT = E // TILES
B = 2000
CH = EPT // B
NSLOT = 4
NP = 100096
RPT = NP // NS
CP = 8


def _make_sc_layer():
    mesh = plsc.VectorSubcoreMesh(core_axis_name="c", subcore_axis_name="s")

    @functools.partial(
        pl.kernel,
        mesh=mesh,
        compiler_params=pltpu.CompilerParams(use_tc_tiling_on_sc=False),
        out_type=jax.ShapeDtypeStruct((NC, NP, CP), jnp.float32),
        scratch_types=[
            pltpu.VMEM((NSLOT, B), jnp.int32),
            pltpu.VMEM((NSLOT, B), jnp.int32),
            pltpu.VMEM((NSLOT, B, CP), jnp.float32),
            pltpu.VMEM_SHARED((NP, CP), jnp.float32),
            pltpu.SemaphoreType.DMA,
            pltpu.SemaphoreType.DMA,
            pltpu.SemaphoreType.DMA,
        ],
    )
    def sc_layer(h_hbm, src_hbm, dst_hbm, zero_hbm, out_hbm,
                 src_v, dst_v, rows_v, acc_sh, sem_i, sem_g, sem_s):
        c = lax.axis_index("c")
        s = lax.axis_index("s")
        pltpu.sync_copy(zero_hbm.at[pl.ds(s * RPT, RPT)],
                        acc_sh.at[pl.ds(s * RPT, RPT)])
        plsc.subcore_barrier()

        tile_e0 = (c * NS + s) * EPT

        def issue_idx(k):
            sl = lax.rem(k, NSLOT)
            e0 = tile_e0 + k * B
            pltpu.async_copy(src_hbm.at[pl.ds(e0, B)], src_v.at[sl], sem_i)
            pltpu.async_copy(dst_hbm.at[pl.ds(e0, B)], dst_v.at[sl], sem_i)

        def wait_idx():
            pltpu.make_async_copy(src_hbm.at[pl.ds(0, B)], src_v.at[0], sem_i).wait()
            pltpu.make_async_copy(dst_hbm.at[pl.ds(0, B)], dst_v.at[0], sem_i).wait()

        def issue_gather(k):
            sl = lax.rem(k, NSLOT)
            pltpu.async_copy(h_hbm.at[src_v.at[sl]], rows_v.at[sl], sem_g)

        def wait_gather():
            pltpu.make_async_copy(h_hbm.at[src_v.at[0]], rows_v.at[0], sem_g).wait()

        def issue_scatter(k):
            sl = lax.rem(k, NSLOT)
            pltpu.async_copy(rows_v.at[sl], acc_sh.at[dst_v.at[sl]], sem_s,
                             add=True)

        def wait_scatter():
            pltpu.make_async_copy(rows_v.at[0], acc_sh.at[pl.ds(0, B)],
                                  sem_s).wait()

        issue_idx(0)
        issue_idx(1)

        def body(i, carry):
            @pl.when(i >= 2)
            def _():
                wait_scatter()

            @pl.when(i + 2 < CH)
            def _():
                issue_idx(i + 2)

            wait_idx()
            issue_gather(i)

            @pl.when(i >= 1)
            def _():
                wait_gather()
                issue_scatter(i - 1)

            return carry

        lax.fori_loop(0, CH, body, 0)
        wait_gather()
        issue_scatter(CH - 1)
        wait_scatter()
        wait_scatter()
        plsc.subcore_barrier()
        pltpu.sync_copy(acc_sh.at[pl.ds(s * RPT, RPT)],
                        out_hbm.at[c, pl.ds(s * RPT, RPT)])

    return sc_layer


_R = 2000


def _relu_affine(a_ref, h_ref, wr_ref, wo_ref, b_ref):
    agg = a_ref[0] + a_ref[1]
    return jnp.maximum(
        jnp.dot(agg, wr_ref[...], preferred_element_type=jnp.float32)
        + jnp.dot(h_ref[...], wo_ref[...], preferred_element_type=jnp.float32)
        + b_ref[...], 0.0)


def _tc_combine(h, accs, wrel, wroot, b):
    cin = h.shape[1]
    cout = wrel.shape[1]

    def body(a_ref, h_ref, wr_ref, wo_ref, b_ref, o_ref):
        o_ref[...] = _relu_affine(a_ref, h_ref, wr_ref, wo_ref, b_ref)

    return pl.pallas_call(
        body,
        grid=(N // _R,),
        in_specs=[
            pl.BlockSpec((2, _R, cin), lambda i: (0, i, 0)),
            pl.BlockSpec((_R, cin), lambda i: (i, 0)),
            pl.BlockSpec((cin, cout), lambda i: (0, 0)),
            pl.BlockSpec((cin, cout), lambda i: (0, 0)),
            pl.BlockSpec((1, cout), lambda i: (0, 0)),
        ],
        out_specs=pl.BlockSpec((_R, cout), lambda i: (i, 0)),
        out_shape=jax.ShapeDtypeStruct((N, cout), jnp.float32),
    )(accs, h, wrel, wroot, b)


def _tc_combine_split(h, accs, wrel, wroot, b):
    cin = h.shape[1]

    def body(a_ref, h_ref, wr_ref, wo_ref, b_ref, oa_ref, ob_ref):
        res = _relu_affine(a_ref, h_ref, wr_ref, wo_ref, b_ref)
        oa_ref[...] = res[:, :8]
        ob_ref[...] = res[:, 8:]

    return pl.pallas_call(
        body,
        grid=(N // _R,),
        in_specs=[
            pl.BlockSpec((2, _R, cin), lambda i: (0, i, 0)),
            pl.BlockSpec((_R, cin), lambda i: (i, 0)),
            pl.BlockSpec((cin, 16), lambda i: (0, 0)),
            pl.BlockSpec((cin, 16), lambda i: (0, 0)),
            pl.BlockSpec((1, 16), lambda i: (0, 0)),
        ],
        out_specs=[pl.BlockSpec((_R, 8), lambda i: (i, 0)),
                   pl.BlockSpec((_R, 8), lambda i: (i, 0))],
        out_shape=[jax.ShapeDtypeStruct((N, 8), jnp.float32),
                   jax.ShapeDtypeStruct((N, 8), jnp.float32)],
    )(accs, h, wrel, wroot, b)


def _tc_final(ha, hb, acca, accb, wra, wrb, woa, wob, b,
              wf1, bf1, wf2, bf2, wf3, bf3):

    def body(aa_ref, ab_ref, ha_ref, hb_ref, wra_ref, wrb_ref,
             woa_ref, wob_ref, b_ref,
             w1_ref, b1_ref, w2_ref, b2_ref, w3_ref, b3_ref, o_ref):
        agg_a = aa_ref[0] + aa_ref[1]
        agg_b = ab_ref[0] + ab_ref[1]
        h4 = jnp.maximum(
            jnp.dot(agg_a, wra_ref[...], preferred_element_type=jnp.float32)
            + jnp.dot(agg_b, wrb_ref[...], preferred_element_type=jnp.float32)
            + jnp.dot(ha_ref[...], woa_ref[...], preferred_element_type=jnp.float32)
            + jnp.dot(hb_ref[...], wob_ref[...], preferred_element_type=jnp.float32)
            + b_ref[...], 0.0)
        t = jnp.maximum(jnp.dot(h4, w1_ref[...],
                                preferred_element_type=jnp.float32) + b1_ref[...], 0.0)
        t = jnp.maximum(jnp.dot(t, w2_ref[...],
                                preferred_element_type=jnp.float32) + b2_ref[...], 0.0)
        o_ref[...] = jnp.dot(t, w3_ref[...],
                             preferred_element_type=jnp.float32) + b3_ref[...]

    full = lambda r, c: pl.BlockSpec((r, c), lambda i: (0, 0))
    return pl.pallas_call(
        body,
        grid=(N // _R,),
        in_specs=[
            pl.BlockSpec((2, _R, 8), lambda i: (0, i, 0)),
            pl.BlockSpec((2, _R, 8), lambda i: (0, i, 0)),
            pl.BlockSpec((_R, 8), lambda i: (i, 0)),
            pl.BlockSpec((_R, 8), lambda i: (i, 0)),
            full(8, 16), full(8, 16), full(8, 16), full(8, 16), full(1, 16),
            full(16, 32), full(1, 32),
            full(32, 16), full(1, 16),
            full(16, 128), full(1, 128),
        ],
        out_specs=pl.BlockSpec((_R, 128), lambda i: (i, 0)),
        out_shape=jax.ShapeDtypeStruct((N, 128), jnp.float32),
    )(acca, accb, ha, hb, wra, wrb, woa, wob, b,
      wf1, bf1, wf2, bf2, wf3, bf3)


def _pad_w(w, rows, cols):
    wt = w.T
    return jnp.zeros((rows, cols), jnp.float32).at[:wt.shape[0], :wt.shape[1]].set(wt)


def _pad_b(b, cols):
    return jnp.zeros((1, cols), jnp.float32).at[0, :b.shape[0]].set(b)


def kernel(x, edge_index, W_rel1, b_rel1, W_root1, W_rel2, b_rel2, W_root2,
           W_rel3, b_rel3, W_root3, W_rel4, b_rel4, W_root4,
           Wf1, bf1, Wf2, bf2, Wf3, bf3):
    src1d = edge_index[0]
    dst1d = edge_index[1]
    zeros8 = jnp.zeros((NP, CP), jnp.float32)

    sc8 = _make_sc_layer()

    h0 = jnp.pad(x, ((0, 0), (0, 7)))
    acc1 = sc8(h0, src1d, dst1d, zeros8)
    h1 = _tc_combine(h0, acc1, _pad_w(W_rel1, 8, 8), _pad_w(W_root1, 8, 8),
                     _pad_b(b_rel1, 8))
    acc2 = sc8(h1, src1d, dst1d, zeros8)
    h2 = _tc_combine(h1, acc2, _pad_w(W_rel2, 8, 8), _pad_w(W_root2, 8, 8),
                     _pad_b(b_rel2, 8))
    acc3 = sc8(h2, src1d, dst1d, zeros8)
    h3a, h3b = _tc_combine_split(h2, acc3, _pad_w(W_rel3, 8, 16),
                                 _pad_w(W_root3, 8, 16),
                                 _pad_b(b_rel3, 16))
    acc4a = sc8(h3a, src1d, dst1d, zeros8)
    acc4b = sc8(h3b, src1d, dst1d, zeros8)
    w4 = _pad_w(W_rel4, 16, 16)
    wo4 = _pad_w(W_root4, 16, 16)
    out = _tc_final(h3a, h3b, acc4a, acc4b,
                    w4[:8], w4[8:], wo4[:8], wo4[8:], _pad_b(b_rel4, 16),
                    _pad_w(Wf1, 16, 32), _pad_b(bf1, 32),
                    _pad_w(Wf2, 32, 16), _pad_b(bf2, 16),
                    _pad_w(Wf3, 16, 128), _pad_b(bf3, 128))
    return out

# --- scband reference (transcript-rebuilt; emitter-appended) ---
"""Pipeline reference for scband-feature-generation-net2-13297218748540 (READ-ONLY COPY).

The authoritative reference and input builder live on the scoring server;
editing this copy changes nothing except your own understanding.
"""

import jax, jax.numpy as jnp
import numpy as np

N = 100000
E = 6400000
RAW = 128
GCN_DIMS = [1, 4, 7, 10, 16]
NN_DIMS = [16, 32, 16, RAW]


def setup_inputs(seed: int = 0) -> dict:
    key = jax.random.key(seed)
    ks = jax.random.split(key, 32)
    inp = {}
    inp["x"] = jax.random.normal(ks[0], (N, 1), dtype=jnp.float32)
    inp["edge_index"] = jax.random.randint(ks[1], (2, E), 0, N, dtype=jnp.int32)
    ki = 2
    # GraphConv params: lin_rel (weight+bias), lin_root (weight only, no bias)
    for i in range(4):
        cin, cout = GCN_DIMS[i], GCN_DIMS[i + 1]
        s = 1.0 / np.sqrt(cin)
        inp[f"W_rel{i+1}"] = jax.random.uniform(ks[ki], (cout, cin), jnp.float32, -s, s); ki += 1
        inp[f"b_rel{i+1}"] = jax.random.uniform(ks[ki], (cout,), jnp.float32, -s, s); ki += 1
        inp[f"W_root{i+1}"] = jax.random.uniform(ks[ki], (cout, cin), jnp.float32, -s, s); ki += 1
    # fc layers
    for i in range(3):
        cin, cout = NN_DIMS[i], NN_DIMS[i + 1]
        s = 1.0 / np.sqrt(cin)
        inp[f"Wf{i+1}"] = jax.random.uniform(ks[ki], (cout, cin), jnp.float32, -s, s); ki += 1
        inp[f"bf{i+1}"] = jax.random.uniform(ks[ki], (cout,), jnp.float32, -s, s); ki += 1
    return inp


def _graph_conv(x, src, dst, W_rel, b_rel, W_root):
    # PyG GraphConv with aggr='add': out = lin_rel(sum_{j->i} x_j) + lin_root(x_i)
    msgs = jnp.take(x, src, axis=0)
    agg = jax.ops.segment_sum(msgs, dst, num_segments=N)
    return agg @ W_rel.T + b_rel + x @ W_root.T


def reference(x, edge_index, W_rel1, b_rel1, W_root1, W_rel2, b_rel2, W_root2, W_rel3, b_rel3, W_root3, W_rel4, b_rel4, W_root4, Wf1, bf1, Wf2, bf2, Wf3, bf3):
    src = edge_index[0]
    dst = edge_index[1]
    h = jax.nn.relu(_graph_conv(x, src, dst, W_rel1, b_rel1, W_root1))
    h = jax.nn.relu(_graph_conv(h, src, dst, W_rel2, b_rel2, W_root2))
    h = jax.nn.relu(_graph_conv(h, src, dst, W_rel3, b_rel3, W_root3))
    h = jax.nn.relu(_graph_conv(h, src, dst, W_rel4, b_rel4, W_root4))
    h = jax.nn.relu(h @ Wf1.T + bf1)
    h = jax.nn.relu(h @ Wf2.T + bf2)
    h = h @ Wf3.T + bf3
    return h

if __name__ == "__main__":
    import jax
    _d = setup_inputs()
    print(jax.jit(kernel)(*tuple(_d.values())))

</pallas_src>

<mosaic_0001>
#map = affine_map<(d0, d1) -> (0, 0)>
#map1 = affine_map<(d0, d1) -> (0)>
#map2 = affine_map<(d0, d1) -> (0, 0, 0)>
module attributes {stable_mosaic.version = 14 : i64} {
  func.func @sc_layer(%arg0: i32, %arg1: i32, %arg2: memref<100000x8xf32, #tpu.memory_space<hbm>>, %arg3: memref<6400000xi32, #tpu.memory_space<hbm>>, %arg4: memref<6400000xi32, #tpu.memory_space<hbm>>, %arg5: memref<100096x8xf32, #tpu.memory_space<hbm>>, %arg6: memref<2x100096x8xf32, #tpu.memory_space<hbm>>, %arg7: memref<4x2000xi32, #tpu.memory_space<vmem>>, %arg8: memref<4x2000xi32, #tpu.memory_space<vmem>>, %arg9: memref<4x2000x8xf32, #tpu.memory_space<vmem>>, %arg10: memref<100096x8xf32, #tpu.memory_space<vmem_shared>>, %arg11: memref<!tpu.dma_semaphore, #tpu.memory_space<semaphore_mem>>, %arg12: memref<!tpu.dma_semaphore, #tpu.memory_space<semaphore_mem>>, %arg13: memref<!tpu.dma_semaphore, #tpu.memory_space<semaphore_mem>>) attributes {dimension_semantics = [#tpu.dimension_semantics<core_parallel>, #tpu.dimension_semantics<subcore_parallel>], iteration_bounds = array<i64: 2, 16>, scalar_prefetch = 0 : i64, scratch_operands = 7 : i64, tpu.core_type = #tpu.core_type<sc_vector_subcore>, window_params = [{transform_indices = #map}, {transform_indices = #map1}, {transform_indices = #map1}, {transform_indices = #map}, {transform_indices = #map2}]} {
    %mul3A = arith.constant 6256 : i32
    %mul3A_0 = arith.muli %arg1, %mul3A : i32
    %mul3A_1 = arith.constant 6256 : i32
    %mul3A_2 = arith.muli %arg1, %mul3A_1 : i32
    "tpu.region"() ({
      %run_scoped3A = tpu.sem_alloc : memref<!tpu.dma_semaphore, #tpu.memory_space<semaphore_mem>>
      %dma_start3A_111 = arith.constant 0 : i32
      %dma_start3A_112 = tpu.memref_slice %arg10[%mul3A_2, %dma_start3A_111] : memref<100096x8xf32, #tpu.memory_space<vmem_shared>> -> memref<6256x8xf32, #tpu.memory_space<vmem_shared>>
      %dma_start3A_113 = arith.constant 0 : i32
      %dma_start3A_114 = tpu.memref_slice %arg5[%mul3A_0, %dma_start3A_113] : memref<100096x8xf32, #tpu.memory_space<hbm>> -> memref<6256x8xf32, #tpu.memory_space<hbm>>
      tpu.enqueue_dma source(%dma_start3A_114 : memref<6256x8xf32, #tpu.memory_space<hbm>>) target(%dma_start3A_112 : memref<6256x8xf32, #tpu.memory_space<vmem_shared>>) target_semaphore(%run_scoped3A : memref<!tpu.dma_semaphore, #tpu.memory_space<semaphore_mem>>)
      %dma_wait3A_115 = arith.constant 0 : i32
      %dma_wait3A_116 = tpu.memref_slice %arg10[%mul3A_2, %dma_wait3A_115] : memref<100096x8xf32, #tpu.memory_space<vmem_shared>> -> memref<6256x8xf32, #tpu.memory_space<vmem_shared>>
      %dma_wait3A_117 = arith.constant 0 : i32
      %dma_wait3A_118 = tpu.memref_slice %arg5[%mul3A_0, %dma_wait3A_117] : memref<100096x8xf32, #tpu.memory_space<hbm>> -> memref<6256x8xf32, #tpu.memory_space<hbm>>
      tpu.wait_dma2 semaphore(%run_scoped3A : memref<!tpu.dma_semaphore, #tpu.memory_space<semaphore_mem>>) src(%dma_wait3A_118 : memref<6256x8xf32, #tpu.memory_space<hbm>>) dst(%dma_wait3A_116 : memref<6256x8xf32, #tpu.memory_space<vmem_shared>>)
      tpu.yield
    }) : () -> ()
    %barrier3A = arith.constant 0 : index
    tpu.barrier barrier_id(%barrier3A)
    %mul3A_3 = arith.constant 16 : i32
    %mul3A_4 = arith.muli %arg0, %mul3A_3 : i32
    %add3A = arith.addi %mul3A_4, %arg1 : i32
    %mul3A_5 = arith.constant 200000 : i32
    %mul3A_6 = arith.muli %add3A, %mul3A_5 : i32
    %rem3A = arith.constant 0 : i32
    %rem3A_7 = arith.constant 4 : i32
    %rem3A_8 = arith.remsi %rem3A, %rem3A_7 : i32
    %add3A_9 = arith.constant 0 : i32
    %add3A_10 = arith.addi %mul3A_6, %add3A_9 : i32
    %dma_start3A = arith.constant 0 : i32
    %dma_start3A_11 = tpu.memref_slice %arg7[%rem3A_8, %dma_start3A] : memref<4x2000xi32, #tpu.memory_space<vmem>> -> memref<1x2000xi32, #tpu.memory_space<vmem>>
    %dma_start3A_12 = tpu.memref_squeeze %dma_start3A_11 : memref<1x2000xi32, #tpu.memory_space<vmem>> -> memref<2000xi32, #tpu.memory_space<vmem>>
    %dma_start3A_13 = tpu.memref_slice %arg3[%add3A_10] : memref<6400000xi32, #tpu.memory_space<hbm>> -> memref<2000xi32, #tpu.memory_space<hbm>>
    %dma_start3A_14 = arith.constant 0 : i32
    %dma_start3A_15 = tpu.memref_slice %arg7[%rem3A_8, %dma_start3A_14] : memref<4x2000xi32, #tpu.memory_space<vmem>> -> memref<1x2000xi32, #tpu.memory_space<vmem>>
    %dma_start3A_16 = tpu.memref_squeeze %dma_start3A_15 : memref<1x2000xi32, #tpu.memory_space<vmem>> -> memref<2000xi32, #tpu.memory_space<vmem>>
    %dma_start3A_17 = tpu.memref_slice %arg3[%add3A_10] : memref<6400000xi32, #tpu.memory_space<hbm>> -> memref<2000xi32, #tpu.memory_space<hbm>>
    tpu.enqueue_dma source(%dma_start3A_17 : memref<2000xi32, #tpu.memory_space<hbm>>) target(%dma_start3A_16 : memref<2000xi32, #tpu.memory_space<vmem>>) target_semaphore(%arg11 : memref<!tpu.dma_semaphore, #tpu.memory_space<semaphore_mem>>)
    %dma_start3A_18 = arith.constant 0 : i32
    %dma_start3A_19 = tpu.memref_slice %arg8[%rem3A_8, %dma_start3A_18] : memref<4x2000xi32, #tpu.memory_space<vmem>> -> memref<1x2000xi32, #tpu.memory_space<vmem>>
    %dma_start3A_20 = tpu.memref_squeeze %dma_start3A_19 : memref<1x2000xi32, #tpu.memory_space<vmem>> -> memref<2000xi32, #tpu.memory_space<vmem>>
    %dma_start3A_21 = tpu.memref_slice %arg4[%add3A_10] : memref<6400000xi32, #tpu.memory_space<hbm>> -> memref<2000xi32, #tpu.memory_space<hbm>>
    %dma_start3A_22 = arith.constant 0 : i32
    %dma_start3A_23 = tpu.memref_slice %arg8[%rem3A_8, %dma_start3A_22] : memref<4x2000xi32, #tpu.memory_space<vmem>> -> memref<1x2000xi32, #tpu.memory_space<vmem>>
    %dma_start3A_24 = tpu.memref_squeeze %dma_start3A_23 : memref<1x2000xi32, #tpu.memory_space<vmem>> -> memref<2000xi32, #tpu.memory_space<vmem>>
    %dma_start3A_25 = tpu.memref_slice %arg4[%add3A_10] : memref<6400000xi32, #tpu.memory_space<hbm>> -> memref<2000xi32, #tpu.memory_space<hbm>>
    tpu.enqueue_dma source(%dma_start3A_25 : memref<2000xi32, #tpu.memory_space<hbm>>) target(%dma_start3A_24 : memref<2000xi32, #tpu.memory_space<vmem>>) target_semaphore(%arg11 : memref<!tpu.dma_semaphore, #tpu.memory_space<semaphore_mem>>)
    %rem3A_26 = arith.constant 1 : i32
    %rem3A_27 = arith.constant 4 : i32
    %rem3A_28 = arith.remsi %rem3A_26, %rem3A_27 : i32
    %add3A_29 = arith.constant 2000 : i32
    %add3A_30 = arith.addi %mul3A_6, %add3A_29 : i32
    %dma_start3A_31 = arith.constant 0 : i32
    %dma_start3A_32 = tpu.memref_slice %arg7[%rem3A_28, %dma_start3A_31] : memref<4x2000xi32, #tpu.memory_space<vmem>> -> memref<1x2000xi32, #tpu.memory_space<vmem>>
    %dma_start3A_33 = tpu.memref_squeeze %dma_start3A_32 : memref<1x2000xi32, #tpu.memory_space<vmem>> -> memref<2000xi32, #tpu.memory_space<vmem>>
    %dma_start3A_34 = tpu.memref_slice %arg3[%add3A_30] : memref<6400000xi32, #tpu.memory_space<hbm>> -> memref<2000xi32, #tpu.memory_space<hbm>>
    %dma_start3A_35 = arith.constant 0 : i32
    %dma_start3A_36 = tpu.memref_slice %arg7[%rem3A_28, %dma_start3A_35] : memref<4x2000xi32, #tpu.memory_space<vmem>> -> memref<1x2000xi32, #tpu.memory_space<vmem>>
    %dma_start3A_37 = tpu.memref_squeeze %dma_start3A_36 : memref<1x2000xi32, #tpu.memory_space<vmem>> -> memref<2000xi32, #tpu.memory_space<vmem>>
    %dma_start3A_38 = tpu.memref_slice %arg3[%add3A_30] : memref<6400000xi32, #tpu.memory_space<hbm>> -> memref<2000xi32, #tpu.memory_space<hbm>>
    tpu.enqueue_dma source(%dma_start3A_38 : memref<2000xi32, #tpu.memory_space<hbm>>) target(%dma_start3A_37 : memref<2000xi32, #tpu.memory_space<vmem>>) target_semaphore(%arg11 : memref<!tpu.dma_semaphore, #tpu.memory_space<semaphore_mem>>)
    %dma_start3A_39 = arith.constant 0 : i32
    %dma_start3A_40 = tpu.memref_slice %arg8[%rem3A_28, %dma_start3A_39] : memref<4x2000xi32, #tpu.memory_space<vmem>> -> memref<1x2000xi32, #tpu.memory_space<vmem>>
    %dma_start3A_41 = tpu.memref_squeeze %dma_start3A_40 : memref<1x2000xi32, #tpu.memory_space<vmem>> -> memref<2000xi32, #tpu.memory_space<vmem>>
    %dma_start3A_42 = tpu.memref_slice %arg4[%add3A_30] : memref<6400000xi32, #tpu.memory_space<hbm>> -> memref<2000xi32, #tpu.memory_space<hbm>>
    %dma_start3A_43 = arith.constant 0 : i32
    %dma_start3A_44 = tpu.memref_slice %arg8[%rem3A_28, %dma_start3A_43] : memref<4x2000xi32, #tpu.memory_space<vmem>> -> memref<1x2000xi32, #tpu.memory_space<vmem>>
    %dma_start3A_45 = tpu.memref_squeeze %dma_start3A_44 : memref<1x2000xi32, #tpu.memory_space<vmem>> -> memref<2000xi32, #tpu.memory_space<vmem>>
    %dma_start3A_46 = tpu.memref_slice %arg4[%add3A_30] : memref<6400000xi32, #tpu.memory_space<hbm>> -> memref<2000xi32, #tpu.memory_space<hbm>>
    tpu.enqueue_dma source(%dma_start3A_46 : memref<2000xi32, #tpu.memory_space<hbm>>) target(%dma_start3A_45 : memref<2000xi32, #tpu.memory_space<vmem>>) target_semaphore(%arg11 : memref<!tpu.dma_semaphore, #tpu.memory_space<semaphore_mem>>)
    %scan3A = arith.constant 0 : i32
    %scan3A_47 = arith.constant 0 : i32
    %scan3A_48 = arith.constant 100 : i32
    %scan3A_49 = arith.addi %scan3A_47, %scan3A_48 : i32
    %scan3A_50 = arith.constant 1 : i32
    scf.for %scan3A_111 = %scan3A_47 to %scan3A_49 step %scan3A_50  : i32 {
      %ge3A = arith.constant 2 : i32
      %ge3A_112 = arith.cmpi sge, %scan3A_111, %ge3A : i32
      %convert_element_type3A = arith.extui %ge3A_112 : i1 to i32
      %cond3A = arith.constant 0 : i32
      %cond3A_113 = arith.cmpi ne, %convert_element_type3A, %cond3A : i32
      scf.if %cond3A_113 {
        %dma_wait3A_159 = arith.constant 0 : i32
        %dma_wait3A_160 = arith.constant 0 : i32
        %dma_wait3A_161 = arith.constant 0 : i32
        %dma_wait3A_162 = tpu.memref_slice %arg9[%dma_wait3A_159, %dma_wait3A_160, %dma_wait3A_161] : memref<4x2000x8xf32, #tpu.memory_space<vmem>> -> memref<1x2000x8xf32, #tpu.memory_space<vmem>>
        %dma_wait3A_163 = tpu.memref_squeeze %dma_wait3A_162 : memref<1x2000x8xf32, #tpu.memory_space<vmem>> -> memref<2000x8xf32, #tpu.memory_space<vmem>>
        %dma_wait3A_164 = arith.constant 0 : i32
        %dma_wait3A_165 = arith.constant 0 : i32
        %dma_wait3A_166 = tpu.memref_slice %arg10[%dma_wait3A_164, %dma_wait3A_165] : memref<100096x8xf32, #tpu.memory_space<vmem_shared>> -> memref<2000x8xf32, #tpu.memory_space<vmem_shared>>
        %dma_wait3A_167 = arith.constant 0 : i32
        %dma_wait3A_168 = arith.constant 0 : i32
        %dma_wait3A_169 = tpu.memref_slice %arg10[%dma_wait3A_167, %dma_wait3A_168] : memref<100096x8xf32, #tpu.memory_space<vmem_shared>> -> memref<2000x8xf32, #tpu.memory_space<vmem_shared>>
        %dma_wait3A_170 = arith.constant 0 : i32
        %dma_wait3A_171 = arith.constant 0 : i32
        %dma_wait3A_172 = tpu.memref_slice %arg9[%dma_wait3A_159, %dma_wait3A_170, %dma_wait3A_171] : memref<4x2000x8xf32, #tpu.memory_space<vmem>> -> memref<1x2000x8xf32, #tpu.memory_space<vmem>>
        %dma_wait3A_173 = tpu.memref_squeeze %dma_wait3A_172 : memref<1x2000x8xf32, #tpu.memory_space<vmem>> -> memref<2000x8xf32, #tpu.memory_space<vmem>>
        tpu.wait_dma2 semaphore(%arg13 : memref<!tpu.dma_semaphore, #tpu.memory_space<semaphore_mem>>) src(%dma_wait3A_173 : memref<2000x8xf32, #tpu.memory_space<vmem>>) dst(%dma_wait3A_169 : memref<2000x8xf32, #tpu.memory_space<vmem_shared>>)
      } else {
      }
      %add3A_114 = arith.constant 2 : i32
      %add3A_115 = arith.addi %scan3A_111, %add3A_114 : i32
      %lt3A = arith.constant 100 : i32
      %lt3A_116 = arith.cmpi slt, %add3A_115, %lt3A : i32
      %convert_element_type3A_117 = arith.extui %lt3A_116 : i1 to i32
      %cond3A_118 = arith.constant 0 : i32
      %cond3A_119 = arith.cmpi ne, %convert_element_type3A_117, %cond3A_118 : i32
      scf.if %cond3A_119 {
        %add3A_159 = arith.constant 2 : i32
        %add3A_160 = arith.addi %scan3A_111, %add3A_159 : i32
        %rem3A_161 = arith.constant 4 : i32
        %rem3A_162 = arith.remsi %add3A_160, %rem3A_161 : i32
        %mul3A_163 = arith.constant 2000 : i32
        %mul3A_164 = arith.muli %add3A_160, %mul3A_163 : i32
        %add3A_165 = arith.addi %mul3A_6, %mul3A_164 : i32
        %dma_start3A_166 = arith.constant 0 : i32
        %dma_start3A_167 = tpu.memref_slice %arg7[%rem3A_162, %dma_start3A_166] : memref<4x2000xi32, #tpu.memory_space<vmem>> -> memref<1x2000xi32, #tpu.memory_space<vmem>>
        %dma_start3A_168 = tpu.memref_squeeze %dma_start3A_167 : memref<1x2000xi32, #tpu.memory_space<vmem>> -> memref<2000xi32, #tpu.memory_space<vmem>>
        %dma_start3A_169 = tpu.memref_slice %arg3[%add3A_165] : memref<6400000xi32, #tpu.memory_space<hbm>> -> memref<2000xi32, #tpu.memory_space<hbm>>
        %dma_start3A_170 = arith.constant 0 : i32
        %dma_start3A_171 = tpu.memref_slice %arg7[%rem3A_162, %dma_start3A_170] : memref<4x2000xi32, #tpu.memory_space<vmem>> -> memref<1x2000xi32, #tpu.memory_space<vmem>>
        %dma_start3A_172 = tpu.memref_squeeze %dma_start3A_171 : memref<1x2000xi32, #tpu.memory_space<vmem>> -> memref<2000xi32, #tpu.memory_space<vmem>>
        %dma_start3A_173 = tpu.memref_slice %arg3[%add3A_165] : memref<6400000xi32, #tpu.memory_space<hbm>> -> memref<2000xi32, #tpu.memory_space<hbm>>
        tpu.enqueue_dma source(%dma_start3A_173 : memref<2000xi32, #tpu.memory_space<hbm>>) target(%dma_start3A_172 : memref<2000xi32, #tpu.memory_space<vmem>>) target_semaphore(%arg11 : memref<!tpu.dma_semaphore, #tpu.memory_space<semaphore_mem>>)
        %dma_start3A_174 = arith.constant 0 : i32
        %dma_start3A_175 = tpu.memref_slice %arg8[%rem3A_162, %dma_start3A_174] : memref<4x2000xi32, #tpu.memory_space<vmem>> -> memref<1x2000xi32, #tpu.memory_space<vmem>>
        %dma_start3A_176 = tpu.memref_squeeze %dma_start3A_175 : memref<1x2000xi32, #tpu.memory_space<vmem>> -> memref<2000xi32, #tpu.memory_space<vmem>>
        %dma_start3A_177 = tpu.memref_slice %arg4[%add3A_165] : memref<6400000xi32, #tpu.memory_space<hbm>> -> memref<2000xi32, #tpu.memory_space<hbm>>
        %dma_start3A_178 = arith.constant 0 : i32
        %dma_start3A_179 = tpu.memref_slice %arg8[%rem3A_162, %dma_start3A_178] : memref<4x2000xi32, #tpu.memory_space<vmem>> -> memref<1x2000xi32, #tpu.memory_space<vmem>>
        %dma_start3A_180 = tpu.memref_squeeze %dma_start3A_179 : memref<1x2000xi32, #tpu.memory_space<vmem>> -> memref<2000xi32, #tpu.memory_space<vmem>>
        %dma_start3A_181 = tpu.memref_slice %arg4[%add3A_165] : memref<6400000xi32, #tpu.memory_space<hbm>> -> memref<2000xi32, #tpu.memory_space<hbm>>
        tpu.enqueue_dma source(%dma_start3A_181 : memref<2000xi32, #tpu.memory_space<hbm>>) target(%dma_start3A_180 : memref<2000xi32, #tpu.memory_space<vmem>>) target_semaphore(%arg11 : memref<!tpu.dma_semaphore, #tpu.memory_space<semaphore_mem>>)
      } else {
      }
      %dma_wait3A_120 = arith.constant 0 : i32
      %dma_wait3A_121 = arith.constant 0 : i32
      %dma_wait3A_122 = tpu.memref_slice %arg7[%dma_wait3A_120, %dma_wait3A_121] : memref<4x2000xi32, #tpu.memory_space<vmem>> -> memref<1x2000xi32, #tpu.memory_space<vmem>>
      %dma_wait3A_123 = tpu.memref_squeeze %dma_wait3A_122 : memref<1x2000xi32, #tpu.memory_space<vmem>> -> memref<2000xi32, #tpu.memory_space<vmem>>
      %dma_wait3A_124 = arith.constant 0 : i32
      %dma_wait3A_125 = tpu.memref_slice %arg3[%dma_wait3A_124] : memref<6400000xi32, #tpu.memory_space<hbm>> -> memref<2000xi32, #tpu.memory_space<hbm>>
      %dma_wait3A_126 = arith.constant 0 : i32
      %dma_wait3A_127 = tpu.memref_slice %arg7[%dma_wait3A_120, %dma_wait3A_126] : memref<4x2000xi32, #tpu.memory_space<vmem>> -> memref<1x2000xi32, #tpu.memory_space<vmem>>
      %dma_wait3A_128 = tpu.memref_squeeze %dma_wait3A_127 : memref<1x2000xi32, #tpu.memory_space<vmem>> -> memref<2000xi32, #tpu.memory_space<vmem>>
      %dma_wait3A_129 = arith.constant 0 : i32
      %dma_wait3A_130 = tpu.memref_slice %arg3[%dma_wait3A_129] : memref<6400000xi32, #tpu.memory_space<hbm>> -> memref<2000xi32, #tpu.memory_space<hbm>>
      tpu.wait_dma2 semaphore(%arg11 : memref<!tpu.dma_semaphore, #tpu.memory_space<semaphore_mem>>) src(%dma_wait3A_130 : memref<2000xi32, #tpu.memory_space<hbm>>) dst(%dma_wait3A_128 : memref<2000xi32, #tpu.memory_space<vmem>>)
      %dma_wait3A_131 = arith.constant 0 : i32
      %dma_wait3A_132 = arith.constant 0 : i32
      %dma_wait3A_133 = tpu.memref_slice %arg8[%dma_wait3A_131, %dma_wait3A_132] : memref<4x2000xi32, #tpu.memory_space<vmem>> -> memref<1x2000xi32, #tpu.memory_space<vmem>>
      %dma_wait3A_134 = tpu.memref_squeeze %dma_wait3A_133 : memref<1x2000xi32, #tpu.memory_space<vmem>> -> memref<2000xi32, #tpu.memory_space<vmem>>
      %dma_wait3A_135 = arith.constant 0 : i32
      %dma_wait3A_136 = tpu.memref_slice %arg4[%dma_wait3A_135] : memref<6400000xi32, #tpu.memory_space<hbm>> -> memref<2000xi32, #tpu.memory_space<hbm>>
      %dma_wait3A_137 = arith.constant 0 : i32
      %dma_wait3A_138 = tpu.memref_slice %arg8[%dma_wait3A_131, %dma_wait3A_137] : memref<4x2000xi32, #tpu.memory_space<vmem>> -> memref<1x2000xi32, #tpu.memory_space<vmem>>
      %dma_wait3A_139 = tpu.memref_squeeze %dma_wait3A_138 : memref<1x2000xi32, #tpu.memory_space<vmem>> -> memref<2000xi32, #tpu.memory_space<vmem>>
      %dma_wait3A_140 = arith.constant 0 : i32
      %dma_wait3A_141 = tpu.memref_slice %arg4[%dma_wait3A_140] : memref<6400000xi32, #tpu.memory_space<hbm>> -> memref<2000xi32, #tpu.memory_space<hbm>>
      tpu.wait_dma2 semaphore(%arg11 : memref<!tpu.dma_semaphore, #tpu.memory_space<semaphore_mem>>) src(%dma_wait3A_141 : memref<2000xi32, #tpu.memory_space<hbm>>) dst(%dma_wait3A_139 : memref<2000xi32, #tpu.memory_space<vmem>>)
      %rem3A_142 = arith.constant 4 : i32
      %rem3A_143 = arith.remsi %scan3A_111, %rem3A_142 : i32
      %dma_start3A_144 = arith.constant 0 : i32
      %dma_start3A_145 = arith.constant 0 : i32
      %dma_start3A_146 = tpu.memref_slice %arg9[%rem3A_143, %dma_start3A_144, %dma_start3A_145] : memref<4x2000x8xf32, #tpu.memory_space<vmem>> -> memref<1x2000x8xf32, #tpu.memory_space<vmem>>
      %dma_start3A_147 = tpu.memref_squeeze %dma_start3A_146 : memref<1x2000x8xf32, #tpu.memory_space<vmem>> -> memref<2000x8xf32, #tpu.memory_space<vmem>>
      %dma_start3A_148 = arith.constant 0 : i32
      %dma_start3A_149 = tpu.memref_slice %arg7[%rem3A_143, %dma_start3A_148] : memref<4x2000xi32, #tpu.memory_space<vmem>> -> memref<1x2000xi32, #tpu.memory_space<vmem>>
      %dma_start3A_150 = tpu.memref_squeeze %dma_start3A_149 : memref<1x2000xi32, #tpu.memory_space<vmem>> -> memref<2000xi32, #tpu.memory_space<vmem>>
      %dma_start3A_151 = arith.constant 0 : i32
      %dma_start3A_152 = arith.constant 0 : i32
      %dma_start3A_153 = tpu.memref_slice %arg2[%dma_start3A_151, %dma_start3A_152] : memref<100000x8xf32, #tpu.memory_space<hbm>> -> memref<100000x8xf32, #tpu.memory_space<hbm>>
      tpu.enqueue_indirect_dma source(%dma_start3A_153 : memref<100000x8xf32, #tpu.memory_space<hbm>>) target(%dma_start3A_147 : memref<2000x8xf32, #tpu.memory_space<vmem>>) offsets(%dma_start3A_150 : memref<2000xi32, #tpu.memory_space<vmem>>) semaphore(%arg12 : memref<!tpu.dma_semaphore, #tpu.memory_space<semaphore_mem>>)
      %ge3A_154 = arith.constant 1 : i32
      %ge3A_155 = arith.cmpi sge, %scan3A_111, %ge3A_154 : i32
      %convert_element_type3A_156 = arith.extui %ge3A_155 : i1 to i32
      %cond3A_157 = arith.constant 0 : i32
      %cond3A_158 = arith.cmpi ne, %convert_element_type3A_156, %cond3A_157 : i32
      scf.if %cond3A_158 {
        %dma_wait3A_159 = arith.constant 0 : i32
        %dma_wait3A_160 = arith.constant 0 : i32
        %dma_wait3A_161 = arith.constant 0 : i32
        %dma_wait3A_162 = arith.constant 0 : i32
        %dma_wait3A_163 = tpu.memref_slice %arg9[%dma_wait3A_160, %dma_wait3A_161, %dma_wait3A_162] : memref<4x2000x8xf32, #tpu.memory_space<vmem>> -> memref<1x2000x8xf32, #tpu.memory_space<vmem>>
        %dma_wait3A_164 = tpu.memref_squeeze %dma_wait3A_163 : memref<1x2000x8xf32, #tpu.memory_space<vmem>> -> memref<2000x8xf32, #tpu.memory_space<vmem>>
        %dma_wait3A_165 = arith.constant 0 : i32
        %dma_wait3A_166 = tpu.memref_slice %arg7[%dma_wait3A_159, %dma_wait3A_165] : memref<4x2000xi32, #tpu.memory_space<vmem>> -> memref<1x2000xi32, #tpu.memory_space<vmem>>
        %dma_wait3A_167 = tpu.memref_squeeze %dma_wait3A_166 : memref<1x2000xi32, #tpu.memory_space<vmem>> -> memref<2000xi32, #tpu.memory_space<vmem>>
        %dma_wait3A_168 = arith.constant 0 : i32
        %dma_wait3A_169 = arith.constant 0 : i32
        %dma_wait3A_170 = tpu.memref_slice %arg2[%dma_wait3A_168, %dma_wait3A_169] : memref<100000x8xf32, #tpu.memory_space<hbm>> -> memref<100000x8xf32, #tpu.memory_space<hbm>>
        tpu.wait_indirect_dma semaphore(%arg12 : memref<!tpu.dma_semaphore, #tpu.memory_space<semaphore_mem>>) src(%dma_wait3A_170 : memref<100000x8xf32, #tpu.memory_space<hbm>>) dst(%dma_wait3A_164 : memref<2000x8xf32, #tpu.memory_space<vmem>>)
        %sub3A = arith.constant 1 : i32
        %sub3A_171 = arith.subi %scan3A_111, %sub3A : i32
        %rem3A_172 = arith.constant 4 : i32
        %rem3A_173 = arith.remsi %sub3A_171, %rem3A_172 : i32
        %dma_start3A_174 = arith.constant 0 : i32
        %dma_start3A_175 = arith.constant 0 : i32
        %dma_start3A_176 = tpu.memref_slice %arg9[%rem3A_173, %dma_start3A_174, %dma_start3A_175] : memref<4x2000x8xf32, #tpu.memory_space<vmem>> -> memref<1x2000x8xf32, #tpu.memory_space<vmem>>
        %dma_start3A_177 = tpu.memref_squeeze %dma_start3A_176 : memref<1x2000x8xf32, #tpu.memory_space<vmem>> -> memref<2000x8xf32, #tpu.memory_space<vmem>>
        %dma_start3A_178 = arith.constant 0 : i32
        %dma_start3A_179 = tpu.memref_slice %arg8[%rem3A_173, %dma_start3A_178] : memref<4x2000xi32, #tpu.memory_space<vmem>> -> memref<1x2000xi32, #tpu.memory_space<vmem>>
        %dma_start3A_180 = tpu.memref_squeeze %dma_start3A_179 : memref<1x2000xi32, #tpu.memory_space<vmem>> -> memref<2000xi32, #tpu.memory_space<vmem>>
        %dma_start3A_181 = arith.constant 0 : i32
        %dma_start3A_182 = arith.constant 0 : i32
        %dma_start3A_183 = tpu.memref_slice %arg10[%dma_start3A_181, %dma_start3A_182] : memref<100096x8xf32, #tpu.memory_space<vmem_shared>> -> memref<100096x8xf32, #tpu.memory_space<vmem_shared>>
        tpu.enqueue_indirect_dma source(%dma_start3A_177 : memref<2000x8xf32, #tpu.memory_space<vmem>>) target(%dma_start3A_183 : memref<100096x8xf32, #tpu.memory_space<vmem_shared>>) offsets(%dma_start3A_180 : memref<2000xi32, #tpu.memory_space<vmem>>) semaphore(%arg13 : memref<!tpu.dma_semaphore, #tpu.memory_space<semaphore_mem>>) {add = true}
      } else {
      }
    }
    %scan3A_51 = arith.constant 100 : i32
    %dma_wait3A = arith.constant 0 : i32
    %dma_wait3A_52 = arith.constant 0 : i32
    %dma_wait3A_53 = arith.constant 0 : i32
    %dma_wait3A_54 = arith.constant 0 : i32
    %dma_wait3A_55 = tpu.memref_slice %arg9[%dma_wait3A_52, %dma_wait3A_53, %dma_wait3A_54] : memref<4x2000x8xf32, #tpu.memory_space<vmem>> -> memref<1x2000x8xf32, #tpu.memory_space<vmem>>
    %dma_wait3A_56 = tpu.memref_squeeze %dma_wait3A_55 : memref<1x2000x8xf32, #tpu.memory_space<vmem>> -> memref<2000x8xf32, #tpu.memory_space<vmem>>
    %dma_wait3A_57 = arith.constant 0 : i32
    %dma_wait3A_58 = tpu.memref_slice %arg7[%dma_wait3A, %dma_wait3A_57] : memref<4x2000xi32, #tpu.memory_space<vmem>> -> memref<1x2000xi32, #tpu.memory_space<vmem>>
    %dma_wait3A_59 = tpu.memref_squeeze %dma_wait3A_58 : memref<1x2000xi32, #tpu.memory_space<vmem>> -> memref<2000xi32, #tpu.memory_space<vmem>>
    %dma_wait3A_60 = arith.constant 0 : i32
    %dma_wait3A_61 = arith.constant 0 : i32
    %dma_wait3A_62 = tpu.memref_slice %arg2[%dma_wait3A_60, %dma_wait3A_61] : memref<100000x8xf32, #tpu.memory_space<hbm>> -> memref<100000x8xf32, #tpu.memory_space<hbm>>
    tpu.wait_indirect_dma semaphore(%arg12 : memref<!tpu.dma_semaphore, #tpu.memory_space<semaphore_mem>>) src(%dma_wait3A_62 : memref<100000x8xf32, #tpu.memory_space<hbm>>) dst(%dma_wait3A_56 : memref<2000x8xf32, #tpu.memory_space<vmem>>)
    %rem3A_63 = arith.constant 99 : i32
    %rem3A_64 = arith.constant 4 : i32
    %rem3A_65 = arith.remsi %rem3A_63, %rem3A_64 : i32
    %dma_start3A_66 = arith.constant 0 : i32
    %dma_start3A_67 = arith.constant 0 : i32
    %dma_start3A_68 = tpu.memref_slice %arg9[%rem3A_65, %dma_start3A_66, %dma_start3A_67] : memref<4x2000x8xf32, #tpu.memory_space<vmem>> -> memref<1x2000x8xf32, #tpu.memory_space<vmem>>
    %dma_start3A_69 = tpu.memref_squeeze %dma_start3A_68 : memref<1x2000x8xf32, #tpu.memory_space<vmem>> -> memref<2000x8xf32, #tpu.memory_space<vmem>>
    %dma_start3A_70 = arith.constant 0 : i32
    %dma_start3A_71 = tpu.memref_slice %arg8[%rem3A_65, %dma_start3A_70] : memref<4x2000xi32, #tpu.memory_space<vmem>> -> memref<1x2000xi32, #tpu.memory_space<vmem>>
    %dma_start3A_72 = tpu.memref_squeeze %dma_start3A_71 : memref<1x2000xi32, #tpu.memory_space<vmem>> -> memref<2000xi32, #tpu.memory_space<vmem>>
    %dma_start3A_73 = arith.constant 0 : i32
    %dma_start3A_74 = arith.constant 0 : i32
    %dma_start3A_75 = tpu.memref_slice %arg10[%dma_start3A_73, %dma_start3A_74] : memref<100096x8xf32, #tpu.memory_space<vmem_shared>> -> memref<100096x8xf32, #tpu.memory_space<vmem_shared>>
    tpu.enqueue_indirect_dma source(%dma_start3A_69 : memref<2000x8xf32, #tpu.memory_space<vmem>>) target(%dma_start3A_75 : memref<100096x8xf32, #tpu.memory_space<vmem_shared>>) offsets(%dma_start3A_72 : memref<2000xi32, #tpu.memory_space<vmem>>) semaphore(%arg13 : memref<!tpu.dma_semaphore, #tpu.memory_space<semaphore_mem>>) {add = true}
    %dma_wait3A_76 = arith.constant 0 : i32
    %dma_wait3A_77 = arith.constant 0 : i32
    %dma_wait3A_78 = arith.constant 0 : i32
    %dma_wait3A_79 = tpu.memref_slice %arg9[%dma_wait3A_76, %dma_wait3A_77, %dma_wait3A_78] : memref<4x2000x8xf32, #tpu.memory_space<vmem>> -> memref<1x2000x8xf32, #tpu.memory_space<vmem>>
    %dma_wait3A_80 = tpu.memref_squeeze %dma_wait3A_79 : memref<1x2000x8xf32, #tpu.memory_space<vmem>> -> memref<2000x8xf32, #tpu.memory_space<vmem>>
    %dma_wait3A_81 = arith.constant 0 : i32
    %dma_wait3A_82 = arith.constant 0 : i32
    %dma_wait3A_83 = tpu.memref_slice %arg10[%dma_wait3A_81, %dma_wait3A_82] : memref<100096x8xf32, #tpu.memory_space<vmem_shared>> -> memref<2000x8xf32, #tpu.memory_space<vmem_shared>>
    %dma_wait3A_84 = arith.constant 0 : i32
    %dma_wait3A_85 = arith.constant 0 : i32
    %dma_wait3A_86 = tpu.memref_slice %arg10[%dma_wait3A_84, %dma_wait3A_85] : memref<100096x8xf32, #tpu.memory_space<vmem_shared>> -> memref<2000x8xf32, #tpu.memory_space<vmem_shared>>
    %dma_wait3A_87 = arith.constant 0 : i32
    %dma_wait3A_88 = arith.constant 0 : i32
    %dma_wait3A_89 = tpu.memref_slice %arg9[%dma_wait3A_76, %dma_wait3A_87, %dma_wait3A_88] : memref<4x2000x8xf32, #tpu.memory_space<vmem>> -> memref<1x2000x8xf32, #tpu.memory_space<vmem>>
    %dma_wait3A_90 = tpu.memref_squeeze %dma_wait3A_89 : memref<1x2000x8xf32, #tpu.memory_space<vmem>> -> memref<2000x8xf32, #tpu.memory_space<vmem>>
    tpu.wait_dma2 semaphore(%arg13 : memref<!tpu.dma_semaphore, #tpu.memory_space<semaphore_mem>>) src(%dma_wait3A_90 : memref<2000x8xf32, #tpu.memory_space<vmem>>) dst(%dma_wait3A_86 : memref<2000x8xf32, #tpu.memory_space<vmem_shared>>)
    %dma_wait3A_91 = arith.constant 0 : i32
    %dma_wait3A_92 = arith.constant 0 : i32
    %dma_wait3A_93 = arith.constant 0 : i32
    %dma_wait3A_94 = tpu.memref_slice %arg9[%dma_wait3A_91, %dma_wait3A_92, %dma_wait3A_93] : memref<4x2000x8xf32, #tpu.memory_space<vmem>> -> memref<1x2000x8xf32, #tpu.memory_space<vmem>>
    %dma_wait3A_95 = tpu.memref_squeeze %dma_wait3A_94 : memref<1x2000x8xf32, #tpu.memory_space<vmem>> -> memref<2000x8xf32, #tpu.memory_space<vmem>>
    %dma_wait3A_96 = arith.constant 0 : i32
    %dma_wait3A_97 = arith.constant 0 : i32
    %dma_wait3A_98 = tpu.memref_slice %arg10[%dma_wait3A_96, %dma_wait3A_97] : memref<100096x8xf32, #tpu.memory_space<vmem_shared>> -> memref<2000x8xf32, #tpu.memory_space<vmem_shared>>
    %dma_wait3A_99 = arith.constant 0 : i32
    %dma_wait3A_100 = arith.constant 0 : i32
    %dma_wait3A_101 = tpu.memref_slice %arg10[%dma_wait3A_99, %dma_wait3A_100] : memref<100096x8xf32, #tpu.memory_space<vmem_shared>> -> memref<2000x8xf32, #tpu.memory_space<vmem_shared>>
    %dma_wait3A_102 = arith.constant 0 : i32
    %dma_wait3A_103 = arith.constant 0 : i32
    %dma_wait3A_104 = tpu.memref_slice %arg9[%dma_wait3A_91, %dma_wait3A_102, %dma_wait3A_103] : memref<4x2000x8xf32, #tpu.memory_space<vmem>> -> memref<1x2000x8xf32, #tpu.memory_space<vmem>>
    %dma_wait3A_105 = tpu.memref_squeeze %dma_wait3A_104 : memref<1x2000x8xf32, #tpu.memory_space<vmem>> -> memref<2000x8xf32, #tpu.memory_space<vmem>>
    tpu.wait_dma2 semaphore(%arg13 : memref<!tpu.dma_semaphore, #tpu.memory_space<semaphore_mem>>) src(%dma_wait3A_105 : memref<2000x8xf32, #tpu.memory_space<vmem>>) dst(%dma_wait3A_101 : memref<2000x8xf32, #tpu.memory_space<vmem_shared>>)
    %barrier3A_106 = arith.constant 0 : index
    tpu.barrier barrier_id(%barrier3A_106)
    %mul3A_107 = arith.constant 6256 : i32
    %mul3A_108 = arith.muli %arg1, %mul3A_107 : i32
    %mul3A_109 = arith.constant 6256 : i32
    %mul3A_110 = arith.muli %arg1, %mul3A_109 : i32
    "tpu.region"() ({
      %run_scoped3A = tpu.sem_alloc : memref<!tpu.dma_semaphore, #tpu.memory_space<semaphore_mem>>
      %dma_start3A_111 = arith.constant 0 : i32
      %dma_start3A_112 = tpu.memref_slice %arg6[%arg0, %mul3A_110, %dma_start3A_111] : memref<2x100096x8xf32, #tpu.memory_space<hbm>> -> memref<1x6256x8xf32, #tpu.memory_space<hbm>>
      %dma_start3A_113 = tpu.memref_squeeze %dma_start3A_112 : memref<1x6256x8xf32, #tpu.memory_space<hbm>> -> memref<6256x8xf32, #tpu.memory_space<hbm>>
      %dma_start3A_114 = arith.constant 0 : i32
      %dma_start3A_115 = tpu.memref_slice %arg10[%mul3A_108, %dma_start3A_114] : memref<100096x8xf32, #tpu.memory_space<vmem_shared>> -> memref<6256x8xf32, #tpu.memory_space<vmem_shared>>
      tpu.enqueue_dma source(%dma_start3A_115 : memref<6256x8xf32, #tpu.memory_space<vmem_shared>>) target(%dma_start3A_113 : memref<6256x8xf32, #tpu.memory_space<hbm>>) target_semaphore(%run_scoped3A : memref<!tpu.dma_semaphore, #tpu.memory_space<semaphore_mem>>)
      %dma_wait3A_116 = arith.constant 0 : i32
      %dma_wait3A_117 = tpu.memref_slice %arg6[%arg0, %mul3A_110, %dma_wait3A_116] : memref<2x100096x8xf32, #tpu.memory_space<hbm>> -> memref<1x6256x8xf32, #tpu.memory_space<hbm>>
      %dma_wait3A_118 = tpu.memref_squeeze %dma_wait3A_117 : memref<1x6256x8xf32, #tpu.memory_space<hbm>> -> memref<6256x8xf32, #tpu.memory_space<hbm>>
      %dma_wait3A_119 = arith.constant 0 : i32
      %dma_wait3A_120 = tpu.memref_slice %arg10[%mul3A_108, %dma_wait3A_119] : memref<100096x8xf32, #tpu.memory_space<vmem_shared>> -> memref<6256x8xf32, #tpu.memory_space<vmem_shared>>
      tpu.wait_dma2 semaphore(%run_scoped3A : memref<!tpu.dma_semaphore, #tpu.memory_space<semaphore_mem>>) src(%dma_wait3A_120 : memref<6256x8xf32, #tpu.memory_space<vmem_shared>>) dst(%dma_wait3A_118 : memref<6256x8xf32, #tpu.memory_space<hbm>>)
      tpu.yield
    }) : () -> ()
    return
  }
}

#map = affine_map<(d0, d1) -> (0, 0)>
#map1 = affine_map<(d0, d1) -> (0)>
#map2 = affine_map<(d0, d1) -> (0, 0, 0)>
module attributes {stable_mosaic.version = 14 : i64} {
  func.func @sc_layer(%arg0: i32, %arg1: i32, %arg2: memref<100000x8xf32, #tpu.memory_space<hbm>>, %arg3: memref<6400000xi32, #tpu.memory_space<hbm>>, %arg4: memref<6400000xi32, #tpu.memory_space<hbm>>, %arg5: memref<100096x8xf32, #tpu.memory_space<hbm>>, %arg6: memref<2x100096x8xf32, #tpu.memory_space<hbm>>, %arg7: memref<4x2000xi32, #tpu.memory_space<vmem>>, %arg8: memref<4x2000xi32, #tpu.memory_space<vmem>>, %arg9: memref<4x2000x8xf32, #tpu.memory_space<vmem>>, %arg10: memref<100096x8xf32, #tpu.memory_space<vmem_shared>>, %arg11: memref<!tpu.dma_semaphore, #tpu.memory_space<semaphore_mem>>, %arg12: memref<!tpu.dma_semaphore, #tpu.memory_space<semaphore_mem>>, %arg13: memref<!tpu.dma_semaphore, #tpu.memory_space<semaphore_mem>>) attributes {dimension_semantics = [#tpu.dimension_semantics<core_parallel>, #tpu.dimension_semantics<subcore_parallel>], iteration_bounds = array<i64: 2, 16>, scalar_prefetch = 0 : i64, scratch_operands = 7 : i64, tpu.core_type = #tpu.core_type<sc_vector_subcore>, window_params = [{transform_indices = #map}, {transform_indices = #map1}, {transform_indices = #map1}, {transform_indices = #map}, {transform_indices = #map2}]} {
    %mul3A = arith.constant 6256 : i32
    %mul3A_0 = arith.muli %arg1, %mul3A : i32
    %mul3A_1 = arith.constant 6256 : i32
    %mul3A_2 = arith.muli %arg1, %mul3A_1 : i32
    "tpu.region"() ({
      %run_scoped3A = tpu.sem_alloc : memref<!tpu.dma_semaphore, #tpu.memory_space<semaphore_mem>>
      %dma_start3A_111 = arith.constant 0 : i32
      %dma_start3A_112 = tpu.memref_slice %arg10[%mul3A_2, %dma_start3A_111] : memref<100096x8xf32, #tpu.memory_space<vmem_shared>> -> memref<6256x8xf32, #tpu.memory_space<vmem_shared>>
      %dma_start3A_113 = arith.constant 0 : i32
      %dma_start3A_114 = tpu.memref_slice %arg5[%mul3A_0, %dma_start3A_113] : memref<100096x8xf32, #tpu.memory_space<hbm>> -> memref<6256x8xf32, #tpu.memory_space<hbm>>
      tpu.enqueue_dma source(%dma_start3A_114 : memref<6256x8xf32, #tpu.memory_space<hbm>>) target(%dma_start3A_112 : memref<6256x8xf32, #tpu.memory_space<vmem_shared>>) target_semaphore(%run_scoped3A : memref<!tpu.dma_semaphore, #tpu.memory_space<semaphore_mem>>)
      %dma_wait3A_115 = arith.constant 0 : i32
      %dma_wait3A_116 = tpu.memref_slice %arg10[%mul3A_2, %dma_wait3A_115] : memref<100096x8xf32, #tpu.memory_space<vmem_shared>> -> memref<6256x8xf32, #tpu.memory_space<vmem_shared>>
      %dma_wait3A_117 = arith.constant 0 : i32
      %dma_wait3A_118 = tpu.memref_slice %arg5[%mul3A_0, %dma_wait3A_117] : memref<100096x8xf32, #tpu.memory_space<hbm>> -> memref<6256x8xf32, #tpu.memory_space<hbm>>
      tpu.wait_dma2 semaphore(%run_scoped3A : memref<!tpu.dma_semaphore, #tpu.memory_space<semaphore_mem>>) src(%dma_wait3A_118 : memref<6256x8xf32, #tpu.memory_space<hbm>>) dst(%dma_wait3A_116 : memref<6256x8xf32, #tpu.memory_space<vmem_shared>>)
      tpu.yield
    }) : () -> ()
    %barrier3A = arith.constant 0 : index
    tpu.barrier barrier_id(%barrier3A)
    %mul3A_3 = arith.constant 16 : i32
    %mul3A_4 = arith.muli %arg0, %mul3A_3 : i32
    %add3A = arith.addi %mul3A_4, %arg1 : i32
    %mul3A_5 = arith.constant 200000 : i32
    %mul3A_6 = arith.muli %add3A, %mul3A_5 : i32
    %rem3A = arith.constant 0 : i32
    %rem3A_7 = arith.constant 4 : i32
    %rem3A_8 = arith.remsi %rem3A, %rem3A_7 : i32
    %add3A_9 = arith.constant 0 : i32
    %add3A_10 = arith.addi %mul3A_6, %add3A_9 : i32
    %dma_start3A = arith.constant 0 : i32
    %dma_start3A_11 = tpu.memref_slice %arg7[%rem3A_8, %dma_start3A] : memref<4x2000xi32, #tpu.memory_space<vmem>> -> memref<1x2000xi32, #tpu.memory_space<vmem>>
    %dma_start3A_12 = tpu.memref_squeeze %dma_start3A_11 : memref<1x2000xi32, #tpu.memory_space<vmem>> -> memref<2000xi32, #tpu.memory_space<vmem>>
    %dma_start3A_13 = tpu.memref_slice %arg3[%add3A_10] : memref<6400000xi32, #tpu.memory_space<hbm>> -> memref<2000xi32, #tpu.memory_space<hbm>>
    %dma_start3A_14 = arith.constant 0 : i32
    %dma_start3A_15 = tpu.memref_slice %arg7[%rem3A_8, %dma_start3A_14] : memref<4x2000xi32, #tpu.memory_space<vmem>> -> memref<1x2000xi32, #tpu.memory_space<vmem>>
    %dma_start3A_16 = tpu.memref_squeeze %dma_start3A_15 : memref<1x2000xi32, #tpu.memory_space<vmem>> -> memref<2000xi32, #tpu.memory_space<vmem>>
    %dma_start3A_17 = tpu.memref_slice %arg3[%add3A_10] : memref<6400000xi32, #tpu.memory_space<hbm>> -> memref<2000xi32, #tpu.memory_space<hbm>>
    tpu.enqueue_dma source(%dma_start3A_17 : memref<2000xi32, #tpu.memory_space<hbm>>) target(%dma_start3A_16 : memref<2000xi32, #tpu.memory_space<vmem>>) target_semaphore(%arg11 : memref<!tpu.dma_semaphore, #tpu.memory_space<semaphore_mem>>)
    %dma_start3A_18 = arith.constant 0 : i32
    %dma_start3A_19 = tpu.memref_slice %arg8[%rem3A_8, %dma_start3A_18] : memref<4x2000xi32, #tpu.memory_space<vmem>> -> memref<1x2000xi32, #tpu.memory_space<vmem>>
    %dma_start3A_20 = tpu.memref_squeeze %dma_start3A_19 : memref<1x2000xi32, #tpu.memory_space<vmem>> -> memref<2000xi32, #tpu.memory_space<vmem>>
    %dma_start3A_21 = tpu.memref_slice %arg4[%add3A_10] : memref<6400000xi32, #tpu.memory_space<hbm>> -> memref<2000xi32, #tpu.memory_space<hbm>>
    %dma_start3A_22 = arith.constant 0 : i32
    %dma_start3A_23 = tpu.memref_slice %arg8[%rem3A_8, %dma_start3A_22] : memref<4x2000xi32, #tpu.memory_space<vmem>> -> memref<1x2000xi32, #tpu.memory_space<vmem>>
    %dma_start3A_24 = tpu.memref_squeeze %dma_start3A_23 : memref<1x2000xi32, #tpu.memory_space<vmem>> -> memref<2000xi32, #tpu.memory_space<vmem>>
    %dma_start3A_25 = tpu.memref_slice %arg4[%add3A_10] : memref<6400000xi32, #tpu.memory_space<hbm>> -> memref<2000xi32, #tpu.memory_space<hbm>>
    tpu.enqueue_dma source(%dma_start3A_25 : memref<2000xi32, #tpu.memory_space<hbm>>) target(%dma_start3A_24 : memref<2000xi32, #tpu.memory_space<vmem>>) target_semaphore(%arg11 : memref<!tpu.dma_semaphore, #tpu.memory_space<semaphore_mem>>)
    %rem3A_26 = arith.constant 1 : i32
    %rem3A_27 = arith.constant 4 : i32
    %rem3A_28 = arith.remsi %rem3A_26, %rem3A_27 : i32
    %add3A_29 = arith.constant 2000 : i32
    %add3A_30 = arith.addi %mul3A_6, %add3A_29 : i32
    %dma_start3A_31 = arith.constant 0 : i32
    %dma_start3A_32 = tpu.memref_slice %arg7[%rem3A_28, %dma_start3A_31] : memref<4x2000xi32, #tpu.memory_space<vmem>> -> memref<1x2000xi32, #tpu.memory_space<vmem>>
    %dma_start3A_33 = tpu.memref_squeeze %dma_start3A_32 : memref<1x2000xi32, #tpu.memory_space<vmem>> -> memref<2000xi32, #tpu.memory_space<vmem>>
    %dma_start3A_34 = tpu.memref_slice %arg3[%add3A_30] : memref<6400000xi32, #tpu.memory_space<hbm>> -> memref<2000xi32, #tpu.memory_space<hbm>>
    %dma_start3A_35 = arith.constant 0 : i32
    %dma_start3A_36 = tpu.memref_slice %arg7[%rem3A_28, %dma_start3A_35] : memref<4x2000xi32, #tpu.memory_space<vmem>> -> memref<1x2000xi32, #tpu.memory_space<vmem>>
    %dma_start3A_37 = tpu.memref_squeeze %dma_start3A_36 : memref<1x2000xi32, #tpu.memory_space<vmem>> -> memref<2000xi32, #tpu.memory_space<vmem>>
    %dma_start3A_38 = tpu.memref_slice %arg3[%add3A_30] : memref<6400000xi32, #tpu.memory_space<hbm>> -> memref<2000xi32, #tpu.memory_space<hbm>>
    tpu.enqueue_dma source(%dma_start3A_38 : memref<2000xi32, #tpu.memory_space<hbm>>) target(%dma_start3A_37 : memref<2000xi32, #tpu.memory_space<vmem>>) target_semaphore(%arg11 : memref<!tpu.dma_semaphore, #tpu.memory_space<semaphore_mem>>)
    %dma_start3A_39 = arith.constant 0 : i32
    %dma_start3A_40 = tpu.memref_slice %arg8[%rem3A_28, %dma_start3A_39] : memref<4x2000xi32, #tpu.memory_space<vmem>> -> memref<1x2000xi32, #tpu.memory_space<vmem>>
    %dma_start3A_41 = tpu.memref_squeeze %dma_start3A_40 : memref<1x2000xi32, #tpu.memory_space<vmem>> -> memref<2000xi32, #tpu.memory_space<vmem>>
    %dma_start3A_42 = tpu.memref_slice %arg4[%add3A_30] : memref<6400000xi32, #tpu.memory_space<hbm>> -> memref<2000xi32, #tpu.memory_space<hbm>>
    %dma_start3A_43 = arith.constant 0 : i32
    %dma_start3A_44 = tpu.memref_slice %arg8[%rem3A_28, %dma_start3A_43] : memref<4x2000xi32, #tpu.memory_space<vmem>> -> memref<1x2000xi32, #tpu.memory_space<vmem>>
    %dma_start3A_45 = tpu.memref_squeeze %dma_start3A_44 : memref<1x2000xi32, #tpu.memory_space<vmem>> -> memref<2000xi32, #tpu.memory_space<vmem>>
    %dma_start3A_46 = tpu.memref_slice %arg4[%add3A_30] : memref<6400000xi32, #tpu.memory_space<hbm>> -> memref<2000xi32, #tpu.memory_space<hbm>>
    tpu.enqueue_dma source(%dma_start3A_46 : memref<2000xi32, #tpu.memory_space<hbm>>) target(%dma_start3A_45 : memref<2000xi32, #tpu.memory_space<vmem>>) target_semaphore(%arg11 : memref<!tpu.dma_semaphore, #tpu.memory_space<semaphore_mem>>)
    %scan3A = arith.constant 0 : i32
    %scan3A_47 = arith.constant 0 : i32
    %scan3A_48 = arith.constant 100 : i32
    %scan3A_49 = arith.addi %scan3A_47, %scan3A_48 : i32
    %scan3A_50 = arith.constant 1 : i32
    scf.for %scan3A_111 = %scan3A_47 to %scan3A_49 step %scan3A_50  : i32 {
      %ge3A = arith.constant 2 : i32
      %ge3A_112 = arith.cmpi sge, %scan3A_111, %ge3A : i32
      %convert_element_type3A = arith.extui %ge3A_112 : i1 to i32
      %cond3A = arith.constant 0 : i32
      %cond3A_113 = arith.cmpi ne, %convert_element_type3A, %cond3A : i32
      scf.if %cond3A_113 {
        %dma_wait3A_159 = arith.constant 0 : i32
        %dma_wait3A_160 = arith.constant 0 : i32
        %dma_wait3A_161 = arith.constant 0 : i32
        %dma_wait3A_162 = tpu.memref_slice %arg9[%dma_wait3A_159, %dma_wait3A_160, %dma_wait3A_161] : memref<4x2000x8xf32, #tpu.memory_space<vmem>> -> memref<1x2000x8xf32, #tpu.memory_space<vmem>>
        %dma_wait3A_163 = tpu.memref_squeeze %dma_wait3A_162 : memref<1x2000x8xf32, #tpu.memory_space<vmem>> -> memref<2000x8xf32, #tpu.memory_space<vmem>>
        %dma_wait3A_164 = arith.constant 0 : i32
        %dma_wait3A_165 = arith.constant 0 : i32
        %dma_wait3A_166 = tpu.memref_slice %arg10[%dma_wait3A_164, %dma_wait3A_165] : memref<100096x8xf32, #tpu.memory_space<vmem_shared>> -> memref<2000x8xf32, #tpu.memory_space<vmem_shared>>
        %dma_wait3A_167 = arith.constant 0 : i32
        %dma_wait3A_168 = arith.constant 0 : i32
        %dma_wait3A_169 = tpu.memref_slice %arg10[%dma_wait3A_167, %dma_wait3A_168] : memref<100096x8xf32, #tpu.memory_space<vmem_shared>> -> memref<2000x8xf32, #tpu.memory_space<vmem_shared>>
        %dma_wait3A_170 = arith.constant 0 : i32
        %dma_wait3A_171 = arith.constant 0 : i32
        %dma_wait3A_172 = tpu.memref_slice %arg9[%dma_wait3A_159, %dma_wait3A_170, %dma_wait3A_171] : memref<4x2000x8xf32, #tpu.memory_space<vmem>> -> memref<1x2000x8xf32, #tpu.memory_space<vmem>>
        %dma_wait3A_173 = tpu.memref_squeeze %dma_wait3A_172 : memref<1x2000x8xf32, #tpu.memory_space<vmem>> -> memref<2000x8xf32, #tpu.memory_space<vmem>>
        tpu.wait_dma2 semaphore(%arg13 : memref<!tpu.dma_semaphore, #tpu.memory_space<semaphore_mem>>) src(%dma_wait3A_173 : memref<2000x8xf32, #tpu.memory_space<vmem>>) dst(%dma_wait3A_169 : memref<2000x8xf32, #tpu.memory_space<vmem_shared>>)
      } else {
      }
      %add3A_114 = arith.constant 2 : i32
      %add3A_115 = arith.addi %scan3A_111, %add3A_114 : i32
      %lt3A = arith.constant 100 : i32
      %lt3A_116 = arith.cmpi slt, %add3A_115, %lt3A : i32
      %convert_element_type3A_117 = arith.extui %lt3A_116 : i1 to i32
      %cond3A_118 = arith.constant 0 : i32
      %cond3A_119 = arith.cmpi ne, %convert_element_type3A_117, %cond3A_118 : i32
      scf.if %cond3A_119 {
        %add3A_159 = arith.constant 2 : i32
        %add3A_160 = arith.addi %scan3A_111, %add3A_159 : i32
        %rem3A_161 = arith.constant 4 : i32
        %rem3A_162 = arith.remsi %add3A_160, %rem3A_161 : i32
        %mul3A_163 = arith.constant 2000 : i32
        %mul3A_164 = arith.muli %add3A_160, %mul3A_163 : i32
        %add3A_165 = arith.addi %mul3A_6, %mul3A_164 : i32
        %dma_start3A_166 = arith.constant 0 : i32
        %dma_start3A_167 = tpu.memref_slice %arg7[%rem3A_162, %dma_start3A_166] : memref<4x2000xi32, #tpu.memory_space<vmem>> -> memref<1x2000xi32, #tpu.memory_space<vmem>>
        %dma_start3A_168 = tpu.memref_squeeze %dma_start3A_167 : memref<1x2000xi32, #tpu.memory_space<vmem>> -> memref<2000xi32, #tpu.memory_space<vmem>>
        %dma_start3A_169 = tpu.memref_slice %arg3[%add3A_165] : memref<6400000xi32, #tpu.memory_space<hbm>> -> memref<2000xi32, #tpu.memory_space<hbm>>
        %dma_start3A_170 = arith.constant 0 : i32
        %dma_start3A_171 = tpu.memref_slice %arg7[%rem3A_162, %dma_start3A_170] : memref<4x2000xi32, #tpu.memory_space<vmem>> -> memref<1x2000xi32, #tpu.memory_space<vmem>>
        %dma_start3A_172 = tpu.memref_squeeze %dma_start3A_171 : memref<1x2000xi32, #tpu.memory_space<vmem>> -> memref<2000xi32, #tpu.memory_space<vmem>>
        %dma_start3A_173 = tpu.memref_slice %arg3[%add3A_165] : memref<6400000xi32, #tpu.memory_space<hbm>> -> memref<2000xi32, #tpu.memory_space<hbm>>
        tpu.enqueue_dma source(%dma_start3A_173 : memref<2000xi32, #tpu.memory_space<hbm>>) target(%dma_start3A_172 : memref<2000xi32, #tpu.memory_space<vmem>>) target_semaphore(%arg11 : memref<!tpu.dma_semaphore, #tpu.memory_space<semaphore_mem>>)
        %dma_start3A_174 = arith.constant 0 : i32
        %dma_start3A_175 = tpu.memref_slice %arg8[%rem3A_162, %dma_start3A_174] : memref<4x2000xi32, #tpu.memory_space<vmem>> -> memref<1x2000xi32, #tpu.memory_space<vmem>>
        %dma_start3A_176 = tpu.memref_squeeze %dma_start3A_175 : memref<1x2000xi32, #tpu.memory_space<vmem>> -> memref<2000xi32, #tpu.memory_space<vmem>>
        %dma_start3A_177 = tpu.memref_slice %arg4[%add3A_165] : memref<6400000xi32, #tpu.memory_space<hbm>> -> memref<2000xi32, #tpu.memory_space<hbm>>
        %dma_start3A_178 = arith.constant 0 : i32
        %dma_start3A_179 = tpu.memref_slice %arg8[%rem3A_162, %dma_start3A_178] : memref<4x2000xi32, #tpu.memory_space<vmem>> -> memref<1x2000xi32, #tpu.memory_space<vmem>>
        %dma_start3A_180 = tpu.memref_squeeze %dma_start3A_179 : memref<1x2000xi32, #tpu.memory_space<vmem>> -> memref<2000xi32, #tpu.memory_space<vmem>>
        %dma_start3A_181 = tpu.memref_slice %arg4[%add3A_165] : memref<6400000xi32, #tpu.memory_space<hbm>> -> memref<2000xi32, #tpu.memory_space<hbm>>
        tpu.enqueue_dma source(%dma_start3A_181 : memref<2000xi32, #tpu.memory_space<hbm>>) target(%dma_start3A_180 : memref<2000xi32, #tpu.memory_space<vmem>>) target_semaphore(%arg11 : memref<!tpu.dma_semaphore, #tpu.memory_space<semaphore_mem>>)
      } else {
      }
      %dma_wait3A_120 = arith.constant 0 : i32
      %dma_wait3A_121 = arith.constant 0 : i32
      %dma_wait3A_122 = tpu.memref_slice %arg7[%dma_wait3A_120, %dma_wait3A_121] : memref<4x2000xi32, #tpu.memory_space<vmem>> -> memref<1x2000xi32, #tpu.memory_space<vmem>>
      %dma_wait3A_123 = tpu.memref_squeeze %dma_wait3A_122 : memref<1x2000xi32, #tpu.memory_space<vmem>> -> memref<2000xi32, #tpu.memory_space<vmem>>
      %dma_wait3A_124 = arith.constant 0 : i32
      %dma_wait3A_125 = tpu.memref_slice %arg3[%dma_wait3A_124] : memref<6400000xi32, #tpu.memory_space<hbm>> -> memref<2000xi32, #tpu.memory_space<hbm>>
      %dma_wait3A_126 = arith.constant 0 : i32
      %dma_wait3A_127 = tpu.memref_slice %arg7[%dma_wait3A_120, %dma_wait3A_126] : memref<4x2000xi32, #tpu.memory_space<vmem>> -> memref<1x2000xi32, #tpu.memory_space<vmem>>
      %dma_wait3A_128 = tpu.memref_squeeze %dma_wait3A_127 : memref<1x2000xi32, #tpu.memory_space<vmem>> -> memref<2000xi32, #tpu.memory_space<vmem>>
      %dma_wait3A_129 = arith.constant 0 : i32
      %dma_wait3A_130 = tpu.memref_slice %arg3[%dma_wait3A_129] : memref<6400000xi32, #tpu.memory_space<hbm>> -> memref<2000xi32, #tpu.memory_space<hbm>>
      tpu.wait_dma2 semaphore(%arg11 : memref<!tpu.dma_semaphore, #tpu.memory_space<semaphore_mem>>) src(%dma_wait3A_130 : memref<2000xi32, #tpu.memory_space<hbm>>) dst(%dma_wait3A_128 : memref<2000xi32, #tpu.memory_space<vmem>>)
      %dma_wait3A_131 = arith.constant 0 : i32
      %dma_wait3A_132 = arith.constant 0 : i32
      %dma_wait3A_133 = tpu.memref_slice %arg8[%dma_wait3A_131, %dma_wait3A_132] : memref<4x2000xi32, #tpu.memory_space<vmem>> -> memref<1x2000xi32, #tpu.memory_space<vmem>>
      %dma_wait3A_134 = tpu.memref_squeeze %dma_wait3A_133 : memref<1x2000xi32, #tpu.memory_space<vmem>> -> memref<2000xi32, #tpu.memory_space<vmem>>
      %dma_wait3A_135 = arith.constant 0 : i32
      %dma_wait3A_136 = tpu.memref_slice %arg4[%dma_wait3A_135] : memref<6400000xi32, #tpu.memory_space<hbm>> -> memref<2000xi32, #tpu.memory_space<hbm>>
      %dma_wait3A_137 = arith.constant 0 : i32
      %dma_wait3A_138 = tpu.memref_slice %arg8[%dma_wait3A_131, %dma_wait3A_137] : memref<4x2000xi32, #tpu.memory_space<vmem>> -> memref<1x2000xi32, #tpu.memory_space<vmem>>
      %dma_wait3A_139 = tpu.memref_squeeze %dma_wait3A_138 : memref<1x2000xi32, #tpu.memory_space<vmem>> -> memref<2000xi32, #tpu.memory_space<vmem>>
      %dma_wait3A_140 = arith.constant 0 : i32
      %dma_wait3A_141 = tpu.memref_slice %arg4[%dma_wait3A_140] : memref<6400000xi32, #tpu.memory_space<hbm>> -> memref<2000xi32, #tpu.memory_space<hbm>>
      tpu.wait_dma2 semaphore(%arg11 : memref<!tpu.dma_semaphore, #tpu.memory_space<semaphore_mem>>) src(%dma_wait3A_141 : memref<2000xi32, #tpu.memory_space<hbm>>) dst(%dma_wait3A_139 : memref<2000xi32, #tpu.memory_space<vmem>>)
      %rem3A_142 = arith.constant 4 : i32
      %rem3A_143 = arith.remsi %scan3A_111, %rem3A_142 : i32
      %dma_start3A_144 = arith.constant 0 : i32
      %dma_start3A_145 = arith.constant 0 : i32
      %dma_start3A_146 = tpu.memref_slice %arg9[%rem3A_143, %dma_start3A_144, %dma_start3A_145] : memref<4x2000x8xf32, #tpu.memory_space<vmem>> -> memref<1x2000x8xf32, #tpu.memory_space<vmem>>
      %dma_start3A_147 = tpu.memref_squeeze %dma_start3A_146 : memref<1x2000x8xf32, #tpu.memory_space<vmem>> -> memref<2000x8xf32, #tpu.memory_space<vmem>>
      %dma_start3A_148 = arith.constant 0 : i32
      %dma_start3A_149 = tpu.memref_slice %arg7[%rem3A_143, %dma_start3A_148] : memref<4x2000xi32, #tpu.memory_space<vmem>> -> memref<1x2000xi32, #tpu.memory_space<vmem>>
      %dma_start3A_150 = tpu.memref_squeeze %dma_start3A_149 : memref<1x2000xi32, #tpu.memory_space<vmem>> -> memref<2000xi32, #tpu.memory_space<vmem>>
      %dma_start3A_151 = arith.constant 0 : i32
      %dma_start3A_152 = arith.constant 0 : i32
      %dma_start3A_153 = tpu.memref_slice %arg2[%dma_start3A_151, %dma_start3A_152] : memref<100000x8xf32, #tpu.memory_space<hbm>> -> memref<100000x8xf32, #tpu.memory_space<hbm>>
      tpu.enqueue_indirect_dma source(%dma_start3A_153 : memref<100000x8xf32, #tpu.memory_space<hbm>>) target(%dma_start3A_147 : memref<2000x8xf32, #tpu.memory_space<vmem>>) offsets(%dma_start3A_150 : memref<2000xi32, #tpu.memory_space<vmem>>) semaphore(%arg12 : memref<!tpu.dma_semaphore, #tpu.memory_space<semaphore_mem>>)
      %ge3A_154 = arith.constant 1 : i32
      %ge3A_155 = arith.cmpi sge, %scan3A_111, %ge3A_154 : i32
      %convert_element_type3A_156 = arith.extui %ge3A_155 : i1 to i32
      %cond3A_157 = arith.constant 0 : i32
      %cond3A_158 = arith.cmpi ne, %convert_element_type3A_156, %cond3A_157 : i32
      scf.if %cond3A_158 {
        %dma_wait3A_159 = arith.constant 0 : i32
        %dma_wait3A_160 = arith.constant 0 : i32
        %dma_wait3A_161 = arith.constant 0 : i32
        %dma_wait3A_162 = arith.constant 0 : i32
        %dma_wait3A_163 = tpu.memref_slice %arg9[%dma_wait3A_160, %dma_wait3A_161, %dma_wait3A_162] : memref<4x2000x8xf32, #tpu.memory_space<vmem>> -> memref<1x2000x8xf32, #tpu.memory_space<vmem>>
        %dma_wait3A_164 = tpu.memref_squeeze %dma_wait3A_163 : memref<1x2000x8xf32, #tpu.memory_space<vmem>> -> memref<2000x8xf32, #tpu.memory_space<vmem>>
        %dma_wait3A_165 = arith.constant 0 : i32
        %dma_wait3A_166 = tpu.memref_slice %arg7[%dma_wait3A_159, %dma_wait3A_165] : memref<4x2000xi32, #tpu.memory_space<vmem>> -> memref<1x2000xi32, #tpu.memory_space<vmem>>
        %dma_wait3A_167 = tpu.memref_squeeze %dma_wait3A_166 : memref<1x2000xi32, #tpu.memory_space<vmem>> -> memref<2000xi32, #tpu.memory_space<vmem>>
        %dma_wait3A_168 = arith.constant 0 : i32
        %dma_wait3A_169 = arith.constant 0 : i32
        %dma_wait3A_170 = tpu.memref_slice %arg2[%dma_wait3A_168, %dma_wait3A_169] : memref<100000x8xf32, #tpu.memory_space<hbm>> -> memref<100000x8xf32, #tpu.memory_space<hbm>>
        tpu.wait_indirect_dma semaphore(%arg12 : memref<!tpu.dma_semaphore, #tpu.memory_space<semaphore_mem>>) src(%dma_wait3A_170 : memref<100000x8xf32, #tpu.memory_space<hbm>>) dst(%dma_wait3A_164 : memref<2000x8xf32, #tpu.memory_space<vmem>>)
        %sub3A = arith.constant 1 : i32
        %sub3A_171 = arith.subi %scan3A_111, %sub3A : i32
        %rem3A_172 = arith.constant 4 : i32
        %rem3A_173 = arith.remsi %sub3A_171, %rem3A_172 : i32
        %dma_start3A_174 = arith.constant 0 : i32
        %dma_start3A_175 = arith.constant 0 : i32
        %dma_start3A_176 = tpu.memref_slice %arg9[%rem3A_173, %dma_start3A_174, %dma_start3A_175] : memref<4x2000x8xf32, #tpu.memory_space<vmem>> -> memref<1x2000x8xf32, #tpu.memory_space<vmem>>
        %dma_start3A_177 = tpu.memref_squeeze %dma_start3A_176 : memref<1x2000x8xf32, #tpu.memory_space<vmem>> -> memref<2000x8xf32, #tpu.memory_space<vmem>>
        %dma_start3A_178 = arith.constant 0 : i32
        %dma_start3A_179 = tpu.memref_slice %arg8[%rem3A_173, %dma_start3A_178] : memref<4x2000xi32, #tpu.memory_space<vmem>> -> memref<1x2000xi32, #tpu.memory_space<vmem>>
        %dma_start3A_180 = tpu.memref_squeeze %dma_start3A_179 : memref<1x2000xi32, #tpu.memory_space<vmem>> -> memref<2000xi32, #tpu.memory_space<vmem>>
        %dma_start3A_181 = arith.constant 0 : i32
        %dma_start3A_182 = arith.constant 0 : i32
        %dma_start3A_183 = tpu.memref_slice %arg10[%dma_start3A_181, %dma_start3A_182] : memref<100096x8xf32, #tpu.memory_space<vmem_shared>> -> memref<100096x8xf32, #tpu.memory_space<vmem_shared>>
        tpu.enqueue_indirect_dma source(%dma_start3A_177 : memref<2000x8xf32, #tpu.memory_space<vmem>>) target(%dma_start3A_183 : memref<100096x8xf32, #tpu.memory_space<vmem_shared>>) offsets(%dma_start3A_180 : memref<2000xi32, #tpu.memory_space<vmem>>) semaphore(%arg13 : memref<!tpu.dma_semaphore, #tpu.memory_space<semaphore_mem>>) {add = true}
      } else {
      }
    }
    %scan3A_51 = arith.constant 100 : i32
    %dma_wait3A = arith.constant 0 : i32
    %dma_wait3A_52 = arith.constant 0 : i32
    %dma_wait3A_53 = arith.constant 0 : i32
    %dma_wait3A_54 = arith.constant 0 : i32
    %dma_wait3A_55 = tpu.memref_slice %arg9[%dma_wait3A_52, %dma_wait3A_53, %dma_wait3A_54] : memref<4x2000x8xf32, #tpu.memory_space<vmem>> -> memref<1x2000x8xf32, #tpu.memory_space<vmem>>
    %dma_wait3A_56 = tpu.memref_squeeze %dma_wait3A_55 : memref<1x2000x8xf32, #tpu.memory_space<vmem>> -> memref<2000x8xf32, #tpu.memory_space<vmem>>
    %dma_wait3A_57 = arith.constant 0 : i32
    %dma_wait3A_58 = tpu.memref_slice %arg7[%dma_wait3A, %dma_wait3A_57] : memref<4x2000xi32, #tpu.memory_space<vmem>> -> memref<1x2000xi32, #tpu.memory_space<vmem>>
    %dma_wait3A_59 = tpu.memref_squeeze %dma_wait3A_58 : memref<1x2000xi32, #tpu.memory_space<vmem>> -> memref<2000xi32, #tpu.memory_space<vmem>>
    %dma_wait3A_60 = arith.constant 0 : i32
    %dma_wait3A_61 = arith.constant 0 : i32
    %dma_wait3A_62 = tpu.memref_slice %arg2[%dma_wait3A_60, %dma_wait3A_61] : memref<100000x8xf32, #tpu.memory_space<hbm>> -> memref<100000x8xf32, #tpu.memory_space<hbm>>
    tpu.wait_indirect_dma semaphore(%arg12 : memref<!tpu.dma_semaphore, #tpu.memory_space<semaphore_mem>>) src(%dma_wait3A_62 : memref<100000x8xf32, #tpu.memory_space<hbm>>) dst(%dma_wait3A_56 : memref<2000x8xf32, #tpu.memory_space<vmem>>)
    %rem3A_63 = arith.constant 99 : i32
    %rem3A_64 = arith.constant 4 : i32
    %rem3A_65 = arith.remsi %rem3A_63, %rem3A_64 : i32
    %dma_start3A_66 = arith.constant 0 : i32
    %dma_start3A_67 = arith.constant 0 : i32
    %dma_start3A_68 = tpu.memref_slice %arg9[%rem3A_65, %dma_start3A_66, %dma_start3A_67] : memref<4x2000x8xf32, #tpu.memory_space<vmem>> -> memref<1x2000x8xf32, #tpu.memory_space<vmem>>
    %dma_start3A_69 = tpu.memref_squeeze %dma_start3A_68 : memref<1x2000x8xf32, #tpu.memory_space<vmem>> -> memref<2000x8xf32, #tpu.memory_space<vmem>>
    %dma_start3A_70 = arith.constant 0 : i32
    %dma_start3A_71 = tpu.memref_slice %arg8[%rem3A_65, %dma_start3A_70] : memref<4x2000xi32, #tpu.memory_space<vmem>> -> memref<1x2000xi32, #tpu.memory_space<vmem>>
    %dma_start3A_72 = tpu.memref_squeeze %dma_start3A_71 : memref<1x2000xi32, #tpu.memory_space<vmem>> -> memref<2000xi32, #tpu.memory_space<vmem>>
    %dma_start3A_73 = arith.constant 0 : i32
    %dma_start3A_74 = arith.constant 0 : i32
    %dma_start3A_75 = tpu.memref_slice %arg10[%dma_start3A_73, %dma_start3A_74] : memref<100096x8xf32, #tpu.memory_space<vmem_shared>> -> memref<100096x8xf32, #tpu.memory_space<vmem_shared>>
    tpu.enqueue_indirect_dma source(%dma_start3A_69 : memref<2000x8xf32, #tpu.memory_space<vmem>>) target(%dma_start3A_75 : memref<100096x8xf32, #tpu.memory_space<vmem_shared>>) offsets(%dma_start3A_72 : memref<2000xi32, #tpu.memory_space<vmem>>) semaphore(%arg13 : memref<!tpu.dma_semaphore, #tpu.memory_space<semaphore_mem>>) {add = true}
    %dma_wait3A_76 = arith.constant 0 : i32
    %dma_wait3A_77 = arith.constant 0 : i32
    %dma_wait3A_78 = arith.constant 0 : i32
    %dma_wait3A_79 = tpu.memref_slice %arg9[%dma_wait3A_76, %dma_wait3A_77, %dma_wait3A_78] : memref<4x2000x8xf32, #tpu.memory_space<vmem>> -> memref<1x2000x8xf32, #tpu.memory_space<vmem>>
    %dma_wait3A_80 = tpu.memref_squeeze %dma_wait3A_79 : memref<1x2000x8xf32, #tpu.memory_space<vmem>> -> memref<2000x8xf32, #tpu.memory_space<vmem>>
    %dma_wait3A_81 = arith.constant 0 : i32
    %dma_wait3A_82 = arith.constant 0 : i32
    %dma_wait3A_83 = tpu.memref_slice %arg10[%dma_wait3A_81, %dma_wait3A_82] : memref<100096x8xf32, #tpu.memory_space<vmem_shared>> -> memref<2000x8xf32, #tpu.memory_space<vmem_shared>>
    %dma_wait3A_84 = arith.constant 0 : i32
    %dma_wait3A_85 = arith.constant 0 : i32
    %dma_wait3A_86 = tpu.memref_slice %arg10[%dma_wait3A_84, %dma_wait3A_85] : memref<100096x8xf32, #tpu.memory_space<vmem_shared>> -> memref<2000x8xf32, #tpu.memory_space<vmem_shared>>
    %dma_wait3A_87 = arith.constant 0 : i32
    %dma_wait3A_88 = arith.constant 0 : i32
    %dma_wait3A_89 = tpu.memref_slice %arg9[%dma_wait3A_76, %dma_wait3A_87, %dma_wait3A_88] : memref<4x2000x8xf32, #tpu.memory_space<vmem>> -> memref<1x2000x8xf32, #tpu.memory_space<vmem>>
    %dma_wait3A_90 = tpu.memref_squeeze %dma_wait3A_89 : memref<1x2000x8xf32, #tpu.memory_space<vmem>> -> memref<2000x8xf32, #tpu.memory_space<vmem>>
    tpu.wait_dma2 semaphore(%arg13 : memref<!tpu.dma_semaphore, #tpu.memory_space<semaphore_mem>>) src(%dma_wait3A_90 : memref<2000x8xf32, #tpu.memory_space<vmem>>) dst(%dma_wait3A_86 : memref<2000x8xf32, #tpu.memory_space<vmem_shared>>)
    %dma_wait3A_91 = arith.constant 0 : i32
    %dma_wait3A_92 = arith.constant 0 : i32
    %dma_wait3A_93 = arith.constant 0 : i32
    %dma_wait3A_94 = tpu.memref_slice %arg9[%dma_wait3A_91, %dma_wait3A_92, %dma_wait3A_93] : memref<4x2000x8xf32, #tpu.memory_space<vmem>> -> memref<1x2000x8xf32, #tpu.memory_space<vmem>>
    %dma_wait3A_95 = tpu.memref_squeeze %dma_wait3A_94 : memref<1x2000x8xf32, #tpu.memory_space<vmem>> -> memref<2000x8xf32, #tpu.memory_space<vmem>>
    %dma_wait3A_96 = arith.constant 0 : i32
    %dma_wait3A_97 = arith.constant 0 : i32
    %dma_wait3A_98 = tpu.memref_slice %arg10[%dma_wait3A_96, %dma_wait3A_97] : memref<100096x8xf32, #tpu.memory_space<vmem_shared>> -> memref<2000x8xf32, #tpu.memory_space<vmem_shared>>
    %dma_wait3A_99 = arith.constant 0 : i32
    %dma_wait3A_100 = arith.constant 0 : i32
    %dma_wait3A_101 = tpu.memref_slice %arg10[%dma_wait3A_99, %dma_wait3A_100] : memref<100096x8xf32, #tpu.memory_space<vmem_shared>> -> memref<2000x8xf32, #tpu.memory_space<vmem_shared>>
    %dma_wait3A_102 = arith.constant 0 : i32
    %dma_wait3A_103 = arith.constant 0 : i32
    %dma_wait3A_104 = tpu.memref_slice %arg9[%dma_wait3A_91, %dma_wait3A_102, %dma_wait3A_103] : memref<4x2000x8xf32, #tpu.memory_space<vmem>> -> memref<1x2000x8xf32, #tpu.memory_space<vmem>>
    %dma_wait3A_105 = tpu.memref_squeeze %dma_wait3A_104 : memref<1x2000x8xf32, #tpu.memory_space<vmem>> -> memref<2000x8xf32, #tpu.memory_space<vmem>>
    tpu.wait_dma2 semaphore(%arg13 : memref<!tpu.dma_semaphore, #tpu.memory_space<semaphore_mem>>) src(%dma_wait3A_105 : memref<2000x8xf32, #tpu.memory_space<vmem>>) dst(%dma_wait3A_101 : memref<2000x8xf32, #tpu.memory_space<vmem_shared>>)
    %barrier3A_106 = arith.constant 0 : index
    tpu.barrier barrier_id(%barrier3A_106)
    %mul3A_107 = arith.constant 6256 : i32
    %mul3A_108 = arith.muli %arg1, %mul3A_107 : i32
    %mul3A_109 = arith.constant 6256 : i32
    %mul3A_110 = arith.muli %arg1, %mul3A_109 : i32
    "tpu.region"() ({
      %run_scoped3A = tpu.sem_alloc : memref<!tpu.dma_semaphore, #tpu.memory_space<semaphore_mem>>
      %dma_start3A_111 = arith.constant 0 : i32
      %dma_start3A_112 = tpu.memref_slice %arg6[%arg0, %mul3A_110, %dma_start3A_111] : memref<2x100096x8xf32, #tpu.memory_space<hbm>> -> memref<1x6256x8xf32, #tpu.memory_space<hbm>>
      %dma_start3A_113 = tpu.memref_squeeze %dma_start3A_112 : memref<1x6256x8xf32, #tpu.memory_space<hbm>> -> memref<6256x8xf32, #tpu.memory_space<hbm>>
      %dma_start3A_114 = arith.constant 0 : i32
      %dma_start3A_115 = tpu.memref_slice %arg10[%mul3A_108, %dma_start3A_114] : memref<100096x8xf32, #tpu.memory_space<vmem_shared>> -> memref<6256x8xf32, #tpu.memory_space<vmem_shared>>
      tpu.enqueue_dma source(%dma_start3A_115 : memref<6256x8xf32, #tpu.memory_space<vmem_shared>>) target(%dma_start3A_113 : memref<6256x8xf32, #tpu.memory_space<hbm>>) target_semaphore(%run_scoped3A : memref<!tpu.dma_semaphore, #tpu.memory_space<semaphore_mem>>)
      %dma_wait3A_116 = arith.constant 0 : i32
      %dma_wait3A_117 = tpu.memref_slice %arg6[%arg0, %mul3A_110, %dma_wait3A_116] : memref<2x100096x8xf32, #tpu.memory_space<hbm>> -> memref<1x6256x8xf32, #tpu.memory_space<hbm>>
      %dma_wait3A_118 = tpu.memref_squeeze %dma_wait3A_117 : memref<1x6256x8xf32, #tpu.memory_space<hbm>> -> memref<6256x8xf32, #tpu.memory_space<hbm>>
      %dma_wait3A_119 = arith.constant 0 : i32
      %dma_wait3A_120 = tpu.memref_slice %arg10[%mul3A_108, %dma_wait3A_119] : memref<100096x8xf32, #tpu.memory_space<vmem_shared>> -> memref<6256x8xf32, #tpu.memory_space<vmem_shared>>
      tpu.wait_dma2 semaphore(%run_scoped3A : memref<!tpu.dma_semaphore, #tpu.memory_space<semaphore_mem>>) src(%dma_wait3A_120 : memref<6256x8xf32, #tpu.memory_space<vmem_shared>>) dst(%dma_wait3A_118 : memref<6256x8xf32, #tpu.memory_space<hbm>>)
      tpu.yield
    }) : () -> ()
    return
  }
}

#map = affine_map<(d0, d1) -> (0, 0)>
#map1 = affine_map<(d0, d1) -> (0)>
#map2 = affine_map<(d0, d1) -> (0, 0, 0)>
module attributes {stable_mosaic.version = 14 : i64} {
  func.func @sc_layer(%arg0: i32, %arg1: i32, %arg2: memref<100000x8xf32, #tpu.memory_space<hbm>>, %arg3: memref<6400000xi32, #tpu.memory_space<hbm>>, %arg4: memref<6400000xi32, #tpu.memory_space<hbm>>, %arg5: memref<100096x8xf32, #tpu.memory_space<hbm>>, %arg6: memref<2x100096x8xf32, #tpu.memory_space<hbm>>, %arg7: memref<4x2000xi32, #tpu.memory_space<vmem>>, %arg8: memref<4x2000xi32, #tpu.memory_space<vmem>>, %arg9: memref<4x2000x8xf32, #tpu.memory_space<vmem>>, %arg10: memref<100096x8xf32, #tpu.memory_space<vmem_shared>>, %arg11: memref<!tpu.dma_semaphore, #tpu.memory_space<semaphore_mem>>, %arg12: memref<!tpu.dma_semaphore, #tpu.memory_space<semaphore_mem>>, %arg13: memref<!tpu.dma_semaphore, #tpu.memory_space<semaphore_mem>>) attributes {dimension_semantics = [#tpu.dimension_semantics<core_parallel>, #tpu.dimension_semantics<subcore_parallel>], iteration_bounds = array<i64: 2, 16>, scalar_prefetch = 0 : i64, scratch_operands = 7 : i64, tpu.core_type = #tpu.core_type<sc_vector_subcore>, window_params = [{transform_indices = #map}, {transform_indices = #map1}, {transform_indices = #map1}, {transform_indices = #map}, {transform_indices = #map2}]} {
    %mul3A = arith.constant 6256 : i32
    %mul3A_0 = arith.muli %arg1, %mul3A : i32
    %mul3A_1 = arith.constant 6256 : i32
    %mul3A_2 = arith.muli %arg1, %mul3A_1 : i32
    "tpu.region"() ({
      %run_scoped3A = tpu.sem_alloc : memref<!tpu.dma_semaphore, #tpu.memory_space<semaphore_mem>>
      %dma_start3A_111 = arith.constant 0 : i32
      %dma_start3A_112 = tpu.memref_slice %arg10[%mul3A_2, %dma_start3A_111] : memref<100096x8xf32, #tpu.memory_space<vmem_shared>> -> memref<6256x8xf32, #tpu.memory_space<vmem_shared>>
      %dma_start3A_113 = arith.constant 0 : i32
      %dma_start3A_114 = tpu.memref_slice %arg5[%mul3A_0, %dma_start3A_113] : memref<100096x8xf32, #tpu.memory_space<hbm>> -> memref<6256x8xf32, #tpu.memory_space<hbm>>
      tpu.enqueue_dma source(%dma_start3A_114 : memref<6256x8xf32, #tpu.memory_space<hbm>>) target(%dma_start3A_112 : memref<6256x8xf32, #tpu.memory_space<vmem_shared>>) target_semaphore(%run_scoped3A : memref<!tpu.dma_semaphore, #tpu.memory_space<semaphore_mem>>)
      %dma_wait3A_115 = arith.constant 0 : i32
      %dma_wait3A_116 = tpu.memref_slice %arg10[%mul3A_2, %dma_wait3A_115] : memref<100096x8xf32, #tpu.memory_space<vmem_shared>> -> memref<6256x8xf32, #tpu.memory_space<vmem_shared>>
      %dma_wait3A_117 = arith.constant 0 : i32
      %dma_wait3A_118 = tpu.memref_slice %arg5[%mul3A_0, %dma_wait3A_117] : memref<100096x8xf32, #tpu.memory_space<hbm>> -> memref<6256x8xf32, #tpu.memory_space<hbm>>
      tpu.wait_dma2 semaphore(%run_scoped3A : memref<!tpu.dma_semaphore, #tpu.memory_space<semaphore_mem>>) src(%dma_wait3A_118 : memref<6256x8xf32, #tpu.memory_space<hbm>>) dst(%dma_wait3A_116 : memref<6256x8xf32, #tpu.memory_space<vmem_shared>>)
      tpu.yield
    }) : () -> ()
    %barrier3A = arith.constant 0 : index
    tpu.barrier barrier_id(%barrier3A)
    %mul3A_3 = arith.constant 16 : i32
    %mul3A_4 = arith.muli %arg0, %mul3A_3 : i32
    %add3A = arith.addi %mul3A_4, %arg1 : i32
    %mul3A_5 = arith.constant 200000 : i32
    %mul3A_6 = arith.muli %add3A, %mul3A_5 : i32
    %rem3A = arith.constant 0 : i32
    %rem3A_7 = arith.constant 4 : i32
    %rem3A_8 = arith.remsi %rem3A, %rem3A_7 : i32
    %add3A_9 = arith.constant 0 : i32
    %add3A_10 = arith.addi %mul3A_6, %add3A_9 : i32
    %dma_start3A = arith.constant 0 : i32
    %dma_start3A_11 = tpu.memref_slice %arg7[%rem3A_8, %dma_start3A] : memref<4x2000xi32, #tpu.memory_space<vmem>> -> memref<1x2000xi32, #tpu.memory_space<vmem>>
    %dma_start3A_12 = tpu.memref_squeeze %dma_start3A_11 : memref<1x2000xi32, #tpu.memory_space<vmem>> -> memref<2000xi32, #tpu.memory_space<vmem>>
    %dma_start3A_13 = tpu.memref_slice %arg3[%add3A_10] : memref<6400000xi32, #tpu.memory_space<hbm>> -> memref<2000xi32, #tpu.memory_space<hbm>>
    %dma_start3A_14 = arith.constant 0 : i32
    %dma_start3A_15 = tpu.memref_slice %arg7[%rem3A_8, %dma_start3A_14] : memref<4x2000xi32, #tpu.memory_space<vmem>> -> memref<1x2000xi32, #tpu.memory_space<vmem>>
    %dma_start3A_16 = tpu.memref_squeeze %dma_start3A_15 : memref<1x2000xi32, #tpu.memory_space<vmem>> -> memref<2000xi32, #tpu.memory_space<vmem>>
    %dma_start3A_17 = tpu.memref_slice %arg3[%add3A_10] : memref<6400000xi32, #tpu.memory_space<hbm>> -> memref<2000xi32, #tpu.memory_space<hbm>>
    tpu.enqueue_dma source(%dma_start3A_17 : memref<2000xi32, #tpu.memory_space<hbm>>) target(%dma_start3A_16 : memref<2000xi32, #tpu.memory_space<vmem>>) target_semaphore(%arg11 : memref<!tpu.dma_semaphore, #tpu.memory_space<semaphore_mem>>)
    %dma_start3A_18 = arith.constant 0 : i32
    %dma_start3A_19 = tpu.memref_slice %arg8[%rem3A_8, %dma_start3A_18] : memref<4x2000xi32, #tpu.memory_space<vmem>> -> memref<1x2000xi32, #tpu.memory_space<vmem>>
    %dma_start3A_20 = tpu.memref_squeeze %dma_start3A_19 : memref<1x2000xi32, #tpu.memory_space<vmem>> -> memref<2000xi32, #tpu.memory_space<vmem>>
    %dma_start3A_21 = tpu.memref_slice %arg4[%add3A_10] : memref<6400000xi32, #tpu.memory_space<hbm>> -> memref<2000xi32, #tpu.memory_space<hbm>>
    %dma_start3A_22 = arith.constant 0 : i32
    %dma_start3A_23 = tpu.memref_slice %arg8[%rem3A_8, %dma_start3A_22] : memref<4x2000xi32, #tpu.memory_space<vmem>> -> memref<1x2000xi32, #tpu.memory_space<vmem>>
    %dma_start3A_24 = tpu.memref_squeeze %dma_start3A_23 : memref<1x2000xi32, #tpu.memory_space<vmem>> -> memref<2000xi32, #tpu.memory_space<vmem>>
    %dma_start3A_25 = tpu.memref_slice %arg4[%add3A_10] : memref<6400000xi32, #tpu.memory_space<hbm>> -> memref<2000xi32, #tpu.memory_space<hbm>>
    tpu.enqueue_dma source(%dma_start3A_25 : memref<2000xi32, #tpu.memory_space<hbm>>) target(%dma_start3A_24 : memref<2000xi32, #tpu.memory_space<vmem>>) target_semaphore(%arg11 : memref<!tpu.dma_semaphore, #tpu.memory_space<semaphore_mem>>)
    %rem3A_26 = arith.constant 1 : i32
    %rem3A_27 = arith.constant 4 : i32
    %rem3A_28 = arith.remsi %rem3A_26, %rem3A_27 : i32
    %add3A_29 = arith.constant 2000 : i32
    %add3A_30 = arith.addi %mul3A_6, %add3A_29 : i32
    %dma_start3A_31 = arith.constant 0 : i32
    %dma_start3A_32 = tpu.memref_slice %arg7[%rem3A_28, %dma_start3A_31] : memref<4x2000xi32, #tpu.memory_space<vmem>> -> memref<1x2000xi32, #tpu.memory_space<vmem>>
    %dma_start3A_33 = tpu.memref_squeeze %dma_start3A_32 : memref<1x2000xi32, #tpu.memory_space<vmem>> -> memref<2000xi32, #tpu.memory_space<vmem>>
    %dma_start3A_34 = tpu.memref_slice %arg3[%add3A_30] : memref<6400000xi32, #tpu.memory_space<hbm>> -> memref<2000xi32, #tpu.memory_space<hbm>>
    %dma_start3A_35 = arith.constant 0 : i32
    %dma_start3A_36 = tpu.memref_slice %arg7[%rem3A_28, %dma_start3A_35] : memref<4x2000xi32, #tpu.memory_space<vmem>> -> memref<1x2000xi32, #tpu.memory_space<vmem>>
    %dma_start3A_37 = tpu.memref_squeeze %dma_start3A_36 : memref<1x2000xi32, #tpu.memory_space<vmem>> -> memref<2000xi32, #tpu.memory_space<vmem>>
    %dma_start3A_38 = tpu.memref_slice %arg3[%add3A_30] : memref<6400000xi32, #tpu.memory_space<hbm>> -> memref<2000xi32, #tpu.memory_space<hbm>>
    tpu.enqueue_dma source(%dma_start3A_38 : memref<2000xi32, #tpu.memory_space<hbm>>) target(%dma_start3A_37 : memref<2000xi32, #tpu.memory_space<vmem>>) target_semaphore(%arg11 : memref<!tpu.dma_semaphore, #tpu.memory_space<semaphore_mem>>)
    %dma_start3A_39 = arith.constant 0 : i32
    %dma_start3A_40 = tpu.memref_slice %arg8[%rem3A_28, %dma_start3A_39] : memref<4x2000xi32, #tpu.memory_space<vmem>> -> memref<1x2000xi32, #tpu.memory_space<vmem>>
    %dma_start3A_41 = tpu.memref_squeeze %dma_start3A_40 : memref<1x2000xi32, #tpu.memory_space<vmem>> -> memref<2000xi32, #tpu.memory_space<vmem>>
    %dma_start3A_42 = tpu.memref_slice %arg4[%add3A_30] : memref<6400000xi32, #tpu.memory_space<hbm>> -> memref<2000xi32, #tpu.memory_space<hbm>>
    %dma_start3A_43 = arith.constant 0 : i32
    %dma_start3A_44 = tpu.memref_slice %arg8[%rem3A_28, %dma_start3A_43] : memref<4x2000xi32, #tpu.memory_space<vmem>> -> memref<1x2000xi32, #tpu.memory_space<vmem>>
    %dma_start3A_45 = tpu.memref_squeeze %dma_start3A_44 : memref<1x2000xi32, #tpu.memory_space<vmem>> -> memref<2000xi32, #tpu.memory_space<vmem>>
    %dma_start3A_46 = tpu.memref_slice %arg4[%add3A_30] : memref<6400000xi32, #tpu.memory_space<hbm>> -> memref<2000xi32, #tpu.memory_space<hbm>>
    tpu.enqueue_dma source(%dma_start3A_46 : memref<2000xi32, #tpu.memory_space<hbm>>) target(%dma_start3A_45 : memref<2000xi32, #tpu.memory_space<vmem>>) target_semaphore(%arg11 : memref<!tpu.dma_semaphore, #tpu.memory_space<semaphore_mem>>)
    %scan3A = arith.constant 0 : i32
    %scan3A_47 = arith.constant 0 : i32
    %scan3A_48 = arith.constant 100 : i32
    %scan3A_49 = arith.addi %scan3A_47, %scan3A_48 : i32
    %scan3A_50 = arith.constant 1 : i32
    scf.for %scan3A_111 = %scan3A_47 to %scan3A_49 step %scan3A_50  : i32 {
      %ge3A = arith.constant 2 : i32
      %ge3A_112 = arith.cmpi sge, %scan3A_111, %ge3A : i32
      %convert_element_type3A = arith.extui %ge3A_112 : i1 to i32
      %cond3A = arith.constant 0 : i32
      %cond3A_113 = arith.cmpi ne, %convert_element_type3A, %cond3A : i32
      scf.if %cond3A_113 {
        %dma_wait3A_159 = arith.constant 0 : i32
        %dma_wait3A_160 = arith.constant 0 : i32
        %dma_wait3A_161 = arith.constant 0 : i32
        %dma_wait3A_162 = tpu.memref_slice %arg9[%dma_wait3A_159, %dma_wait3A_160, %dma_wait3A_161] : memref<4x2000x8xf32, #tpu.memory_space<vmem>> -> memref<1x2000x8xf32, #tpu.memory_space<vmem>>
        %dma_wait3A_163 = tpu.memref_squeeze %dma_wait3A_162 : memref<1x2000x8xf32, #tpu.memory_space<vmem>> -> memref<2000x8xf32, #tpu.memory_space<vmem>>
        %dma_wait3A_164 = arith.constant 0 : i32
        %dma_wait3A_165 = arith.constant 0 : i32
        %dma_wait3A_166 = tpu.memref_slice %arg10[%dma_wait3A_164, %dma_wait3A_165] : memref<100096x8xf32, #tpu.memory_space<vmem_shared>> -> memref<2000x8xf32, #tpu.memory_space<vmem_shared>>
        %dma_wait3A_167 = arith.constant 0 : i32
        %dma_wait3A_168 = arith.constant 0 : i32
        %dma_wait3A_169 = tpu.memref_slice %arg10[%dma_wait3A_167, %dma_wait3A_168] : memref<100096x8xf32, #tpu.memory_space<vmem_shared>> -> memref<2000x8xf32, #tpu.memory_space<vmem_shared>>
        %dma_wait3A_170 = arith.constant 0 : i32
        %dma_wait3A_171 = arith.constant 0 : i32
        %dma_wait3A_172 = tpu.memref_slice %arg9[%dma_wait3A_159, %dma_wait3A_170, %dma_wait3A_171] : memref<4x2000x8xf32, #tpu.memory_space<vmem>> -> memref<1x2000x8xf32, #tpu.memory_space<vmem>>
        %dma_wait3A_173 = tpu.memref_squeeze %dma_wait3A_172 : memref<1x2000x8xf32, #tpu.memory_space<vmem>> -> memref<2000x8xf32, #tpu.memory_space<vmem>>
        tpu.wait_dma2 semaphore(%arg13 : memref<!tpu.dma_semaphore, #tpu.memory_space<semaphore_mem>>) src(%dma_wait3A_173 : memref<2000x8xf32, #tpu.memory_space<vmem>>) dst(%dma_wait3A_169 : memref<2000x8xf32, #tpu.memory_space<vmem_shared>>)
      } else {
      }
      %add3A_114 = arith.constant 2 : i32
      %add3A_115 = arith.addi %scan3A_111, %add3A_114 : i32
      %lt3A = arith.constant 100 : i32
      %lt3A_116 = arith.cmpi slt, %add3A_115, %lt3A : i32
      %convert_element_type3A_117 = arith.extui %lt3A_116 : i1 to i32
      %cond3A_118 = arith.constant 0 : i32
      %cond3A_119 = arith.cmpi ne, %convert_element_type3A_117, %cond3A_118 : i32
      scf.if %cond3A_119 {
        %add3A_159 = arith.constant 2 : i32
        %add3A_160 = arith.addi %scan3A_111, %add3A_159 : i32
        %rem3A_161 = arith.constant 4 : i32
        %rem3A_162 = arith.remsi %add3A_160, %rem3A_161 : i32
        %mul3A_163 = arith.constant 2000 : i32
        %mul3A_164 = arith.muli %add3A_160, %mul3A_163 : i32
        %add3A_165 = arith.addi %mul3A_6, %mul3A_164 : i32
        %dma_start3A_166 = arith.constant 0 : i32
        %dma_start3A_167 = tpu.memref_slice %arg7[%rem3A_162, %dma_start3A_166] : memref<4x2000xi32, #tpu.memory_space<vmem>> -> memref<1x2000xi32, #tpu.memory_space<vmem>>
        %dma_start3A_168 = tpu.memref_squeeze %dma_start3A_167 : memref<1x2000xi32, #tpu.memory_space<vmem>> -> memref<2000xi32, #tpu.memory_space<vmem>>
        %dma_start3A_169 = tpu.memref_slice %arg3[%add3A_165] : memref<6400000xi32, #tpu.memory_space<hbm>> -> memref<2000xi32, #tpu.memory_space<hbm>>
        %dma_start3A_170 = arith.constant 0 : i32
        %dma_start3A_171 = tpu.memref_slice %arg7[%rem3A_162, %dma_start3A_170] : memref<4x2000xi32, #tpu.memory_space<vmem>> -> memref<1x2000xi32, #tpu.memory_space<vmem>>
        %dma_start3A_172 = tpu.memref_squeeze %dma_start3A_171 : memref<1x2000xi32, #tpu.memory_space<vmem>> -> memref<2000xi32, #tpu.memory_space<vmem>>
        %dma_start3A_173 = tpu.memref_slice %arg3[%add3A_165] : memref<6400000xi32, #tpu.memory_space<hbm>> -> memref<2000xi32, #tpu.memory_space<hbm>>
        tpu.enqueue_dma source(%dma_start3A_173 : memref<2000xi32, #tpu.memory_space<hbm>>) target(%dma_start3A_172 : memref<2000xi32, #tpu.memory_space<vmem>>) target_semaphore(%arg11 : memref<!tpu.dma_semaphore, #tpu.memory_space<semaphore_mem>>)
        %dma_start3A_174 = arith.constant 0 : i32
        %dma_start3A_175 = tpu.memref_slice %arg8[%rem3A_162, %dma_start3A_174] : memref<4x2000xi32, #tpu.memory_space<vmem>> -> memref<1x2000xi32, #tpu.memory_space<vmem>>
        %dma_start3A_176 = tpu.memref_squeeze %dma_start3A_175 : memref<1x2000xi32, #tpu.memory_space<vmem>> -> memref<2000xi32, #tpu.memory_space<vmem>>
        %dma_start3A_177 = tpu.memref_slice %arg4[%add3A_165] : memref<6400000xi32, #tpu.memory_space<hbm>> -> memref<2000xi32, #tpu.memory_space<hbm>>
        %dma_start3A_178 = arith.constant 0 : i32
        %dma_start3A_179 = tpu.memref_slice %arg8[%rem3A_162, %dma_start3A_178] : memref<4x2000xi32, #tpu.memory_space<vmem>> -> memref<1x2000xi32, #tpu.memory_space<vmem>>
        %dma_start3A_180 = tpu.memref_squeeze %dma_start3A_179 : memref<1x2000xi32, #tpu.memory_space<vmem>> -> memref<2000xi32, #tpu.memory_space<vmem>>
        %dma_start3A_181 = tpu.memref_slice %arg4[%add3A_165] : memref<6400000xi32, #tpu.memory_space<hbm>> -> memref<2000xi32, #tpu.memory_space<hbm>>
        tpu.enqueue_dma source(%dma_start3A_181 : memref<2000xi32, #tpu.memory_space<hbm>>) target(%dma_start3A_180 : memref<2000xi32, #tpu.memory_space<vmem>>) target_semaphore(%arg11 : memref<!tpu.dma_semaphore, #tpu.memory_space<semaphore_mem>>)
      } else {
      }
      %dma_wait3A_120 = arith.constant 0 : i32
      %dma_wait3A_121 = arith.constant 0 : i32
      %dma_wait3A_122 = tpu.memref_slice %arg7[%dma_wait3A_120, %dma_wait3A_121] : memref<4x2000xi32, #tpu.memory_space<vmem>> -> memref<1x2000xi32, #tpu.memory_space<vmem>>
      %dma_wait3A_123 = tpu.memref_squeeze %dma_wait3A_122 : memref<1x2000xi32, #tpu.memory_space<vmem>> -> memref<2000xi32, #tpu.memory_space<vmem>>
      %dma_wait3A_124 = arith.constant 0 : i32
      %dma_wait3A_125 = tpu.memref_slice %arg3[%dma_wait3A_124] : memref<6400000xi32, #tpu.memory_space<hbm>> -> memref<2000xi32, #tpu.memory_space<hbm>>
      %dma_wait3A_126 = arith.constant 0 : i32
      %dma_wait3A_127 = tpu.memref_slice %arg7[%dma_wait3A_120, %dma_wait3A_126] : memref<4x2000xi32, #tpu.memory_space<vmem>> -> memref<1x2000xi32, #tpu.memory_space<vmem>>
      %dma_wait3A_128 = tpu.memref_squeeze %dma_wait3A_127 : memref<1x2000xi32, #tpu.memory_space<vmem>> -> memref<2000xi32, #tpu.memory_space<vmem>>
      %dma_wait3A_129 = arith.constant 0 : i32
      %dma_wait3A_130 = tpu.memref_slice %arg3[%dma_wait3A_129] : memref<6400000xi32, #tpu.memory_space<hbm>> -> memref<2000xi32, #tpu.memory_space<hbm>>
      tpu.wait_dma2 semaphore(%arg11 : memref<!tpu.dma_semaphore, #tpu.memory_space<semaphore_mem>>) src(%dma_wait3A_130 : memref<2000xi32, #tpu.memory_space<hbm>>) dst(%dma_wait3A_128 : memref<2000xi32, #tpu.memory_space<vmem>>)
      %dma_wait3A_131 = arith.constant 0 : i32
      %dma_wait3A_132 = arith.constant 0 : i32
      %dma_wait3A_133 = tpu.memref_slice %arg8[%dma_wait3A_131, %dma_wait3A_132] : memref<4x2000xi32, #tpu.memory_space<vmem>> -> memref<1x2000xi32, #tpu.memory_space<vmem>>
      %dma_wait3A_134 = tpu.memref_squeeze %dma_wait3A_133 : memref<1x2000xi32, #tpu.memory_space<vmem>> -> memref<2000xi32, #tpu.memory_space<vmem>>
      %dma_wait3A_135 = arith.constant 0 : i32
      %dma_wait3A_136 = tpu.memref_slice %arg4[%dma_wait3A_135] : memref<6400000xi32, #tpu.memory_space<hbm>> -> memref<2000xi32, #tpu.memory_space<hbm>>
      %dma_wait3A_137 = arith.constant 0 : i32
      %dma_wait3A_138 = tpu.memref_slice %arg8[%dma_wait3A_131, %dma_wait3A_137] : memref<4x2000xi32, #tpu.memory_space<vmem>> -> memref<1x2000xi32, #tpu.memory_space<vmem>>
      %dma_wait3A_139 = tpu.memref_squeeze %dma_wait3A_138 : memref<1x2000xi32, #tpu.memory_space<vmem>> -> memref<2000xi32, #tpu.memory_space<vmem>>
      %dma_wait3A_140 = arith.constant 0 : i32
      %dma_wait3A_141 = tpu.memref_slice %arg4[%dma_wait3A_140] : memref<6400000xi32, #tpu.memory_space<hbm>> -> memref<2000xi32, #tpu.memory_space<hbm>>
      tpu.wait_dma2 semaphore(%arg11 : memref<!tpu.dma_semaphore, #tpu.memory_space<semaphore_mem>>) src(%dma_wait3A_141 : memref<2000xi32, #tpu.memory_space<hbm>>) dst(%dma_wait3A_139 : memref<2000xi32, #tpu.memory_space<vmem>>)
      %rem3A_142 = arith.constant 4 : i32
      %rem3A_143 = arith.remsi %scan3A_111, %rem3A_142 : i32
      %dma_start3A_144 = arith.constant 0 : i32
      %dma_start3A_145 = arith.constant 0 : i32
      %dma_start3A_146 = tpu.memref_slice %arg9[%rem3A_143, %dma_start3A_144, %dma_start3A_145] : memref<4x2000x8xf32, #tpu.memory_space<vmem>> -> memref<1x2000x8xf32, #tpu.memory_space<vmem>>
      %dma_start3A_147 = tpu.memref_squeeze %dma_start3A_146 : memref<1x2000x8xf32, #tpu.memory_space<vmem>> -> memref<2000x8xf32, #tpu.memory_space<vmem>>
      %dma_start3A_148 = arith.constant 0 : i32
      %dma_start3A_149 = tpu.memref_slice %arg7[%rem3A_143, %dma_start3A_148] : memref<4x2000xi32, #tpu.memory_space<vmem>> -> memref<1x2000xi32, #tpu.memory_space<vmem>>
      %dma_start3A_150 = tpu.memref_squeeze %dma_start3A_149 : memref<1x2000xi32, #tpu.memory_space<vmem>> -> memref<2000xi32, #tpu.memory_space<vmem>>
      %dma_start3A_151 = arith.constant 0 : i32
      %dma_start3A_152 = arith.constant 0 : i32
      %dma_start3A_153 = tpu.memref_slice %arg2[%dma_start3A_151, %dma_start3A_152] : memref<100000x8xf32, #tpu.memory_space<hbm>> -> memref<100000x8xf32, #tpu.memory_space<hbm>>
      tpu.enqueue_indirect_dma source(%dma_start3A_153 : memref<100000x8xf32, #tpu.memory_space<hbm>>) target(%dma_start3A_147 : memref<2000x8xf32, #tpu.memory_space<vmem>>) offsets(%dma_start3A_150 : memref<2000xi32, #tpu.memory_space<vmem>>) semaphore(%arg12 : memref<!tpu.dma_semaphore, #tpu.memory_space<semaphore_mem>>)
      %ge3A_154 = arith.constant 1 : i32
      %ge3A_155 = arith.cmpi sge, %scan3A_111, %ge3A_154 : i32
      %convert_element_type3A_156 = arith.extui %ge3A_155 : i1 to i32
      %cond3A_157 = arith.constant 0 : i32
      %cond3A_158 = arith.cmpi ne, %convert_element_type3A_156, %cond3A_157 : i32
      scf.if %cond3A_158 {
        %dma_wait3A_159 = arith.constant 0 : i32
        %dma_wait3A_160 = arith.constant 0 : i32
        %dma_wait3A_161 = arith.constant 0 : i32
        %dma_wait3A_162 = arith.constant 0 : i32
        %dma_wait3A_163 = tpu.memref_slice %arg9[%dma_wait3A_160, %dma_wait3A_161, %dma_wait3A_162] : memref<4x2000x8xf32, #tpu.memory_space<vmem>> -> memref<1x2000x8xf32, #tpu.memory_space<vmem>>
        %dma_wait3A_164 = tpu.memref_squeeze %dma_wait3A_163 : memref<1x2000x8xf32, #tpu.memory_space<vmem>> -> memref<2000x8xf32, #tpu.memory_space<vmem>>
        %dma_wait3A_165 = arith.constant 0 : i32
        %dma_wait3A_166 = tpu.memref_slice %arg7[%dma_wait3A_159, %dma_wait3A_165] : memref<4x2000xi32, #tpu.memory_space<vmem>> -> memref<1x2000xi32, #tpu.memory_space<vmem>>
        %dma_wait3A_167 = tpu.memref_squeeze %dma_wait3A_166 : memref<1x2000xi32, #tpu.memory_space<vmem>> -> memref<2000xi32, #tpu.memory_space<vmem>>
        %dma_wait3A_168 = arith.constant 0 : i32
        %dma_wait3A_169 = arith.constant 0 : i32
        %dma_wait3A_170 = tpu.memref_slice %arg2[%dma_wait3A_168, %dma_wait3A_169] : memref<100000x8xf32, #tpu.memory_space<hbm>> -> memref<100000x8xf32, #tpu.memory_space<hbm>>
        tpu.wait_indirect_dma semaphore(%arg12 : memref<!tpu.dma_semaphore, #tpu.memory_space<semaphore_mem>>) src(%dma_wait3A_170 : memref<100000x8xf32, #tpu.memory_space<hbm>>) dst(%dma_wait3A_164 : memref<2000x8xf32, #tpu.memory_space<vmem>>)
        %sub3A = arith.constant 1 : i32
        %sub3A_171 = arith.subi %scan3A_111, %sub3A : i32
        %rem3A_172 = arith.constant 4 : i32
        %rem3A_173 = arith.remsi %sub3A_171, %rem3A_172 : i32
        %dma_start3A_174 = arith.constant 0 : i32
        %dma_start3A_175 = arith.constant 0 : i32
        %dma_start3A_176 = tpu.memref_slice %arg9[%rem3A_173, %dma_start3A_174, %dma_start3A_175] : memref<4x2000x8xf32, #tpu.memory_space<vmem>> -> memref<1x2000x8xf32, #tpu.memory_space<vmem>>
        %dma_start3A_177 = tpu.memref_squeeze %dma_start3A_176 : memref<1x2000x8xf32, #tpu.memory_space<vmem>> -> memref<2000x8xf32, #tpu.memory_space<vmem>>
        %dma_start3A_178 = arith.constant 0 : i32
        %dma_start3A_179 = tpu.memref_slice %arg8[%rem3A_173, %dma_start3A_178] : memref<4x2000xi32, #tpu.memory_space<vmem>> -> memref<1x2000xi32, #tpu.memory_space<vmem>>
        %dma_start3A_180 = tpu.memref_squeeze %dma_start3A_179 : memref<1x2000xi32, #tpu.memory_space<vmem>> -> memref<2000xi32, #tpu.memory_space<vmem>>
        %dma_start3A_181 = arith.constant 0 : i32
        %dma_start3A_182 = arith.constant 0 : i32
        %dma_start3A_183 = tpu.memref_slice %arg10[%dma_start3A_181, %dma_start3A_182] : memref<100096x8xf32, #tpu.memory_space<vmem_shared>> -> memref<100096x8xf32, #tpu.memory_space<vmem_shared>>
        tpu.enqueue_indirect_dma source(%dma_start3A_177 : memref<2000x8xf32, #tpu.memory_space<vmem>>) target(%dma_start3A_183 : memref<100096x8xf32, #tpu.memory_space<vmem_shared>>) offsets(%dma_start3A_180 : memref<2000xi32, #tpu.memory_space<vmem>>) semaphore(%arg13 : memref<!tpu.dma_semaphore, #tpu.memory_space<semaphore_mem>>) {add = true}
      } else {
      }
    }
    %scan3A_51 = arith.constant 100 : i32
    %dma_wait3A = arith.constant 0 : i32
    %dma_wait3A_52 = arith.constant 0 : i32
    %dma_wait3A_53 = arith.constant 0 : i32
    %dma_wait3A_54 = arith.constant 0 : i32
    %dma_wait3A_55 = tpu.memref_slice %arg9[%dma_wait3A_52, %dma_wait3A_53, %dma_wait3A_54] : memref<4x2000x8xf32, #tpu.memory_space<vmem>> -> memref<1x2000x8xf32, #tpu.memory_space<vmem>>
    %dma_wait3A_56 = tpu.memref_squeeze %dma_wait3A_55 : memref<1x2000x8xf32, #tpu.memory_space<vmem>> -> memref<2000x8xf32, #tpu.memory_space<vmem>>
    %dma_wait3A_57 = arith.constant 0 : i32
    %dma_wait3A_58 = tpu.memref_slice %arg7[%dma_wait3A, %dma_wait3A_57] : memref<4x2000xi32, #tpu.memory_space<vmem>> -> memref<1x2000xi32, #tpu.memory_space<vmem>>
    %dma_wait3A_59 = tpu.memref_squeeze %dma_wait3A_58 : memref<1x2000xi32, #tpu.memory_space<vmem>> -> memref<2000xi32, #tpu.memory_space<vmem>>
    %dma_wait3A_60 = arith.constant 0 : i32
    %dma_wait3A_61 = arith.constant 0 : i32
    %dma_wait3A_62 = tpu.memref_slice %arg2[%dma_wait3A_60, %dma_wait3A_61] : memref<100000x8xf32, #tpu.memory_space<hbm>> -> memref<100000x8xf32, #tpu.memory_space<hbm>>
    tpu.wait_indirect_dma semaphore(%arg12 : memref<!tpu.dma_semaphore, #tpu.memory_space<semaphore_mem>>) src(%dma_wait3A_62 : memref<100000x8xf32, #tpu.memory_space<hbm>>) dst(%dma_wait3A_56 : memref<2000x8xf32, #tpu.memory_space<vmem>>)
    %rem3A_63 = arith.constant 99 : i32
    %rem3A_64 = arith.constant 4 : i32
    %rem3A_65 = arith.remsi %rem3A_63, %rem3A_64 : i32
    %dma_start3A_66 = arith.constant 0 : i32
    %dma_start3A_67 = arith.constant 0 : i32
    %dma_start3A_68 = tpu.memref_slice %arg9[%rem3A_65, %dma_start3A_66, %dma_start3A_67] : memref<4x2000x8xf32, #tpu.memory_space<vmem>> -> memref<1x2000x8xf32, #tpu.memory_space<vmem>>
    %dma_start3A_69 = tpu.memref_squeeze %dma_start3A_68 : memref<1x2000x8xf32, #tpu.memory_space<vmem>> -> memref<2000x8xf32, #tpu.memory_space<vmem>>
    %dma_start3A_70 = arith.constant 0 : i32
    %dma_start3A_71 = tpu.memref_slice %arg8[%rem3A_65, %dma_start3A_70] : memref<4x2000xi32, #tpu.memory_space<vmem>> -> memref<1x2000xi32, #tpu.memory_space<vmem>>
    %dma_start3A_72 = tpu.memref_squeeze %dma_start3A_71 : memref<1x2000xi32, #tpu.memory_space<vmem>> -> memref<2000xi32, #tpu.memory_space<vmem>>
    %dma_start3A_73 = arith.constant 0 : i32
    %dma_start3A_74 = arith.constant 0 : i32
    %dma_start3A_75 = tpu.memref_slice %arg10[%dma_start3A_73, %dma_start3A_74] : memref<100096x8xf32, #tpu.memory_space<vmem_shared>> -> memref<100096x8xf32, #tpu.memory_space<vmem_shared>>
    tpu.enqueue_indirect_dma source(%dma_start3A_69 : memref<2000x8xf32, #tpu.memory_space<vmem>>) target(%dma_start3A_75 : memref<100096x8xf32, #tpu.memory_space<vmem_shared>>) offsets(%dma_start3A_72 : memref<2000xi32, #tpu.memory_space<vmem>>) semaphore(%arg13 : memref<!tpu.dma_semaphore, #tpu.memory_space<semaphore_mem>>) {add = true}
    %dma_wait3A_76 = arith.constant 0 : i32
    %dma_wait3A_77 = arith.constant 0 : i32
    %dma_wait3A_78 = arith.constant 0 : i32
    %dma_wait3A_79 = tpu.memref_slice %arg9[%dma_wait3A_76, %dma_wait3A_77, %dma_wait3A_78] : memref<4x2000x8xf32, #tpu.memory_space<vmem>> -> memref<1x2000x8xf32, #tpu.memory_space<vmem>>
    %dma_wait3A_80 = tpu.memref_squeeze %dma_wait3A_79 : memref<1x2000x8xf32, #tpu.memory_space<vmem>> -> memref<2000x8xf32, #tpu.memory_space<vmem>>
    %dma_wait3A_81 = arith.constant 0 : i32
    %dma_wait3A_82 = arith.constant 0 : i32
    %dma_wait3A_83 = tpu.memref_slice %arg10[%dma_wait3A_81, %dma_wait3A_82] : memref<100096x8xf32, #tpu.memory_space<vmem_shared>> -> memref<2000x8xf32, #tpu.memory_space<vmem_shared>>
    %dma_wait3A_84 = arith.constant 0 : i32
    %dma_wait3A_85 = arith.constant 0 : i32
    %dma_wait3A_86 = tpu.memref_slice %arg10[%dma_wait3A_84, %dma_wait3A_85] : memref<100096x8xf32, #tpu.memory_space<vmem_shared>> -> memref<2000x8xf32, #tpu.memory_space<vmem_shared>>
    %dma_wait3A_87 = arith.constant 0 : i32
    %dma_wait3A_88 = arith.constant 0 : i32
    %dma_wait3A_89 = tpu.memref_slice %arg9[%dma_wait3A_76, %dma_wait3A_87, %dma_wait3A_88] : memref<4x2000x8xf32, #tpu.memory_space<vmem>> -> memref<1x2000x8xf32, #tpu.memory_space<vmem>>
    %dma_wait3A_90 = tpu.memref_squeeze %dma_wait3A_89 : memref<1x2000x8xf32, #tpu.memory_space<vmem>> -> memref<2000x8xf32, #tpu.memory_space<vmem>>
    tpu.wait_dma2 semaphore(%arg13 : memref<!tpu.dma_semaphore, #tpu.memory_space<semaphore_mem>>) src(%dma_wait3A_90 : memref<2000x8xf32, #tpu.memory_space<vmem>>) dst(%dma_wait3A_86 : memref<2000x8xf32, #tpu.memory_space<vmem_shared>>)
    %dma_wait3A_91 = arith.constant 0 : i32
    %dma_wait3A_92 = arith.constant 0 : i32
    %dma_wait3A_93 = arith.constant 0 : i32
    %dma_wait3A_94 = tpu.memref_slice %arg9[%dma_wait3A_91, %dma_wait3A_92, %dma_wait3A_93] : memref<4x2000x8xf32, #tpu.memory_space<vmem>> -> memref<1x2000x8xf32, #tpu.memory_space<vmem>>
    %dma_wait3A_95 = tpu.memref_squeeze %dma_wait3A_94 : memref<1x2000x8xf32, #tpu.memory_space<vmem>> -> memref<2000x8xf32, #tpu.memory_space<vmem>>
    %dma_wait3A_96 = arith.constant 0 : i32
    %dma_wait3A_97 = arith.constant 0 : i32
    %dma_wait3A_98 = tpu.memref_slice %arg10[%dma_wait3A_96, %dma_wait3A_97] : memref<100096x8xf32, #tpu.memory_space<vmem_shared>> -> memref<2000x8xf32, #tpu.memory_space<vmem_shared>>
    %dma_wait3A_99 = arith.constant 0 : i32
    %dma_wait3A_100 = arith.constant 0 : i32
    %dma_wait3A_101 = tpu.memref_slice %arg10[%dma_wait3A_99, %dma_wait3A_100] : memref<100096x8xf32, #tpu.memory_space<vmem_shared>> -> memref<2000x8xf32, #tpu.memory_space<vmem_shared>>
    %dma_wait3A_102 = arith.constant 0 : i32
    %dma_wait3A_103 = arith.constant 0 : i32
    %dma_wait3A_104 = tpu.memref_slice %arg9[%dma_wait3A_91, %dma_wait3A_102, %dma_wait3A_103] : memref<4x2000x8xf32, #tpu.memory_space<vmem>> -> memref<1x2000x8xf32, #tpu.memory_space<vmem>>
    %dma_wait3A_105 = tpu.memref_squeeze %dma_wait3A_104 : memref<1x2000x8xf32, #tpu.memory_space<vmem>> -> memref<2000x8xf32, #tpu.memory_space<vmem>>
    tpu.wait_dma2 semaphore(%arg13 : memref<!tpu.dma_semaphore, #tpu.memory_space<semaphore_mem>>) src(%dma_wait3A_105 : memref<2000x8xf32, #tpu.memory_space<vmem>>) dst(%dma_wait3A_101 : memref<2000x8xf32, #tpu.memory_space<vmem_shared>>)
    %barrier3A_106 = arith.constant 0 : index
    tpu.barrier barrier_id(%barrier3A_106)
    %mul3A_107 = arith.constant 6256 : i32
    %mul3A_108 = arith.muli %arg1, %mul3A_107 : i32
    %mul3A_109 = arith.constant 6256 : i32
    %mul3A_110 = arith.muli %arg1, %mul3A_109 : i32
    "tpu.region"() ({
      %run_scoped3A = tpu.sem_alloc : memref<!tpu.dma_semaphore, #tpu.memory_space<semaphore_mem>>
      %dma_start3A_111 = arith.constant 0 : i32
      %dma_start3A_112 = tpu.memref_slice %arg6[%arg0, %mul3A_110, %dma_start3A_111] : memref<2x100096x8xf32, #tpu.memory_space<hbm>> -> memref<1x6256x8xf32, #tpu.memory_space<hbm>>
      %dma_start3A_113 = tpu.memref_squeeze %dma_start3A_112 : memref<1x6256x8xf32, #tpu.memory_space<hbm>> -> memref<6256x8xf32, #tpu.memory_space<hbm>>
      %dma_start3A_114 = arith.constant 0 : i32
      %dma_start3A_115 = tpu.memref_slice %arg10[%mul3A_108, %dma_start3A_114] : memref<100096x8xf32, #tpu.memory_space<vmem_shared>> -> memref<6256x8xf32, #tpu.memory_space<vmem_shared>>
      tpu.enqueue_dma source(%dma_start3A_115 : memref<6256x8xf32, #tpu.memory_space<vmem_shared>>) target(%dma_start3A_113 : memref<6256x8xf32, #tpu.memory_space<hbm>>) target_semaphore(%run_scoped3A : memref<!tpu.dma_semaphore, #tpu.memory_space<semaphore_mem>>)
      %dma_wait3A_116 = arith.constant 0 : i32
      %dma_wait3A_117 = tpu.memref_slice %arg6[%arg0, %mul3A_110, %dma_wait3A_116] : memref<2x100096x8xf32, #tpu.memory_space<hbm>> -> memref<1x6256x8xf32, #tpu.memory_space<hbm>>
      %dma_wait3A_118 = tpu.memref_squeeze %dma_wait3A_117 : memref<1x6256x8xf32, #tpu.memory_space<hbm>> -> memref<6256x8xf32, #tpu.memory_space<hbm>>
      %dma_wait3A_119 = arith.constant 0 : i32
      %dma_wait3A_120 = tpu.memref_slice %arg10[%mul3A_108, %dma_wait3A_119] : memref<100096x8xf32, #tpu.memory_space<vmem_shared>> -> memref<6256x8xf32, #tpu.memory_space<vmem_shared>>
      tpu.wait_dma2 semaphore(%run_scoped3A : memref<!tpu.dma_semaphore, #tpu.memory_space<semaphore_mem>>) src(%dma_wait3A_120 : memref<6256x8xf32, #tpu.memory_space<vmem_shared>>) dst(%dma_wait3A_118 : memref<6256x8xf32, #tpu.memory_space<hbm>>)
      tpu.yield
    }) : () -> ()
    return
  }
}

#map = affine_map<(d0, d1) -> (0, 0)>
#map1 = affine_map<(d0, d1) -> (0)>
#map2 = affine_map<(d0, d1) -> (0, 0, 0)>
module attributes {stable_mosaic.version = 14 : i64} {
  func.func @sc_layer(%arg0: i32, %arg1: i32, %arg2: memref<100000x8xf32, #tpu.memory_space<hbm>>, %arg3: memref<6400000xi32, #tpu.memory_space<hbm>>, %arg4: memref<6400000xi32, #tpu.memory_space<hbm>>, %arg5: memref<100096x8xf32, #tpu.memory_space<hbm>>, %arg6: memref<2x100096x8xf32, #tpu.memory_space<hbm>>, %arg7: memref<4x2000xi32, #tpu.memory_space<vmem>>, %arg8: memref<4x2000xi32, #tpu.memory_space<vmem>>, %arg9: memref<4x2000x8xf32, #tpu.memory_space<vmem>>, %arg10: memref<100096x8xf32, #tpu.memory_space<vmem_shared>>, %arg11: memref<!tpu.dma_semaphore, #tpu.memory_space<semaphore_mem>>, %arg12: memref<!tpu.dma_semaphore, #tpu.memory_space<semaphore_mem>>, %arg13: memref<!tpu.dma_semaphore, #tpu.memory_space<semaphore_mem>>) attributes {dimension_semantics = [#tpu.dimension_semantics<core_parallel>, #tpu.dimension_semantics<subcore_parallel>], iteration_bounds = array<i64: 2, 16>, scalar_prefetch = 0 : i64, scratch_operands = 7 : i64, tpu.core_type = #tpu.core_type<sc_vector_subcore>, window_params = [{transform_indices = #map}, {transform_indices = #map1}, {transform_indices = #map1}, {transform_indices = #map}, {transform_indices = #map2}]} {
    %mul3A = arith.constant 6256 : i32
    %mul3A_0 = arith.muli %arg1, %mul3A : i32
    %mul3A_1 = arith.constant 6256 : i32
    %mul3A_2 = arith.muli %arg1, %mul3A_1 : i32
    "tpu.region"() ({
      %run_scoped3A = tpu.sem_alloc : memref<!tpu.dma_semaphore, #tpu.memory_space<semaphore_mem>>
      %dma_start3A_111 = arith.constant 0 : i32
      %dma_start3A_112 = tpu.memref_slice %arg10[%mul3A_2, %dma_start3A_111] : memref<100096x8xf32, #tpu.memory_space<vmem_shared>> -> memref<6256x8xf32, #tpu.memory_space<vmem_shared>>
      %dma_start3A_113 = arith.constant 0 : i32
      %dma_start3A_114 = tpu.memref_slice %arg5[%mul3A_0, %dma_start3A_113] : memref<100096x8xf32, #tpu.memory_space<hbm>> -> memref<6256x8xf32, #tpu.memory_space<hbm>>
      tpu.enqueue_dma source(%dma_start3A_114 : memref<6256x8xf32, #tpu.memory_space<hbm>>) target(%dma_start3A_112 : memref<6256x8xf32, #tpu.memory_space<vmem_shared>>) target_semaphore(%run_scoped3A : memref<!tpu.dma_semaphore, #tpu.memory_space<semaphore_mem>>)
      %dma_wait3A_115 = arith.constant 0 : i32
      %dma_wait3A_116 = tpu.memref_slice %arg10[%mul3A_2, %dma_wait3A_115] : memref<100096x8xf32, #tpu.memory_space<vmem_shared>> -> memref<6256x8xf32, #tpu.memory_space<vmem_shared>>
      %dma_wait3A_117 = arith.constant 0 : i32
      %dma_wait3A_118 = tpu.memref_slice %arg5[%mul3A_0, %dma_wait3A_117] : memref<100096x8xf32, #tpu.memory_space<hbm>> -> memref<6256x8xf32, #tpu.memory_space<hbm>>
      tpu.wait_dma2 semaphore(%run_scoped3A : memref<!tpu.dma_semaphore, #tpu.memory_space<semaphore_mem>>) src(%dma_wait3A_118 : memref<6256x8xf32, #tpu.memory_space<hbm>>) dst(%dma_wait3A_116 : memref<6256x8xf32, #tpu.memory_space<vmem_shared>>)
      tpu.yield
    }) : () -> ()
    %barrier3A = arith.constant 0 : index
    tpu.barrier barrier_id(%barrier3A)
    %mul3A_3 = arith.constant 16 : i32
    %mul3A_4 = arith.muli %arg0, %mul3A_3 : i32
    %add3A = arith.addi %mul3A_4, %arg1 : i32
    %mul3A_5 = arith.constant 200000 : i32
    %mul3A_6 = arith.muli %add3A, %mul3A_5 : i32
    %rem3A = arith.constant 0 : i32
    %rem3A_7 = arith.constant 4 : i32
    %rem3A_8 = arith.remsi %rem3A, %rem3A_7 : i32
    %add3A_9 = arith.constant 0 : i32
    %add3A_10 = arith.addi %mul3A_6, %add3A_9 : i32
    %dma_start3A = arith.constant 0 : i32
    %dma_start3A_11 = tpu.memref_slice %arg7[%rem3A_8, %dma_start3A] : memref<4x2000xi32, #tpu.memory_space<vmem>> -> memref<1x2000xi32, #tpu.memory_space<vmem>>
    %dma_start3A_12 = tpu.memref_squeeze %dma_start3A_11 : memref<1x2000xi32, #tpu.memory_space<vmem>> -> memref<2000xi32, #tpu.memory_space<vmem>>
    %dma_start3A_13 = tpu.memref_slice %arg3[%add3A_10] : memref<6400000xi32, #tpu.memory_space<hbm>> -> memref<2000xi32, #tpu.memory_space<hbm>>
    %dma_start3A_14 = arith.constant 0 : i32
    %dma_start3A_15 = tpu.memref_slice %arg7[%rem3A_8, %dma_start3A_14] : memref<4x2000xi32, #tpu.memory_space<vmem>> -> memref<1x2000xi32, #tpu.memory_space<vmem>>
    %dma_start3A_16 = tpu.memref_squeeze %dma_start3A_15 : memref<1x2000xi32, #tpu.memory_space<vmem>> -> memref<2000xi32, #tpu.memory_space<vmem>>
    %dma_start3A_17 = tpu.memref_slice %arg3[%add3A_10] : memref<6400000xi32, #tpu.memory_space<hbm>> -> memref<2000xi32, #tpu.memory_space<hbm>>
    tpu.enqueue_dma source(%dma_start3A_17 : memref<2000xi32, #tpu.memory_space<hbm>>) target(%dma_start3A_16 : memref<2000xi32, #tpu.memory_space<vmem>>) target_semaphore(%arg11 : memref<!tpu.dma_semaphore, #tpu.memory_space<semaphore_mem>>)
    %dma_start3A_18 = arith.constant 0 : i32
    %dma_start3A_19 = tpu.memref_slice %arg8[%rem3A_8, %dma_start3A_18] : memref<4x2000xi32, #tpu.memory_space<vmem>> -> memref<1x2000xi32, #tpu.memory_space<vmem>>
    %dma_start3A_20 = tpu.memref_squeeze %dma_start3A_19 : memref<1x2000xi32, #tpu.memory_space<vmem>> -> memref<2000xi32, #tpu.memory_space<vmem>>
    %dma_start3A_21 = tpu.memref_slice %arg4[%add3A_10] : memref<6400000xi32, #tpu.memory_space<hbm>> -> memref<2000xi32, #tpu.memory_space<hbm>>
    %dma_start3A_22 = arith.constant 0 : i32
    %dma_start3A_23 = tpu.memref_slice %arg8[%rem3A_8, %dma_start3A_22] : memref<4x2000xi32, #tpu.memory_space<vmem>> -> memref<1x2000xi32, #tpu.memory_space<vmem>>
    %dma_start3A_24 = tpu.memref_squeeze %dma_start3A_23 : memref<1x2000xi32, #tpu.memory_space<vmem>> -> memref<2000xi32, #tpu.memory_space<vmem>>
    %dma_start3A_25 = tpu.memref_slice %arg4[%add3A_10] : memref<6400000xi32, #tpu.memory_space<hbm>> -> memref<2000xi32, #tpu.memory_space<hbm>>
    tpu.enqueue_dma source(%dma_start3A_25 : memref<2000xi32, #tpu.memory_space<hbm>>) target(%dma_start3A_24 : memref<2000xi32, #tpu.memory_space<vmem>>) target_semaphore(%arg11 : memref<!tpu.dma_semaphore, #tpu.memory_space<semaphore_mem>>)
    %rem3A_26 = arith.constant 1 : i32
    %rem3A_27 = arith.constant 4 : i32
    %rem3A_28 = arith.remsi %rem3A_26, %rem3A_27 : i32
    %add3A_29 = arith.constant 2000 : i32
    %add3A_30 = arith.addi %mul3A_6, %add3A_29 : i32
    %dma_start3A_31 = arith.constant 0 : i32
    %dma_start3A_32 = tpu.memref_slice %arg7[%rem3A_28, %dma_start3A_31] : memref<4x2000xi32, #tpu.memory_space<vmem>> -> memref<1x2000xi32, #tpu.memory_space<vmem>>
    %dma_start3A_33 = tpu.memref_squeeze %dma_start3A_32 : memref<1x2000xi32, #tpu.memory_space<vmem>> -> memref<2000xi32, #tpu.memory_space<vmem>>
    %dma_start3A_34 = tpu.memref_slice %arg3[%add3A_30] : memref<6400000xi32, #tpu.memory_space<hbm>> -> memref<2000xi32, #tpu.memory_space<hbm>>
    %dma_start3A_35 = arith.constant 0 : i32
    %dma_start3A_36 = tpu.memref_slice %arg7[%rem3A_28, %dma_start3A_35] : memref<4x2000xi32, #tpu.memory_space<vmem>> -> memref<1x2000xi32, #tpu.memory_space<vmem>>
    %dma_start3A_37 = tpu.memref_squeeze %dma_start3A_36 : memref<1x2000xi32, #tpu.memory_space<vmem>> -> memref<2000xi32, #tpu.memory_space<vmem>>
    %dma_start3A_38 = tpu.memref_slice %arg3[%add3A_30] : memref<6400000xi32, #tpu.memory_space<hbm>> -> memref<2000xi32, #tpu.memory_space<hbm>>
    tpu.enqueue_dma source(%dma_start3A_38 : memref<2000xi32, #tpu.memory_space<hbm>>) target(%dma_start3A_37 : memref<2000xi32, #tpu.memory_space<vmem>>) target_semaphore(%arg11 : memref<!tpu.dma_semaphore, #tpu.memory_space<semaphore_mem>>)
    %dma_start3A_39 = arith.constant 0 : i32
    %dma_start3A_40 = tpu.memref_slice %arg8[%rem3A_28, %dma_start3A_39] : memref<4x2000xi32, #tpu.memory_space<vmem>> -> memref<1x2000xi32, #tpu.memory_space<vmem>>
    %dma_start3A_41 = tpu.memref_squeeze %dma_start3A_40 : memref<1x2000xi32, #tpu.memory_space<vmem>> -> memref<2000xi32, #tpu.memory_space<vmem>>
    %dma_start3A_42 = tpu.memref_slice %arg4[%add3A_30] : memref<6400000xi32, #tpu.memory_space<hbm>> -> memref<2000xi32, #tpu.memory_space<hbm>>
    %dma_start3A_43 = arith.constant 0 : i32
    %dma_start3A_44 = tpu.memref_slice %arg8[%rem3A_28, %dma_start3A_43] : memref<4x2000xi32, #tpu.memory_space<vmem>> -> memref<1x2000xi32, #tpu.memory_space<vmem>>
    %dma_start3A_45 = tpu.memref_squeeze %dma_start3A_44 : memref<1x2000xi32, #tpu.memory_space<vmem>> -> memref<2000xi32, #tpu.memory_space<vmem>>
    %dma_start3A_46 = tpu.memref_slice %arg4[%add3A_30] : memref<6400000xi32, #tpu.memory_space<hbm>> -> memref<2000xi32, #tpu.memory_space<hbm>>
    tpu.enqueue_dma source(%dma_start3A_46 : memref<2000xi32, #tpu.memory_space<hbm>>) target(%dma_start3A_45 : memref<2000xi32, #tpu.memory_space<vmem>>) target_semaphore(%arg11 : memref<!tpu.dma_semaphore, #tpu.memory_space<semaphore_mem>>)
    %scan3A = arith.constant 0 : i32
    %scan3A_47 = arith.constant 0 : i32
    %scan3A_48 = arith.constant 100 : i32
    %scan3A_49 = arith.addi %scan3A_47, %scan3A_48 : i32
    %scan3A_50 = arith.constant 1 : i32
    scf.for %scan3A_111 = %scan3A_47 to %scan3A_49 step %scan3A_50  : i32 {
      %ge3A = arith.constant 2 : i32
      %ge3A_112 = arith.cmpi sge, %scan3A_111, %ge3A : i32
      %convert_element_type3A = arith.extui %ge3A_112 : i1 to i32
      %cond3A = arith.constant 0 : i32
      %cond3A_113 = arith.cmpi ne, %convert_element_type3A, %cond3A : i32
      scf.if %cond3A_113 {
        %dma_wait3A_159 = arith.constant 0 : i32
        %dma_wait3A_160 = arith.constant 0 : i32
        %dma_wait3A_161 = arith.constant 0 : i32
        %dma_wait3A_162 = tpu.memref_slice %arg9[%dma_wait3A_159, %dma_wait3A_160, %dma_wait3A_161] : memref<4x2000x8xf32, #tpu.memory_space<vmem>> -> memref<1x2000x8xf32, #tpu.memory_space<vmem>>
        %dma_wait3A_163 = tpu.memref_squeeze %dma_wait3A_162 : memref<1x2000x8xf32, #tpu.memory_space<vmem>> -> memref<2000x8xf32, #tpu.memory_space<vmem>>
        %dma_wait3A_164 = arith.constant 0 : i32
        %dma_wait3A_165 = arith.constant 0 : i32
        %dma_wait3A_166 = tpu.memref_slice %arg10[%dma_wait3A_164, %dma_wait3A_165] : memref<100096x8xf32, #tpu.memory_space<vmem_shared>> -> memref<2000x8xf32, #tpu.memory_space<vmem_shared>>
        %dma_wait3A_167 = arith.constant 0 : i32
        %dma_wait3A_168 = arith.constant 0 : i32
        %dma_wait3A_169 = tpu.memref_slice %arg10[%dma_wait3A_167, %dma_wait3A_168] : memref<100096x8xf32, #tpu.memory_space<vmem_shared>> -> memref<2000x8xf32, #tpu.memory_space<vmem_shared>>
        %dma_wait3A_170 = arith.constant 0 : i32
        %dma_wait3A_171 = arith.constant 0 : i32
        %dma_wait3A_172 = tpu.memref_slice %arg9[%dma_wait3A_159, %dma_wait3A_170, %dma_wait3A_171] : memref<4x2000x8xf32, #tpu.memory_space<vmem>> -> memref<1x2000x8xf32, #tpu.memory_space<vmem>>
        %dma_wait3A_173 = tpu.memref_squeeze %dma_wait3A_172 : memref<1x2000x8xf32, #tpu.memory_space<vmem>> -> memref<2000x8xf32, #tpu.memory_space<vmem>>
        tpu.wait_dma2 semaphore(%arg13 : memref<!tpu.dma_semaphore, #tpu.memory_space<semaphore_mem>>) src(%dma_wait3A_173 : memref<2000x8xf32, #tpu.memory_space<vmem>>) dst(%dma_wait3A_169 : memref<2000x8xf32, #tpu.memory_space<vmem_shared>>)
      } else {
      }
      %add3A_114 = arith.constant 2 : i32
      %add3A_115 = arith.addi %scan3A_111, %add3A_114 : i32
      %lt3A = arith.constant 100 : i32
      %lt3A_116 = arith.cmpi slt, %add3A_115, %lt3A : i32
      %convert_element_type3A_117 = arith.extui %lt3A_116 : i1 to i32
      %cond3A_118 = arith.constant 0 : i32
      %cond3A_119 = arith.cmpi ne, %convert_element_type3A_117, %cond3A_118 : i32
      scf.if %cond3A_119 {
        %add3A_159 = arith.constant 2 : i32
        %add3A_160 = arith.addi %scan3A_111, %add3A_159 : i32
        %rem3A_161 = arith.constant 4 : i32
        %rem3A_162 = arith.remsi %add3A_160, %rem3A_161 : i32
        %mul3A_163 = arith.constant 2000 : i32
        %mul3A_164 = arith.muli %add3A_160, %mul3A_163 : i32
        %add3A_165 = arith.addi %mul3A_6, %mul3A_164 : i32
        %dma_start3A_166 = arith.constant 0 : i32
        %dma_start3A_167 = tpu.memref_slice %arg7[%rem3A_162, %dma_start3A_166] : memref<4x2000xi32, #tpu.memory_space<vmem>> -> memref<1x2000xi32, #tpu.memory_space<vmem>>
        %dma_start3A_168 = tpu.memref_squeeze %dma_start3A_167 : memref<1x2000xi32, #tpu.memory_space<vmem>> -> memref<2000xi32, #tpu.memory_space<vmem>>
        %dma_start3A_169 = tpu.memref_slice %arg3[%add3A_165] : memref<6400000xi32, #tpu.memory_space<hbm>> -> memref<2000xi32, #tpu.memory_space<hbm>>
        %dma_start3A_170 = arith.constant 0 : i32
        %dma_start3A_171 = tpu.memref_slice %arg7[%rem3A_162, %dma_start3A_170] : memref<4x2000xi32, #tpu.memory_space<vmem>> -> memref<1x2000xi32, #tpu.memory_space<vmem>>
        %dma_start3A_172 = tpu.memref_squeeze %dma_start3A_171 : memref<1x2000xi32, #tpu.memory_space<vmem>> -> memref<2000xi32, #tpu.memory_space<vmem>>
        %dma_start3A_173 = tpu.memref_slice %arg3[%add3A_165] : memref<6400000xi32, #tpu.memory_space<hbm>> -> memref<2000xi32, #tpu.memory_space<hbm>>
        tpu.enqueue_dma source(%dma_start3A_173 : memref<2000xi32, #tpu.memory_space<hbm>>) target(%dma_start3A_172 : memref<2000xi32, #tpu.memory_space<vmem>>) target_semaphore(%arg11 : memref<!tpu.dma_semaphore, #tpu.memory_space<semaphore_mem>>)
        %dma_start3A_174 = arith.constant 0 : i32
        %dma_start3A_175 = tpu.memref_slice %arg8[%rem3A_162, %dma_start3A_174] : memref<4x2000xi32, #tpu.memory_space<vmem>> -> memref<1x2000xi32, #tpu.memory_space<vmem>>
        %dma_start3A_176 = tpu.memref_squeeze %dma_start3A_175 : memref<1x2000xi32, #tpu.memory_space<vmem>> -> memref<2000xi32, #tpu.memory_space<vmem>>
        %dma_start3A_177 = tpu.memref_slice %arg4[%add3A_165] : memref<6400000xi32, #tpu.memory_space<hbm>> -> memref<2000xi32, #tpu.memory_space<hbm>>
        %dma_start3A_178 = arith.constant 0 : i32
        %dma_start3A_179 = tpu.memref_slice %arg8[%rem3A_162, %dma_start3A_178] : memref<4x2000xi32, #tpu.memory_space<vmem>> -> memref<1x2000xi32, #tpu.memory_space<vmem>>
        %dma_start3A_180 = tpu.memref_squeeze %dma_start3A_179 : memref<1x2000xi32, #tpu.memory_space<vmem>> -> memref<2000xi32, #tpu.memory_space<vmem>>
        %dma_start3A_181 = tpu.memref_slice %arg4[%add3A_165] : memref<6400000xi32, #tpu.memory_space<hbm>> -> memref<2000xi32, #tpu.memory_space<hbm>>
        tpu.enqueue_dma source(%dma_start3A_181 : memref<2000xi32, #tpu.memory_space<hbm>>) target(%dma_start3A_180 : memref<2000xi32, #tpu.memory_space<vmem>>) target_semaphore(%arg11 : memref<!tpu.dma_semaphore, #tpu.memory_space<semaphore_mem>>)
      } else {
      }
      %dma_wait3A_120 = arith.constant 0 : i32
      %dma_wait3A_121 = arith.constant 0 : i32
      %dma_wait3A_122 = tpu.memref_slice %arg7[%dma_wait3A_120, %dma_wait3A_121] : memref<4x2000xi32, #tpu.memory_space<vmem>> -> memref<1x2000xi32, #tpu.memory_space<vmem>>
      %dma_wait3A_123 = tpu.memref_squeeze %dma_wait3A_122 : memref<1x2000xi32, #tpu.memory_space<vmem>> -> memref<2000xi32, #tpu.memory_space<vmem>>
      %dma_wait3A_124 = arith.constant 0 : i32
      %dma_wait3A_125 = tpu.memref_slice %arg3[%dma_wait3A_124] : memref<6400000xi32, #tpu.memory_space<hbm>> -> memref<2000xi32, #tpu.memory_space<hbm>>
      %dma_wait3A_126 = arith.constant 0 : i32
      %dma_wait3A_127 = tpu.memref_slice %arg7[%dma_wait3A_120, %dma_wait3A_126] : memref<4x2000xi32, #tpu.memory_space<vmem>> -> memref<1x2000xi32, #tpu.memory_space<vmem>>
      %dma_wait3A_128 = tpu.memref_squeeze %dma_wait3A_127 : memref<1x2000xi32, #tpu.memory_space<vmem>> -> memref<2000xi32, #tpu.memory_space<vmem>>
      %dma_wait3A_129 = arith.constant 0 : i32
      %dma_wait3A_130 = tpu.memref_slice %arg3[%dma_wait3A_129] : memref<6400000xi32, #tpu.memory_space<hbm>> -> memref<2000xi32, #tpu.memory_space<hbm>>
      tpu.wait_dma2 semaphore(%arg11 : memref<!tpu.dma_semaphore, #tpu.memory_space<semaphore_mem>>) src(%dma_wait3A_130 : memref<2000xi32, #tpu.memory_space<hbm>>) dst(%dma_wait3A_128 : memref<2000xi32, #tpu.memory_space<vmem>>)
      %dma_wait3A_131 = arith.constant 0 : i32
      %dma_wait3A_132 = arith.constant 0 : i32
      %dma_wait3A_133 = tpu.memref_slice %arg8[%dma_wait3A_131, %dma_wait3A_132] : memref<4x2000xi32, #tpu.memory_space<vmem>> -> memref<1x2000xi32, #tpu.memory_space<vmem>>
      %dma_wait3A_134 = tpu.memref_squeeze %dma_wait3A_133 : memref<1x2000xi32, #tpu.memory_space<vmem>> -> memref<2000xi32, #tpu.memory_space<vmem>>
      %dma_wait3A_135 = arith.constant 0 : i32
      %dma_wait3A_136 = tpu.memref_slice %arg4[%dma_wait3A_135] : memref<6400000xi32, #tpu.memory_space<hbm>> -> memref<2000xi32, #tpu.memory_space<hbm>>
      %dma_wait3A_137 = arith.constant 0 : i32
      %dma_wait3A_138 = tpu.memref_slice %arg8[%dma_wait3A_131, %dma_wait3A_137] : memref<4x2000xi32, #tpu.memory_space<vmem>> -> memref<1x2000xi32, #tpu.memory_space<vmem>>
      %dma_wait3A_139 = tpu.memref_squeeze %dma_wait3A_138 : memref<1x2000xi32, #tpu.memory_space<vmem>> -> memref<2000xi32, #tpu.memory_space<vmem>>
      %dma_wait3A_140 = arith.constant 0 : i32
      %dma_wait3A_141 = tpu.memref_slice %arg4[%dma_wait3A_140] : memref<6400000xi32, #tpu.memory_space<hbm>> -> memref<2000xi32, #tpu.memory_space<hbm>>
      tpu.wait_dma2 semaphore(%arg11 : memref<!tpu.dma_semaphore, #tpu.memory_space<semaphore_mem>>) src(%dma_wait3A_141 : memref<2000xi32, #tpu.memory_space<hbm>>) dst(%dma_wait3A_139 : memref<2000xi32, #tpu.memory_space<vmem>>)
      %rem3A_142 = arith.constant 4 : i32
      %rem3A_143 = arith.remsi %scan3A_111, %rem3A_142 : i32
      %dma_start3A_144 = arith.constant 0 : i32
      %dma_start3A_145 = arith.constant 0 : i32
      %dma_start3A_146 = tpu.memref_slice %arg9[%rem3A_143, %dma_start3A_144, %dma_start3A_145] : memref<4x2000x8xf32, #tpu.memory_space<vmem>> -> memref<1x2000x8xf32, #tpu.memory_space<vmem>>
      %dma_start3A_147 = tpu.memref_squeeze %dma_start3A_146 : memref<1x2000x8xf32, #tpu.memory_space<vmem>> -> memref<2000x8xf32, #tpu.memory_space<vmem>>
      %dma_start3A_148 = arith.constant 0 : i32
      %dma_start3A_149 = tpu.memref_slice %arg7[%rem3A_143, %dma_start3A_148] : memref<4x2000xi32, #tpu.memory_space<vmem>> -> memref<1x2000xi32, #tpu.memory_space<vmem>>
      %dma_start3A_150 = tpu.memref_squeeze %dma_start3A_149 : memref<1x2000xi32, #tpu.memory_space<vmem>> -> memref<2000xi32, #tpu.memory_space<vmem>>
      %dma_start3A_151 = arith.constant 0 : i32
      %dma_start3A_152 = arith.constant 0 : i32
      %dma_start3A_153 = tpu.memref_slice %arg2[%dma_start3A_151, %dma_start3A_152] : memref<100000x8xf32, #tpu.memory_space<hbm>> -> memref<100000x8xf32, #tpu.memory_space<hbm>>
      tpu.enqueue_indirect_dma source(%dma_start3A_153 : memref<100000x8xf32, #tpu.memory_space<hbm>>) target(%dma_start3A_147 : memref<2000x8xf32, #tpu.memory_space<vmem>>) offsets(%dma_start3A_150 : memref<2000xi32, #tpu.memory_space<vmem>>) semaphore(%arg12 : memref<!tpu.dma_semaphore, #tpu.memory_space<semaphore_mem>>)
      %ge3A_154 = arith.constant 1 : i32
      %ge3A_155 = arith.cmpi sge, %scan3A_111, %ge3A_154 : i32
      %convert_element_type3A_156 = arith.extui %ge3A_155 : i1 to i32
      %cond3A_157 = arith.constant 0 : i32
      %cond3A_158 = arith.cmpi ne, %convert_element_type3A_156, %cond3A_157 : i32
      scf.if %cond3A_158 {
        %dma_wait3A_159 = arith.constant 0 : i32
        %dma_wait3A_160 = arith.constant 0 : i32
        %dma_wait3A_161 = arith.constant 0 : i32
        %dma_wait3A_162 = arith.constant 0 : i32
        %dma_wait3A_163 = tpu.memref_slice %arg9[%dma_wait3A_160, %dma_wait3A_161, %dma_wait3A_162] : memref<4x2000x8xf32, #tpu.memory_space<vmem>> -> memref<1x2000x8xf32, #tpu.memory_space<vmem>>
        %dma_wait3A_164 = tpu.memref_squeeze %dma_wait3A_163 : memref<1x2000x8xf32, #tpu.memory_space<vmem>> -> memref<2000x8xf32, #tpu.memory_space<vmem>>
        %dma_wait3A_165 = arith.constant 0 : i32
        %dma_wait3A_166 = tpu.memref_slice %arg7[%dma_wait3A_159, %dma_wait3A_165] : memref<4x2000xi32, #tpu.memory_space<vmem>> -> memref<1x2000xi32, #tpu.memory_space<vmem>>
        %dma_wait3A_167 = tpu.memref_squeeze %dma_wait3A_166 : memref<1x2000xi32, #tpu.memory_space<vmem>> -> memref<2000xi32, #tpu.memory_space<vmem>>
        %dma_wait3A_168 = arith.constant 0 : i32
        %dma_wait3A_169 = arith.constant 0 : i32
        %dma_wait3A_170 = tpu.memref_slice %arg2[%dma_wait3A_168, %dma_wait3A_169] : memref<100000x8xf32, #tpu.memory_space<hbm>> -> memref<100000x8xf32, #tpu.memory_space<hbm>>
        tpu.wait_indirect_dma semaphore(%arg12 : memref<!tpu.dma_semaphore, #tpu.memory_space<semaphore_mem>>) src(%dma_wait3A_170 : memref<100000x8xf32, #tpu.memory_space<hbm>>) dst(%dma_wait3A_164 : memref<2000x8xf32, #tpu.memory_space<vmem>>)
        %sub3A = arith.constant 1 : i32
        %sub3A_171 = arith.subi %scan3A_111, %sub3A : i32
        %rem3A_172 = arith.constant 4 : i32
        %rem3A_173 = arith.remsi %sub3A_171, %rem3A_172 : i32
        %dma_start3A_174 = arith.constant 0 : i32
        %dma_start3A_175 = arith.constant 0 : i32
        %dma_start3A_176 = tpu.memref_slice %arg9[%rem3A_173, %dma_start3A_174, %dma_start3A_175] : memref<4x2000x8xf32, #tpu.memory_space<vmem>> -> memref<1x2000x8xf32, #tpu.memory_space<vmem>>
        %dma_start3A_177 = tpu.memref_squeeze %dma_start3A_176 : memref<1x2000x8xf32, #tpu.memory_space<vmem>> -> memref<2000x8xf32, #tpu.memory_space<vmem>>
        %dma_start3A_178 = arith.constant 0 : i32
        %dma_start3A_179 = tpu.memref_slice %arg8[%rem3A_173, %dma_start3A_178] : memref<4x2000xi32, #tpu.memory_space<vmem>> -> memref<1x2000xi32, #tpu.memory_space<vmem>>
        %dma_start3A_180 = tpu.memref_squeeze %dma_start3A_179 : memref<1x2000xi32, #tpu.memory_space<vmem>> -> memref<2000xi32, #tpu.memory_space<vmem>>
        %dma_start3A_181 = arith.constant 0 : i32
        %dma_start3A_182 = arith.constant 0 : i32
        %dma_start3A_183 = tpu.memref_slice %arg10[%dma_start3A_181, %dma_start3A_182] : memref<100096x8xf32, #tpu.memory_space<vmem_shared>> -> memref<100096x8xf32, #tpu.memory_space<vmem_shared>>
        tpu.enqueue_indirect_dma source(%dma_start3A_177 : memref<2000x8xf32, #tpu.memory_space<vmem>>) target(%dma_start3A_183 : memref<100096x8xf32, #tpu.memory_space<vmem_shared>>) offsets(%dma_start3A_180 : memref<2000xi32, #tpu.memory_space<vmem>>) semaphore(%arg13 : memref<!tpu.dma_semaphore, #tpu.memory_space<semaphore_mem>>) {add = true}
      } else {
      }
    }
    %scan3A_51 = arith.constant 100 : i32
    %dma_wait3A = arith.constant 0 : i32
    %dma_wait3A_52 = arith.constant 0 : i32
    %dma_wait3A_53 = arith.constant 0 : i32
    %dma_wait3A_54 = arith.constant 0 : i32
    %dma_wait3A_55 = tpu.memref_slice %arg9[%dma_wait3A_52, %dma_wait3A_53, %dma_wait3A_54] : memref<4x2000x8xf32, #tpu.memory_space<vmem>> -> memref<1x2000x8xf32, #tpu.memory_space<vmem>>
    %dma_wait3A_56 = tpu.memref_squeeze %dma_wait3A_55 : memref<1x2000x8xf32, #tpu.memory_space<vmem>> -> memref<2000x8xf32, #tpu.memory_space<vmem>>
    %dma_wait3A_57 = arith.constant 0 : i32
    %dma_wait3A_58 = tpu.memref_slice %arg7[%dma_wait3A, %dma_wait3A_57] : memref<4x2000xi32, #tpu.memory_space<vmem>> -> memref<1x2000xi32, #tpu.memory_space<vmem>>
    %dma_wait3A_59 = tpu.memref_squeeze %dma_wait3A_58 : memref<1x2000xi32, #tpu.memory_space<vmem>> -> memref<2000xi32, #tpu.memory_space<vmem>>
    %dma_wait3A_60 = arith.constant 0 : i32
    %dma_wait3A_61 = arith.constant 0 : i32
    %dma_wait3A_62 = tpu.memref_slice %arg2[%dma_wait3A_60, %dma_wait3A_61] : memref<100000x8xf32, #tpu.memory_space<hbm>> -> memref<100000x8xf32, #tpu.memory_space<hbm>>
    tpu.wait_indirect_dma semaphore(%arg12 : memref<!tpu.dma_semaphore, #tpu.memory_space<semaphore_mem>>) src(%dma_wait3A_62 : memref<100000x8xf32, #tpu.memory_space<hbm>>) dst(%dma_wait3A_56 : memref<2000x8xf32, #tpu.memory_space<vmem>>)
    %rem3A_63 = arith.constant 99 : i32
    %rem3A_64 = arith.constant 4 : i32
    %rem3A_65 = arith.remsi %rem3A_63, %rem3A_64 : i32
    %dma_start3A_66 = arith.constant 0 : i32
    %dma_start3A_67 = arith.constant 0 : i32
    %dma_start3A_68 = tpu.memref_slice %arg9[%rem3A_65, %dma_start3A_66, %dma_start3A_67] : memref<4x2000x8xf32, #tpu.memory_space<vmem>> -> memref<1x2000x8xf32, #tpu.memory_space<vmem>>
    %dma_start3A_69 = tpu.memref_squeeze %dma_start3A_68 : memref<1x2000x8xf32, #tpu.memory_space<vmem>> -> memref<2000x8xf32, #tpu.memory_space<vmem>>
    %dma_start3A_70 = arith.constant 0 : i32
    %dma_start3A_71 = tpu.memref_slice %arg8[%rem3A_65, %dma_start3A_70] : memref<4x2000xi32, #tpu.memory_space<vmem>> -> memref<1x2000xi32, #tpu.memory_space<vmem>>
    %dma_start3A_72 = tpu.memref_squeeze %dma_start3A_71 : memref<1x2000xi32, #tpu.memory_space<vmem>> -> memref<2000xi32, #tpu.memory_space<vmem>>
    %dma_start3A_73 = arith.constant 0 : i32
    %dma_start3A_74 = arith.constant 0 : i32
    %dma_start3A_75 = tpu.memref_slice %arg10[%dma_start3A_73, %dma_start3A_74] : memref<100096x8xf32, #tpu.memory_space<vmem_shared>> -> memref<100096x8xf32, #tpu.memory_space<vmem_shared>>
    tpu.enqueue_indirect_dma source(%dma_start3A_69 : memref<2000x8xf32, #tpu.memory_space<vmem>>) target(%dma_start3A_75 : memref<100096x8xf32, #tpu.memory_space<vmem_shared>>) offsets(%dma_start3A_72 : memref<2000xi32, #tpu.memory_space<vmem>>) semaphore(%arg13 : memref<!tpu.dma_semaphore, #tpu.memory_space<semaphore_mem>>) {add = true}
    %dma_wait3A_76 = arith.constant 0 : i32
    %dma_wait3A_77 = arith.constant 0 : i32
    %dma_wait3A_78 = arith.constant 0 : i32
    %dma_wait3A_79 = tpu.memref_slice %arg9[%dma_wait3A_76, %dma_wait3A_77, %dma_wait3A_78] : memref<4x2000x8xf32, #tpu.memory_space<vmem>> -> memref<1x2000x8xf32, #tpu.memory_space<vmem>>
    %dma_wait3A_80 = tpu.memref_squeeze %dma_wait3A_79 : memref<1x2000x8xf32, #tpu.memory_space<vmem>> -> memref<2000x8xf32, #tpu.memory_space<vmem>>
    %dma_wait3A_81 = arith.constant 0 : i32
    %dma_wait3A_82 = arith.constant 0 : i32
    %dma_wait3A_83 = tpu.memref_slice %arg10[%dma_wait3A_81, %dma_wait3A_82] : memref<100096x8xf32, #tpu.memory_space<vmem_shared>> -> memref<2000x8xf32, #tpu.memory_space<vmem_shared>>
    %dma_wait3A_84 = arith.constant 0 : i32
    %dma_wait3A_85 = arith.constant 0 : i32
    %dma_wait3A_86 = tpu.memref_slice %arg10[%dma_wait3A_84, %dma_wait3A_85] : memref<100096x8xf32, #tpu.memory_space<vmem_shared>> -> memref<2000x8xf32, #tpu.memory_space<vmem_shared>>
    %dma_wait3A_87 = arith.constant 0 : i32
    %dma_wait3A_88 = arith.constant 0 : i32
    %dma_wait3A_89 = tpu.memref_slice %arg9[%dma_wait3A_76, %dma_wait3A_87, %dma_wait3A_88] : memref<4x2000x8xf32, #tpu.memory_space<vmem>> -> memref<1x2000x8xf32, #tpu.memory_space<vmem>>
    %dma_wait3A_90 = tpu.memref_squeeze %dma_wait3A_89 : memref<1x2000x8xf32, #tpu.memory_space<vmem>> -> memref<2000x8xf32, #tpu.memory_space<vmem>>
    tpu.wait_dma2 semaphore(%arg13 : memref<!tpu.dma_semaphore, #tpu.memory_space<semaphore_mem>>) src(%dma_wait3A_90 : memref<2000x8xf32, #tpu.memory_space<vmem>>) dst(%dma_wait3A_86 : memref<2000x8xf32, #tpu.memory_space<vmem_shared>>)
    %dma_wait3A_91 = arith.constant 0 : i32
    %dma_wait3A_92 = arith.constant 0 : i32
    %dma_wait3A_93 = arith.constant 0 : i32
    %dma_wait3A_94 = tpu.memref_slice %arg9[%dma_wait3A_91, %dma_wait3A_92, %dma_wait3A_93] : memref<4x2000x8xf32, #tpu.memory_space<vmem>> -> memref<1x2000x8xf32, #tpu.memory_space<vmem>>
    %dma_wait3A_95 = tpu.memref_squeeze %dma_wait3A_94 : memref<1x2000x8xf32, #tpu.memory_space<vmem>> -> memref<2000x8xf32, #tpu.memory_space<vmem>>
    %dma_wait3A_96 = arith.constant 0 : i32
    %dma_wait3A_97 = arith.constant 0 : i32
    %dma_wait3A_98 = tpu.memref_slice %arg10[%dma_wait3A_96, %dma_wait3A_97] : memref<100096x8xf32, #tpu.memory_space<vmem_shared>> -> memref<2000x8xf32, #tpu.memory_space<vmem_shared>>
    %dma_wait3A_99 = arith.constant 0 : i32
    %dma_wait3A_100 = arith.constant 0 : i32
    %dma_wait3A_101 = tpu.memref_slice %arg10[%dma_wait3A_99, %dma_wait3A_100] : memref<100096x8xf32, #tpu.memory_space<vmem_shared>> -> memref<2000x8xf32, #tpu.memory_space<vmem_shared>>
    %dma_wait3A_102 = arith.constant 0 : i32
    %dma_wait3A_103 = arith.constant 0 : i32
    %dma_wait3A_104 = tpu.memref_slice %arg9[%dma_wait3A_91, %dma_wait3A_102, %dma_wait3A_103] : memref<4x2000x8xf32, #tpu.memory_space<vmem>> -> memref<1x2000x8xf32, #tpu.memory_space<vmem>>
    %dma_wait3A_105 = tpu.memref_squeeze %dma_wait3A_104 : memref<1x2000x8xf32, #tpu.memory_space<vmem>> -> memref<2000x8xf32, #tpu.memory_space<vmem>>
    tpu.wait_dma2 semaphore(%arg13 : memref<!tpu.dma_semaphore, #tpu.memory_space<semaphore_mem>>) src(%dma_wait3A_105 : memref<2000x8xf32, #tpu.memory_space<vmem>>) dst(%dma_wait3A_101 : memref<2000x8xf32, #tpu.memory_space<vmem_shared>>)
    %barrier3A_106 = arith.constant 0 : index
    tpu.barrier barrier_id(%barrier3A_106)
    %mul3A_107 = arith.constant 6256 : i32
    %mul3A_108 = arith.muli %arg1, %mul3A_107 : i32
    %mul3A_109 = arith.constant 6256 : i32
    %mul3A_110 = arith.muli %arg1, %mul3A_109 : i32
    "tpu.region"() ({
      %run_scoped3A = tpu.sem_alloc : memref<!tpu.dma_semaphore, #tpu.memory_space<semaphore_mem>>
      %dma_start3A_111 = arith.constant 0 : i32
      %dma_start3A_112 = tpu.memref_slice %arg6[%arg0, %mul3A_110, %dma_start3A_111] : memref<2x100096x8xf32, #tpu.memory_space<hbm>> -> memref<1x6256x8xf32, #tpu.memory_space<hbm>>
      %dma_start3A_113 = tpu.memref_squeeze %dma_start3A_112 : memref<1x6256x8xf32, #tpu.memory_space<hbm>> -> memref<6256x8xf32, #tpu.memory_space<hbm>>
      %dma_start3A_114 = arith.constant 0 : i32
      %dma_start3A_115 = tpu.memref_slice %arg10[%mul3A_108, %dma_start3A_114] : memref<100096x8xf32, #tpu.memory_space<vmem_shared>> -> memref<6256x8xf32, #tpu.memory_space<vmem_shared>>
      tpu.enqueue_dma source(%dma_start3A_115 : memref<6256x8xf32, #tpu.memory_space<vmem_shared>>) target(%dma_start3A_113 : memref<6256x8xf32, #tpu.memory_space<hbm>>) target_semaphore(%run_scoped3A : memref<!tpu.dma_semaphore, #tpu.memory_space<semaphore_mem>>)
      %dma_wait3A_116 = arith.constant 0 : i32
      %dma_wait3A_117 = tpu.memref_slice %arg6[%arg0, %mul3A_110, %dma_wait3A_116] : memref<2x100096x8xf32, #tpu.memory_space<hbm>> -> memref<1x6256x8xf32, #tpu.memory_space<hbm>>
      %dma_wait3A_118 = tpu.memref_squeeze %dma_wait3A_117 : memref<1x6256x8xf32, #tpu.memory_space<hbm>> -> memref<6256x8xf32, #tpu.memory_space<hbm>>
      %dma_wait3A_119 = arith.constant 0 : i32
      %dma_wait3A_120 = tpu.memref_slice %arg10[%mul3A_108, %dma_wait3A_119] : memref<100096x8xf32, #tpu.memory_space<vmem_shared>> -> memref<6256x8xf32, #tpu.memory_space<vmem_shared>>
      tpu.wait_dma2 semaphore(%run_scoped3A : memref<!tpu.dma_semaphore, #tpu.memory_space<semaphore_mem>>) src(%dma_wait3A_120 : memref<6256x8xf32, #tpu.memory_space<vmem_shared>>) dst(%dma_wait3A_118 : memref<6256x8xf32, #tpu.memory_space<hbm>>)
      tpu.yield
    }) : () -> ()
    return
  }
}

#map = affine_map<(d0, d1) -> (0, 0)>
#map1 = affine_map<(d0, d1) -> (0)>
#map2 = affine_map<(d0, d1) -> (0, 0, 0)>
module attributes {stable_mosaic.version = 14 : i64} {
  func.func @sc_layer(%arg0: i32, %arg1: i32, %arg2: memref<100000x8xf32, #tpu.memory_space<hbm>>, %arg3: memref<6400000xi32, #tpu.memory_space<hbm>>, %arg4: memref<6400000xi32, #tpu.memory_space<hbm>>, %arg5: memref<100096x8xf32, #tpu.memory_space<hbm>>, %arg6: memref<2x100096x8xf32, #tpu.memory_space<hbm>>, %arg7: memref<4x2000xi32, #tpu.memory_space<vmem>>, %arg8: memref<4x2000xi32, #tpu.memory_space<vmem>>, %arg9: memref<4x2000x8xf32, #tpu.memory_space<vmem>>, %arg10: memref<100096x8xf32, #tpu.memory_space<vmem_shared>>, %arg11: memref<!tpu.dma_semaphore, #tpu.memory_space<semaphore_mem>>, %arg12: memref<!tpu.dma_semaphore, #tpu.memory_space<semaphore_mem>>, %arg13: memref<!tpu.dma_semaphore, #tpu.memory_space<semaphore_mem>>) attributes {dimension_semantics = [#tpu.dimension_semantics<core_parallel>, #tpu.dimension_semantics<subcore_parallel>], iteration_bounds = array<i64: 2, 16>, scalar_prefetch = 0 : i64, scratch_operands = 7 : i64, tpu.core_type = #tpu.core_type<sc_vector_subcore>, window_params = [{transform_indices = #map}, {transform_indices = #map1}, {transform_indices = #map1}, {transform_indices = #map}, {transform_indices = #map2}]} {
    %mul3A = arith.constant 6256 : i32
    %mul3A_0 = arith.muli %arg1, %mul3A : i32
    %mul3A_1 = arith.constant 6256 : i32
    %mul3A_2 = arith.muli %arg1, %mul3A_1 : i32
    "tpu.region"() ({
      %run_scoped3A = tpu.sem_alloc : memref<!tpu.dma_semaphore, #tpu.memory_space<semaphore_mem>>
      %dma_start3A_111 = arith.constant 0 : i32
      %dma_start3A_112 = tpu.memref_slice %arg10[%mul3A_2, %dma_start3A_111] : memref<100096x8xf32, #tpu.memory_space<vmem_shared>> -> memref<6256x8xf32, #tpu.memory_space<vmem_shared>>
      %dma_start3A_113 = arith.constant 0 : i32
      %dma_start3A_114 = tpu.memref_slice %arg5[%mul3A_0, %dma_start3A_113] : memref<100096x8xf32, #tpu.memory_space<hbm>> -> memref<6256x8xf32, #tpu.memory_space<hbm>>
      tpu.enqueue_dma source(%dma_start3A_114 : memref<6256x8xf32, #tpu.memory_space<hbm>>) target(%dma_start3A_112 : memref<6256x8xf32, #tpu.memory_space<vmem_shared>>) target_semaphore(%run_scoped3A : memref<!tpu.dma_semaphore, #tpu.memory_space<semaphore_mem>>)
      %dma_wait3A_115 = arith.constant 0 : i32
      %dma_wait3A_116 = tpu.memref_slice %arg10[%mul3A_2, %dma_wait3A_115] : memref<100096x8xf32, #tpu.memory_space<vmem_shared>> -> memref<6256x8xf32, #tpu.memory_space<vmem_shared>>
      %dma_wait3A_117 = arith.constant 0 : i32
      %dma_wait3A_118 = tpu.memref_slice %arg5[%mul3A_0, %dma_wait3A_117] : memref<100096x8xf32, #tpu.memory_space<hbm>> -> memref<6256x8xf32, #tpu.memory_space<hbm>>
      tpu.wait_dma2 semaphore(%run_scoped3A : memref<!tpu.dma_semaphore, #tpu.memory_space<semaphore_mem>>) src(%dma_wait3A_118 : memref<6256x8xf32, #tpu.memory_space<hbm>>) dst(%dma_wait3A_116 : memref<6256x8xf32, #tpu.memory_space<vmem_shared>>)
      tpu.yield
    }) : () -> ()
    %barrier3A = arith.constant 0 : index
    tpu.barrier barrier_id(%barrier3A)
    %mul3A_3 = arith.constant 16 : i32
    %mul3A_4 = arith.muli %arg0, %mul3A_3 : i32
    %add3A = arith.addi %mul3A_4, %arg1 : i32
    %mul3A_5 = arith.constant 200000 : i32
    %mul3A_6 = arith.muli %add3A, %mul3A_5 : i32
    %rem3A = arith.constant 0 : i32
    %rem3A_7 = arith.constant 4 : i32
    %rem3A_8 = arith.remsi %rem3A, %rem3A_7 : i32
    %add3A_9 = arith.constant 0 : i32
    %add3A_10 = arith.addi %mul3A_6, %add3A_9 : i32
    %dma_start3A = arith.constant 0 : i32
    %dma_start3A_11 = tpu.memref_slice %arg7[%rem3A_8, %dma_start3A] : memref<4x2000xi32, #tpu.memory_space<vmem>> -> memref<1x2000xi32, #tpu.memory_space<vmem>>
    %dma_start3A_12 = tpu.memref_squeeze %dma_start3A_11 : memref<1x2000xi32, #tpu.memory_space<vmem>> -> memref<2000xi32, #tpu.memory_space<vmem>>
    %dma_start3A_13 = tpu.memref_slice %arg3[%add3A_10] : memref<6400000xi32, #tpu.memory_space<hbm>> -> memref<2000xi32, #tpu.memory_space<hbm>>
    %dma_start3A_14 = arith.constant 0 : i32
    %dma_start3A_15 = tpu.memref_slice %arg7[%rem3A_8, %dma_start3A_14] : memref<4x2000xi32, #tpu.memory_space<vmem>> -> memref<1x2000xi32, #tpu.memory_space<vmem>>
    %dma_start3A_16 = tpu.memref_squeeze %dma_start3A_15 : memref<1x2000xi32, #tpu.memory_space<vmem>> -> memref<2000xi32, #tpu.memory_space<vmem>>
    %dma_start3A_17 = tpu.memref_slice %arg3[%add3A_10] : memref<6400000xi32, #tpu.memory_space<hbm>> -> memref<2000xi32, #tpu.memory_space<hbm>>
    tpu.enqueue_dma source(%dma_start3A_17 : memref<2000xi32, #tpu.memory_space<hbm>>) target(%dma_start3A_16 : memref<2000xi32, #tpu.memory_space<vmem>>) target_semaphore(%arg11 : memref<!tpu.dma_semaphore, #tpu.memory_space<semaphore_mem>>)
    %dma_start3A_18 = arith.constant 0 : i32
    %dma_start3A_19 = tpu.memref_slice %arg8[%rem3A_8, %dma_start3A_18] : memref<4x2000xi32, #tpu.memory_space<vmem>> -> memref<1x2000xi32, #tpu.memory_space<vmem>>
    %dma_start3A_20 = tpu.memref_squeeze %dma_start3A_19 : memref<1x2000xi32, #tpu.memory_space<vmem>> -> memref<2000xi32, #tpu.memory_space<vmem>>
    %dma_start3A_21 = tpu.memref_slice %arg4[%add3A_10] : memref<6400000xi32, #tpu.memory_space<hbm>> -> memref<2000xi32, #tpu.memory_space<hbm>>
    %dma_start3A_22 = arith.constant 0 : i32
    %dma_start3A_23 = tpu.memref_slice %arg8[%rem3A_8, %dma_start3A_22] : memref<4x2000xi32, #tpu.memory_space<vmem>> -> memref<1x2000xi32, #tpu.memory_space<vmem>>
    %dma_start3A_24 = tpu.memref_squeeze %dma_start3A_23 : memref<1x2000xi32, #tpu.memory_space<vmem>> -> memref<2000xi32, #tpu.memory_space<vmem>>
    %dma_start3A_25 = tpu.memref_slice %arg4[%add3A_10] : memref<6400000xi32, #tpu.memory_space<hbm>> -> memref<2000xi32, #tpu.memory_space<hbm>>
    tpu.enqueue_dma source(%dma_start3A_25 : memref<2000xi32, #tpu.memory_space<hbm>>) target(%dma_start3A_24 : memref<2000xi32, #tpu.memory_space<vmem>>) target_semaphore(%arg11 : memref<!tpu.dma_semaphore, #tpu.memory_space<semaphore_mem>>)
    %rem3A_26 = arith.constant 1 : i32
    %rem3A_27 = arith.constant 4 : i32
    %rem3A_28 = arith.remsi %rem3A_26, %rem3A_27 : i32
    %add3A_29 = arith.constant 2000 : i32
    %add3A_30 = arith.addi %mul3A_6, %add3A_29 : i32
    %dma_start3A_31 = arith.constant 0 : i32
    %dma_start3A_32 = tpu.memref_slice %arg7[%rem3A_28, %dma_start3A_31] : memref<4x2000xi32, #tpu.memory_space<vmem>> -> memref<1x2000xi32, #tpu.memory_space<vmem>>
    %dma_start3A_33 = tpu.memref_squeeze %dma_start3A_32 : memref<1x2000xi32, #tpu.memory_space<vmem>> -> memref<2000xi32, #tpu.memory_space<vmem>>
    %dma_start3A_34 = tpu.memref_slice %arg3[%add3A_30] : memref<6400000xi32, #tpu.memory_space<hbm>> -> memref<2000xi32, #tpu.memory_space<hbm>>
    %dma_start3A_35 = arith.constant 0 : i32
    %dma_start3A_36 = tpu.memref_slice %arg7[%rem3A_28, %dma_start3A_35] : memref<4x2000xi32, #tpu.memory_space<vmem>> -> memref<1x2000xi32, #tpu.memory_space<vmem>>
    %dma_start3A_37 = tpu.memref_squeeze %dma_start3A_36 : memref<1x2000xi32, #tpu.memory_space<vmem>> -> memref<2000xi32, #tpu.memory_space<vmem>>
    %dma_start3A_38 = tpu.memref_slice %arg3[%add3A_30] : memref<6400000xi32, #tpu.memory_space<hbm>> -> memref<2000xi32, #tpu.memory_space<hbm>>
    tpu.enqueue_dma source(%dma_start3A_38 : memref<2000xi32, #tpu.memory_space<hbm>>) target(%dma_start3A_37 : memref<2000xi32, #tpu.memory_space<vmem>>) target_semaphore(%arg11 : memref<!tpu.dma_semaphore, #tpu.memory_space<semaphore_mem>>)
    %dma_start3A_39 = arith.constant 0 : i32
    %dma_start3A_40 = tpu.memref_slice %arg8[%rem3A_28, %dma_start3A_39] : memref<4x2000xi32, #tpu.memory_space<vmem>> -> memref<1x2000xi32, #tpu.memory_space<vmem>>
    %dma_start3A_41 = tpu.memref_squeeze %dma_start3A_40 : memref<1x2000xi32, #tpu.memory_space<vmem>> -> memref<2000xi32, #tpu.memory_space<vmem>>
    %dma_start3A_42 = tpu.memref_slice %arg4[%add3A_30] : memref<6400000xi32, #tpu.memory_space<hbm>> -> memref<2000xi32, #tpu.memory_space<hbm>>
    %dma_start3A_43 = arith.constant 0 : i32
    %dma_start3A_44 = tpu.memref_slice %arg8[%rem3A_28, %dma_start3A_43] : memref<4x2000xi32, #tpu.memory_space<vmem>> -> memref<1x2000xi32, #tpu.memory_space<vmem>>
    %dma_start3A_45 = tpu.memref_squeeze %dma_start3A_44 : memref<1x2000xi32, #tpu.memory_space<vmem>> -> memref<2000xi32, #tpu.memory_space<vmem>>
    %dma_start3A_46 = tpu.memref_slice %arg4[%add3A_30] : memref<6400000xi32, #tpu.memory_space<hbm>> -> memref<2000xi32, #tpu.memory_space<hbm>>
    tpu.enqueue_dma source(%dma_start3A_46 : memref<2000xi32, #tpu.memory_space<hbm>>) target(%dma_start3A_45 : memref<2000xi32, #tpu.memory_space<vmem>>) target_semaphore(%arg11 : memref<!tpu.dma_semaphore, #tpu.memory_space<semaphore_mem>>)
    %scan3A = arith.constant 0 : i32
    %scan3A_47 = arith.constant 0 : i32
    %scan3A_48 = arith.constant 100 : i32
    %scan3A_49 = arith.addi %scan3A_47, %scan3A_48 : i32
    %scan3A_50 = arith.constant 1 : i32
    scf.for %scan3A_111 = %scan3A_47 to %scan3A_49 step %scan3A_50  : i32 {
      %ge3A = arith.constant 2 : i32
      %ge3A_112 = arith.cmpi sge, %scan3A_111, %ge3A : i32
      %convert_element_type3A = arith.extui %ge3A_112 : i1 to i32
      %cond3A = arith.constant 0 : i32
      %cond3A_113 = arith.cmpi ne, %convert_element_type3A, %cond3A : i32
      scf.if %cond3A_113 {
        %dma_wait3A_159 = arith.constant 0 : i32
        %dma_wait3A_160 = arith.constant 0 : i32
        %dma_wait3A_161 = arith.constant 0 : i32
        %dma_wait3A_162 = tpu.memref_slice %arg9[%dma_wait3A_159, %dma_wait3A_160, %dma_wait3A_161] : memref<4x2000x8xf32, #tpu.memory_space<vmem>> -> memref<1x2000x8xf32, #tpu.memory_space<vmem>>
        %dma_wait3A_163 = tpu.memref_squeeze %dma_wait3A_162 : memref<1x2000x8xf32, #tpu.memory_space<vmem>> -> memref<2000x8xf32, #tpu.memory_space<vmem>>
        %dma_wait3A_164 = arith.constant 0 : i32
        %dma_wait3A_165 = arith.constant 0 : i32
        %dma_wait3A_166 = tpu.memref_slice %arg10[%dma_wait3A_164, %dma_wait3A_165] : memref<100096x8xf32, #tpu.memory_space<vmem_shared>> -> memref<2000x8xf32, #tpu.memory_space<vmem_shared>>
        %dma_wait3A_167 = arith.constant 0 : i32
        %dma_wait3A_168 = arith.constant 0 : i32
        %dma_wait3A_169 = tpu.memref_slice %arg10[%dma_wait3A_167, %dma_wait3A_168] : memref<100096x8xf32, #tpu.memory_space<vmem_shared>> -> memref<2000x8xf32, #tpu.memory_space<vmem_shared>>
        %dma_wait3A_170 = arith.constant 0 : i32
        %dma_wait3A_171 = arith.constant 0 : i32
        %dma_wait3A_172 = tpu.memref_slice %arg9[%dma_wait3A_159, %dma_wait3A_170, %dma_wait3A_171] : memref<4x2000x8xf32, #tpu.memory_space<vmem>> -> memref<1x2000x8xf32, #tpu.memory_space<vmem>>
        %dma_wait3A_173 = tpu.memref_squeeze %dma_wait3A_172 : memref<1x2000x8xf32, #tpu.memory_space<vmem>> -> memref<2000x8xf32, #tpu.memory_space<vmem>>
        tpu.wait_dma2 semaphore(%arg13 : memref<!tpu.dma_semaphore, #tpu.memory_space<semaphore_mem>>) src(%dma_wait3A_173 : memref<2000x8xf32, #tpu.memory_space<vmem>>) dst(%dma_wait3A_169 : memref<2000x8xf32, #tpu.memory_space<vmem_shared>>)
      } else {
      }
      %add3A_114 = arith.constant 2 : i32
      %add3A_115 = arith.addi %scan3A_111, %add3A_114 : i32
      %lt3A = arith.constant 100 : i32
      %lt3A_116 = arith.cmpi slt, %add3A_115, %lt3A : i32
      %convert_element_type3A_117 = arith.extui %lt3A_116 : i1 to i32
      %cond3A_118 = arith.constant 0 : i32
      %cond3A_119 = arith.cmpi ne, %convert_element_type3A_117, %cond3A_118 : i32
      scf.if %cond3A_119 {
        %add3A_159 = arith.constant 2 : i32
        %add3A_160 = arith.addi %scan3A_111, %add3A_159 : i32
        %rem3A_161 = arith.constant 4 : i32
        %rem3A_162 = arith.remsi %add3A_160, %rem3A_161 : i32
        %mul3A_163 = arith.constant 2000 : i32
        %mul3A_164 = arith.muli %add3A_160, %mul3A_163 : i32
        %add3A_165 = arith.addi %mul3A_6, %mul3A_164 : i32
        %dma_start3A_166 = arith.constant 0 : i32
        %dma_start3A_167 = tpu.memref_slice %arg7[%rem3A_162, %dma_start3A_166] : memref<4x2000xi32, #tpu.memory_space<vmem>> -> memref<1x2000xi32, #tpu.memory_space<vmem>>
        %dma_start3A_168 = tpu.memref_squeeze %dma_start3A_167 : memref<1x2000xi32, #tpu.memory_space<vmem>> -> memref<2000xi32, #tpu.memory_space<vmem>>
        %dma_start3A_169 = tpu.memref_slice %arg3[%add3A_165] : memref<6400000xi32, #tpu.memory_space<hbm>> -> memref<2000xi32, #tpu.memory_space<hbm>>
        %dma_start3A_170 = arith.constant 0 : i32
        %dma_start3A_171 = tpu.memref_slice %arg7[%rem3A_162, %dma_start3A_170] : memref<4x2000xi32, #tpu.memory_space<vmem>> -> memref<1x2000xi32, #tpu.memory_space<vmem>>
        %dma_start3A_172 = tpu.memref_squeeze %dma_start3A_171 : memref<1x2000xi32, #tpu.memory_space<vmem>> -> memref<2000xi32, #tpu.memory_space<vmem>>
        %dma_start3A_173 = tpu.memref_slice %arg3[%add3A_165] : memref<6400000xi32, #tpu.memory_space<hbm>> -> memref<2000xi32, #tpu.memory_space<hbm>>
        tpu.enqueue_dma source(%dma_start3A_173 : memref<2000xi32, #tpu.memory_space<hbm>>) target(%dma_start3A_172 : memref<2000xi32, #tpu.memory_space<vmem>>) target_semaphore(%arg11 : memref<!tpu.dma_semaphore, #tpu.memory_space<semaphore_mem>>)
        %dma_start3A_174 = arith.constant 0 : i32
        %dma_start3A_175 = tpu.memref_slice %arg8[%rem3A_162, %dma_start3A_174] : memref<4x2000xi32, #tpu.memory_space<vmem>> -> memref<1x2000xi32, #tpu.memory_space<vmem>>
        %dma_start3A_176 = tpu.memref_squeeze %dma_start3A_175 : memref<1x2000xi32, #tpu.memory_space<vmem>> -> memref<2000xi32, #tpu.memory_space<vmem>>
        %dma_start3A_177 = tpu.memref_slice %arg4[%add3A_165] : memref<6400000xi32, #tpu.memory_space<hbm>> -> memref<2000xi32, #tpu.memory_space<hbm>>
        %dma_start3A_178 = arith.constant 0 : i32
        %dma_start3A_179 = tpu.memref_slice %arg8[%rem3A_162, %dma_start3A_178] : memref<4x2000xi32, #tpu.memory_space<vmem>> -> memref<1x2000xi32, #tpu.memory_space<vmem>>
        %dma_start3A_180 = tpu.memref_squeeze %dma_start3A_179 : memref<1x2000xi32, #tpu.memory_space<vmem>> -> memref<2000xi32, #tpu.memory_space<vmem>>
        %dma_start3A_181 = tpu.memref_slice %arg4[%add3A_165] : memref<6400000xi32, #tpu.memory_space<hbm>> -> memref<2000xi32, #tpu.memory_space<hbm>>
        tpu.enqueue_dma source(%dma_start3A_181 : memref<2000xi32, #tpu.memory_space<hbm>>) target(%dma_start3A_180 : memref<2000xi32, #tpu.memory_space<vmem>>) target_semaphore(%arg11 : memref<!tpu.dma_semaphore, #tpu.memory_space<semaphore_mem>>)
      } else {
      }
      %dma_wait3A_120 = arith.constant 0 : i32
      %dma_wait3A_121 = arith.constant 0 : i32
      %dma_wait3A_122 = tpu.memref_slice %arg7[%dma_wait3A_120, %dma_wait3A_121] : memref<4x2000xi32, #tpu.memory_space<vmem>> -> memref<1x2000xi32, #tpu.memory_space<vmem>>
      %dma_wait3A_123 = tpu.memref_squeeze %dma_wait3A_122 : memref<1x2000xi32, #tpu.memory_space<vmem>> -> memref<2000xi32, #tpu.memory_space<vmem>>
      %dma_wait3A_124 = arith.constant 0 : i32
      %dma_wait3A_125 = tpu.memref_slice %arg3[%dma_wait3A_124] : memref<6400000xi32, #tpu.memory_space<hbm>> -> memref<2000xi32, #tpu.memory_space<hbm>>
      %dma_wait3A_126 = arith.constant 0 : i32
      %dma_wait3A_127 = tpu.memref_slice %arg7[%dma_wait3A_120, %dma_wait3A_126] : memref<4x2000xi32, #tpu.memory_space<vmem>> -> memref<1x2000xi32, #tpu.memory_space<vmem>>
      %dma_wait3A_128 = tpu.memref_squeeze %dma_wait3A_127 : memref<1x2000xi32, #tpu.memory_space<vmem>> -> memref<2000xi32, #tpu.memory_space<vmem>>
      %dma_wait3A_129 = arith.constant 0 : i32
      %dma_wait3A_130 = tpu.memref_slice %arg3[%dma_wait3A_129] : memref<6400000xi32, #tpu.memory_space<hbm>> -> memref<2000xi32, #tpu.memory_space<hbm>>
      tpu.wait_dma2 semaphore(%arg11 : memref<!tpu.dma_semaphore, #tpu.memory_space<semaphore_mem>>) src(%dma_wait3A_130 : memref<2000xi32, #tpu.memory_space<hbm>>) dst(%dma_wait3A_128 : memref<2000xi32, #tpu.memory_space<vmem>>)
      %dma_wait3A_131 = arith.constant 0 : i32
      %dma_wait3A_132 = arith.constant 0 : i32
      %dma_wait3A_133 = tpu.memref_slice %arg8[%dma_wait3A_131, %dma_wait3A_132] : memref<4x2000xi32, #tpu.memory_space<vmem>> -> memref<1x2000xi32, #tpu.memory_space<vmem>>
      %dma_wait3A_134 = tpu.memref_squeeze %dma_wait3A_133 : memref<1x2000xi32, #tpu.memory_space<vmem>> -> memref<2000xi32, #tpu.memory_space<vmem>>
      %dma_wait3A_135 = arith.constant 0 : i32
      %dma_wait3A_136 = tpu.memref_slice %arg4[%dma_wait3A_135] : memref<6400000xi32, #tpu.memory_space<hbm>> -> memref<2000xi32, #tpu.memory_space<hbm>>
      %dma_wait3A_137 = arith.constant 0 : i32
      %dma_wait3A_138 = tpu.memref_slice %arg8[%dma_wait3A_131, %dma_wait3A_137] : memref<4x2000xi32, #tpu.memory_space<vmem>> -> memref<1x2000xi32, #tpu.memory_space<vmem>>
      %dma_wait3A_139 = tpu.memref_squeeze %dma_wait3A_138 : memref<1x2000xi32, #tpu.memory_space<vmem>> -> memref<2000xi32, #tpu.memory_space<vmem>>
      %dma_wait3A_140 = arith.constant 0 : i32
      %dma_wait3A_141 = tpu.memref_slice %arg4[%dma_wait3A_140] : memref<6400000xi32, #tpu.memory_space<hbm>> -> memref<2000xi32, #tpu.memory_space<hbm>>
      tpu.wait_dma2 semaphore(%arg11 : memref<!tpu.dma_semaphore, #tpu.memory_space<semaphore_mem>>) src(%dma_wait3A_141 : memref<2000xi32, #tpu.memory_space<hbm>>) dst(%dma_wait3A_139 : memref<2000xi32, #tpu.memory_space<vmem>>)
      %rem3A_142 = arith.constant 4 : i32
      %rem3A_143 = arith.remsi %scan3A_111, %rem3A_142 : i32
      %dma_start3A_144 = arith.constant 0 : i32
      %dma_start3A_145 = arith.constant 0 : i32
      %dma_start3A_146 = tpu.memref_slice %arg9[%rem3A_143, %dma_start3A_144, %dma_start3A_145] : memref<4x2000x8xf32, #tpu.memory_space<vmem>> -> memref<1x2000x8xf32, #tpu.memory_space<vmem>>
      %dma_start3A_147 = tpu.memref_squeeze %dma_start3A_146 : memref<1x2000x8xf32, #tpu.memory_space<vmem>> -> memref<2000x8xf32, #tpu.memory_space<vmem>>
      %dma_start3A_148 = arith.constant 0 : i32
      %dma_start3A_149 = tpu.memref_slice %arg7[%rem3A_143, %dma_start3A_148] : memref<4x2000xi32, #tpu.memory_space<vmem>> -> memref<1x2000xi32, #tpu.memory_space<vmem>>
      %dma_start3A_150 = tpu.memref_squeeze %dma_start3A_149 : memref<1x2000xi32, #tpu.memory_space<vmem>> -> memref<2000xi32, #tpu.memory_space<vmem>>
      %dma_start3A_151 = arith.constant 0 : i32
      %dma_start3A_152 = arith.constant 0 : i32
      %dma_start3A_153 = tpu.memref_slice %arg2[%dma_start3A_151, %dma_start3A_152] : memref<100000x8xf32, #tpu.memory_space<hbm>> -> memref<100000x8xf32, #tpu.memory_space<hbm>>
      tpu.enqueue_indirect_dma source(%dma_start3A_153 : memref<100000x8xf32, #tpu.memory_space<hbm>>) target(%dma_start3A_147 : memref<2000x8xf32, #tpu.memory_space<vmem>>) offsets(%dma_start3A_150 : memref<2000xi32, #tpu.memory_space<vmem>>) semaphore(%arg12 : memref<!tpu.dma_semaphore, #tpu.memory_space<semaphore_mem>>)
      %ge3A_154 = arith.constant 1 : i32
      %ge3A_155 = arith.cmpi sge, %scan3A_111, %ge3A_154 : i32
      %convert_element_type3A_156 = arith.extui %ge3A_155 : i1 to i32
      %cond3A_157 = arith.constant 0 : i32
      %cond3A_158 = arith.cmpi ne, %convert_element_type3A_156, %cond3A_157 : i32
      scf.if %cond3A_158 {
        %dma_wait3A_159 = arith.constant 0 : i32
        %dma_wait3A_160 = arith.constant 0 : i32
        %dma_wait3A_161 = arith.constant 0 : i32
        %dma_wait3A_162 = arith.constant 0 : i32
        %dma_wait3A_163 = tpu.memref_slice %arg9[%dma_wait3A_160, %dma_wait3A_161, %dma_wait3A_162] : memref<4x2000x8xf32, #tpu.memory_space<vmem>> -> memref<1x2000x8xf32, #tpu.memory_space<vmem>>
        %dma_wait3A_164 = tpu.memref_squeeze %dma_wait3A_163 : memref<1x2000x8xf32, #tpu.memory_space<vmem>> -> memref<2000x8xf32, #tpu.memory_space<vmem>>
        %dma_wait3A_165 = arith.constant 0 : i32
        %dma_wait3A_166 = tpu.memref_slice %arg7[%dma_wait3A_159, %dma_wait3A_165] : memref<4x2000xi32, #tpu.memory_space<vmem>> -> memref<1x2000xi32, #tpu.memory_space<vmem>>
        %dma_wait3A_167 = tpu.memref_squeeze %dma_wait3A_166 : memref<1x2000xi32, #tpu.memory_space<vmem>> -> memref<2000xi32, #tpu.memory_space<vmem>>
        %dma_wait3A_168 = arith.constant 0 : i32
        %dma_wait3A_169 = arith.constant 0 : i32
        %dma_wait3A_170 = tpu.memref_slice %arg2[%dma_wait3A_168, %dma_wait3A_169] : memref<100000x8xf32, #tpu.memory_space<hbm>> -> memref<100000x8xf32, #tpu.memory_space<hbm>>
        tpu.wait_indirect_dma semaphore(%arg12 : memref<!tpu.dma_semaphore, #tpu.memory_space<semaphore_mem>>) src(%dma_wait3A_170 : memref<100000x8xf32, #tpu.memory_space<hbm>>) dst(%dma_wait3A_164 : memref<2000x8xf32, #tpu.memory_space<vmem>>)
        %sub3A = arith.constant 1 : i32
        %sub3A_171 = arith.subi %scan3A_111, %sub3A : i32
        %rem3A_172 = arith.constant 4 : i32
        %rem3A_173 = arith.remsi %sub3A_171, %rem3A_172 : i32
        %dma_start3A_174 = arith.constant 0 : i32
        %dma_start3A_175 = arith.constant 0 : i32
        %dma_start3A_176 = tpu.memref_slice %arg9[%rem3A_173, %dma_start3A_174, %dma_start3A_175] : memref<4x2000x8xf32, #tpu.memory_space<vmem>> -> memref<1x2000x8xf32, #tpu.memory_space<vmem>>
        %dma_start3A_177 = tpu.memref_squeeze %dma_start3A_176 : memref<1x2000x8xf32, #tpu.memory_space<vmem>> -> memref<2000x8xf32, #tpu.memory_space<vmem>>
        %dma_start3A_178 = arith.constant 0 : i32
        %dma_start3A_179 = tpu.memref_slice %arg8[%rem3A_173, %dma_start3A_178] : memref<4x2000xi32, #tpu.memory_space<vmem>> -> memref<1x2000xi32, #tpu.memory_space<vmem>>
        %dma_start3A_180 = tpu.memref_squeeze %dma_start3A_179 : memref<1x2000xi32, #tpu.memory_space<vmem>> -> memref<2000xi32, #tpu.memory_space<vmem>>
        %dma_start3A_181 = arith.constant 0 : i32
        %dma_start3A_182 = arith.constant 0 : i32
        %dma_start3A_183 = tpu.memref_slice %arg10[%dma_start3A_181, %dma_start3A_182] : memref<100096x8xf32, #tpu.memory_space<vmem_shared>> -> memref<100096x8xf32, #tpu.memory_space<vmem_shared>>
        tpu.enqueue_indirect_dma source(%dma_start3A_177 : memref<2000x8xf32, #tpu.memory_space<vmem>>) target(%dma_start3A_183 : memref<100096x8xf32, #tpu.memory_space<vmem_shared>>) offsets(%dma_start3A_180 : memref<2000xi32, #tpu.memory_space<vmem>>) semaphore(%arg13 : memref<!tpu.dma_semaphore, #tpu.memory_space<semaphore_mem>>) {add = true}
      } else {
      }
    }
    %scan3A_51 = arith.constant 100 : i32
    %dma_wait3A = arith.constant 0 : i32
    %dma_wait3A_52 = arith.constant 0 : i32
    %dma_wait3A_53 = arith.constant 0 : i32
    %dma_wait3A_54 = arith.constant 0 : i32
    %dma_wait3A_55 = tpu.memref_slice %arg9[%dma_wait3A_52, %dma_wait3A_53, %dma_wait3A_54] : memref<4x2000x8xf32, #tpu.memory_space<vmem>> -> memref<1x2000x8xf32, #tpu.memory_space<vmem>>
    %dma_wait3A_56 = tpu.memref_squeeze %dma_wait3A_55 : memref<1x2000x8xf32, #tpu.memory_space<vmem>> -> memref<2000x8xf32, #tpu.memory_space<vmem>>
    %dma_wait3A_57 = arith.constant 0 : i32
    %dma_wait3A_58 = tpu.memref_slice %arg7[%dma_wait3A, %dma_wait3A_57] : memref<4x2000xi32, #tpu.memory_space<vmem>> -> memref<1x2000xi32, #tpu.memory_space<vmem>>
    %dma_wait3A_59 = tpu.memref_squeeze %dma_wait3A_58 : memref<1x2000xi32, #tpu.memory_space<vmem>> -> memref<2000xi32, #tpu.memory_space<vmem>>
    %dma_wait3A_60 = arith.constant 0 : i32
    %dma_wait3A_61 = arith.constant 0 : i32
    %dma_wait3A_62 = tpu.memref_slice %arg2[%dma_wait3A_60, %dma_wait3A_61] : memref<100000x8xf32, #tpu.memory_space<hbm>> -> memref<100000x8xf32, #tpu.memory_space<hbm>>
    tpu.wait_indirect_dma semaphore(%arg12 : memref<!tpu.dma_semaphore, #tpu.memory_space<semaphore_mem>>) src(%dma_wait3A_62 : memref<100000x8xf32, #tpu.memory_space<hbm>>) dst(%dma_wait3A_56 : memref<2000x8xf32, #tpu.memory_space<vmem>>)
    %rem3A_63 = arith.constant 99 : i32
    %rem3A_64 = arith.constant 4 : i32
    %rem3A_65 = arith.remsi %rem3A_63, %rem3A_64 : i32
    %dma_start3A_66 = arith.constant 0 : i32
    %dma_start3A_67 = arith.constant 0 : i32
    %dma_start3A_68 = tpu.memref_slice %arg9[%rem3A_65, %dma_start3A_66, %dma_start3A_67] : memref<4x2000x8xf32, #tpu.memory_space<vmem>> -> memref<1x2000x8xf32, #tpu.memory_space<vmem>>
    %dma_start3A_69 = tpu.memref_squeeze %dma_start3A_68 : memref<1x2000x8xf32, #tpu.memory_space<vmem>> -> memref<2000x8xf32, #tpu.memory_space<vmem>>
    %dma_start3A_70 = arith.constant 0 : i32
    %dma_start3A_71 = tpu.memref_slice %arg8[%rem3A_65, %dma_start3A_70] : memref<4x2000xi32, #tpu.memory_space<vmem>> -> memref<1x2000xi32, #tpu.memory_space<vmem>>
    %dma_start3A_72 = tpu.memref_squeeze %dma_start3A_71 : memref<1x2000xi32, #tpu.memory_space<vmem>> -> memref<2000xi32, #tpu.memory_space<vmem>>
    %dma_start3A_73 = arith.constant 0 : i32
    %dma_start3A_74 = arith.constant 0 : i32
    %dma_start3A_75 = tpu.memref_slice %arg10[%dma_start3A_73, %dma_start3A_74] : memref<100096x8xf32, #tpu.memory_space<vmem_shared>> -> memref<100096x8xf32, #tpu.memory_space<vmem_shared>>
    tpu.enqueue_indirect_dma source(%dma_start3A_69 : memref<2000x8xf32, #tpu.memory_space<vmem>>) target(%dma_start3A_75 : memref<100096x8xf32, #tpu.memory_space<vmem_shared>>) offsets(%dma_start3A_72 : memref<2000xi32, #tpu.memory_space<vmem>>) semaphore(%arg13 : memref<!tpu.dma_semaphore, #tpu.memory_space<semaphore_mem>>) {add = true}
    %dma_wait3A_76 = arith.constant 0 : i32
    %dma_wait3A_77 = arith.constant 0 : i32
    %dma_wait3A_78 = arith.constant 0 : i32
    %dma_wait3A_79 = tpu.memref_slice %arg9[%dma_wait3A_76, %dma_wait3A_77, %dma_wait3A_78] : memref<4x2000x8xf32, #tpu.memory_space<vmem>> -> memref<1x2000x8xf32, #tpu.memory_space<vmem>>
    %dma_wait3A_80 = tpu.memref_squeeze %dma_wait3A_79 : memref<1x2000x8xf32, #tpu.memory_space<vmem>> -> memref<2000x8xf32, #tpu.memory_space<vmem>>
    %dma_wait3A_81 = arith.constant 0 : i32
    %dma_wait3A_82 = arith.constant 0 : i32
    %dma_wait3A_83 = tpu.memref_slice %arg10[%dma_wait3A_81, %dma_wait3A_82] : memref<100096x8xf32, #tpu.memory_space<vmem_shared>> -> memref<2000x8xf32, #tpu.memory_space<vmem_shared>>
    %dma_wait3A_84 = arith.constant 0 : i32
    %dma_wait3A_85 = arith.constant 0 : i32
    %dma_wait3A_86 = tpu.memref_slice %arg10[%dma_wait3A_84, %dma_wait3A_85] : memref<100096x8xf32, #tpu.memory_space<vmem_shared>> -> memref<2000x8xf32, #tpu.memory_space<vmem_shared>>
    %dma_wait3A_87 = arith.constant 0 : i32
    %dma_wait3A_88 = arith.constant 0 : i32
    %dma_wait3A_89 = tpu.memref_slice %arg9[%dma_wait3A_76, %dma_wait3A_87, %dma_wait3A_88] : memref<4x2000x8xf32, #tpu.memory_space<vmem>> -> memref<1x2000x8xf32, #tpu.memory_space<vmem>>
    %dma_wait3A_90 = tpu.memref_squeeze %dma_wait3A_89 : memref<1x2000x8xf32, #tpu.memory_space<vmem>> -> memref<2000x8xf32, #tpu.memory_space<vmem>>
    tpu.wait_dma2 semaphore(%arg13 : memref<!tpu.dma_semaphore, #tpu.memory_space<semaphore_mem>>) src(%dma_wait3A_90 : memref<2000x8xf32, #tpu.memory_space<vmem>>) dst(%dma_wait3A_86 : memref<2000x8xf32, #tpu.memory_space<vmem_shared>>)
    %dma_wait3A_91 = arith.constant 0 : i32
    %dma_wait3A_92 = arith.constant 0 : i32
    %dma_wait3A_93 = arith.constant 0 : i32
    %dma_wait3A_94 = tpu.memref_slice %arg9[%dma_wait3A_91, %dma_wait3A_92, %dma_wait3A_93] : memref<4x2000x8xf32, #tpu.memory_space<vmem>> -> memref<1x2000x8xf32, #tpu.memory_space<vmem>>
    %dma_wait3A_95 = tpu.memref_squeeze %dma_wait3A_94 : memref<1x2000x8xf32, #tpu.memory_space<vmem>> -> memref<2000x8xf32, #tpu.memory_space<vmem>>
    %dma_wait3A_96 = arith.constant 0 : i32
    %dma_wait3A_97 = arith.constant 0 : i32
    %dma_wait3A_98 = tpu.memref_slice %arg10[%dma_wait3A_96, %dma_wait3A_97] : memref<100096x8xf32, #tpu.memory_space<vmem_shared>> -> memref<2000x8xf32, #tpu.memory_space<vmem_shared>>
    %dma_wait3A_99 = arith.constant 0 : i32
    %dma_wait3A_100 = arith.constant 0 : i32
    %dma_wait3A_101 = tpu.memref_slice %arg10[%dma_wait3A_99, %dma_wait3A_100] : memref<100096x8xf32, #tpu.memory_space<vmem_shared>> -> memref<2000x8xf32, #tpu.memory_space<vmem_shared>>
    %dma_wait3A_102 = arith.constant 0 : i32
    %dma_wait3A_103 = arith.constant 0 : i32
    %dma_wait3A_104 = tpu.memref_slice %arg9[%dma_wait3A_91, %dma_wait3A_102, %dma_wait3A_103] : memref<4x2000x8xf32, #tpu.memory_space<vmem>> -> memref<1x2000x8xf32, #tpu.memory_space<vmem>>
    %dma_wait3A_105 = tpu.memref_squeeze %dma_wait3A_104 : memref<1x2000x8xf32, #tpu.memory_space<vmem>> -> memref<2000x8xf32, #tpu.memory_space<vmem>>
    tpu.wait_dma2 semaphore(%arg13 : memref<!tpu.dma_semaphore, #tpu.memory_space<semaphore_mem>>) src(%dma_wait3A_105 : memref<2000x8xf32, #tpu.memory_space<vmem>>) dst(%dma_wait3A_101 : memref<2000x8xf32, #tpu.memory_space<vmem_shared>>)
    %barrier3A_106 = arith.constant 0 : index
    tpu.barrier barrier_id(%barrier3A_106)
    %mul3A_107 = arith.constant 6256 : i32
    %mul3A_108 = arith.muli %arg1, %mul3A_107 : i32
    %mul3A_109 = arith.constant 6256 : i32
    %mul3A_110 = arith.muli %arg1, %mul3A_109 : i32
    "tpu.region"() ({
      %run_scoped3A = tpu.sem_alloc : memref<!tpu.dma_semaphore, #tpu.memory_space<semaphore_mem>>
      %dma_start3A_111 = arith.constant 0 : i32
      %dma_start3A_112 = tpu.memref_slice %arg6[%arg0, %mul3A_110, %dma_start3A_111] : memref<2x100096x8xf32, #tpu.memory_space<hbm>> -> memref<1x6256x8xf32, #tpu.memory_space<hbm>>
      %dma_start3A_113 = tpu.memref_squeeze %dma_start3A_112 : memref<1x6256x8xf32, #tpu.memory_space<hbm>> -> memref<6256x8xf32, #tpu.memory_space<hbm>>
      %dma_start3A_114 = arith.constant 0 : i32
      %dma_start3A_115 = tpu.memref_slice %arg10[%mul3A_108, %dma_start3A_114] : memref<100096x8xf32, #tpu.memory_space<vmem_shared>> -> memref<6256x8xf32, #tpu.memory_space<vmem_shared>>
      tpu.enqueue_dma source(%dma_start3A_115 : memref<6256x8xf32, #tpu.memory_space<vmem_shared>>) target(%dma_start3A_113 : memref<6256x8xf32, #tpu.memory_space<hbm>>) target_semaphore(%run_scoped3A : memref<!tpu.dma_semaphore, #tpu.memory_space<semaphore_mem>>)
      %dma_wait3A_116 = arith.constant 0 : i32
      %dma_wait3A_117 = tpu.memref_slice %arg6[%arg0, %mul3A_110, %dma_wait3A_116] : memref<2x100096x8xf32, #tpu.memory_space<hbm>> -> memref<1x6256x8xf32, #tpu.memory_space<hbm>>
      %dma_wait3A_118 = tpu.memref_squeeze %dma_wait3A_117 : memref<1x6256x8xf32, #tpu.memory_space<hbm>> -> memref<6256x8xf32, #tpu.memory_space<hbm>>
      %dma_wait3A_119 = arith.constant 0 : i32
      %dma_wait3A_120 = tpu.memref_slice %arg10[%mul3A_108, %dma_wait3A_119] : memref<100096x8xf32, #tpu.memory_space<vmem_shared>> -> memref<6256x8xf32, #tpu.memory_space<vmem_shared>>
      tpu.wait_dma2 semaphore(%run_scoped3A : memref<!tpu.dma_semaphore, #tpu.memory_space<semaphore_mem>>) src(%dma_wait3A_120 : memref<6256x8xf32, #tpu.memory_space<vmem_shared>>) dst(%dma_wait3A_118 : memref<6256x8xf32, #tpu.memory_space<hbm>>)
      tpu.yield
    }) : () -> ()
    return
  }
}

module attributes {stable_mosaic.version = 14 : i64} {
  func.func @body(%arg0: i32, %arg1: memref<2x2000x8xf32, #tpu.memory_space<vmem>>, %arg2: memref<2000x8xf32, #tpu.memory_space<vmem>>, %arg3: memref<8x8xf32, #tpu.memory_space<vmem>>, %arg4: memref<8x8xf32, #tpu.memory_space<vmem>>, %arg5: memref<1x8xf32, #tpu.memory_space<vmem>>, %arg6: memref<2000x8xf32, #tpu.memory_space<vmem>>) attributes {dimension_semantics = [#tpu.dimension_semantics<arbitrary>], iteration_bounds = array<i64: 50>, scalar_prefetch = 0 : i64, scratch_operands = 0 : i64, tpu.core_type = #tpu.core_type<tc>, window_params = [{transform_indices = @transform_0, window_bounds = array<i64: 2, 2000, 8>}, {transform_indices = @transform_1, window_bounds = array<i64: 2000, 8>}, {pipeline_mode = #tpu.pipeline_mode<synchronous>, transform_indices = @transform_2, window_bounds = array<i64: 8, 8>}, {pipeline_mode = #tpu.pipeline_mode<synchronous>, transform_indices = @transform_3, window_bounds = array<i64: 8, 8>}, {pipeline_mode = #tpu.pipeline_mode<synchronous>, transform_indices = @transform_4, window_bounds = array<i64: 1, 8>}, {transform_indices = @transform_5, window_bounds = array<i64: 2000, 8>}]} {
    %get3A = arith.constant 0 : index
    %get3A_0 = arith.constant 0 : index
    %get3A_1 = arith.constant 0 : index
    %get3A_2 = vector.load %arg1[%get3A, %get3A_0, %get3A_1] : memref<2x2000x8xf32, #tpu.memory_space<vmem>>, vector<1x2000x8xf32>
    %get3A_3 = vector.shape_cast %get3A_2 : vector<1x2000x8xf32> to vector<2000x8xf32>
    %get3A_4 = arith.constant 1 : index
    %get3A_5 = arith.constant 0 : index
    %get3A_6 = arith.constant 0 : index
    %get3A_7 = vector.load %arg1[%get3A_4, %get3A_5, %get3A_6] : memref<2x2000x8xf32, #tpu.memory_space<vmem>>, vector<1x2000x8xf32>
    %get3A_8 = vector.shape_cast %get3A_7 : vector<1x2000x8xf32> to vector<2000x8xf32>
    %add3A = arith.addf %get3A_3, %get3A_8 : vector<2000x8xf32>
    %get3A_9 = arith.constant 0 : index
    %get3A_10 = arith.constant 0 : index
    %get3A_11 = vector.load %arg3[%get3A_9, %get3A_10] : memref<8x8xf32, #tpu.memory_space<vmem>>, vector<8x8xf32>
    %dot_general3A = arith.constant dense<0.000000e+00> : vector<2000x8xf32>
    %dot_general3A_12 = tpu.matmul %add3A, %get3A_11, %dot_general3A {dimension_numbers = #tpu.dot_dimension_numbers<[1], [0], [0], [1], [0, 0, 1, 1], [], []>, transpose_lhs_hint = false} : vector<2000x8xf32>, vector<8x8xf32>, vector<2000x8xf32> -> vector<2000x8xf32>
    %get3A_13 = arith.constant 0 : index
    %get3A_14 = arith.constant 0 : index
    %get3A_15 = vector.load %arg2[%get3A_13, %get3A_14] : memref<2000x8xf32, #tpu.memory_space<vmem>>, vector<2000x8xf32>
    %get3A_16 = arith.constant 0 : index
    %get3A_17 = arith.constant 0 : index
    %get3A_18 = vector.load %arg4[%get3A_16, %get3A_17] : memref<8x8xf32, #tpu.memory_space<vmem>>, vector<8x8xf32>
    %dot_general3A_19 = arith.constant dense<0.000000e+00> : vector<2000x8xf32>
    %dot_general3A_20 = tpu.matmul %get3A_15, %get3A_18, %dot_general3A_19 {dimension_numbers = #tpu.dot_dimension_numbers<[1], [0], [0], [1], [0, 0, 1, 1], [], []>, transpose_lhs_hint = false} : vector<2000x8xf32>, vector<8x8xf32>, vector<2000x8xf32> -> vector<2000x8xf32>
    %add3A_21 = arith.addf %dot_general3A_12, %dot_general3A_20 : vector<2000x8xf32>
    %get3A_22 = arith.constant 0 : index
    %get3A_23 = arith.constant 0 : index
    %get3A_24 = vector.load %arg5[%get3A_22, %get3A_23] : memref<1x8xf32, #tpu.memory_space<vmem>>, vector<1x8xf32>
    %add3A_25 = vector.broadcast %get3A_24 : vector<1x8xf32> to vector<2000x8xf32>
    %add3A_26 = arith.addf %add3A_21, %add3A_25 : vector<2000x8xf32>
    %max3A = arith.constant 0.000000e+00 : f32
    %max3A_27 = vector.broadcast %max3A : f32 to vector<2000x8xf32>
    %max3A_28 = arith.maximumf %add3A_26, %max3A_27 : vector<2000x8xf32>
    %swap3A = arith.constant 0 : index
    %swap3A_29 = arith.constant 0 : index
    %swap3A_30 = vector.load %arg6[%swap3A, %swap3A_29] : memref<2000x8xf32, #tpu.memory_space<vmem>>, vector<2000x8xf32>
    tpu.vector_store %arg6[%swap3A, %swap3A_29], %max3A_28 {strides = array<i32>} : memref<2000x8xf32, #tpu.memory_space<vmem>>, vector<2000x8xf32>,
    return
  }
  func.func @transform_0(%arg0: i32) -> (i32, i32, i32) {
    %c0_i32 = arith.constant 0 : i32
    %c0_i32_0 = arith.constant 0 : i32
    %c0_i32_1 = arith.constant 0 : i32
    return %c0_i32, %arg0, %c0_i32_0 : i32, i32, i32
  }
  func.func @transform_1(%arg0: i32) -> (i32, i32) {
    %c0_i32 = arith.constant 0 : i32
    %c0_i32_0 = arith.constant 0 : i32
    return %arg0, %c0_i32 : i32, i32
  }
  func.func @transform_2(%arg0: i32) -> (i32, i32) {
    %c0_i32 = arith.constant 0 : i32
    %c0_i32_0 = arith.constant 0 : i32
    %c0_i32_1 = arith.constant 0 : i32
    return %c0_i32, %c0_i32_0 : i32, i32
  }
  func.func @transform_3(%arg0: i32) -> (i32, i32) {
    %c0_i32 = arith.constant 0 : i32
    %c0_i32_0 = arith.constant 0 : i32
    %c0_i32_1 = arith.constant 0 : i32
    return %c0_i32, %c0_i32_0 : i32, i32
  }
  func.func @transform_4(%arg0: i32) -> (i32, i32) {
    %c0_i32 = arith.constant 0 : i32
    %c0_i32_0 = arith.constant 0 : i32
    %c0_i32_1 = arith.constant 0 : i32
    return %c0_i32, %c0_i32_0 : i32, i32
  }
  func.func @transform_5(%arg0: i32) -> (i32, i32) {
    %c0_i32 = arith.constant 0 : i32
    %c0_i32_0 = arith.constant 0 : i32
    return %arg0, %c0_i32 : i32, i32
  }
}

module attributes {stable_mosaic.version = 14 : i64} {
  func.func @body(%arg0: i32, %arg1: memref<2x2000x8xf32, #tpu.memory_space<vmem>>, %arg2: memref<2000x8xf32, #tpu.memory_space<vmem>>, %arg3: memref<8x16xf32, #tpu.memory_space<vmem>>, %arg4: memref<8x16xf32, #tpu.memory_space<vmem>>, %arg5: memref<1x16xf32, #tpu.memory_space<vmem>>, %arg6: memref<2000x8xf32, #tpu.memory_space<vmem>>, %arg7: memref<2000x8xf32, #tpu.memory_space<vmem>>) attributes {dimension_semantics = [#tpu.dimension_semantics<arbitrary>], iteration_bounds = array<i64: 50>, scalar_prefetch = 0 : i64, scratch_operands = 0 : i64, tpu.core_type = #tpu.core_type<tc>, window_params = [{transform_indices = @transform_0, window_bounds = array<i64: 2, 2000, 8>}, {transform_indices = @transform_1, window_bounds = array<i64: 2000, 8>}, {pipeline_mode = #tpu.pipeline_mode<synchronous>, transform_indices = @transform_2, window_bounds = array<i64: 8, 16>}, {pipeline_mode = #tpu.pipeline_mode<synchronous>, transform_indices = @transform_3, window_bounds = array<i64: 8, 16>}, {pipeline_mode = #tpu.pipeline_mode<synchronous>, transform_indices = @transform_4, window_bounds = array<i64: 1, 16>}, {transform_indices = @transform_5, window_bounds = array<i64: 2000, 8>}, {transform_indices = @transform_6, window_bounds = array<i64: 2000, 8>}]} {
    %get3A = arith.constant 0 : index
    %get3A_0 = arith.constant 0 : index
    %get3A_1 = arith.constant 0 : index
    %get3A_2 = vector.load %arg1[%get3A, %get3A_0, %get3A_1] : memref<2x2000x8xf32, #tpu.memory_space<vmem>>, vector<1x2000x8xf32>
    %get3A_3 = vector.shape_cast %get3A_2 : vector<1x2000x8xf32> to vector<2000x8xf32>
    %get3A_4 = arith.constant 1 : index
    %get3A_5 = arith.constant 0 : index
    %get3A_6 = arith.constant 0 : index
    %get3A_7 = vector.load %arg1[%get3A_4, %get3A_5, %get3A_6] : memref<2x2000x8xf32, #tpu.memory_space<vmem>>, vector<1x2000x8xf32>
    %get3A_8 = vector.shape_cast %get3A_7 : vector<1x2000x8xf32> to vector<2000x8xf32>
    %add3A = arith.addf %get3A_3, %get3A_8 : vector<2000x8xf32>
    %get3A_9 = arith.constant 0 : index
    %get3A_10 = arith.constant 0 : index
    %get3A_11 = vector.load %arg3[%get3A_9, %get3A_10] : memref<8x16xf32, #tpu.memory_space<vmem>>, vector<8x16xf32>
    %dot_general3A = arith.constant dense<0.000000e+00> : vector<2000x16xf32>
    %dot_general3A_12 = tpu.matmul %add3A, %get3A_11, %dot_general3A {dimension_numbers = #tpu.dot_dimension_numbers<[1], [0], [0], [1], [0, 0, 1, 1], [], []>, transpose_lhs_hint = false} : vector<2000x8xf32>, vector<8x16xf32>, vector<2000x16xf32> -> vector<2000x16xf32>
    %get3A_13 = arith.constant 0 : index
    %get3A_14 = arith.constant 0 : index
    %get3A_15 = vector.load %arg2[%get3A_13, %get3A_14] : memref<2000x8xf32, #tpu.memory_space<vmem>>, vector<2000x8xf32>
    %get3A_16 = arith.constant 0 : index
    %get3A_17 = arith.constant 0 : index
    %get3A_18 = vector.load %arg4[%get3A_16, %get3A_17] : memref<8x16xf32, #tpu.memory_space<vmem>>, vector<8x16xf32>
    %dot_general3A_19 = arith.constant dense<0.000000e+00> : vector<2000x16xf32>
    %dot_general3A_20 = tpu.matmul %get3A_15, %get3A_18, %dot_general3A_19 {dimension_numbers = #tpu.dot_dimension_numbers<[1], [0], [0], [1], [0, 0, 1, 1], [], []>, transpose_lhs_hint = false} : vector<2000x8xf32>, vector<8x16xf32>, vector<2000x16xf32> -> vector<2000x16xf32>
    %add3A_21 = arith.addf %dot_general3A_12, %dot_general3A_20 : vector<2000x16xf32>
    %get3A_22 = arith.constant 0 : index
    %get3A_23 = arith.constant 0 : index
    %get3A_24 = vector.load %arg5[%get3A_22, %get3A_23] : memref<1x16xf32, #tpu.memory_space<vmem>>, vector<1x16xf32>
    %add3A_25 = vector.broadcast %get3A_24 : vector<1x16xf32> to vector<2000x16xf32>
    %add3A_26 = arith.addf %add3A_21, %add3A_25 : vector<2000x16xf32>
    %max3A = arith.constant 0.000000e+00 : f32
    %max3A_27 = vector.broadcast %max3A : f32 to vector<2000x16xf32>
    %max3A_28 = arith.maximumf %add3A_26, %max3A_27 : vector<2000x16xf32>
    %slice3A = vector.extract_strided_slice %max3A_28 {offsets = [0, 0], sizes = [2000, 8], strides = [1, 1]} : vector<2000x16xf32> to vector<2000x8xf32>
    %swap3A = arith.constant 0 : index
    %swap3A_29 = arith.constant 0 : index
    %swap3A_30 = vector.load %arg6[%swap3A, %swap3A_29] : memref<2000x8xf32, #tpu.memory_space<vmem>>, vector<2000x8xf32>
    tpu.vector_store %arg6[%swap3A, %swap3A_29], %slice3A {strides = array<i32>} : memref<2000x8xf32, #tpu.memory_space<vmem>>, vector<2000x8xf32>,
    %slice3A_31 = vector.extract_strided_slice %max3A_28 {offsets = [0, 8], sizes = [2000, 8], strides = [1, 1]} : vector<2000x16xf32> to vector<2000x8xf32>
    %swap3A_32 = arith.constant 0 : index
    %swap3A_33 = arith.constant 0 : index
    %swap3A_34 = vector.load %arg7[%swap3A_32, %swap3A_33] : memref<2000x8xf32, #tpu.memory_space<vmem>>, vector<2000x8xf32>
    tpu.vector_store %arg7[%swap3A_32, %swap3A_33], %slice3A_31 {strides = array<i32>} : memref<2000x8xf32, #tpu.memory_space<vmem>>, vector<2000x8xf32>,
    return
  }
  func.func @transform_0(%arg0: i32) -> (i32, i32, i32) {
    %c0_i32 = arith.constant 0 : i32
    %c0_i32_0 = arith.constant 0 : i32
    %c0_i32_1 = arith.constant 0 : i32
    return %c0_i32, %arg0, %c0_i32_0 : i32, i32, i32
  }
  func.func @transform_1(%arg0: i32) -> (i32, i32) {
    %c0_i32 = arith.constant 0 : i32
    %c0_i32_0 = arith.constant 0 : i32
    return %arg0, %c0_i32 : i32, i32
  }
  func.func @transform_2(%arg0: i32) -> (i32, i32) {
    %c0_i32 = arith.constant 0 : i32
    %c0_i32_0 = arith.constant 0 : i32
    %c0_i32_1 = arith.constant 0 : i32
    return %c0_i32, %c0_i32_0 : i32, i32
  }
  func.func @transform_3(%arg0: i32) -> (i32, i32) {
    %c0_i32 = arith.constant 0 : i32
    %c0_i32_0 = arith.constant 0 : i32
    %c0_i32_1 = arith.constant 0 : i32
    return %c0_i32, %c0_i32_0 : i32, i32
  }
  func.func @transform_4(%arg0: i32) -> (i32, i32) {
    %c0_i32 = arith.constant 0 : i32
    %c0_i32_0 = arith.constant 0 : i32
    %c0_i32_1 = arith.constant 0 : i32
    return %c0_i32, %c0_i32_0 : i32, i32
  }
  func.func @transform_5(%arg0: i32) -> (i32, i32) {
    %c0_i32 = arith.constant 0 : i32
    %c0_i32_0 = arith.constant 0 : i32
    return %arg0, %c0_i32 : i32, i32
  }
  func.func @transform_6(%arg0: i32) -> (i32, i32) {
    %c0_i32 = arith.constant 0 : i32
    %c0_i32_0 = arith.constant 0 : i32
    return %arg0, %c0_i32 : i32, i32
  }
}

module attributes {stable_mosaic.version = 14 : i64} {
  func.func @body(%arg0: i32, %arg1: memref<2x2000x8xf32, #tpu.memory_space<vmem>>, %arg2: memref<2x2000x8xf32, #tpu.memory_space<vmem>>, %arg3: memref<2000x8xf32, #tpu.memory_space<vmem>>, %arg4: memref<2000x8xf32, #tpu.memory_space<vmem>>, %arg5: memref<8x16xf32, #tpu.memory_space<vmem>>, %arg6: memref<8x16xf32, #tpu.memory_space<vmem>>, %arg7: memref<8x16xf32, #tpu.memory_space<vmem>>, %arg8: memref<8x16xf32, #tpu.memory_space<vmem>>, %arg9: memref<1x16xf32, #tpu.memory_space<vmem>>, %arg10: memref<16x32xf32, #tpu.memory_space<vmem>>, %arg11: memref<1x32xf32, #tpu.memory_space<vmem>>, %arg12: memref<32x16xf32, #tpu.memory_space<vmem>>, %arg13: memref<1x16xf32, #tpu.memory_space<vmem>>, %arg14: memref<16x128xf32, #tpu.memory_space<vmem>>, %arg15: memref<1x128xf32, #tpu.memory_space<vmem>>, %arg16: memref<2000x128xf32, #tpu.memory_space<vmem>>) attributes {dimension_semantics = [#tpu.dimension_semantics<arbitrary>], iteration_bounds = array<i64: 50>, scalar_prefetch = 0 : i64, scratch_operands = 0 : i64, tpu.core_type = #tpu.core_type<tc>, window_params = [{transform_indices = @transform_0, window_bounds = array<i64: 2, 2000, 8>}, {transform_indices = @transform_1, window_bounds = array<i64: 2, 2000, 8>}, {transform_indices = @transform_2, window_bounds = array<i64: 2000, 8>}, {transform_indices = @transform_3, window_bounds = array<i64: 2000, 8>}, {pipeline_mode = #tpu.pipeline_mode<synchronous>, transform_indices = @transform_4, window_bounds = array<i64: 8, 16>}, {pipeline_mode = #tpu.pipeline_mode<synchronous>, transform_indices = @transform_5, window_bounds = array<i64: 8, 16>}, {pipeline_mode = #tpu.pipeline_mode<synchronous>, transform_indices = @transform_6, window_bounds = array<i64: 8, 16>}, {pipeline_mode = #tpu.pipeline_mode<synchronous>, transform_indices = @transform_7, window_bounds = array<i64: 8, 16>}, {pipeline_mode = #tpu.pipeline_mode<synchronous>, transform_indices = @transform_8, window_bounds = array<i64: 1, 16>}, {pipeline_mode = #tpu.pipeline_mode<synchronous>, transform_indices = @transform_9, window_bounds = array<i64: 16, 32>}, {pipeline_mode = #tpu.pipeline_mode<synchronous>, transform_indices = @transform_10, window_bounds = array<i64: 1, 32>}, {pipeline_mode = #tpu.pipeline_mode<synchronous>, transform_indices = @transform_11, window_bounds = array<i64: 32, 16>}, {pipeline_mode = #tpu.pipeline_mode<synchronous>, transform_indices = @transform_12, window_bounds = array<i64: 1, 16>}, {pipeline_mode = #tpu.pipeline_mode<synchronous>, transform_indices = @transform_13, window_bounds = array<i64: 16, 128>}, {pipeline_mode = #tpu.pipeline_mode<synchronous>, transform_indices = @transform_14, window_bounds = array<i64: 1, 128>}, {transform_indices = @transform_15, window_bounds = array<i64: 2000, 128>}]} {
    %get3A = arith.constant 0 : index
    %get3A_0 = arith.constant 0 : index
    %get3A_1 = arith.constant 0 : index
    %get3A_2 = vector.load %arg1[%get3A, %get3A_0, %get3A_1] : memref<2x2000x8xf32, #tpu.memory_space<vmem>>, vector<1x2000x8xf32>
    %get3A_3 = vector.shape_cast %get3A_2 : vector<1x2000x8xf32> to vector<2000x8xf32>
    %get3A_4 = arith.constant 1 : index
    %get3A_5 = arith.constant 0 : index
    %get3A_6 = arith.constant 0 : index
    %get3A_7 = vector.load %arg1[%get3A_4, %get3A_5, %get3A_6] : memref<2x2000x8xf32, #tpu.memory_space<vmem>>, vector<1x2000x8xf32>
    %get3A_8 = vector.shape_cast %get3A_7 : vector<1x2000x8xf32> to vector<2000x8xf32>
    %add3A = arith.addf %get3A_3, %get3A_8 : vector<2000x8xf32>
    %get3A_9 = arith.constant 0 : index
    %get3A_10 = arith.constant 0 : index
    %get3A_11 = arith.constant 0 : index
    %get3A_12 = vector.load %arg2[%get3A_9, %get3A_10, %get3A_11] : memref<2x2000x8xf32, #tpu.memory_space<vmem>>, vector<1x2000x8xf32>
    %get3A_13 = vector.shape_cast %get3A_12 : vector<1x2000x8xf32> to vector<2000x8xf32>
    %get3A_14 = arith.constant 1 : index
    %get3A_15 = arith.constant 0 : index
    %get3A_16 = arith.constant 0 : index
    %get3A_17 = vector.load %arg2[%get3A_14, %get3A_15, %get3A_16] : memref<2x2000x8xf32, #tpu.memory_space<vmem>>, vector<1x2000x8xf32>
    %get3A_18 = vector.shape_cast %get3A_17 : vector<1x2000x8xf32> to vector<2000x8xf32>
    %add3A_19 = arith.addf %get3A_13, %get3A_18 : vector<2000x8xf32>
    %get3A_20 = arith.constant 0 : index
    %get3A_21 = arith.constant 0 : index
    %get3A_22 = vector.load %arg5[%get3A_20, %get3A_21] : memref<8x16xf32, #tpu.memory_space<vmem>>, vector<8x16xf32>
    %dot_general3A = arith.constant dense<0.000000e+00> : vector<2000x16xf32>
    %dot_general3A_23 = tpu.matmul %add3A, %get3A_22, %dot_general3A {dimension_numbers = #tpu.dot_dimension_numbers<[1], [0], [0], [1], [0, 0, 1, 1], [], []>, transpose_lhs_hint = false} : vector<2000x8xf32>, vector<8x16xf32>, vector<2000x16xf32> -> vector<2000x16xf32>
    %get3A_24 = arith.constant 0 : index
    %get3A_25 = arith.constant 0 : index
    %get3A_26 = vector.load %arg6[%get3A_24, %get3A_25] : memref<8x16xf32, #tpu.memory_space<vmem>>, vector<8x16xf32>
    %dot_general3A_27 = arith.constant dense<0.000000e+00> : vector<2000x16xf32>
    %dot_general3A_28 = tpu.matmul %add3A_19, %get3A_26, %dot_general3A_27 {dimension_numbers = #tpu.dot_dimension_numbers<[1], [0], [0], [1], [0, 0, 1, 1], [], []>, transpose_lhs_hint = false} : vector<2000x8xf32>, vector<8x16xf32>, vector<2000x16xf32> -> vector<2000x16xf32>
    %add3A_29 = arith.addf %dot_general3A_23, %dot_general3A_28 : vector<2000x16xf32>
    %get3A_30 = arith.constant 0 : index
    %get3A_31 = arith.constant 0 : index
    %get3A_32 = vector.load %arg3[%get3A_30, %get3A_31] : memref<2000x8xf32, #tpu.memory_space<vmem>>, vector<2000x8xf32>
    %get3A_33 = arith.constant 0 : index
    %get3A_34 = arith.constant 0 : index
    %get3A_35 = vector.load %arg7[%get3A_33, %get3A_34] : memref<8x16xf32, #tpu.memory_space<vmem>>, vector<8x16xf32>
    %dot_general3A_36 = arith.constant dense<0.000000e+00> : vector<2000x16xf32>
    %dot_general3A_37 = tpu.matmul %get3A_32, %get3A_35, %dot_general3A_36 {dimension_numbers = #tpu.dot_dimension_numbers<[1], [0], [0], [1], [0, 0, 1, 1], [], []>, transpose_lhs_hint = false} : vector<2000x8xf32>, vector<8x16xf32>, vector<2000x16xf32> -> vector<2000x16xf32>
    %add3A_38 = arith.addf %add3A_29, %dot_general3A_37 : vector<2000x16xf32>
    %get3A_39 = arith.constant 0 : index
    %get3A_40 = arith.constant 0 : index
    %get3A_41 = vector.load %arg4[%get3A_39, %get3A_40] : memref<2000x8xf32, #tpu.memory_space<vmem>>, vector<2000x8xf32>
    %get3A_42 = arith.constant 0 : index
    %get3A_43 = arith.constant 0 : index
    %get3A_44 = vector.load %arg8[%get3A_42, %get3A_43] : memref<8x16xf32, #tpu.memory_space<vmem>>, vector<8x16xf32>
    %dot_general3A_45 = arith.constant dense<0.000000e+00> : vector<2000x16xf32>
    %dot_general3A_46 = tpu.matmul %get3A_41, %get3A_44, %dot_general3A_45 {dimension_numbers = #tpu.dot_dimension_numbers<[1], [0], [0], [1], [0, 0, 1, 1], [], []>, transpose_lhs_hint = false} : vector<2000x8xf32>, vector<8x16xf32>, vector<2000x16xf32> -> vector<2000x16xf32>
    %add3A_47 = arith.addf %add3A_38, %dot_general3A_46 : vector<2000x16xf32>
    %get3A_48 = arith.constant 0 : index
    %get3A_49 = arith.constant 0 : index
    %get3A_50 = vector.load %arg9[%get3A_48, %get3A_49] : memref<1x16xf32, #tpu.memory_space<vmem>>, vector<1x16xf32>
    %add3A_51 = vector.broadcast %get3A_50 : vector<1x16xf32> to vector<2000x16xf32>
    %add3A_52 = arith.addf %add3A_47, %add3A_51 : vector<2000x16xf32>
    %max3A = arith.constant 0.000000e+00 : f32
    %max3A_53 = vector.broadcast %max3A : f32 to vector<2000x16xf32>
    %max3A_54 = arith.maximumf %add3A_52, %max3A_53 : vector<2000x16xf32>
    %get3A_55 = arith.constant 0 : index
    %get3A_56 = arith.constant 0 : index
    %get3A_57 = vector.load %arg10[%get3A_55, %get3A_56] : memref<16x32xf32, #tpu.memory_space<vmem>>, vector<16x32xf32>
    %dot_general3A_58 = arith.constant dense<0.000000e+00> : vector<2000x32xf32>
    %dot_general3A_59 = tpu.matmul %max3A_54, %get3A_57, %dot_general3A_58 {dimension_numbers = #tpu.dot_dimension_numbers<[1], [0], [0], [1], [0, 0, 1, 1], [], []>, transpose_lhs_hint = false} : vector<2000x16xf32>, vector<16x32xf32>, vector<2000x32xf32> -> vector<2000x32xf32>
    %get3A_60 = arith.constant 0 : index
    %get3A_61 = arith.constant 0 : index
    %get3A_62 = vector.load %arg11[%get3A_60, %get3A_61] : memref<1x32xf32, #tpu.memory_space<vmem>>, vector<1x32xf32>
    %add3A_63 = vector.broadcast %get3A_62 : vector<1x32xf32> to vector<2000x32xf32>
    %add3A_64 = arith.addf %dot_general3A_59, %add3A_63 : vector<2000x32xf32>
    %max3A_65 = arith.constant 0.000000e+00 : f32
    %max3A_66 = vector.broadcast %max3A_65 : f32 to vector<2000x32xf32>
    %max3A_67 = arith.maximumf %add3A_64, %max3A_66 : vector<2000x32xf32>
    %get3A_68 = arith.constant 0 : index
    %get3A_69 = arith.constant 0 : index
    %get3A_70 = vector.load %arg12[%get3A_68, %get3A_69] : memref<32x16xf32, #tpu.memory_space<vmem>>, vector<32x16xf32>
    %dot_general3A_71 = arith.constant dense<0.000000e+00> : vector<2000x16xf32>
    %dot_general3A_72 = tpu.matmul %max3A_67, %get3A_70, %dot_general3A_71 {dimension_numbers = #tpu.dot_dimension_numbers<[1], [0], [0], [1], [0, 0, 1, 1], [], []>, transpose_lhs_hint = false} : vector<2000x32xf32>, vector<32x16xf32>, vector<2000x16xf32> -> vector<2000x16xf32>
    %get3A_73 = arith.constant 0 : index
    %get3A_74 = arith.constant 0 : index
    %get3A_75 = vector.load %arg13[%get3A_73, %get3A_74] : memref<1x16xf32, #tpu.memory_space<vmem>>, vector<1x16xf32>
    %add3A_76 = vector.broadcast %get3A_75 : vector<1x16xf32> to vector<2000x16xf32>
    %add3A_77 = arith.addf %dot_general3A_72, %add3A_76 : vector<2000x16xf32>
    %max3A_78 = arith.constant 0.000000e+00 : f32
    %max3A_79 = vector.broadcast %max3A_78 : f32 to vector<2000x16xf32>
    %max3A_80 = arith.maximumf %add3A_77, %max3A_79 : vector<2000x16xf32>
    %get3A_81 = arith.constant 0 : index
    %get3A_82 = arith.constant 0 : index
    %get3A_83 = vector.load %arg14[%get3A_81, %get3A_82] : memref<16x128xf32, #tpu.memory_space<vmem>>, vector<16x128xf32>
    %dot_general3A_84 = arith.constant dense<0.000000e+00> : vector<2000x128xf32>
    %dot_general3A_85 = tpu.matmul %max3A_80, %get3A_83, %dot_general3A_84 {dimension_numbers = #tpu.dot_dimension_numbers<[1], [0], [0], [1], [0, 0, 1, 1], [], []>, transpose_lhs_hint = false} : vector<2000x16xf32>, vector<16x128xf32>, vector<2000x128xf32> -> vector<2000x128xf32>
    %get3A_86 = arith.constant 0 : index
    %get3A_87 = arith.constant 0 : index
    %get3A_88 = vector.load %arg15[%get3A_86, %get3A_87] : memref<1x128xf32, #tpu.memory_space<vmem>>, vector<1x128xf32>
    %add3A_89 = vector.broadcast %get3A_88 : vector<1x128xf32> to vector<2000x128xf32>
    %add3A_90 = arith.addf %dot_general3A_85, %add3A_89 : vector<2000x128xf32>
    %swap3A = arith.constant 0 : index
    %swap3A_91 = arith.constant 0 : index
    %swap3A_92 = vector.load %arg16[%swap3A, %swap3A_91] : memref<2000x128xf32, #tpu.memory_space<vmem>>, vector<2000x128xf32>
    tpu.vector_store %arg16[%swap3A, %swap3A_91], %add3A_90 {strides = array<i32>} : memref<2000x128xf32, #tpu.memory_space<vmem>>, vector<2000x128xf32>,
    return
  }
  func.func @transform_0(%arg0: i32) -> (i32, i32, i32) {
    %c0_i32 = arith.constant 0 : i32
    %c0_i32_0 = arith.constant 0 : i32
    %c0_i32_1 = arith.constant 0 : i32
    return %c0_i32, %arg0, %c0_i32_0 : i32, i32, i32
  }
  func.func @transform_1(%arg0: i32) -> (i32, i32, i32) {
    %c0_i32 = arith.constant 0 : i32
    %c0_i32_0 = arith.constant 0 : i32
    %c0_i32_1 = arith.constant 0 : i32
    return %c0_i32, %arg0, %c0_i32_0 : i32, i32, i32
  }
  func.func @transform_2(%arg0: i32) -> (i32, i32) {
    %c0_i32 = arith.constant 0 : i32
    %c0_i32_0 = arith.constant 0 : i32
    return %arg0, %c0_i32 : i32, i32
  }
  func.func @transform_3(%arg0: i32) -> (i32, i32) {
    %c0_i32 = arith.constant 0 : i32
    %c0_i32_0 = arith.constant 0 : i32
    return %arg0, %c0_i32 : i32, i32
  }
  func.func @transform_4(%arg0: i32) -> (i32, i32) {
    %c0_i32 = arith.constant 0 : i32
    %c0_i32_0 = arith.constant 0 : i32
    %c0_i32_1 = arith.constant 0 : i32
    return %c0_i32, %c0_i32_0 : i32, i32
  }
  func.func @transform_5(%arg0: i32) -> (i32, i32) {
    %c0_i32 = arith.constant 0 : i32
    %c0_i32_0 = arith.constant 0 : i32
    %c0_i32_1 = arith.constant 0 : i32
    return %c0_i32, %c0_i32_0 : i32, i32
  }
  func.func @transform_6(%arg0: i32) -> (i32, i32) {
    %c0_i32 = arith.constant 0 : i32
    %c0_i32_0 = arith.constant 0 : i32
    %c0_i32_1 = arith.constant 0 : i32
    return %c0_i32, %c0_i32_0 : i32, i32
  }
  func.func @transform_7(%arg0: i32) -> (i32, i32) {
    %c0_i32 = arith.constant 0 : i32
    %c0_i32_0 = arith.constant 0 : i32
    %c0_i32_1 = arith.constant 0 : i32
    return %c0_i32, %c0_i32_0 : i32, i32
  }
  func.func @transform_8(%arg0: i32) -> (i32, i32) {
    %c0_i32 = arith.constant 0 : i32
    %c0_i32_0 = arith.constant 0 : i32
    %c0_i32_1 = arith.constant 0 : i32
    return %c0_i32, %c0_i32_0 : i32, i32
  }
  func.func @transform_9(%arg0: i32) -> (i32, i32) {
    %c0_i32 = arith.constant 0 : i32
    %c0_i32_0 = arith.constant 0 : i32
    %c0_i32_1 = arith.constant 0 : i32
    return %c0_i32, %c0_i32_0 : i32, i32
  }
  func.func @transform_10(%arg0: i32) -> (i32, i32) {
    %c0_i32 = arith.constant 0 : i32
    %c0_i32_0 = arith.constant 0 : i32
    %c0_i32_1 = arith.constant 0 : i32
    return %c0_i32, %c0_i32_0 : i32, i32
  }
  func.func @transform_11(%arg0: i32) -> (i32, i32) {
    %c0_i32 = arith.constant 0 : i32
    %c0_i32_0 = arith.constant 0 : i32
    %c0_i32_1 = arith.constant 0 : i32
    return %c0_i32, %c0_i32_0 : i32, i32
  }
  func.func @transform_12(%arg0: i32) -> (i32, i32) {
    %c0_i32 = arith.constant 0 : i32
    %c0_i32_0 = arith.constant 0 : i32
    %c0_i32_1 = arith.constant 0 : i32
    return %c0_i32, %c0_i32_0 : i32, i32
  }
  func.func @transform_13(%arg0: i32) -> (i32, i32) {
    %c0_i32 = arith.constant 0 : i32
    %c0_i32_0 = arith.constant 0 : i32
    %c0_i32_1 = arith.constant 0 : i32
    return %c0_i32, %c0_i32_0 : i32, i32
  }
  func.func @transform_14(%arg0: i32) -> (i32, i32) {
    %c0_i32 = arith.constant 0 : i32
    %c0_i32_0 = arith.constant 0 : i32
    %c0_i32_1 = arith.constant 0 : i32
    return %c0_i32, %c0_i32_0 : i32, i32
  }
  func.func @transform_15(%arg0: i32) -> (i32, i32) {
    %c0_i32 = arith.constant 0 : i32
    %c0_i32_0 = arith.constant 0 : i32
    return %arg0, %c0_i32 : i32, i32
  }
}

</mosaic_0001>

<sc_bundles>
// kernel: kernel.11.cloned.1.call-start
scs
__scs_entry_jumppad:
0x0: {  	(pc) =	sbr.rel $0x88, $3  }
0x1: {  	(tag) =	ssettag $0x0;
	lr =	simm.s32 $0x1  }
0x2: {  	[smem:$0x3F8D] =	sst lr;
	_ =	strace $0xD0000000  }
0x3: {  	_ = 	snop  }
0x4: {  	_ = 	snop  }
0x5: {  	_ = 	snop  }
0x6: {  	_ = 	snop  }
0x7: {  	_ = 	snop  }
__scs_overlays_trampoline_lowered:
0x8: {  	[smem:$0x3F9C] =	sst s0  }
0x9: {  	[smem:$0x3F9D] =	sst s1  }
0xa: {  	[smem:$0x3F9E] =	sst s2  }
0xb: {  	[smem:$0x3F9F] =	sst s3  }
0xc: {  	[smem:$0x3FA0] =	sst s4  }
0xd: {  	[smem:$0x3FA1] =	sst s5  }
0xe: {  	[smem:$0x3FA2] =	sst s6  }
0xf: {  	[smem:$0x3FA3] =	sst s7  }
0x10: {  	[smem:$0x3FA4] =	sst s8  }
0x11: {  	[smem:$0x3FA5] =	sst s9;
	s0 =	simm.s32 @!p0 $0x0  }
0x12: {  	s1 =	sld [smem:$0x3F8B];
	s0 =	simm.s32 @p0 $0x1  }
0x13: {  	[smem:$0x3FA6] =	sst s0;
	s0 =	simm.s32 @!p1 $0x0  }
0x14: {  	s2 =	sld [smem:$0x3F8A];
	s0 =	simm.s32 @p1 $0x1  }
0x15: {  	[smem:$0x3FA7] =	sst s0;
	s0 =	simm.s32 @!p2 $0x0  }
0x16: {  	s3 =	sld [smem:$0x3FDB];
	s0 =	simm.s32 @p2 $0x1  }
0x17: {  	s4 =	simm.s32 $0x1BF5;
	[smem:$0x3FA9] =	sst s0  }
0x18: {  	s0 =	sld [smem:$0x3F8C];
	_ =	swait.ge [sflag:s4], $0x0  }
0x19: {  	s7 =	sld [smem:$0x3F8D]  }
0x1a: {  	s8 =	sadd.s32 $0xFFFFE003, lr  }
0x1b: {  	s9 =	sadd.s32 $0xFFFFFEF7, lr;
	s5 =	simm.s32 $0xFFFFFFFF;
	p2 =	slt.u32 s8, $0xFFFFF086  }
0x1c: {  	p1 =	slt.u32 s9, $0xF7A;
	s5 =	simm.s32 @!p2 $0x0  }
0x1d: {  	s5 =	simm.s32 @p1 $0x1;
	p0 =	seq.s32 s7, s2  }
0x1e: {  	s7 =	smul.u32 @!p0 $0xF7A, s2;
	p2 =	seq.s32 @!p0 s5, $0x0  }
0x1f: {  	s9 =	smul.u32 $0xF7A, s1;
	s8 =	simm.s32 @!p0 $0x1BF5;
	p2 =	por !p2, p0  }
0x20: {  	[sflag:s8] =	ssyncset.s32 @!p0 $0xFFFFF086;
	s6 =	sadd.s32 @!p0 s3, s7;
	s7 =	simm.s32 @!p0 $0x108  }
0x21: {  	s3 =	sadd.s32 s3, s9;
	s6 =	sadd.s32 @!p0 $0x88, s6;
	s7 =	simm.s32 @p2 $0x1082  }
0x22: {  	[simem:s7], [sflag:s8] =	dma.local @!p0 [hbm:s6], $0xF7A  }
0x23: {  	s9 =	sor.u32 $0xD0000000, s2;
	s6 =	simm.s32 $0x108;
	_ =	swait.ge @!p0 [sflag:s8], $0x0  }
0x24: {  	s3 =	sadd.s32 $0x88, s3;
	s6 =	simm.s32 @!p1 $0x1082;
	[sflag:s4] =	ssyncset.s32 $0xFFFFF086  }
0x25: {  	[simem:s6], [sflag:s4] =	dma.local [hbm:s3], $0xF7A  }
0x26: {  	[smem:$0x3F8D] =	sst s1;
	(tag) =	ssettag s2;
	_ =	strace s9  }
0x27: {  	s1 =	sld [smem:$0x3F9D]  }
0x28: {  	s2 =	sld [smem:$0x3F9E]  }
0x29: {  	s4 =	sld [smem:$0x3FA0]  }
0x2a: {  	p0 =	seq.s32 s5, $0x0;
	s5 =	sld [smem:$0x3FA1]  }
0x2b: {  	s6 =	sld [smem:$0x3FA2]  }
0x2c: {  	s7 =	sld [smem:$0x3FA3]  }
0x2d: {  	s3 =	simm.s32 $0x108;
	s8 =	sld [smem:$0x3FA4]  }
0x2e: {  	s3 =	simm.s32 @!p0 $0x1082;
	s9 =	sld [smem:$0x3FA5]  }
0x2f: {  	lr =	sadd.s32 s0, s3;
	s0 =	sld [smem:$0x3F9C]  }
0x30: {  	s3 =	sld [smem:$0x3F9F]  }
0x31: {  	[smem:$0x3FA8] =	sst s10  }
0x32: {  	s10 =	sld [smem:$0x3FA6];
	_ =	sdelay $0x3  }
0x33: {  	p0 =	seq.s32 s10, $0x1;
	s10 =	sld [smem:$0x3FA8];
	_ =	sdelay $0x3  }
0x34: {  	[smem:$0x3FA8] =	sst s10  }
0x35: {  	s10 =	sld [smem:$0x3FA7];
	_ =	sdelay $0x3  }
0x36: {  	p1 =	seq.s32 s10, $0x1;
	s10 =	sld [smem:$0x3FA8];
	_ =	sdelay $0x3  }
0x37: {  	[smem:$0x3FA8] =	sst s10  }
0x38: {  	s10 =	sld [smem:$0x3FA9]  }
0x39: {  	_ = 	snop;
	(pc) =	sbr.ind lr, $3  }
0x3a: {  	_ = 	snop  }
0x3b: {  	_ = 	snop  }
0x3c: {  	p2 =	seq.s32 s10, $0x1;
	s10 =	sld [smem:$0x3FA8]  }
0x3d: {  	_ =	shalt  }
0x3e: {  	_ =	shalt  }
0x3f: {  	_ =	shalt  }
0x40: {  	_ =	shalt  }
0x41: {  	_ =	shalt  }
0x42: {  	_ =	shalt  }
0x43: {  	_ =	shalt  }
0x44: {  	_ =	shalt  }
0x45: {  	_ =	shalt  }
0x46: {  	_ =	shalt  }
0x47: {  	_ =	shalt  }
0x48: {  	_ =	shalt  }
0x49: {  	_ =	shalt  }
0x4a: {  	_ =	shalt  }
0x4b: {  	_ =	shalt  }
0x4c: {  	_ =	shalt  }
0x4d: {  	_ =	shalt  }
0x4e: {  	_ =	shalt  }
0x4f: {  	_ =	shalt  }
0x50: {  	_ =	shalt  }
0x51: {  	_ =	shalt  }
0x52: {  	_ =	shalt  }
0x53: {  	_ =	shalt  }
0x54: {  	_ =	shalt  }
0x55: {  	_ =	shalt  }
0x56: {  	_ =	shalt  }
0x57: {  	_ =	shalt  }
0x58: {  	_ =	shalt  }
0x59: {  	_ =	shalt  }
0x5a: {  	_ =	shalt  }
0x5b: {  	_ =	shalt  }
0x5c: {  	_ =	shalt  }
0x5d: {  	_ =	shalt  }
0x5e: {  	_ =	shalt  }
0x5f: {  	_ =	shalt  }
0x60: {  	_ =	shalt  }
0x61: {  	_ =	shalt  }
0x62: {  	_ =	shalt  }
0x63: {  	_ =	shalt  }
0x64: {  	_ =	shalt  }
0x65: {  	_ =	shalt  }
0x66: {  	_ =	shalt  }
0x67: {  	_ =	shalt  }
0x68: {  	_ =	shalt  }
0x69: {  	_ =	shalt  }
0x6a: {  	_ =	shalt  }
0x6b: {  	_ =	shalt  }
0x6c: {  	_ =	shalt  }
0x6d: {  	_ =	shalt  }
0x6e: {  	_ =	shalt  }
0x6f: {  	_ =	shalt  }
0x70: {  	_ =	shalt  }
0x71: {  	_ =	shalt  }
0x72: {  	_ =	shalt  }
0x73: {  	_ =	shalt  }
0x74: {  	_ =	shalt  }
0x75: {  	_ =	shalt  }
0x76: {  	_ =	shalt  }
0x77: {  	_ =	shalt  }
0x78: {  	_ =	shalt  }
0x79: {  	_ =	shalt  }
0x7a: {  	_ =	shalt  }
0x7b: {  	_ =	shalt  }
0x7c: {  	_ =	shalt  }
0x7d: {  	_ =	shalt  }
0x7e: {  	_ =	shalt  }
0x7f: {  	_ =	shalt  }
0x80: {  	_ =	shalt  }
0x81: {  	_ =	shalt  }
0x82: {  	_ =	shalt  }
0x83: {  	_ =	shalt  }
0x84: {  	_ =	shalt  }
0x85: {  	_ =	shalt  }
0x86: {  	_ =	shalt  }
0x87: {  	_ =	shalt  }
.Lfunc_end0:
.L_simem_size_0:
called_computation_lowered:
.L_overlay_start_0:
0x88: {  	s2 =	sld [smem:$0x3FD9]  }
0x89: {  	s3 =	sld [smem:$0x3FFE];
	_ =	sdelay $0x1  }
0x8a: {  	s1 =	srdreg.scid  }
0x8b: {  	s0 =	sand.u32 $0x1, s1  }
0x8c: {  	s17 =	sshll.u32 s0, $0xA;
	s2 =	sadd.s32 s3, s2  }
0x8d: {  	s2 =	sadd.s32 s2, s17  }
0x8e: {  	[smem:$0x3FB4] =	sst s2  }
0x8f: {  	_ = 	snop  }
0x90: {  	s2 =	sld [smem:$0x3FD0];
	(tm) =	ssettm $0x1  }
0x91: {  	s18 =	sld [smem:$0x3FFB];
	_ =	sdelay $0x3  }
0x92: {  	_ =	strace s18  }
0x93: {  	s3 =	sld [smem:$0x3FFC];
	_ =	sdelay $0x3  }
0x94: {  	_ =	strace s3  }
0x95: {  	s3 =	sld [smem:$0x3FFD];
	_ =	sdelay $0x3  }
0x96: {  	_ =	strace s3  }
0x97: {  	_ =	strace $0x8FFFFFFF  }
0x98: {  	s19 =	sld [smem:$0x3FDB];
	_ =	sdelay $0x1  }
0x99: {  	s4 =	simm.s32 $_scs_section_size  }
0x9a: {  	s5 =	simm.s32 $_size__tile_overlayer_lowered;
	s6 =	simm.s32 $_tile_overlayer_lowered  }
0x9b: {  	s22 =	simm.s32 $0x1BFF;
	s21 =	sshll.u32 s6, $0x1;
	s3 =	sadd.s32 s4, s19  }
0x9c: {  	s7 =	simm.s32 $0x0;
	s20 =	sshll.u32 s5, $0x1;
	s5 =	sadd.s32 s21, s3  }
0x9d: {  	[timem:s7], [sflag:s22] =	dma.local [hbm:s5], s20  }
0x9e: {  	_ =	swait.ge [sflag:s22], s20  }
0x9f: {  	s4 =	ssub.s32 $0x0, s20;
	[sflag:s22] =	ssyncset.done $0x0  }
0xa0: {  	[sflag:s22] =	ssyncadd.s32 s4;
	_ =	sdelay $0x1  }
0xa1: {  	s23 =	simm.s32 $0x1B8B  }
0xa2: {  	_ =	swait.ge [sflag:s23], $0x1  }
0xa3: {  	[sflag:s23] =	ssyncset.done $0x0  }
0xa4: {  	s25 =	simm.s32 $0x1B8E;
	s24 =	sld [smem:$0x3FFE];
	[sflag:s23] =	ssyncadd.s32 $0xFFFFFFFF  }
0xa5: {  	s26 =	simm.s32 $execute0_lowered;
	[smem:$0x3FD2] =	sst s25  }
0xa6: {  	s5 =	sshll.u32 s26, $0x1;
	_ =	strace $0x80000046;
	[dreg:$0x1] =	wrdreg $0xFFFFFFFF  }
0xa7: {  	s28 =	simm.s32 $_size_execute0_lowered;
	s3 =	sadd.s32 s3, s5;
	[dreg:$0x0] =	wrdreg $0x0  }
0xa8: {  	s5 =	sshll.u32 s28, $0x1;
	[dreg:$0x2] =	wrdreg s3  }
0xa9: {  	[dreg:$0x3] =	wrdreg s5  }
0xaa: {  	[dreg:$0x4] =	wrdreg $0xC0  }
0xab: {  	_ =	task [dreg:s7], $0x5FFFF  }
0xac: {  	[dreg:$0x1] =	wrdreg $0xFFFFFFFF  }
0xad: {  	[dreg:$0x0] =	wrdreg $0x60  }
0xae: {  	[dreg:$0x2] =	wrdreg s24  }
0xaf: {  	[dreg:$0x3] =	wrdreg s2  }
0xb0: {  	[dreg:$0x4] =	wrdreg $0x138800  }
0xb1: {  	[dreg:$0x5] =	wrdreg $0x9  }
0xb2: {  	_ =	task.clear_ibuf [dreg:s7], $0x6FFFF;
	_ =	strace $0x90000046  }
0xb3: {  	s29 =	simm.s32 $0x9;
	_ =	strace $0x80000048  }
0xb4: {  	_ =	swait.ge [sflag:s29], $0x1  }
0xb5: {  	[sflag:s29] =	ssyncadd.s32 $0xFFFFFFFF  }
0xb6: {  	_ =	strace $0x90000048  }
0xb7: {  	_ =	sfence  }
0xb8: {  	s30 =	sld [smem:$0x0];
	_ =	sdelay $0x2  }
0xb9: {  	s31 =	sshll.u32 s1, $0xD;
	s1 =	sshrl.u32 s1, $0x2  }
0xba: {  	s3 =	sand.u32 $0x4000, s31;
	s1 =	sadd.s32 s1, s30  }
0xbb: {  	s0 =	sor.u32 s3, s0;
	s1 =	sshll.u32 s1, $0x11  }
0xbc: {  	s0 =	sor.u32 s1, s0  }
0xbd: {  	s0 =	sadd.s32 $0x8F2B, s0  }
0xbe: {  	[sflag:s0] =	ssyncadd.remote.s32 $0x1  }
0xbf: {  	_ =	sfence.sel $0xFFFF  }
0xc0: {  	[dreg:$0x0] =	wrdreg $0xFFFFFFFF;
	(pc) =	sbr.abs _section_cstart, $3  }
0xc1: {  	[dreg:$0x1] =	wrdreg $0xFFFFFFFF  }
0xc2: {  	_ =	task.clear_ibuf [dreg:s7], $0x2FFFF;
	_ =	strace $0x9FFFFFFF  }
0xc3: {  	(tm) =	ssettm $0x7FFFFFFF  }
tec
execute0_lowered:
.L_overlay_start_1:
0x0: {  	(tag) =	ssettag $0x1  }
0x1: {  	s0 =	rddreg [dreg:$0x0]  }
0x2: {  	s3 =	rddreg [dreg:$0x1]  }
0x3: {  	s1 =	rddreg [dreg:$0x2];
	s2 =	simm.s32 $0x0;
	s5 =	srdreg.scid  }
0x4: {  	s28 =	simm.s32 $0x3E80;
	s30 =	simm.s32 $0x36B0;
	[smem:$0x7FF] =	sst s2  }
0x5: {  	s13 =	stileid.u32;
	s4 =	sadd.s32 $0x189E00, s0;
	s6 =	sadd.s32 $0x265C00, s0  }
0x6: {  	s5 =	sand.u32 $0x1, s5;
	s8 =	smul.u32 $0xC380, s13;
	s9 =	sadd.s32 $0x1A2600, s0  }
0x7: {  	s17 =	sshll.u32 s13, $0x6;
	s23 =	smul.u32 $0x30D40, s13;
	_ =	strace $0x80000047  }
0x8: {  	s7 =	sshll.u32 s5, $0x4;
	s10 =	ssub.s32 $0x2, s5;
	s18 =	smul.u32 $0xC3800, s5  }
0x9: {  	s5 =	smul.u32 $0x30D400, s5;
	s7 =	sor.u32 s13, s7;
	s11 =	sshrl.u32 s8, $0x3  }
0xa: {  	s12 =	sshrl.u32 s10, $0x1;
	s16 =	sadd.s32 s8, s1;
	s7 =	smul.u32 $0x30D40, s7  }
0xb: {  	s0 =	sadd.s32 s11, s0;
	s10 =	ssub.s32 s10, s12;
	[dreg:$0x4] =	wrdreg s16  }
0xc: {  	s21 =	sadd.s32 s8, s18;
	s26 =	sadd.s32 s23, s5;
	s0 =	sadd.s32 $0x329200, s0  }
0xd: {  	s13 =	smax.u32 s10, $0x1;
	s15 =	sshrl.u32 s7, $0x3;
	[dreg:$0x5] =	wrdreg s0  }
0xe: {  	s7 =	sor.u32 $0x1C04, s17;
	s0 =	sshrl.u32 s21, $0x3;
	s21 =	simm.s32 $0x1F40  }
0xf: {  	s19 =	sadd.s32 s6, s15;
	s20 =	sadd.s32 s9, s15;
	s22 =	sadd.s32 $0xFA, s15  }
0x10: {  	s0 =	sadd.s32 s3, s0;
	s25 =	sadd.s32 $0x1F4, s15;
	s29 =	sadd.s32 $0x2EE, s15  }
0x11: {  	s3 =	sadd.s32 $0x1F40, s26;
	s26 =	simm.s32 $0x1;
	[dreg:$0x6] =	wrdreg s19  }
0x12: {  	[dreg:$0x7] =	wrdreg s20;
	s24 =	sadd.s32 s6, s22;
	s8 =	sadd.s32 s9, s22  }
0x13: {  	[dreg:$0xa] =	wrdreg s0;
	s14 =	sadd.s32 s6, s25;
	s15 =	sadd.s32 s9, s25  }
0x14: {  	s16 =	sadd.s32 s6, s29;
	s31 =	sshrl.u32 s3, $0x3;
	s17 =	sadd.s32 s9, s29  }
0x15: {  	s20 =	simm.s32 $0x4;
	s22 =	simm.s32 $0x7D0;
	[dreg:$0x8] =	wrdreg s24  }
0x16: {  	s0 =	simm.s32 $0x2;
	s3 =	simm.s32 $0x3;
	[dreg:$0x9] =	wrdreg s8  }
0x17: {  	s18 =	sadd.s32 s31, s9;
	s19 =	sadd.s32 s31, s6;
	s24 =	simm.s32 $0x0  }
.LBB2_1:
0x18: {  	s5 =	rddreg [dreg:$0x4]  }
0x19: {  	s11 =	rddreg [dreg:$0x5];
	s25 =	sshrl.u32 s5, $0x3  }
0x1a: {  	[spmem:s25], [sflag:s7] =	dma.local [hbm:s11], $0x1870  }
0x1b: {  	_ =	swait.ge [sflag:s20], $0x1870  }
0x1c: {  	[sflag:s20] =	ssyncset.done $0x0  }
0x1d: {  	[sflag:s20] =	ssyncadd.s32 $0xFFFFE790  }
0x1e: {  	[bflag:$0x0] =	sbarrier.arrive $0xFFFF  }
0x1f: {  	s12 =	rddreg [dreg:$0x6]  }
0x20: {  	[tilespmem:s2], [sflag:$0x1] =	stream.linear.gather [hbm4b:s12+s2], $0x7D0, $0x38;
	[tilespmem:$0x1FC00] =	vst v63  }
0x21: {  	s23 =	rddreg [dreg:$0x7]  }
0x22: {  	[tilespmem:s21], [sflag:$0x1] =	stream.linear.gather [hbm4b:s23+s2], $0x7D0, $0x38;
	[tilespmem:$0x1FC00] =	vst v63  }
0x23: {  	s6 =	rddreg [dreg:$0x8]  }
0x24: {  	[tilespmem:s22], [sflag:$0x1] =	stream.linear.gather [hbm4b:s6+s2], $0x7D0, $0x38;
	[tilespmem:$0x1FC00] =	vst v63  }
0x25: {  	s8 =	rddreg [dreg:$0x9];
	s6 =	simm.s32 $0x2710  }
0x26: {  	[tilespmem:s6], [sflag:$0x1] =	stream.linear.gather [hbm4b:s8+s2], $0x7D0, $0x38;
	[tilespmem:$0x1FC00] =	vst v63  }
0x27: {  	s9 =	simm.s32 $0xFA0  }
0x28: {  	[tilespmem:s9], [sflag:$0x1] =	stream.linear.gather [hbm4b:s14+s2], $0x7D0, $0x38;
	[tilespmem:$0x1FC00] =	vst v63  }
0x29: {  	s10 =	simm.s32 $0x2EE0  }
0x2a: {  	[tilespmem:s10], [sflag:$0x1] =	stream.linear.gather [hbm4b:s15+s2], $0x7D0, $0x38;
	[tilespmem:$0x1FC00] =	vst v63  }
0x2b: {  	_ =	swait.ge [sflag:s26], $0x7D0  }
0x2c: {  	[sflag:s26] =	ssyncset.done $0x0  }
0x2d: {  	[sflag:s26] =	ssyncadd.s32 $0xFFFFF830  }
0x2e: {  	_ =	swait.ge [sflag:s26], $0x7D0  }
0x2f: {  	[sflag:s26] =	ssyncset.done $0x0  }
0x30: {  	[sflag:s26] =	ssyncadd.s32 $0xFFFFF830  }
0x31: {  	[tilespmem:s28], [sflag:$0x2] =	stream.indirect.gather [hbm4b:s4+s22], $0x8, s2, s22, $0xb8;
	[tilespmem:$0x1FC00] =	vst v63  }
0x32: {  	s11 =	simm.s32 $0x1770  }
0x33: {  	[tilespmem:s11], [sflag:$0x1] =	stream.linear.gather [hbm4b:s16+s2], $0x7D0, $0x38;
	[tilespmem:$0x1FC00] =	vst v63  }
0x34: {  	_ = 	snop  }
0x35: {  	[tilespmem:s30], [sflag:$0x1] =	stream.linear.gather [hbm4b:s17+s2], $0x7D0, $0x38;
	[tilespmem:$0x1FC00] =	vst v63  }
0x36: {  	_ =	swait.ge [sflag:s26], $0x7D0  }
0x37: {  	[sflag:s26] =	ssyncset.done $0x0  }
0x38: {  	[sflag:s26] =	ssyncadd.s32 $0xFFFFF830  }
0x39: {  	_ =	swait.ge [sflag:s26], $0x7D0  }
0x3a: {  	[sflag:s26] =	ssyncset.done $0x0  }
0x3b: {  	s12 =	simm.s32 $0x7D00;
	[sflag:s26] =	ssyncadd.s32 $0xFFFFF830  }
0x3c: {  	[tilespmem:s12], [sflag:$0x2] =	stream.indirect.gather [hbm4b:s4+s22], $0x8, s22, s22, $0xb8;
	[tilespmem:$0x1FC00] =	vst v63  }
0x3d: {  	_ =	swait.ge [sflag:s0], $0x3E80  }
0x3e: {  	p0 =	por $0x0, $0x0;
	[sflag:s0] =	ssyncset.done $0x0  }
0x3f: {  	s5 =	simm.s32 @!p0 $0x4;
	[sflag:s0] =	ssyncadd.s32 $0xFFFFC180  }
0x40: {  	[spmem:s1] =	stream.indirect.scatter.add.f32 [tilespmem:s28], [sflag:$0x3], $0x8, s21, s22, $0xb8;
	[tilespmem:$0x1FC00] =	vst v63  }
0x41: {  	s29 =	simm.s32 $0x6;
	s5 =	sand.u32 @!p0 $0x3, s5;
	_ =	swait.ge [sflag:s3], $0x3E80  }
0x42: {  	s5 =	smul.u32 @!p0 $0x7D0, s5;
	s9 =	simm.s32 $0x2;
	[sflag:s3] =	ssyncset.done $0x0  }
0x43: {  	s6 =	simm.s32 @!p0 $0x0;
	s23 =	sand.u32 $0x3, s9;
	[sflag:s3] =	ssyncadd.s32 $0xFFFFC180  }
0x44: {  	[tilespmem:s5], [sflag:$0x1] =	stream.linear.gather @!p0 [hbm4b:s19+s6], $0x7D0, $0x38;
	[tilespmem:$0x1FC00] =	vst v63  }
0x45: {  	s8 =	simm.s32 $0x5;
	s9 =	smul.u32 $0xFA00, s23;
	s5 =	sadd.s32 @!p0 $0x1F40, s5  }
0x46: {  	[tilespmem:s5], [sflag:$0x1] =	stream.linear.gather @!p0 [hbm4b:s18+s6], $0x7D0, $0x38;
	[tilespmem:$0x1FC00] =	vst v63  }
0x47: {  	s31 =	sadd.s32 $0xFA, s19;
	s8 =	sand.u32 $0x3, s8;
	_ =	swait.ge [sflag:s26], $0x7D0  }
0x48: {  	s9 =	sshrl.u32 s9, $0x2;
	s11 =	smul.u32 $0x1F40, s8;
	[sflag:s26] =	ssyncset.done $0x0  }
0x49: {  	s9 =	sadd.s32 $0x3E80, s9;
	s8 =	smul.u32 $0xFA00, s8;
	[sflag:s26] =	ssyncadd.s32 $0xFFFFF830  }
0x4a: {  	s11 =	sshrl.u32 s11, $0x2;
	s6 =	smul.u32 $0x1F40, s23;
	_ =	swait.ge [sflag:s26], $0x7D0  }
0x4b: {  	s5 =	simm.s32 $0x7;
	s23 =	sadd.s32 $0xFA, s18;
	[sflag:s26] =	ssyncset.done $0x0  }
0x4c: {  	s10 =	sshrl.u32 s6, $0x2;
	s6 =	simm.s32 $0x3;
	[sflag:s26] =	ssyncadd.s32 $0xFFFFF830  }
.LBB2_2:
0x4d: {  	[tilespmem:s9], [sflag:$0x2] =	stream.indirect.gather [hbm4b:s4+s22], $0x8, s10, s22, $0xb8;
	[tilespmem:$0x1FC00] =	vst v63  }
0x4e: {  	s9 =	smov.u32 s29;
	s29 =	smov.u32 s5  }
0x4f: {  	p1 =	sgt.u32 s6, $0x61;
	s10 =	sadd.s32 $0x1F40, s11;
	_ =	swait.ge [sflag:s0], $0x3E80  }
0x50: {  	s8 =	sshrl.u32 s8, $0x2;
	s11 =	sadd.s32 @!p1 $0xFFFFFFFF, s9;
	[sflag:s0] =	ssyncset.done $0x0  }
0x51: {  	s8 =	sadd.s32 $0x3E80, s8;
	s11 =	sand.u32 @!p1 $0x3, s11;
	[sflag:s0] =	ssyncadd.s32 $0xFFFFC180  }
0x52: {  	[spmem:s1] =	stream.indirect.scatter.add.f32 [tilespmem:s8], [sflag:$0x3], $0x8, s10, s22, $0xb8;
	[tilespmem:$0x1FC00] =	vst v63  }
0x53: {  	s5 =	sadd.s32 $0x1, s5;
	s8 =	smul.u32 @!p1 $0x7D0, s11;
	_ =	swait.ge [sflag:s3], $0x3E80  }
0x54: {  	p0 =	sne.s32 s5, $0x67;
	[sflag:s3] =	ssyncset.done $0x0  }
0x55: {  	s10 =	simm.s32 @!p1 $0x0;
	s11 =	sadd.s32 @!p1 $0x1F40, s8;
	[sflag:s3] =	ssyncadd.s32 $0xFFFFC180  }
0x56: {  	[tilespmem:s8], [sflag:$0x1] =	stream.linear.gather @!p1 [hbm4b:s31+s10], $0x7D0, $0x38;
	[tilespmem:$0x1FC00] =	vst v63  }
0x57: {  	s6 =	sand.u32 $0x3, s6  }
0x58: {  	[tilespmem:s11], [sflag:$0x1] =	stream.linear.gather @!p1 [hbm4b:s23+s10], $0x7D0, $0x38;
	[tilespmem:$0x1FC00] =	vst v63  }
0x59: {  	s8 =	smul.u32 $0xFA00, s6;
	_ =	swait.ge [sflag:s26], $0x7D0  }
0x5a: {  	s6 =	smul.u32 $0x1F40, s6;
	[sflag:s26] =	ssyncset.done $0x0  }
.Ltmp0:
0x5b: {  	s31 =	sadd.s32 $0xFA, s31;
	[sflag:s26] =	ssyncadd.s32 $0xFFFFF830;
	(pc) =	sbr.rel @p0 .LBB2_2-.Ltmp0, $4  }
0x5c: {  	s8 =	sshrl.u32 s8, $0x2;
	s11 =	sand.u32 $0x3, s9;
	s23 =	sadd.s32 $0xFA, s23  }
0x5d: {  	s9 =	sadd.s32 $0x3E80, s8;
	s12 =	smul.u32 $0x1F40, s11;
	_ =	swait.ge [sflag:s26], $0x7D0  }
0x5e: {  	s10 =	sshrl.u32 s6, $0x2;
	s8 =	smul.u32 $0xFA00, s11;
	[sflag:s26] =	ssyncset.done $0x0  }
0x5f: {  	s6 =	sadd.s32 $0xFFFFFFFD, s29;
	s11 =	sshrl.u32 s12, $0x2;
	[sflag:s26] =	ssyncadd.s32 $0xFFFFF830  }
0x60: {  	[tilespmem:s9], [sflag:$0x2] =	stream.indirect.gather [hbm4b:s4+s22], $0x8, s10, s22, $0xb8;
	[tilespmem:$0x1FC00] =	vst v63  }
0x61: {  	p0 =	sgt.u32 s6, $0x61;
	_ =	swait.ge [sflag:s0], $0x3E80  }
0x62: {  	s5 =	sadd.s32 $0x1F40, s11;
	s8 =	sshrl.u32 s8, $0x2;
	[sflag:s0] =	ssyncset.done $0x0  }
0x63: {  	s9 =	sadd.s32 @!p0 $0xFFFFFFFF, s29;
	s8 =	sadd.s32 $0x3E80, s8;
	[sflag:s0] =	ssyncadd.s32 $0xFFFFC180  }
0x64: {  	[spmem:s1] =	stream.indirect.scatter.add.f32 [tilespmem:s8], [sflag:$0x3], $0x8, s5, s22, $0xb8;
	[tilespmem:$0x1FC00] =	vst v63  }
0x65: {  	s5 =	sand.u32 @!p0 $0x3, s9;
	_ =	swait.ge [sflag:s3], $0x3E80  }
0x66: {  	s5 =	smul.u32 @!p0 $0x7D0, s5;
	[sflag:s3] =	ssyncset.done $0x0  }
0x67: {  	s8 =	simm.s32 @!p0 $0x0;
	[sflag:s3] =	ssyncadd.s32 $0xFFFFC180  }
0x68: {  	[tilespmem:s5], [sflag:$0x1] =	stream.linear.gather @!p0 [hbm4b:s31+s8], $0x7D0, $0x38;
	[tilespmem:$0x1FC00] =	vst v63  }
0x69: {  	s5 =	sadd.s32 @!p0 $0x1F40, s5  }
0x6a: {  	[tilespmem:s5], [sflag:$0x1] =	stream.linear.gather @!p0 [hbm4b:s23+s8], $0x7D0, $0x38;
	[tilespmem:$0x1FC00] =	vst v63  }
0x6b: {  	s9 =	sand.u32 $0x3, s6;
	_ =	swait.ge [sflag:s26], $0x7D0  }
0x6c: {  	s6 =	smul.u32 $0xFA00, s9;
	[sflag:s26] =	ssyncset.done $0x0  }
0x6d: {  	s10 =	sand.u32 $0x3, s29;
	[sflag:s26] =	ssyncadd.s32 $0xFFFFF830  }
0x6e: {  	s6 =	sshrl.u32 s6, $0x2;
	s5 =	smul.u32 $0x1F40, s9;
	_ =	swait.ge [sflag:s26], $0x7D0  }
0x6f: {  	s11 =	smul.u32 $0x1F40, s10;
	s6 =	sadd.s32 $0x3E80, s6;
	[sflag:s26] =	ssyncset.done $0x0  }
0x70: {  	s8 =	smul.u32 $0xFA00, s10;
	s5 =	sshrl.u32 s5, $0x2;
	[sflag:s26] =	ssyncadd.s32 $0xFFFFF830  }
0x71: {  	[tilespmem:s6], [sflag:$0x2] =	stream.indirect.gather [hbm4b:s4+s22], $0x8, s5, s22, $0xb8;
	[tilespmem:$0x1FC00] =	vst v63  }
0x72: {  	_ =	swait.ge [sflag:s0], $0x3E80  }
0x73: {  	s12 =	sshrl.u32 s11, $0x2;
	s23 =	sshrl.u32 s8, $0x2;
	[sflag:s0] =	ssyncset.done $0x0  }
0x74: {  	s5 =	sadd.s32 $0x1F40, s12;
	s6 =	sadd.s32 $0x3E80, s23;
	[sflag:s0] =	ssyncadd.s32 $0xFFFFC180  }
0x75: {  	[spmem:s1] =	stream.indirect.scatter.add.f32 [tilespmem:s6], [sflag:$0x3], $0x8, s5, s22, $0xb8;
	[tilespmem:$0x1FC00] =	vst v63  }
0x76: {  	_ =	swait.ge [sflag:s0], $0x3E80  }
0x77: {  	[sflag:s0] =	ssyncset.done $0x0  }
0x78: {  	s29 =	simm.s32 $0xFA00;
	[sflag:s0] =	ssyncadd.s32 $0xFFFFC180  }
0x79: {  	[spmem:s1] =	stream.indirect.scatter.add.f32 [tilespmem:s29], [sflag:$0x3], $0x8, s30, s22, $0xb8;
	[tilespmem:$0x1FC00] =	vst v63  }
0x7a: {  	_ =	swait.ge [sflag:s3], $0x3E80  }
0x7b: {  	[sflag:s3] =	ssyncset.done $0x0  }
0x7c: {  	[sflag:s3] =	ssyncadd.s32 $0xFFFFC180  }
0x7d: {  	_ =	swait.ge [sflag:s3], $0x3E80  }
0x7e: {  	[sflag:s3] =	ssyncset.done $0x0  }
0x7f: {  	s24 =	sadd.s32 $0x1, s24;
	[sflag:s3] =	ssyncadd.s32 $0xFFFFC180  }
0x80: {  	p0 =	sne.s32 s24, s13;
	[bflag:$0x0] =	sbarrier.arrive $0xFFFF  }
.Ltmp1:
0x81: {  	s31 =	rddreg [dreg:$0xa];
	(pc) =	sbr.rel @p0 .LBB2_1-.Ltmp1, $4  }
0x82: {  	[hbm:s31], [sflag:s7] =	dma.local [spmem:s25], $0x1870  }
0x83: {  	_ =	swait.ge [sflag:s20], $0x1870  }
0x84: {  	[sflag:s20] =	ssyncset.done $0x0  }
0x85: {  	[sflag:s20] =	ssyncadd.s32 $0xFFFFE790  }
0x86: {  	_ =	sfence.sel $0x180000  }
0x87: {  	[bflag:$0x0] =	sbarrier.arrive $0xFFFF  }
0x88: {  	_ =	strace $0x90000047  }
0x89: {  	s0 =	stileid.u32;
	[bflag:$0x2] =	sbarrier.arrive $0xFFFF  }
0x8a: {  	p0 =	sne.s32 s0, $0x0;
	s0 =	rddreg [dreg:$0x3]  }
0x8b: {  	s0 =	sadd.s32 @!p0 $0x100000, s0  }
0x8c: {  	[sflag:s0] =	ssyncadd.tile.s32 @!p0 $0x1;
	_ =	shalt  }
.Lfunc_end2:
_tile_overlayer_lowered:
.L_overlay_start_2:
0x8d: {  	(tag) =	ssettag $0x2  }
0x8e: {  	s0 =	rddreg [dreg:$0x0];
	s2 =	stileid.u32  }
0x8f: {  	s1 =	rddreg [dreg:$0x1];
	p0 =	sne.s32 s2, $0x0  }
0x90: {  	s3 =	rddreg [dreg:$0x2];
	[bflag:$0x3] =	sbarrier.arrive $0xFFFF;
	s2 =	simm.s32 @!p0 $0x1C04  }
0x91: {  	[timem:s3], [sflag:s2] =	dma.local @!p0 [hbm:s0], s1  }
0x92: {  	s0 =	simm.s32 @!p0 $0x4  }
0x93: {  	_ =	swait.ge @!p0 [sflag:s0], s1  }
0x94: {  	s1 =	ssub.s32 @!p0 $0x0, s1;
	[sflag:s0] =	ssyncset.done @!p0 $0x0  }
0x95: {  	[sflag:s0] =	ssyncadd.s32 @!p0 s1  }
0x96: {  	[bflag:$0x3] =	sbarrier.arrive $0xFFFF  }
0x97: {  	_ =	shalt  }

// kernel: kernel.14.cloned.1.call-start
scs
__scs_entry_jumppad:
0x0: {  	(pc) =	sbr.rel $0x88, $3  }
0x1: {  	(tag) =	ssettag $0x0;
	lr =	simm.s32 $0x1  }
0x2: {  	[smem:$0x3F8D] =	sst lr;
	_ =	strace $0xD0000000  }
0x3: {  	_ = 	snop  }
0x4: {  	_ = 	snop  }
0x5: {  	_ = 	snop  }
0x6: {  	_ = 	snop  }
0x7: {  	_ = 	snop  }
__scs_overlays_trampoline_lowered:
0x8: {  	[smem:$0x3F9C] =	sst s0  }
0x9: {  	[smem:$0x3F9D] =	sst s1  }
0xa: {  	[smem:$0x3F9E] =	sst s2  }
0xb: {  	[smem:$0x3F9F] =	sst s3  }
0xc: {  	[smem:$0x3FA0] =	sst s4  }
0xd: {  	[smem:$0x3FA1] =	sst s5  }
0xe: {  	[smem:$0x3FA2] =	sst s6  }
0xf: {  	[smem:$0x3FA3] =	sst s7  }
0x10: {  	[smem:$0x3FA4] =	sst s8  }
0x11: {  	[smem:$0x3FA5] =	sst s9;
	s0 =	simm.s32 @!p0 $0x0  }
0x12: {  	s1 =	sld [smem:$0x3F8B];
	s0 =	simm.s32 @p0 $0x1  }
0x13: {  	[smem:$0x3FA6] =	sst s0;
	s0 =	simm.s32 @!p1 $0x0  }
0x14: {  	s2 =	sld [smem:$0x3F8A];
	s0 =	simm.s32 @p1 $0x1  }
0x15: {  	[smem:$0x3FA7] =	sst s0;
	s0 =	simm.s32 @!p2 $0x0  }
0x16: {  	s3 =	sld [smem:$0x3FDB];
	s0 =	simm.s32 @p2 $0x1  }
0x17: {  	s4 =	simm.s32 $0x1BF5;
	[smem:$0x3FA9] =	sst s0  }
0x18: {  	s0 =	sld [smem:$0x3F8C];
	_ =	swait.ge [sflag:s4], $0x0  }
0x19: {  	s7 =	sld [smem:$0x3F8D]  }
0x1a: {  	s8 =	sadd.s32 $0xFFFFE003, lr  }
0x1b: {  	s9 =	sadd.s32 $0xFFFFFEF7, lr;
	s5 =	simm.s32 $0xFFFFFFFF;
	p2 =	slt.u32 s8, $0xFFFFF086  }
0x1c: {  	p1 =	slt.u32 s9, $0xF7A;
	s5 =	simm.s32 @!p2 $0x0  }
0x1d: {  	s5 =	simm.s32 @p1 $0x1;
	p0 =	seq.s32 s7, s2  }
0x1e: {  	s7 =	smul.u32 @!p0 $0xF7A, s2;
	p2 =	seq.s32 @!p0 s5, $0x0  }
0x1f: {  	s9 =	smul.u32 $0xF7A, s1;
	s8 =	simm.s32 @!p0 $0x1BF5;
	p2 =	por !p2, p0  }
0x20: {  	[sflag:s8] =	ssyncset.s32 @!p0 $0xFFFFF086;
	s6 =	sadd.s32 @!p0 s3, s7;
	s7 =	simm.s32 @!p0 $0x108  }
0x21: {  	s3 =	sadd.s32 s3, s9;
	s6 =	sadd.s32 @!p0 $0x88, s6;
	s7 =	simm.s32 @p2 $0x1082  }
0x22: {  	[simem:s7], [sflag:s8] =	dma.local @!p0 [hbm:s6], $0xF7A  }
0x23: {  	s9 =	sor.u32 $0xD0000000, s2;
	s6 =	simm.s32 $0x108;
	_ =	swait.ge @!p0 [sflag:s8], $0x0  }
0x24: {  	s3 =	sadd.s32 $0x88, s3;
	s6 =	simm.s32 @!p1 $0x1082;
	[sflag:s4] =	ssyncset.s32 $0xFFFFF086  }
0x25: {  	[simem:s6], [sflag:s4] =	dma.local [hbm:s3], $0xF7A  }
0x26: {  	[smem:$0x3F8D] =	sst s1;
	(tag) =	ssettag s2;
	_ =	strace s9  }
0x27: {  	s1 =	sld [smem:$0x3F9D]  }
0x28: {  	s2 =	sld [smem:$0x3F9E]  }
0x29: {  	s4 =	sld [smem:$0x3FA0]  }
0x2a: {  	p0 =	seq.s32 s5, $0x0;
	s5 =	sld [smem:$0x3FA1]  }
0x2b: {  	s6 =	sld [smem:$0x3FA2]  }
0x2c: {  	s7 =	sld [smem:$0x3FA3]  }
0x2d: {  	s3 =	simm.s32 $0x108;
	s8 =	sld [smem:$0x3FA4]  }
0x2e: {  	s3 =	simm.s32 @!p0 $0x1082;
	s9 =	sld [smem:$0x3FA5]  }
0x2f: {  	lr =	sadd.s32 s0, s3;
	s0 =	sld [smem:$0x3F9C]  }
0x30: {  	s3 =	sld [smem:$0x3F9F]  }
0x31: {  	[smem:$0x3FA8] =	sst s10  }
0x32: {  	s10 =	sld [smem:$0x3FA6];
	_ =	sdelay $0x3  }
0x33: {  	p0 =	seq.s32 s10, $0x1;
	s10 =	sld [smem:$0x3FA8];
	_ =	sdelay $0x3  }
0x34: {  	[smem:$0x3FA8] =	sst s10  }
0x35: {  	s10 =	sld [smem:$0x3FA7];
	_ =	sdelay $0x3  }
0x36: {  	p1 =	seq.s32 s10, $0x1;
	s10 =	sld [smem:$0x3FA8];
	_ =	sdelay $0x3  }
0x37: {  	[smem:$0x3FA8] =	sst s10  }
0x38: {  	s10 =	sld [smem:$0x3FA9]  }
0x39: {  	_ = 	snop;
	(pc) =	sbr.ind lr, $3  }
0x3a: {  	_ = 	snop  }
0x3b: {  	_ = 	snop  }
0x3c: {  	p2 =	seq.s32 s10, $0x1;
	s10 =	sld [smem:$0x3FA8]  }
0x3d: {  	_ =	shalt  }
0x3e: {  	_ =	shalt  }
0x3f: {  	_ =	shalt  }
0x40: {  	_ =	shalt  }
0x41: {  	_ =	shalt  }
0x42: {  	_ =	shalt  }
0x43: {  	_ =	shalt  }
0x44: {  	_ =	shalt  }
0x45: {  	_ =	shalt  }
0x46: {  	_ =	shalt  }
0x47: {  	_ =	shalt  }
0x48: {  	_ =	shalt  }
0x49: {  	_ =	shalt  }
0x4a: {  	_ =	shalt  }
0x4b: {  	_ =	shalt  }
0x4c: {  	_ =	shalt  }
0x4d: {  	_ =	shalt  }
0x4e: {  	_ =	shalt  }
0x4f: {  	_ =	shalt  }
0x50: {  	_ =	shalt  }
0x51: {  	_ =	shalt  }
0x52: {  	_ =	shalt  }
0x53: {  	_ =	shalt  }
0x54: {  	_ =	shalt  }
0x55: {  	_ =	shalt  }
0x56: {  	_ =	shalt  }
0x57: {  	_ =	shalt  }
0x58: {  	_ =	shalt  }
0x59: {  	_ =	shalt  }
0x5a: {  	_ =	shalt  }
0x5b: {  	_ =	shalt  }
0x5c: {  	_ =	shalt  }
0x5d: {  	_ =	shalt  }
0x5e: {  	_ =	shalt  }
0x5f: {  	_ =	shalt  }
0x60: {  	_ =	shalt  }
0x61: {  	_ =	shalt  }
0x62: {  	_ =	shalt  }
0x63: {  	_ =	shalt  }
0x64: {  	_ =	shalt  }
0x65: {  	_ =	shalt  }
0x66: {  	_ =	shalt  }
0x67: {  	_ =	shalt  }
0x68: {  	_ =	shalt  }
0x69: {  	_ =	shalt  }
0x6a: {  	_ =	shalt  }
0x6b: {  	_ =	shalt  }
0x6c: {  	_ =	shalt  }
0x6d: {  	_ =	shalt  }
0x6e: {  	_ =	shalt  }
0x6f: {  	_ =	shalt  }
0x70: {  	_ =	shalt  }
0x71: {  	_ =	shalt  }
0x72: {  	_ =	shalt  }
0x73: {  	_ =	shalt  }
0x74: {  	_ =	shalt  }
0x75: {  	_ =	shalt  }
0x76: {  	_ =	shalt  }
0x77: {  	_ =	shalt  }
0x78: {  	_ =	shalt  }
0x79: {  	_ =	shalt  }
0x7a: {  	_ =	shalt  }
0x7b: {  	_ =	shalt  }
0x7c: {  	_ =	shalt  }
0x7d: {  	_ =	shalt  }
0x7e: {  	_ =	shalt  }
0x7f: {  	_ =	shalt  }
0x80: {  	_ =	shalt  }
0x81: {  	_ =	shalt  }
0x82: {  	_ =	shalt  }
0x83: {  	_ =	shalt  }
0x84: {  	_ =	shalt  }
0x85: {  	_ =	shalt  }
0x86: {  	_ =	shalt  }
0x87: {  	_ =	shalt  }
.Lfunc_end0:
.L_simem_size_0:
called_computation.1_lowered:
.L_overlay_start_0:
0x88: {  	s2 =	sld [smem:$0x3FD9]  }
0x89: {  	s3 =	sld [smem:$0x3FFE];
	_ =	sdelay $0x1  }
0x8a: {  	s1 =	srdreg.scid  }
0x8b: {  	s0 =	sand.u32 $0x1, s1  }
0x8c: {  	s16 =	sshll.u32 s0, $0xA;
	s2 =	sadd.s32 s3, s2  }
0x8d: {  	s2 =	sadd.s32 s2, s16  }
0x8e: {  	[smem:$0x3FB4] =	sst s2  }
0x8f: {  	_ = 	snop  }
0x90: {  	(tm) =	ssettm $0x1  }
0x91: {  	s17 =	sld [smem:$0x3FFB];
	_ =	sdelay $0x3  }
0x92: {  	_ =	strace s17  }
0x93: {  	s2 =	sld [smem:$0x3FFC];
	_ =	sdelay $0x3  }
0x94: {  	_ =	strace s2  }
0x95: {  	s2 =	sld [smem:$0x3FFD];
	_ =	sdelay $0x3  }
0x96: {  	_ =	strace s2  }
0x97: {  	_ =	strace $0x8FFFFFFF  }
0x98: {  	s18 =	sld [smem:$0x3FDB];
	_ =	sdelay $0x1  }
0x99: {  	s19 =	simm.s32 $_scs_section_size  }
0x9a: {  	s4 =	simm.s32 $_size__tile_overlayer_lowered;
	s5 =	simm.s32 $_tile_overlayer_lowered  }
0x9b: {  	s22 =	simm.s32 $0x1BFF;
	s21 =	sshll.u32 s5, $0x1;
	s2 =	sadd.s32 s19, s18  }
0x9c: {  	s6 =	simm.s32 $0x0;
	s20 =	sshll.u32 s4, $0x1;
	s4 =	sadd.s32 s21, s2  }
0x9d: {  	[timem:s6], [sflag:s22] =	dma.local [hbm:s4], s20  }
0x9e: {  	_ =	swait.ge [sflag:s22], s20  }
0x9f: {  	s3 =	ssub.s32 $0x0, s20;
	[sflag:s22] =	ssyncset.done $0x0  }
0xa0: {  	[sflag:s22] =	ssyncadd.s32 s3;
	_ =	sdelay $0x1  }
0xa1: {  	s23 =	simm.s32 $0x1B8B  }
0xa2: {  	_ =	swait.ge [sflag:s23], $0x1  }
0xa3: {  	[sflag:s23] =	ssyncset.done $0x0  }
0xa4: {  	s25 =	simm.s32 $0x1B8E;
	s24 =	sld [smem:$0x3FFE];
	[sflag:s23] =	ssyncadd.s32 $0xFFFFFFFF  }
0xa5: {  	s26 =	simm.s32 $execute0_lowered;
	[smem:$0x3FD2] =	sst s25  }
0xa6: {  	s4 =	sshll.u32 s26, $0x1;
	_ =	strace $0x80000049;
	[dreg:$0x1] =	wrdreg $0xFFFFFFFF  }
0xa7: {  	s28 =	simm.s32 $_size_execute0_lowered;
	s2 =	sadd.s32 s2, s4;
	[dreg:$0x0] =	wrdreg $0x0  }
0xa8: {  	s4 =	sshll.u32 s28, $0x1;
	[dreg:$0x2] =	wrdreg s2  }
0xa9: {  	[dreg:$0x3] =	wrdreg s4  }
0xaa: {  	[dreg:$0x4] =	wrdreg $0xC0  }
0xab: {  	_ =	task [dreg:s6], $0x5FFFF  }
0xac: {  	[dreg:$0x1] =	wrdreg $0xFFFFFFFF  }
0xad: {  	[dreg:$0x0] =	wrdreg $0x60  }
0xae: {  	[dreg:$0x2] =	wrdreg s24  }
0xaf: {  	[dreg:$0x3] =	wrdreg $0x138800  }
0xb0: {  	[dreg:$0x4] =	wrdreg $0x9  }
0xb1: {  	_ =	task.clear_ibuf [dreg:s6], $0x5FFFF;
	_ =	strace $0x90000049  }
0xb2: {  	s29 =	simm.s32 $0x9;
	_ =	strace $0x8000004B  }
0xb3: {  	_ =	swait.ge [sflag:s29], $0x1  }
0xb4: {  	[sflag:s29] =	ssyncadd.s32 $0xFFFFFFFF  }
0xb5: {  	_ =	strace $0x9000004B  }
0xb6: {  	_ =	sfence  }
0xb7: {  	s30 =	sld [smem:$0x0];
	_ =	sdelay $0x2  }
0xb8: {  	s31 =	sshll.u32 s1, $0xD;
	s1 =	sshrl.u32 s1, $0x2  }
0xb9: {  	s3 =	sand.u32 $0x4000, s31;
	s1 =	sadd.s32 s1, s30  }
0xba: {  	s0 =	sor.u32 s3, s0;
	s1 =	sshll.u32 s1, $0x11  }
0xbb: {  	s0 =	sor.u32 s1, s0  }
0xbc: {  	s0 =	sadd.s32 $0x8F2B, s0  }
0xbd: {  	[sflag:s0] =	ssyncadd.remote.s32 $0x1  }
0xbe: {  	_ =	sfence.sel $0xFFFF  }
0xbf: {  	[dreg:$0x0] =	wrdreg $0xFFFFFFFF;
	(pc) =	sbr.abs _section_cstart, $3  }
0xc0: {  	[dreg:$0x1] =	wrdreg $0xFFFFFFFF  }
0xc1: {  	_ =	task.clear_ibuf [dreg:s6], $0x2FFFF;
	_ =	strace $0x9FFFFFFF  }
0xc2: {  	(tm) =	ssettm $0x7FFFFFFF  }
0xc3: {  	_ =	shalt  }
tec
execute0_lowered:
.L_overlay_start_1:
0x0: {  	(tag) =	ssettag $0x1  }
0x1: {  	s0 =	rddreg [dreg:$0x0]  }
0x2: {  	s2 =	rddreg [dreg:$0x1]  }
0x3: {  	s3 =	simm.s32 $0x0;
	s13 =	stileid.u32;
	s5 =	srdreg.scid  }
0x4: {  	s28 =	simm.s32 $0x3E80;
	s30 =	simm.s32 $0x36B0;
	[smem:$0x7FF] =	sst s3  }
0x5: {  	s1 =	smul.u32 $0xC380, s13;
	s4 =	sadd.s32 $0x3400, s0;
	s6 =	sadd.s32 $0x265C00, s0  }
0x6: {  	s5 =	sand.u32 $0x1, s5;
	s9 =	sadd.s32 $0x1A2600, s0;
	s24 =	smul.u32 $0x30D40, s13  }
0x7: {  	s19 =	sshll.u32 s13, $0x6;
	_ =	strace $0x8000004A;
	s8 =	smul.u32 $0xC3800, s5  }
0x8: {  	s10 =	sshll.u32 s5, $0x4;
	s11 =	ssub.s32 $0x2, s5;
	s21 =	smul.u32 $0x30D400, s5  }
0x9: {  	s7 =	sshrl.u32 s1, $0x3;
	s10 =	sor.u32 s13, s10;
	s12 =	sshrl.u32 s11, $0x1  }
0xa: {  	s7 =	sadd.s32 s7, s0;
	s8 =	sadd.s32 s1, s8;
	s10 =	smul.u32 $0x30D40, s10  }
0xb: {  	s17 =	ssub.s32 s11, s12;
	s1 =	sadd.s32 s1, s2;
	s8 =	sshrl.u32 s8, $0x3  }
0xc: {  	[dreg:$0x3] =	wrdreg s1;
	s18 =	sadd.s32 $0x329200, s7;
	s7 =	sor.u32 $0x1C04, s19  }
0xd: {  	s13 =	smax.u32 s17, $0x1;
	s1 =	sadd.s32 s24, s21;
	s21 =	simm.s32 $0x1F40  }
0xe: {  	s24 =	simm.s32 $0x0;
	s0 =	sadd.s32 s8, s0;
	s10 =	sshrl.u32 s10, $0x3  }
0xf: {  	[dreg:$0x4] =	wrdreg s18;
	s1 =	sadd.s32 $0x1F40, s1;
	s20 =	sadd.s32 s6, s10  }
0x10: {  	s22 =	sadd.s32 s9, s10;
	s23 =	sadd.s32 $0xFA, s10;
	s0 =	sadd.s32 $0x1BC00, s0  }
0x11: {  	s26 =	sadd.s32 $0x1F4, s10;
	s29 =	sadd.s32 $0x2EE, s10;
	[dreg:$0x5] =	wrdreg s20  }
0x12: {  	s31 =	sshrl.u32 s1, $0x3;
	s1 =	simm.s32 $0x3;
	[dreg:$0x6] =	wrdreg s22  }
0x13: {  	s25 =	sadd.s32 s6, s23;
	s5 =	sadd.s32 s9, s23;
	[dreg:$0x9] =	wrdreg s0  }
0x14: {  	s14 =	sadd.s32 s6, s26;
	s15 =	sadd.s32 s9, s26;
	s16 =	sadd.s32 s6, s29  }
0x15: {  	s17 =	sadd.s32 s9, s29;
	s18 =	sadd.s32 s31, s9;
	s19 =	sadd.s32 s31, s6  }
0x16: {  	s20 =	simm.s32 $0x4;
	s22 =	simm.s32 $0x7D0;
	[dreg:$0x7] =	wrdreg s25  }
0x17: {  	s26 =	simm.s32 $0x1;
	s0 =	simm.s32 $0x2;
	[dreg:$0x8] =	wrdreg s5  }
.LBB2_1:
0x18: {  	s5 =	rddreg [dreg:$0x3]  }
0x19: {  	s11 =	rddreg [dreg:$0x4];
	s25 =	sshrl.u32 s5, $0x3  }
0x1a: {  	[spmem:s25], [sflag:s7] =	dma.local [hbm:s11], $0x1870  }
0x1b: {  	_ =	swait.ge [sflag:s20], $0x1870  }
0x1c: {  	[sflag:s20] =	ssyncset.done $0x0  }
0x1d: {  	[sflag:s20] =	ssyncadd.s32 $0xFFFFE790  }
0x1e: {  	[bflag:$0x0] =	sbarrier.arrive $0xFFFF  }
0x1f: {  	s12 =	rddreg [dreg:$0x5]  }
0x20: {  	[tilespmem:s3], [sflag:$0x1] =	stream.linear.gather [hbm4b:s12+s3], $0x7D0, $0x38;
	[tilespmem:$0x1FC00] =	vst v63  }
0x21: {  	s23 =	rddreg [dreg:$0x6]  }
0x22: {  	[tilespmem:s21], [sflag:$0x1] =	stream.linear.gather [hbm4b:s23+s3], $0x7D0, $0x38;
	[tilespmem:$0x1FC00] =	vst v63  }
0x23: {  	s6 =	rddreg [dreg:$0x7]  }
0x24: {  	[tilespmem:s22], [sflag:$0x1] =	stream.linear.gather [hbm4b:s6+s3], $0x7D0, $0x38;
	[tilespmem:$0x1FC00] =	vst v63  }
0x25: {  	s8 =	rddreg [dreg:$0x8];
	s6 =	simm.s32 $0x2710  }
0x26: {  	[tilespmem:s6], [sflag:$0x1] =	stream.linear.gather [hbm4b:s8+s3], $0x7D0, $0x38;
	[tilespmem:$0x1FC00] =	vst v63  }
0x27: {  	s9 =	simm.s32 $0xFA0  }
0x28: {  	[tilespmem:s9], [sflag:$0x1] =	stream.linear.gather [hbm4b:s14+s3], $0x7D0, $0x38;
	[tilespmem:$0x1FC00] =	vst v63  }
0x29: {  	s10 =	simm.s32 $0x2EE0  }
0x2a: {  	[tilespmem:s10], [sflag:$0x1] =	stream.linear.gather [hbm4b:s15+s3], $0x7D0, $0x38;
	[tilespmem:$0x1FC00] =	vst v63  }
0x2b: {  	_ =	swait.ge [sflag:s26], $0x7D0  }
0x2c: {  	[sflag:s26] =	ssyncset.done $0x0  }
0x2d: {  	[sflag:s26] =	ssyncadd.s32 $0xFFFFF830  }
0x2e: {  	_ =	swait.ge [sflag:s26], $0x7D0  }
0x2f: {  	[sflag:s26] =	ssyncset.done $0x0  }
0x30: {  	[sflag:s26] =	ssyncadd.s32 $0xFFFFF830  }
0x31: {  	[tilespmem:s28], [sflag:$0x2] =	stream.indirect.gather [hbm4b:s4+s22], $0x8, s3, s22, $0xb8;
	[tilespmem:$0x1FC00] =	vst v63  }
0x32: {  	s11 =	simm.s32 $0x1770  }
0x33: {  	[tilespmem:s11], [sflag:$0x1] =	stream.linear.gather [hbm4b:s16+s3], $0x7D0, $0x38;
	[tilespmem:$0x1FC00] =	vst v63  }
0x34: {  	_ = 	snop  }
0x35: {  	[tilespmem:s30], [sflag:$0x1] =	stream.linear.gather [hbm4b:s17+s3], $0x7D0, $0x38;
	[tilespmem:$0x1FC00] =	vst v63  }
0x36: {  	_ =	swait.ge [sflag:s26], $0x7D0  }
0x37: {  	[sflag:s26] =	ssyncset.done $0x0  }
0x38: {  	[sflag:s26] =	ssyncadd.s32 $0xFFFFF830  }
0x39: {  	_ =	swait.ge [sflag:s26], $0x7D0  }
0x3a: {  	[sflag:s26] =	ssyncset.done $0x0  }
0x3b: {  	s12 =	simm.s32 $0x7D00;
	[sflag:s26] =	ssyncadd.s32 $0xFFFFF830  }
0x3c: {  	[tilespmem:s12], [sflag:$0x2] =	stream.indirect.gather [hbm4b:s4+s22], $0x8, s22, s22, $0xb8;
	[tilespmem:$0x1FC00] =	vst v63  }
0x3d: {  	_ =	swait.ge [sflag:s0], $0x3E80  }
0x3e: {  	p0 =	por $0x0, $0x0;
	[sflag:s0] =	ssyncset.done $0x0  }
0x3f: {  	s5 =	simm.s32 @!p0 $0x4;
	[sflag:s0] =	ssyncadd.s32 $0xFFFFC180  }
0x40: {  	[spmem:s2] =	stream.indirect.scatter.add.f32 [tilespmem:s28], [sflag:$0x3], $0x8, s21, s22, $0xb8;
	[tilespmem:$0x1FC00] =	vst v63  }
0x41: {  	s29 =	simm.s32 $0x6;
	s5 =	sand.u32 @!p0 $0x3, s5;
	_ =	swait.ge [sflag:s1], $0x3E80  }
0x42: {  	s5 =	smul.u32 @!p0 $0x7D0, s5;
	s9 =	simm.s32 $0x2;
	[sflag:s1] =	ssyncset.done $0x0  }
0x43: {  	s6 =	simm.s32 @!p0 $0x0;
	s23 =	sand.u32 $0x3, s9;
	[sflag:s1] =	ssyncadd.s32 $0xFFFFC180  }
0x44: {  	[tilespmem:s5], [sflag:$0x1] =	stream.linear.gather @!p0 [hbm4b:s19+s6], $0x7D0, $0x38;
	[tilespmem:$0x1FC00] =	vst v63  }
0x45: {  	s8 =	simm.s32 $0x5;
	s9 =	smul.u32 $0xFA00, s23;
	s5 =	sadd.s32 @!p0 $0x1F40, s5  }
0x46: {  	[tilespmem:s5], [sflag:$0x1] =	stream.linear.gather @!p0 [hbm4b:s18+s6], $0x7D0, $0x38;
	[tilespmem:$0x1FC00] =	vst v63  }
0x47: {  	s31 =	sadd.s32 $0xFA, s19;
	s8 =	sand.u32 $0x3, s8;
	_ =	swait.ge [sflag:s26], $0x7D0  }
0x48: {  	s9 =	sshrl.u32 s9, $0x2;
	s11 =	smul.u32 $0x1F40, s8;
	[sflag:s26] =	ssyncset.done $0x0  }
0x49: {  	s9 =	sadd.s32 $0x3E80, s9;
	s8 =	smul.u32 $0xFA00, s8;
	[sflag:s26] =	ssyncadd.s32 $0xFFFFF830  }
0x4a: {  	s11 =	sshrl.u32 s11, $0x2;
	s6 =	smul.u32 $0x1F40, s23;
	_ =	swait.ge [sflag:s26], $0x7D0  }
0x4b: {  	s5 =	simm.s32 $0x7;
	s23 =	sadd.s32 $0xFA, s18;
	[sflag:s26] =	ssyncset.done $0x0  }
0x4c: {  	s10 =	sshrl.u32 s6, $0x2;
	s6 =	simm.s32 $0x3;
	[sflag:s26] =	ssyncadd.s32 $0xFFFFF830  }
.LBB2_2:
0x4d: {  	[tilespmem:s9], [sflag:$0x2] =	stream.indirect.gather [hbm4b:s4+s22], $0x8, s10, s22, $0xb8;
	[tilespmem:$0x1FC00] =	vst v63  }
0x4e: {  	s9 =	smov.u32 s29;
	s29 =	smov.u32 s5  }
0x4f: {  	p1 =	sgt.u32 s6, $0x61;
	s10 =	sadd.s32 $0x1F40, s11;
	_ =	swait.ge [sflag:s0], $0x3E80  }
0x50: {  	s8 =	sshrl.u32 s8, $0x2;
	s11 =	sadd.s32 @!p1 $0xFFFFFFFF, s9;
	[sflag:s0] =	ssyncset.done $0x0  }
0x51: {  	s8 =	sadd.s32 $0x3E80, s8;
	s11 =	sand.u32 @!p1 $0x3, s11;
	[sflag:s0] =	ssyncadd.s32 $0xFFFFC180  }
0x52: {  	[spmem:s2] =	stream.indirect.scatter.add.f32 [tilespmem:s8], [sflag:$0x3], $0x8, s10, s22, $0xb8;
	[tilespmem:$0x1FC00] =	vst v63  }
0x53: {  	s5 =	sadd.s32 $0x1, s5;
	s8 =	smul.u32 @!p1 $0x7D0, s11;
	_ =	swait.ge [sflag:s1], $0x3E80  }
0x54: {  	p0 =	sne.s32 s5, $0x67;
	[sflag:s1] =	ssyncset.done $0x0  }
0x55: {  	s10 =	simm.s32 @!p1 $0x0;
	s11 =	sadd.s32 @!p1 $0x1F40, s8;
	[sflag:s1] =	ssyncadd.s32 $0xFFFFC180  }
0x56: {  	[tilespmem:s8], [sflag:$0x1] =	stream.linear.gather @!p1 [hbm4b:s31+s10], $0x7D0, $0x38;
	[tilespmem:$0x1FC00] =	vst v63  }
0x57: {  	s6 =	sand.u32 $0x3, s6  }
0x58: {  	[tilespmem:s11], [sflag:$0x1] =	stream.linear.gather @!p1 [hbm4b:s23+s10], $0x7D0, $0x38;
	[tilespmem:$0x1FC00] =	vst v63  }
0x59: {  	s8 =	smul.u32 $0xFA00, s6;
	_ =	swait.ge [sflag:s26], $0x7D0  }
0x5a: {  	s6 =	smul.u32 $0x1F40, s6;
	[sflag:s26] =	ssyncset.done $0x0  }
.Ltmp0:
0x5b: {  	s31 =	sadd.s32 $0xFA, s31;
	[sflag:s26] =	ssyncadd.s32 $0xFFFFF830;
	(pc) =	sbr.rel @p0 .LBB2_2-.Ltmp0, $4  }
0x5c: {  	s8 =	sshrl.u32 s8, $0x2;
	s11 =	sand.u32 $0x3, s9;
	s23 =	sadd.s32 $0xFA, s23  }
0x5d: {  	s9 =	sadd.s32 $0x3E80, s8;
	s12 =	smul.u32 $0x1F40, s11;
	_ =	swait.ge [sflag:s26], $0x7D0  }
0x5e: {  	s10 =	sshrl.u32 s6, $0x2;
	s8 =	smul.u32 $0xFA00, s11;
	[sflag:s26] =	ssyncset.done $0x0  }
0x5f: {  	s6 =	sadd.s32 $0xFFFFFFFD, s29;
	s11 =	sshrl.u32 s12, $0x2;
	[sflag:s26] =	ssyncadd.s32 $0xFFFFF830  }
0x60: {  	[tilespmem:s9], [sflag:$0x2] =	stream.indirect.gather [hbm4b:s4+s22], $0x8, s10, s22, $0xb8;
	[tilespmem:$0x1FC00] =	vst v63  }
0x61: {  	p0 =	sgt.u32 s6, $0x61;
	_ =	swait.ge [sflag:s0], $0x3E80  }
0x62: {  	s5 =	sadd.s32 $0x1F40, s11;
	s8 =	sshrl.u32 s8, $0x2;
	[sflag:s0] =	ssyncset.done $0x0  }
0x63: {  	s9 =	sadd.s32 @!p0 $0xFFFFFFFF, s29;
	s8 =	sadd.s32 $0x3E80, s8;
	[sflag:s0] =	ssyncadd.s32 $0xFFFFC180  }
0x64: {  	[spmem:s2] =	stream.indirect.scatter.add.f32 [tilespmem:s8], [sflag:$0x3], $0x8, s5, s22, $0xb8;
	[tilespmem:$0x1FC00] =	vst v63  }
0x65: {  	s5 =	sand.u32 @!p0 $0x3, s9;
	_ =	swait.ge [sflag:s1], $0x3E80  }
0x66: {  	s5 =	smul.u32 @!p0 $0x7D0, s5;
	[sflag:s1] =	ssyncset.done $0x0  }
0x67: {  	s8 =	simm.s32 @!p0 $0x0;
	[sflag:s1] =	ssyncadd.s32 $0xFFFFC180  }
0x68: {  	[tilespmem:s5], [sflag:$0x1] =	stream.linear.gather @!p0 [hbm4b:s31+s8], $0x7D0, $0x38;
	[tilespmem:$0x1FC00] =	vst v63  }
0x69: {  	s5 =	sadd.s32 @!p0 $0x1F40, s5  }
0x6a: {  	[tilespmem:s5], [sflag:$0x1] =	stream.linear.gather @!p0 [hbm4b:s23+s8], $0x7D0, $0x38;
	[tilespmem:$0x1FC00] =	vst v63  }
0x6b: {  	s9 =	sand.u32 $0x3, s6;
	_ =	swait.ge [sflag:s26], $0x7D0  }
0x6c: {  	s6 =	smul.u32 $0xFA00, s9;
	[sflag:s26] =	ssyncset.done $0x0  }
0x6d: {  	s10 =	sand.u32 $0x3, s29;
	[sflag:s26] =	ssyncadd.s32 $0xFFFFF830  }
0x6e: {  	s6 =	sshrl.u32 s6, $0x2;
	s5 =	smul.u32 $0x1F40, s9;
	_ =	swait.ge [sflag:s26], $0x7D0  }
0x6f: {  	s11 =	smul.u32 $0x1F40, s10;
	s6 =	sadd.s32 $0x3E80, s6;
	[sflag:s26] =	ssyncset.done $0x0  }
0x70: {  	s8 =	smul.u32 $0xFA00, s10;
	s5 =	sshrl.u32 s5, $0x2;
	[sflag:s26] =	ssyncadd.s32 $0xFFFFF830  }
0x71: {  	[tilespmem:s6], [sflag:$0x2] =	stream.indirect.gather [hbm4b:s4+s22], $0x8, s5, s22, $0xb8;
	[tilespmem:$0x1FC00] =	vst v63  }
0x72: {  	_ =	swait.ge [sflag:s0], $0x3E80  }
0x73: {  	s12 =	sshrl.u32 s11, $0x2;
	s23 =	sshrl.u32 s8, $0x2;
	[sflag:s0] =	ssyncset.done $0x0  }
0x74: {  	s5 =	sadd.s32 $0x1F40, s12;
	s6 =	sadd.s32 $0x3E80, s23;
	[sflag:s0] =	ssyncadd.s32 $0xFFFFC180  }
0x75: {  	[spmem:s2] =	stream.indirect.scatter.add.f32 [tilespmem:s6], [sflag:$0x3], $0x8, s5, s22, $0xb8;
	[tilespmem:$0x1FC00] =	vst v63  }
0x76: {  	_ =	swait.ge [sflag:s0], $0x3E80  }
0x77: {  	[sflag:s0] =	ssyncset.done $0x0  }
0x78: {  	s29 =	simm.s32 $0xFA00;
	[sflag:s0] =	ssyncadd.s32 $0xFFFFC180  }
0x79: {  	[spmem:s2] =	stream.indirect.scatter.add.f32 [tilespmem:s29], [sflag:$0x3], $0x8, s30, s22, $0xb8;
	[tilespmem:$0x1FC00] =	vst v63  }
0x7a: {  	_ =	swait.ge [sflag:s1], $0x3E80  }
0x7b: {  	[sflag:s1] =	ssyncset.done $0x0  }
0x7c: {  	[sflag:s1] =	ssyncadd.s32 $0xFFFFC180  }
0x7d: {  	_ =	swait.ge [sflag:s1], $0x3E80  }
0x7e: {  	[sflag:s1] =	ssyncset.done $0x0  }
0x7f: {  	s24 =	sadd.s32 $0x1, s24;
	[sflag:s1] =	ssyncadd.s32 $0xFFFFC180  }
0x80: {  	p0 =	sne.s32 s24, s13;
	[bflag:$0x0] =	sbarrier.arrive $0xFFFF  }
.Ltmp1:
0x81: {  	s31 =	rddreg [dreg:$0x9];
	(pc) =	sbr.rel @p0 .LBB2_1-.Ltmp1, $4  }
0x82: {  	[hbm:s31], [sflag:s7] =	dma.local [spmem:s25], $0x1870  }
0x83: {  	_ =	swait.ge [sflag:s20], $0x1870  }
0x84: {  	[sflag:s20] =	ssyncset.done $0x0  }
0x85: {  	[sflag:s20] =	ssyncadd.s32 $0xFFFFE790  }
0x86: {  	_ =	sfence.sel $0x180000  }
0x87: {  	[bflag:$0x0] =	sbarrier.arrive $0xFFFF  }
0x88: {  	_ =	strace $0x9000004A  }
0x89: {  	s0 =	stileid.u32;
	[bflag:$0x2] =	sbarrier.arrive $0xFFFF  }
0x8a: {  	p0 =	sne.s32 s0, $0x0;
	s0 =	rddreg [dreg:$0x2]  }
0x8b: {  	s0 =	sadd.s32 @!p0 $0x100000, s0  }
0x8c: {  	[sflag:s0] =	ssyncadd.tile.s32 @!p0 $0x1;
	_ =	shalt  }
.Lfunc_end2:
_tile_overlayer_lowered:
.L_overlay_start_2:
0x8d: {  	(tag) =	ssettag $0x2  }
0x8e: {  	s0 =	rddreg [dreg:$0x0];
	s2 =	stileid.u32  }
0x8f: {  	s1 =	rddreg [dreg:$0x1];
	p0 =	sne.s32 s2, $0x0  }
0x90: {  	s3 =	rddreg [dreg:$0x2];
	[bflag:$0x3] =	sbarrier.arrive $0xFFFF;
	s2 =	simm.s32 @!p0 $0x1C04  }
0x91: {  	[timem:s3], [sflag:s2] =	dma.local @!p0 [hbm:s0], s1  }
0x92: {  	s0 =	simm.s32 @!p0 $0x4  }
0x93: {  	_ =	swait.ge @!p0 [sflag:s0], s1  }
0x94: {  	s1 =	ssub.s32 @!p0 $0x0, s1;
	[sflag:s0] =	ssyncset.done @!p0 $0x0  }
0x95: {  	[sflag:s0] =	ssyncadd.s32 @!p0 s1  }
0x96: {  	[bflag:$0x3] =	sbarrier.arrive $0xFFFF  }
0x97: {  	_ =	shalt  }

// kernel: kernel.17.cloned.1.call-start
scs
__scs_entry_jumppad:
0x0: {  	(pc) =	sbr.rel $0x88, $3  }
0x1: {  	(tag) =	ssettag $0x0;
	lr =	simm.s32 $0x1  }
0x2: {  	[smem:$0x3F8D] =	sst lr;
	_ =	strace $0xD0000000  }
0x3: {  	_ = 	snop  }
0x4: {  	_ = 	snop  }
0x5: {  	_ = 	snop  }
0x6: {  	_ = 	snop  }
0x7: {  	_ = 	snop  }
__scs_overlays_trampoline_lowered:
0x8: {  	[smem:$0x3F9C] =	sst s0  }
0x9: {  	[smem:$0x3F9D] =	sst s1  }
0xa: {  	[smem:$0x3F9E] =	sst s2  }
0xb: {  	[smem:$0x3F9F] =	sst s3  }
0xc: {  	[smem:$0x3FA0] =	sst s4  }
0xd: {  	[smem:$0x3FA1] =	sst s5  }
0xe: {  	[smem:$0x3FA2] =	sst s6  }
0xf: {  	[smem:$0x3FA3] =	sst s7  }
0x10: {  	[smem:$0x3FA4] =	sst s8  }
0x11: {  	[smem:$0x3FA5] =	sst s9;
	s0 =	simm.s32 @!p0 $0x0  }
0x12: {  	s1 =	sld [smem:$0x3F8B];
	s0 =	simm.s32 @p0 $0x1  }
0x13: {  	[smem:$0x3FA6] =	sst s0;
	s0 =	simm.s32 @!p1 $0x0  }
0x14: {  	s2 =	sld [smem:$0x3F8A];
	s0 =	simm.s32 @p1 $0x1  }
0x15: {  	[smem:$0x3FA7] =	sst s0;
	s0 =	simm.s32 @!p2 $0x0  }
0x16: {  	s3 =	sld [smem:$0x3FDB];
	s0 =	simm.s32 @p2 $0x1  }
0x17: {  	s4 =	simm.s32 $0x1BF5;
	[smem:$0x3FA9] =	sst s0  }
0x18: {  	s0 =	sld [smem:$0x3F8C];
	_ =	swait.ge [sflag:s4], $0x0  }
0x19: {  	s7 =	sld [smem:$0x3F8D]  }
0x1a: {  	s8 =	sadd.s32 $0xFFFFE003, lr  }
0x1b: {  	s9 =	sadd.s32 $0xFFFFFEF7, lr;
	s5 =	simm.s32 $0xFFFFFFFF;
	p2 =	slt.u32 s8, $0xFFFFF086  }
0x1c: {  	p1 =	slt.u32 s9, $0xF7A;
	s5 =	simm.s32 @!p2 $0x0  }
0x1d: {  	s5 =	simm.s32 @p1 $0x1;
	p0 =	seq.s32 s7, s2  }
0x1e: {  	s7 =	smul.u32 @!p0 $0xF7A, s2;
	p2 =	seq.s32 @!p0 s5, $0x0  }
0x1f: {  	s9 =	smul.u32 $0xF7A, s1;
	s8 =	simm.s32 @!p0 $0x1BF5;
	p2 =	por !p2, p0  }
0x20: {  	[sflag:s8] =	ssyncset.s32 @!p0 $0xFFFFF086;
	s6 =	sadd.s32 @!p0 s3, s7;
	s7 =	simm.s32 @!p0 $0x108  }
0x21: {  	s3 =	sadd.s32 s3, s9;
	s6 =	sadd.s32 @!p0 $0x88, s6;
	s7 =	simm.s32 @p2 $0x1082  }
0x22: {  	[simem:s7], [sflag:s8] =	dma.local @!p0 [hbm:s6], $0xF7A  }
0x23: {  	s9 =	sor.u32 $0xD0000000, s2;
	s6 =	simm.s32 $0x108;
	_ =	swait.ge @!p0 [sflag:s8], $0x0  }
0x24: {  	s3 =	sadd.s32 $0x88, s3;
	s6 =	simm.s32 @!p1 $0x1082;
	[sflag:s4] =	ssyncset.s32 $0xFFFFF086  }
0x25: {  	[simem:s6], [sflag:s4] =	dma.local [hbm:s3], $0xF7A  }
0x26: {  	[smem:$0x3F8D] =	sst s1;
	(tag) =	ssettag s2;
	_ =	strace s9  }
0x27: {  	s1 =	sld [smem:$0x3F9D]  }
0x28: {  	s2 =	sld [smem:$0x3F9E]  }
0x29: {  	s4 =	sld [smem:$0x3FA0]  }
0x2a: {  	p0 =	seq.s32 s5, $0x0;
	s5 =	sld [smem:$0x3FA1]  }
0x2b: {  	s6 =	sld [smem:$0x3FA2]  }
0x2c: {  	s7 =	sld [smem:$0x3FA3]  }
0x2d: {  	s3 =	simm.s32 $0x108;
	s8 =	sld [smem:$0x3FA4]  }
0x2e: {  	s3 =	simm.s32 @!p0 $0x1082;
	s9 =	sld [smem:$0x3FA5]  }
0x2f: {  	lr =	sadd.s32 s0, s3;
	s0 =	sld [smem:$0x3F9C]  }
0x30: {  	s3 =	sld [smem:$0x3F9F]  }
0x31: {  	[smem:$0x3FA8] =	sst s10  }
0x32: {  	s10 =	sld [smem:$0x3FA6];
	_ =	sdelay $0x3  }
0x33: {  	p0 =	seq.s32 s10, $0x1;
	s10 =	sld [smem:$0x3FA8];
	_ =	sdelay $0x3  }
0x34: {  	[smem:$0x3FA8] =	sst s10  }
0x35: {  	s10 =	sld [smem:$0x3FA7];
	_ =	sdelay $0x3  }
0x36: {  	p1 =	seq.s32 s10, $0x1;
	s10 =	sld [smem:$0x3FA8];
	_ =	sdelay $0x3  }
0x37: {  	[smem:$0x3FA8] =	sst s10  }
0x38: {  	s10 =	sld [smem:$0x3FA9]  }
0x39: {  	_ = 	snop;
	(pc) =	sbr.ind lr, $3  }
0x3a: {  	_ = 	snop  }
0x3b: {  	_ = 	snop  }
0x3c: {  	p2 =	seq.s32 s10, $0x1;
	s10 =	sld [smem:$0x3FA8]  }
0x3d: {  	_ =	shalt  }
0x3e: {  	_ =	shalt  }
0x3f: {  	_ =	shalt  }
0x40: {  	_ =	shalt  }
0x41: {  	_ =	shalt  }
0x42: {  	_ =	shalt  }
0x43: {  	_ =	shalt  }
0x44: {  	_ =	shalt  }
0x45: {  	_ =	shalt  }
0x46: {  	_ =	shalt  }
0x47: {  	_ =	shalt  }
0x48: {  	_ =	shalt  }
0x49: {  	_ =	shalt  }
0x4a: {  	_ =	shalt  }
0x4b: {  	_ =	shalt  }
0x4c: {  	_ =	shalt  }
0x4d: {  	_ =	shalt  }
0x4e: {  	_ =	shalt  }
0x4f: {  	_ =	shalt  }
0x50: {  	_ =	shalt  }
0x51: {  	_ =	shalt  }
0x52: {  	_ =	shalt  }
0x53: {  	_ =	shalt  }
0x54: {  	_ =	shalt  }
0x55: {  	_ =	shalt  }
0x56: {  	_ =	shalt  }
0x57: {  	_ =	shalt  }
0x58: {  	_ =	shalt  }
0x59: {  	_ =	shalt  }
0x5a: {  	_ =	shalt  }
0x5b: {  	_ =	shalt  }
0x5c: {  	_ =	shalt  }
0x5d: {  	_ =	shalt  }
0x5e: {  	_ =	shalt  }
0x5f: {  	_ =	shalt  }
0x60: {  	_ =	shalt  }
0x61: {  	_ =	shalt  }
0x62: {  	_ =	shalt  }
0x63: {  	_ =	shalt  }
0x64: {  	_ =	shalt  }
0x65: {  	_ =	shalt  }
0x66: {  	_ =	shalt  }
0x67: {  	_ =	shalt  }
0x68: {  	_ =	shalt  }
0x69: {  	_ =	shalt  }
0x6a: {  	_ =	shalt  }
0x6b: {  	_ =	shalt  }
0x6c: {  	_ =	shalt  }
0x6d: {  	_ =	shalt  }
0x6e: {  	_ =	shalt  }
0x6f: {  	_ =	shalt  }
0x70: {  	_ =	shalt  }
0x71: {  	_ =	shalt  }
0x72: {  	_ =	shalt  }
0x73: {  	_ =	shalt  }
0x74: {  	_ =	shalt  }
0x75: {  	_ =	shalt  }
0x76: {  	_ =	shalt  }
0x77: {  	_ =	shalt  }
0x78: {  	_ =	shalt  }
0x79: {  	_ =	shalt  }
0x7a: {  	_ =	shalt  }
0x7b: {  	_ =	shalt  }
0x7c: {  	_ =	shalt  }
0x7d: {  	_ =	shalt  }
0x7e: {  	_ =	shalt  }
0x7f: {  	_ =	shalt  }
0x80: {  	_ =	shalt  }
0x81: {  	_ =	shalt  }
0x82: {  	_ =	shalt  }
0x83: {  	_ =	shalt  }
0x84: {  	_ =	shalt  }
0x85: {  	_ =	shalt  }
0x86: {  	_ =	shalt  }
0x87: {  	_ =	shalt  }
.Lfunc_end0:
.L_simem_size_0:
called_computation.2_lowered:
.L_overlay_start_0:
0x88: {  	s2 =	sld [smem:$0x3FD9]  }
0x89: {  	s3 =	sld [smem:$0x3FFE];
	_ =	sdelay $0x1  }
0x8a: {  	s1 =	srdreg.scid  }
0x8b: {  	s0 =	sand.u32 $0x1, s1  }
0x8c: {  	s17 =	sshll.u32 s0, $0xA;
	s2 =	sadd.s32 s3, s2  }
0x8d: {  	s2 =	sadd.s32 s2, s17  }
0x8e: {  	[smem:$0x3FB4] =	sst s2  }
0x8f: {  	_ = 	snop  }
0x90: {  	s2 =	sld [smem:$0x3FD0];
	(tm) =	ssettm $0x1  }
0x91: {  	s18 =	sld [smem:$0x3FFB];
	_ =	sdelay $0x3  }
0x92: {  	_ =	strace s18  }
0x93: {  	s3 =	sld [smem:$0x3FFC];
	_ =	sdelay $0x3  }
0x94: {  	_ =	strace s3  }
0x95: {  	s3 =	sld [smem:$0x3FFD];
	_ =	sdelay $0x3  }
0x96: {  	_ =	strace s3  }
0x97: {  	_ =	strace $0x8FFFFFFF  }
0x98: {  	s19 =	sld [smem:$0x3FDB];
	_ =	sdelay $0x1  }
0x99: {  	s4 =	simm.s32 $_scs_section_size  }
0x9a: {  	s5 =	simm.s32 $_size__tile_overlayer_lowered;
	s6 =	simm.s32 $_tile_overlayer_lowered  }
0x9b: {  	s22 =	simm.s32 $0x1BFF;
	s21 =	sshll.u32 s6, $0x1;
	s3 =	sadd.s32 s4, s19  }
0x9c: {  	s7 =	simm.s32 $0x0;
	s20 =	sshll.u32 s5, $0x1;
	s5 =	sadd.s32 s21, s3  }
0x9d: {  	[timem:s7], [sflag:s22] =	dma.local [hbm:s5], s20  }
0x9e: {  	_ =	swait.ge [sflag:s22], s20  }
0x9f: {  	s4 =	ssub.s32 $0x0, s20;
	[sflag:s22] =	ssyncset.done $0x0  }
0xa0: {  	[sflag:s22] =	ssyncadd.s32 s4;
	_ =	sdelay $0x1  }
0xa1: {  	s23 =	simm.s32 $0x1B8B  }
0xa2: {  	_ =	swait.ge [sflag:s23], $0x1  }
0xa3: {  	[sflag:s23] =	ssyncset.done $0x0  }
0xa4: {  	s25 =	simm.s32 $0x1B8E;
	s24 =	sld [smem:$0x3FFE];
	[sflag:s23] =	ssyncadd.s32 $0xFFFFFFFF  }
0xa5: {  	s26 =	simm.s32 $execute0_lowered;
	[smem:$0x3FD2] =	sst s25  }
0xa6: {  	s5 =	sshll.u32 s26, $0x1;
	_ =	strace $0x8000004C;
	[dreg:$0x1] =	wrdreg $0xFFFFFFFF  }
0xa7: {  	s28 =	simm.s32 $_size_execute0_lowered;
	s3 =	sadd.s32 s3, s5;
	[dreg:$0x0] =	wrdreg $0x0  }
0xa8: {  	s5 =	sshll.u32 s28, $0x1;
	[dreg:$0x2] =	wrdreg s3  }
0xa9: {  	[dreg:$0x3] =	wrdreg s5  }
0xaa: {  	[dreg:$0x4] =	wrdreg $0xC0  }
0xab: {  	_ =	task [dreg:s7], $0x5FFFF  }
0xac: {  	[dreg:$0x1] =	wrdreg $0xFFFFFFFF  }
0xad: {  	[dreg:$0x0] =	wrdreg $0x60  }
0xae: {  	[dreg:$0x2] =	wrdreg s24  }
0xaf: {  	[dreg:$0x3] =	wrdreg s2  }
0xb0: {  	[dreg:$0x4] =	wrdreg $0x138800  }
0xb1: {  	[dreg:$0x5] =	wrdreg $0x9  }
0xb2: {  	_ =	task.clear_ibuf [dreg:s7], $0x6FFFF;
	_ =	strace $0x9000004C  }
0xb3: {  	s29 =	simm.s32 $0x9;
	_ =	strace $0x8000004E  }
0xb4: {  	_ =	swait.ge [sflag:s29], $0x1  }
0xb5: {  	[sflag:s29] =	ssyncadd.s32 $0xFFFFFFFF  }
0xb6: {  	_ =	strace $0x9000004E  }
0xb7: {  	_ =	sfence  }
0xb8: {  	s30 =	sld [smem:$0x0];
	_ =	sdelay $0x2  }
0xb9: {  	s31 =	sshll.u32 s1, $0xD;
	s1 =	sshrl.u32 s1, $0x2  }
0xba: {  	s3 =	sand.u32 $0x4000, s31;
	s1 =	sadd.s32 s1, s30  }
0xbb: {  	s0 =	sor.u32 s3, s0;
	s1 =	sshll.u32 s1, $0x11  }
0xbc: {  	s0 =	sor.u32 s1, s0  }
0xbd: {  	s0 =	sadd.s32 $0x8F2B, s0  }
0xbe: {  	[sflag:s0] =	ssyncadd.remote.s32 $0x1  }
0xbf: {  	_ =	sfence.sel $0xFFFF  }
0xc0: {  	[dreg:$0x0] =	wrdreg $0xFFFFFFFF;
	(pc) =	sbr.abs _section_cstart, $3  }
0xc1: {  	[dreg:$0x1] =	wrdreg $0xFFFFFFFF  }
0xc2: {  	_ =	task.clear_ibuf [dreg:s7], $0x2FFFF;
	_ =	strace $0x9FFFFFFF  }
0xc3: {  	(tm) =	ssettm $0x7FFFFFFF  }
tec
execute0_lowered:
.L_overlay_start_1:
0x0: {  	(tag) =	ssettag $0x1  }
0x1: {  	s0 =	rddreg [dreg:$0x0]  }
0x2: {  	s3 =	rddreg [dreg:$0x1]  }
0x3: {  	s1 =	rddreg [dreg:$0x2];
	s2 =	simm.s32 $0x0;
	s5 =	srdreg.scid  }
0x4: {  	s28 =	simm.s32 $0x3E80;
	s30 =	simm.s32 $0x36B0;
	[smem:$0x7FF] =	sst s2  }
0x5: {  	s13 =	stileid.u32;
	s4 =	sadd.s32 $0x189E00, s0;
	s6 =	sadd.s32 $0x265C00, s0  }
0x6: {  	s5 =	sand.u32 $0x1, s5;
	s8 =	smul.u32 $0xC380, s13;
	s9 =	sadd.s32 $0x1A2600, s0  }
0x7: {  	s17 =	sshll.u32 s13, $0x6;
	s23 =	smul.u32 $0x30D40, s13;
	_ =	strace $0x8000004D  }
0x8: {  	s7 =	sshll.u32 s5, $0x4;
	s10 =	ssub.s32 $0x2, s5;
	s18 =	smul.u32 $0xC3800, s5  }
0x9: {  	s5 =	smul.u32 $0x30D400, s5;
	s7 =	sor.u32 s13, s7;
	s11 =	sshrl.u32 s8, $0x3  }
0xa: {  	s12 =	sshrl.u32 s10, $0x1;
	s16 =	sadd.s32 s8, s1;
	s7 =	smul.u32 $0x30D40, s7  }
0xb: {  	s0 =	sadd.s32 s11, s0;
	s10 =	ssub.s32 s10, s12;
	[dreg:$0x4] =	wrdreg s16  }
0xc: {  	s21 =	sadd.s32 s8, s18;
	s26 =	sadd.s32 s23, s5;
	s0 =	sadd.s32 $0x329200, s0  }
0xd: {  	s13 =	smax.u32 s10, $0x1;
	s15 =	sshrl.u32 s7, $0x3;
	[dreg:$0x5] =	wrdreg s0  }
0xe: {  	s7 =	sor.u32 $0x1C04, s17;
	s0 =	sshrl.u32 s21, $0x3;
	s21 =	simm.s32 $0x1F40  }
0xf: {  	s19 =	sadd.s32 s6, s15;
	s20 =	sadd.s32 s9, s15;
	s22 =	sadd.s32 $0xFA, s15  }
0x10: {  	s0 =	sadd.s32 s3, s0;
	s25 =	sadd.s32 $0x1F4, s15;
	s29 =	sadd.s32 $0x2EE, s15  }
0x11: {  	s3 =	sadd.s32 $0x1F40, s26;
	s26 =	simm.s32 $0x1;
	[dreg:$0x6] =	wrdreg s19  }
0x12: {  	[dreg:$0x7] =	wrdreg s20;
	s24 =	sadd.s32 s6, s22;
	s8 =	sadd.s32 s9, s22  }
0x13: {  	[dreg:$0xa] =	wrdreg s0;
	s14 =	sadd.s32 s6, s25;
	s15 =	sadd.s32 s9, s25  }
0x14: {  	s16 =	sadd.s32 s6, s29;
	s31 =	sshrl.u32 s3, $0x3;
	s17 =	sadd.s32 s9, s29  }
0x15: {  	s20 =	simm.s32 $0x4;
	s22 =	simm.s32 $0x7D0;
	[dreg:$0x8] =	wrdreg s24  }
0x16: {  	s0 =	simm.s32 $0x2;
	s3 =	simm.s32 $0x3;
	[dreg:$0x9] =	wrdreg s8  }
0x17: {  	s18 =	sadd.s32 s31, s9;
	s19 =	sadd.s32 s31, s6;
	s24 =	simm.s32 $0x0  }
.LBB2_1:
0x18: {  	s5 =	rddreg [dreg:$0x4]  }
0x19: {  	s11 =	rddreg [dreg:$0x5];
	s25 =	sshrl.u32 s5, $0x3  }
0x1a: {  	[spmem:s25], [sflag:s7] =	dma.local [hbm:s11], $0x1870  }
0x1b: {  	_ =	swait.ge [sflag:s20], $0x1870  }
0x1c: {  	[sflag:s20] =	ssyncset.done $0x0  }
0x1d: {  	[sflag:s20] =	ssyncadd.s32 $0xFFFFE790  }
0x1e: {  	[bflag:$0x0] =	sbarrier.arrive $0xFFFF  }
0x1f: {  	s12 =	rddreg [dreg:$0x6]  }
0x20: {  	[tilespmem:s2], [sflag:$0x1] =	stream.linear.gather [hbm4b:s12+s2], $0x7D0, $0x38;
	[tilespmem:$0x1FC00] =	vst v63  }
0x21: {  	s23 =	rddreg [dreg:$0x7]  }
0x22: {  	[tilespmem:s21], [sflag:$0x1] =	stream.linear.gather [hbm4b:s23+s2], $0x7D0, $0x38;
	[tilespmem:$0x1FC00] =	vst v63  }
0x23: {  	s6 =	rddreg [dreg:$0x8]  }
0x24: {  	[tilespmem:s22], [sflag:$0x1] =	stream.linear.gather [hbm4b:s6+s2], $0x7D0, $0x38;
	[tilespmem:$0x1FC00] =	vst v63  }
0x25: {  	s8 =	rddreg [dreg:$0x9];
	s6 =	simm.s32 $0x2710  }
0x26: {  	[tilespmem:s6], [sflag:$0x1] =	stream.linear.gather [hbm4b:s8+s2], $0x7D0, $0x38;
	[tilespmem:$0x1FC00] =	vst v63  }
0x27: {  	s9 =	simm.s32 $0xFA0  }
0x28: {  	[tilespmem:s9], [sflag:$0x1] =	stream.linear.gather [hbm4b:s14+s2], $0x7D0, $0x38;
	[tilespmem:$0x1FC00] =	vst v63  }
0x29: {  	s10 =	simm.s32 $0x2EE0  }
0x2a: {  	[tilespmem:s10], [sflag:$0x1] =	stream.linear.gather [hbm4b:s15+s2], $0x7D0, $0x38;
	[tilespmem:$0x1FC00] =	vst v63  }
0x2b: {  	_ =	swait.ge [sflag:s26], $0x7D0  }
0x2c: {  	[sflag:s26] =	ssyncset.done $0x0  }
0x2d: {  	[sflag:s26] =	ssyncadd.s32 $0xFFFFF830  }
0x2e: {  	_ =	swait.ge [sflag:s26], $0x7D0  }
0x2f: {  	[sflag:s26] =	ssyncset.done $0x0  }
0x30: {  	[sflag:s26] =	ssyncadd.s32 $0xFFFFF830  }
0x31: {  	[tilespmem:s28], [sflag:$0x2] =	stream.indirect.gather [hbm4b:s4+s22], $0x8, s2, s22, $0xb8;
	[tilespmem:$0x1FC00] =	vst v63  }
0x32: {  	s11 =	simm.s32 $0x1770  }
0x33: {  	[tilespmem:s11], [sflag:$0x1] =	stream.linear.gather [hbm4b:s16+s2], $0x7D0, $0x38;
	[tilespmem:$0x1FC00] =	vst v63  }
0x34: {  	_ = 	snop  }
0x35: {  	[tilespmem:s30], [sflag:$0x1] =	stream.linear.gather [hbm4b:s17+s2], $0x7D0, $0x38;
	[tilespmem:$0x1FC00] =	vst v63  }
0x36: {  	_ =	swait.ge [sflag:s26], $0x7D0  }
0x37: {  	[sflag:s26] =	ssyncset.done $0x0  }
0x38: {  	[sflag:s26] =	ssyncadd.s32 $0xFFFFF830  }
0x39: {  	_ =	swait.ge [sflag:s26], $0x7D0  }
0x3a: {  	[sflag:s26] =	ssyncset.done $0x0  }
0x3b: {  	s12 =	simm.s32 $0x7D00;
	[sflag:s26] =	ssyncadd.s32 $0xFFFFF830  }
0x3c: {  	[tilespmem:s12], [sflag:$0x2] =	stream.indirect.gather [hbm4b:s4+s22], $0x8, s22, s22, $0xb8;
	[tilespmem:$0x1FC00] =	vst v63  }
0x3d: {  	_ =	swait.ge [sflag:s0], $0x3E80  }
0x3e: {  	p0 =	por $0x0, $0x0;
	[sflag:s0] =	ssyncset.done $0x0  }
0x3f: {  	s5 =	simm.s32 @!p0 $0x4;
	[sflag:s0] =	ssyncadd.s32 $0xFFFFC180  }
0x40: {  	[spmem:s1] =	stream.indirect.scatter.add.f32 [tilespmem:s28], [sflag:$0x3], $0x8, s21, s22, $0xb8;
	[tilespmem:$0x1FC00] =	vst v63  }
0x41: {  	s29 =	simm.s32 $0x6;
	s5 =	sand.u32 @!p0 $0x3, s5;
	_ =	swait.ge [sflag:s3], $0x3E80  }
0x42: {  	s5 =	smul.u32 @!p0 $0x7D0, s5;
	s9 =	simm.s32 $0x2;
	[sflag:s3] =	ssyncset.done $0x0  }
0x43: {  	s6 =	simm.s32 @!p0 $0x0;
	s23 =	sand.u32 $0x3, s9;
	[sflag:s3] =	ssyncadd.s32 $0xFFFFC180  }
0x44: {  	[tilespmem:s5], [sflag:$0x1] =	stream.linear.gather @!p0 [hbm4b:s19+s6], $0x7D0, $0x38;
	[tilespmem:$0x1FC00] =	vst v63  }
0x45: {  	s8 =	simm.s32 $0x5;
	s9 =	smul.u32 $0xFA00, s23;
	s5 =	sadd.s32 @!p0 $0x1F40, s5  }
0x46: {  	[tilespmem:s5], [sflag:$0x1] =	stream.linear.gather @!p0 [hbm4b:s18+s6], $0x7D0, $0x38;
	[tilespmem:$0x1FC00] =	vst v63  }
0x47: {  	s31 =	sadd.s32 $0xFA, s19;
	s8 =	sand.u32 $0x3, s8;
	_ =	swait.ge [sflag:s26], $0x7D0  }
0x48: {  	s9 =	sshrl.u32 s9, $0x2;
	s11 =	smul.u32 $0x1F40, s8;
	[sflag:s26] =	ssyncset.done $0x0  }
0x49: {  	s9 =	sadd.s32 $0x3E80, s9;
	s8 =	smul.u32 $0xFA00, s8;
	[sflag:s26] =	ssyncadd.s32 $0xFFFFF830  }
0x4a: {  	s11 =	sshrl.u32 s11, $0x2;
	s6 =	smul.u32 $0x1F40, s23;
	_ =	swait.ge [sflag:s26], $0x7D0  }
0x4b: {  	s5 =	simm.s32 $0x7;
	s23 =	sadd.s32 $0xFA, s18;
	[sflag:s26] =	ssyncset.done $0x0  }
0x4c: {  	s10 =	sshrl.u32 s6, $0x2;
	s6 =	simm.s32 $0x3;
	[sflag:s26] =	ssyncadd.s32 $0xFFFFF830  }
.LBB2_2:
0x4d: {  	[tilespmem:s9], [sflag:$0x2] =	stream.indirect.gather [hbm4b:s4+s22], $0x8, s10, s22, $0xb8;
	[tilespmem:$0x1FC00] =	vst v63  }
0x4e: {  	s9 =	smov.u32 s29;
	s29 =	smov.u32 s5  }
0x4f: {  	p1 =	sgt.u32 s6, $0x61;
	s10 =	sadd.s32 $0x1F40, s11;
	_ =	swait.ge [sflag:s0], $0x3E80  }
0x50: {  	s8 =	sshrl.u32 s8, $0x2;
	s11 =	sadd.s32 @!p1 $0xFFFFFFFF, s9;
	[sflag:s0] =	ssyncset.done $0x0  }
0x51: {  	s8 =	sadd.s32 $0x3E80, s8;
	s11 =	sand.u32 @!p1 $0x3, s11;
	[sflag:s0] =	ssyncadd.s32 $0xFFFFC180  }
0x52: {  	[spmem:s1] =	stream.indirect.scatter.add.f32 [tilespmem:s8], [sflag:$0x3], $0x8, s10, s22, $0xb8;
	[tilespmem:$0x1FC00] =	vst v63  }
0x53: {  	s5 =	sadd.s32 $0x1, s5;
	s8 =	smul.u32 @!p1 $0x7D0, s11;
	_ =	swait.ge [sflag:s3], $0x3E80  }
0x54: {  	p0 =	sne.s32 s5, $0x67;
	[sflag:s3] =	ssyncset.done $0x0  }
0x55: {  	s10 =	simm.s32 @!p1 $0x0;
	s11 =	sadd.s32 @!p1 $0x1F40, s8;
	[sflag:s3] =	ssyncadd.s32 $0xFFFFC180  }
0x56: {  	[tilespmem:s8], [sflag:$0x1] =	stream.linear.gather @!p1 [hbm4b:s31+s10], $0x7D0, $0x38;
	[tilespmem:$0x1FC00] =	vst v63  }
0x57: {  	s6 =	sand.u32 $0x3, s6  }
0x58: {  	[tilespmem:s11], [sflag:$0x1] =	stream.linear.gather @!p1 [hbm4b:s23+s10], $0x7D0, $0x38;
	[tilespmem:$0x1FC00] =	vst v63  }
0x59: {  	s8 =	smul.u32 $0xFA00, s6;
	_ =	swait.ge [sflag:s26], $0x7D0  }
0x5a: {  	s6 =	smul.u32 $0x1F40, s6;
	[sflag:s26] =	ssyncset.done $0x0  }
.Ltmp0:
0x5b: {  	s31 =	sadd.s32 $0xFA, s31;
	[sflag:s26] =	ssyncadd.s32 $0xFFFFF830;
	(pc) =	sbr.rel @p0 .LBB2_2-.Ltmp0, $4  }
0x5c: {  	s8 =	sshrl.u32 s8, $0x2;
	s11 =	sand.u32 $0x3, s9;
	s23 =	sadd.s32 $0xFA, s23  }
0x5d: {  	s9 =	sadd.s32 $0x3E80, s8;
	s12 =	smul.u32 $0x1F40, s11;
	_ =	swait.ge [sflag:s26], $0x7D0  }
0x5e: {  	s10 =	sshrl.u32 s6, $0x2;
	s8 =	smul.u32 $0xFA00, s11;
	[sflag:s26] =	ssyncset.done $0x0  }
0x5f: {  	s6 =	sadd.s32 $0xFFFFFFFD, s29;
	s11 =	sshrl.u32 s12, $0x2;
	[sflag:s26] =	ssyncadd.s32 $0xFFFFF830  }
0x60: {  	[tilespmem:s9], [sflag:$0x2] =	stream.indirect.gather [hbm4b:s4+s22], $0x8, s10, s22, $0xb8;
	[tilespmem:$0x1FC00] =	vst v63  }
0x61: {  	p0 =	sgt.u32 s6, $0x61;
	_ =	swait.ge [sflag:s0], $0x3E80  }
0x62: {  	s5 =	sadd.s32 $0x1F40, s11;
	s8 =	sshrl.u32 s8, $0x2;
	[sflag:s0] =	ssyncset.done $0x0  }
0x63: {  	s9 =	sadd.s32 @!p0 $0xFFFFFFFF, s29;
	s8 =	sadd.s32 $0x3E80, s8;
	[sflag:s0] =	ssyncadd.s32 $0xFFFFC180  }
0x64: {  	[spmem:s1] =	stream.indirect.scatter.add.f32 [tilespmem:s8], [sflag:$0x3], $0x8, s5, s22, $0xb8;
	[tilespmem:$0x1FC00] =	vst v63  }
0x65: {  	s5 =	sand.u32 @!p0 $0x3, s9;
	_ =	swait.ge [sflag:s3], $0x3E80  }
0x66: {  	s5 =	smul.u32 @!p0 $0x7D0, s5;
	[sflag:s3] =	ssyncset.done $0x0  }
0x67: {  	s8 =	simm.s32 @!p0 $0x0;
	[sflag:s3] =	ssyncadd.s32 $0xFFFFC180  }
0x68: {  	[tilespmem:s5], [sflag:$0x1] =	stream.linear.gather @!p0 [hbm4b:s31+s8], $0x7D0, $0x38;
	[tilespmem:$0x1FC00] =	vst v63  }
0x69: {  	s5 =	sadd.s32 @!p0 $0x1F40, s5  }
0x6a: {  	[tilespmem:s5], [sflag:$0x1] =	stream.linear.gather @!p0 [hbm4b:s23+s8], $0x7D0, $0x38;
	[tilespmem:$0x1FC00] =	vst v63  }
0x6b: {  	s9 =	sand.u32 $0x3, s6;
	_ =	swait.ge [sflag:s26], $0x7D0  }
0x6c: {  	s6 =	smul.u32 $0xFA00, s9;
	[sflag:s26] =	ssyncset.done $0x0  }
0x6d: {  	s10 =	sand.u32 $0x3, s29;
	[sflag:s26] =	ssyncadd.s32 $0xFFFFF830  }
0x6e: {  	s6 =	sshrl.u32 s6, $0x2;
	s5 =	smul.u32 $0x1F40, s9;
	_ =	swait.ge [sflag:s26], $0x7D0  }
0x6f: {  	s11 =	smul.u32 $0x1F40, s10;
	s6 =	sadd.s32 $0x3E80, s6;
	[sflag:s26] =	ssyncset.done $0x0  }
0x70: {  	s8 =	smul.u32 $0xFA00, s10;
	s5 =	sshrl.u32 s5, $0x2;
	[sflag:s26] =	ssyncadd.s32 $0xFFFFF830  }
0x71: {  	[tilespmem:s6], [sflag:$0x2] =	stream.indirect.gather [hbm4b:s4+s22], $0x8, s5, s22, $0xb8;
	[tilespmem:$0x1FC00] =	vst v63  }
0x72: {  	_ =	swait.ge [sflag:s0], $0x3E80  }
0x73: {  	s12 =	sshrl.u32 s11, $0x2;
	s23 =	sshrl.u32 s8, $0x2;
	[sflag:s0] =	ssyncset.done $0x0  }
0x74: {  	s5 =	sadd.s32 $0x1F40, s12;
	s6 =	sadd.s32 $0x3E80, s23;
	[sflag:s0] =	ssyncadd.s32 $0xFFFFC180  }
0x75: {  	[spmem:s1] =	stream.indirect.scatter.add.f32 [tilespmem:s6], [sflag:$0x3], $0x8, s5, s22, $0xb8;
	[tilespmem:$0x1FC00] =	vst v63  }
0x76: {  	_ =	swait.ge [sflag:s0], $0x3E80  }
0x77: {  	[sflag:s0] =	ssyncset.done $0x0  }
0x78: {  	s29 =	simm.s32 $0xFA00;
	[sflag:s0] =	ssyncadd.s32 $0xFFFFC180  }
0x79: {  	[spmem:s1] =	stream.indirect.scatter.add.f32 [tilespmem:s29], [sflag:$0x3], $0x8, s30, s22, $0xb8;
	[tilespmem:$0x1FC00] =	vst v63  }
0x7a: {  	_ =	swait.ge [sflag:s3], $0x3E80  }
0x7b: {  	[sflag:s3] =	ssyncset.done $0x0  }
0x7c: {  	[sflag:s3] =	ssyncadd.s32 $0xFFFFC180  }
0x7d: {  	_ =	swait.ge [sflag:s3], $0x3E80  }
0x7e: {  	[sflag:s3] =	ssyncset.done $0x0  }
0x7f: {  	s24 =	sadd.s32 $0x1, s24;
	[sflag:s3] =	ssyncadd.s32 $0xFFFFC180  }
0x80: {  	p0 =	sne.s32 s24, s13;
	[bflag:$0x0] =	sbarrier.arrive $0xFFFF  }
.Ltmp1:
0x81: {  	s31 =	rddreg [dreg:$0xa];
	(pc) =	sbr.rel @p0 .LBB2_1-.Ltmp1, $4  }
0x82: {  	[hbm:s31], [sflag:s7] =	dma.local [spmem:s25], $0x1870  }
0x83: {  	_ =	swait.ge [sflag:s20], $0x1870  }
0x84: {  	[sflag:s20] =	ssyncset.done $0x0  }
0x85: {  	[sflag:s20] =	ssyncadd.s32 $0xFFFFE790  }
0x86: {  	_ =	sfence.sel $0x180000  }
0x87: {  	[bflag:$0x0] =	sbarrier.arrive $0xFFFF  }
0x88: {  	_ =	strace $0x9000004D  }
0x89: {  	s0 =	stileid.u32;
	[bflag:$0x2] =	sbarrier.arrive $0xFFFF  }
0x8a: {  	p0 =	sne.s32 s0, $0x0;
	s0 =	rddreg [dreg:$0x3]  }
0x8b: {  	s0 =	sadd.s32 @!p0 $0x100000, s0  }
0x8c: {  	[sflag:s0] =	ssyncadd.tile.s32 @!p0 $0x1;
	_ =	shalt  }
.Lfunc_end2:
_tile_overlayer_lowered:
.L_overlay_start_2:
0x8d: {  	(tag) =	ssettag $0x2  }
0x8e: {  	s0 =	rddreg [dreg:$0x0];
	s2 =	stileid.u32  }
0x8f: {  	s1 =	rddreg [dreg:$0x1];
	p0 =	sne.s32 s2, $0x0  }
0x90: {  	s3 =	rddreg [dreg:$0x2];
	[bflag:$0x3] =	sbarrier.arrive $0xFFFF;
	s2 =	simm.s32 @!p0 $0x1C04  }
0x91: {  	[timem:s3], [sflag:s2] =	dma.local @!p0 [hbm:s0], s1  }
0x92: {  	s0 =	simm.s32 @!p0 $0x4  }
0x93: {  	_ =	swait.ge @!p0 [sflag:s0], s1  }
0x94: {  	s1 =	ssub.s32 @!p0 $0x0, s1;
	[sflag:s0] =	ssyncset.done @!p0 $0x0  }
0x95: {  	[sflag:s0] =	ssyncadd.s32 @!p0 s1  }
0x96: {  	[bflag:$0x3] =	sbarrier.arrive $0xFFFF  }
0x97: {  	_ =	shalt  }

// kernel: kernel.20.cloned.1.call-start
scs
__scs_entry_jumppad:
0x0: {  	(pc) =	sbr.rel $0x88, $3  }
0x1: {  	(tag) =	ssettag $0x0;
	lr =	simm.s32 $0x1  }
0x2: {  	[smem:$0x3F8D] =	sst lr;
	_ =	strace $0xD0000000  }
0x3: {  	_ = 	snop  }
0x4: {  	_ = 	snop  }
0x5: {  	_ = 	snop  }
0x6: {  	_ = 	snop  }
0x7: {  	_ = 	snop  }
__scs_overlays_trampoline_lowered:
0x8: {  	[smem:$0x3F9C] =	sst s0  }
0x9: {  	[smem:$0x3F9D] =	sst s1  }
0xa: {  	[smem:$0x3F9E] =	sst s2  }
0xb: {  	[smem:$0x3F9F] =	sst s3  }
0xc: {  	[smem:$0x3FA0] =	sst s4  }
0xd: {  	[smem:$0x3FA1] =	sst s5  }
0xe: {  	[smem:$0x3FA2] =	sst s6  }
0xf: {  	[smem:$0x3FA3] =	sst s7  }
0x10: {  	[smem:$0x3FA4] =	sst s8  }
0x11: {  	[smem:$0x3FA5] =	sst s9;
	s0 =	simm.s32 @!p0 $0x0  }
0x12: {  	s1 =	sld [smem:$0x3F8B];
	s0 =	simm.s32 @p0 $0x1  }
0x13: {  	[smem:$0x3FA6] =	sst s0;
	s0 =	simm.s32 @!p1 $0x0  }
0x14: {  	s2 =	sld [smem:$0x3F8A];
	s0 =	simm.s32 @p1 $0x1  }
0x15: {  	[smem:$0x3FA7] =	sst s0;
	s0 =	simm.s32 @!p2 $0x0  }
0x16: {  	s3 =	sld [smem:$0x3FDB];
	s0 =	simm.s32 @p2 $0x1  }
0x17: {  	s4 =	simm.s32 $0x1BF5;
	[smem:$0x3FA9] =	sst s0  }
0x18: {  	s0 =	sld [smem:$0x3F8C];
	_ =	swait.ge [sflag:s4], $0x0  }
0x19: {  	s7 =	sld [smem:$0x3F8D]  }
0x1a: {  	s8 =	sadd.s32 $0xFFFFE003, lr  }
0x1b: {  	s9 =	sadd.s32 $0xFFFFFEF7, lr;
	s5 =	simm.s32 $0xFFFFFFFF;
	p2 =	slt.u32 s8, $0xFFFFF086  }
0x1c: {  	p1 =	slt.u32 s9, $0xF7A;
	s5 =	simm.s32 @!p2 $0x0  }
0x1d: {  	s5 =	simm.s32 @p1 $0x1;
	p0 =	seq.s32 s7, s2  }
0x1e: {  	s7 =	smul.u32 @!p0 $0xF7A, s2;
	p2 =	seq.s32 @!p0 s5, $0x0  }
0x1f: {  	s9 =	smul.u32 $0xF7A, s1;
	s8 =	simm.s32 @!p0 $0x1BF5;
	p2 =	por !p2, p0  }
0x20: {  	[sflag:s8] =	ssyncset.s32 @!p0 $0xFFFFF086;
	s6 =	sadd.s32 @!p0 s3, s7;
	s7 =	simm.s32 @!p0 $0x108  }
0x21: {  	s3 =	sadd.s32 s3, s9;
	s6 =	sadd.s32 @!p0 $0x88, s6;
	s7 =	simm.s32 @p2 $0x1082  }
0x22: {  	[simem:s7], [sflag:s8] =	dma.local @!p0 [hbm:s6], $0xF7A  }
0x23: {  	s9 =	sor.u32 $0xD0000000, s2;
	s6 =	simm.s32 $0x108;
	_ =	swait.ge @!p0 [sflag:s8], $0x0  }
0x24: {  	s3 =	sadd.s32 $0x88, s3;
	s6 =	simm.s32 @!p1 $0x1082;
	[sflag:s4] =	ssyncset.s32 $0xFFFFF086  }
0x25: {  	[simem:s6], [sflag:s4] =	dma.local [hbm:s3], $0xF7A  }
0x26: {  	[smem:$0x3F8D] =	sst s1;
	(tag) =	ssettag s2;
	_ =	strace s9  }
0x27: {  	s1 =	sld [smem:$0x3F9D]  }
0x28: {  	s2 =	sld [smem:$0x3F9E]  }
0x29: {  	s4 =	sld [smem:$0x3FA0]  }
0x2a: {  	p0 =	seq.s32 s5, $0x0;
	s5 =	sld [smem:$0x3FA1]  }
0x2b: {  	s6 =	sld [smem:$0x3FA2]  }
0x2c: {  	s7 =	sld [smem:$0x3FA3]  }
0x2d: {  	s3 =	simm.s32 $0x108;
	s8 =	sld [smem:$0x3FA4]  }
0x2e: {  	s3 =	simm.s32 @!p0 $0x1082;
	s9 =	sld [smem:$0x3FA5]  }
0x2f: {  	lr =	sadd.s32 s0, s3;
	s0 =	sld [smem:$0x3F9C]  }
0x30: {  	s3 =	sld [smem:$0x3F9F]  }
0x31: {  	[smem:$0x3FA8] =	sst s10  }
0x32: {  	s10 =	sld [smem:$0x3FA6];
	_ =	sdelay $0x3  }
0x33: {  	p0 =	seq.s32 s10, $0x1;
	s10 =	sld [smem:$0x3FA8];
	_ =	sdelay $0x3  }
0x34: {  	[smem:$0x3FA8] =	sst s10  }
0x35: {  	s10 =	sld [smem:$0x3FA7];
	_ =	sdelay $0x3  }
0x36: {  	p1 =	seq.s32 s10, $0x1;
	s10 =	sld [smem:$0x3FA8];
	_ =	sdelay $0x3  }
0x37: {  	[smem:$0x3FA8] =	sst s10  }
0x38: {  	s10 =	sld [smem:$0x3FA9]  }
0x39: {  	_ = 	snop;
	(pc) =	sbr.ind lr, $3  }
0x3a: {  	_ = 	snop  }
0x3b: {  	_ = 	snop  }
0x3c: {  	p2 =	seq.s32 s10, $0x1;
	s10 =	sld [smem:$0x3FA8]  }
0x3d: {  	_ =	shalt  }
0x3e: {  	_ =	shalt  }
0x3f: {  	_ =	shalt  }
0x40: {  	_ =	shalt  }
0x41: {  	_ =	shalt  }
0x42: {  	_ =	shalt  }
0x43: {  	_ =	shalt  }
0x44: {  	_ =	shalt  }
0x45: {  	_ =	shalt  }
0x46: {  	_ =	shalt  }
0x47: {  	_ =	shalt  }
0x48: {  	_ =	shalt  }
0x49: {  	_ =	shalt  }
0x4a: {  	_ =	shalt  }
0x4b: {  	_ =	shalt  }
0x4c: {  	_ =	shalt  }
0x4d: {  	_ =	shalt  }
0x4e: {  	_ =	shalt  }
0x4f: {  	_ =	shalt  }
0x50: {  	_ =	shalt  }
0x51: {  	_ =	shalt  }
0x52: {  	_ =	shalt  }
0x53: {  	_ =	shalt  }
0x54: {  	_ =	shalt  }
0x55: {  	_ =	shalt  }
0x56: {  	_ =	shalt  }
0x57: {  	_ =	shalt  }
0x58: {  	_ =	shalt  }
0x59: {  	_ =	shalt  }
0x5a: {  	_ =	shalt  }
0x5b: {  	_ =	shalt  }
0x5c: {  	_ =	shalt  }
0x5d: {  	_ =	shalt  }
0x5e: {  	_ =	shalt  }
0x5f: {  	_ =	shalt  }
0x60: {  	_ =	shalt  }
0x61: {  	_ =	shalt  }
0x62: {  	_ =	shalt  }
0x63: {  	_ =	shalt  }
0x64: {  	_ =	shalt  }
0x65: {  	_ =	shalt  }
0x66: {  	_ =	shalt  }
0x67: {  	_ =	shalt  }
0x68: {  	_ =	shalt  }
0x69: {  	_ =	shalt  }
0x6a: {  	_ =	shalt  }
0x6b: {  	_ =	shalt  }
0x6c: {  	_ =	shalt  }
0x6d: {  	_ =	shalt  }
0x6e: {  	_ =	shalt  }
0x6f: {  	_ =	shalt  }
0x70: {  	_ =	shalt  }
0x71: {  	_ =	shalt  }
0x72: {  	_ =	shalt  }
0x73: {  	_ =	shalt  }
0x74: {  	_ =	shalt  }
0x75: {  	_ =	shalt  }
0x76: {  	_ =	shalt  }
0x77: {  	_ =	shalt  }
0x78: {  	_ =	shalt  }
0x79: {  	_ =	shalt  }
0x7a: {  	_ =	shalt  }
0x7b: {  	_ =	shalt  }
0x7c: {  	_ =	shalt  }
0x7d: {  	_ =	shalt  }
0x7e: {  	_ =	shalt  }
0x7f: {  	_ =	shalt  }
0x80: {  	_ =	shalt  }
0x81: {  	_ =	shalt  }
0x82: {  	_ =	shalt  }
0x83: {  	_ =	shalt  }
0x84: {  	_ =	shalt  }
0x85: {  	_ =	shalt  }
0x86: {  	_ =	shalt  }
0x87: {  	_ =	shalt  }
.Lfunc_end0:
.L_simem_size_0:
called_computation.3_lowered:
.L_overlay_start_0:
0x88: {  	s2 =	sld [smem:$0x3FD9]  }
0x89: {  	s3 =	sld [smem:$0x3FFE];
	_ =	sdelay $0x1  }
0x8a: {  	s1 =	srdreg.scid  }
0x8b: {  	s0 =	sand.u32 $0x1, s1  }
0x8c: {  	s16 =	sshll.u32 s0, $0xA;
	s2 =	sadd.s32 s3, s2  }
0x8d: {  	s2 =	sadd.s32 s2, s16  }
0x8e: {  	[smem:$0x3FB4] =	sst s2  }
0x8f: {  	_ = 	snop  }
0x90: {  	(tm) =	ssettm $0x1  }
0x91: {  	s17 =	sld [smem:$0x3FFB];
	_ =	sdelay $0x3  }
0x92: {  	_ =	strace s17  }
0x93: {  	s2 =	sld [smem:$0x3FFC];
	_ =	sdelay $0x3  }
0x94: {  	_ =	strace s2  }
0x95: {  	s2 =	sld [smem:$0x3FFD];
	_ =	sdelay $0x3  }
0x96: {  	_ =	strace s2  }
0x97: {  	_ =	strace $0x8FFFFFFF  }
0x98: {  	s18 =	sld [smem:$0x3FDB];
	_ =	sdelay $0x1  }
0x99: {  	s19 =	simm.s32 $_scs_section_size  }
0x9a: {  	s4 =	simm.s32 $_size__tile_overlayer_lowered;
	s5 =	simm.s32 $_tile_overlayer_lowered  }
0x9b: {  	s22 =	simm.s32 $0x1BFF;
	s21 =	sshll.u32 s5, $0x1;
	s2 =	sadd.s32 s19, s18  }
0x9c: {  	s6 =	simm.s32 $0x0;
	s20 =	sshll.u32 s4, $0x1;
	s4 =	sadd.s32 s21, s2  }
0x9d: {  	[timem:s6], [sflag:s22] =	dma.local [hbm:s4], s20  }
0x9e: {  	_ =	swait.ge [sflag:s22], s20  }
0x9f: {  	s3 =	ssub.s32 $0x0, s20;
	[sflag:s22] =	ssyncset.done $0x0  }
0xa0: {  	[sflag:s22] =	ssyncadd.s32 s3;
	_ =	sdelay $0x1  }
0xa1: {  	s23 =	simm.s32 $0x1B8B  }
0xa2: {  	_ =	swait.ge [sflag:s23], $0x1  }
0xa3: {  	[sflag:s23] =	ssyncset.done $0x0  }
0xa4: {  	s25 =	simm.s32 $0x1B8E;
	s24 =	sld [smem:$0x3FFE];
	[sflag:s23] =	ssyncadd.s32 $0xFFFFFFFF  }
0xa5: {  	s26 =	simm.s32 $execute0_lowered;
	[smem:$0x3FD2] =	sst s25  }
0xa6: {  	s4 =	sshll.u32 s26, $0x1;
	_ =	strace $0x8000004F;
	[dreg:$0x1] =	wrdreg $0xFFFFFFFF  }
0xa7: {  	s28 =	simm.s32 $_size_execute0_lowered;
	s2 =	sadd.s32 s2, s4;
	[dreg:$0x0] =	wrdreg $0x0  }
0xa8: {  	s4 =	sshll.u32 s28, $0x1;
	[dreg:$0x2] =	wrdreg s2  }
0xa9: {  	[dreg:$0x3] =	wrdreg s4  }
0xaa: {  	[dreg:$0x4] =	wrdreg $0xC0  }
0xab: {  	_ =	task [dreg:s6], $0x5FFFF  }
0xac: {  	[dreg:$0x1] =	wrdreg $0xFFFFFFFF  }
0xad: {  	[dreg:$0x0] =	wrdreg $0x60  }
0xae: {  	[dreg:$0x2] =	wrdreg s24  }
0xaf: {  	[dreg:$0x3] =	wrdreg $0x138800  }
0xb0: {  	[dreg:$0x4] =	wrdreg $0x9  }
0xb1: {  	_ =	task.clear_ibuf [dreg:s6], $0x5FFFF;
	_ =	strace $0x9000004F  }
0xb2: {  	s29 =	simm.s32 $0x9;
	_ =	strace $0x80000051  }
0xb3: {  	_ =	swait.ge [sflag:s29], $0x1  }
0xb4: {  	[sflag:s29] =	ssyncadd.s32 $0xFFFFFFFF  }
0xb5: {  	_ =	strace $0x90000051  }
0xb6: {  	_ =	sfence  }
0xb7: {  	s30 =	sld [smem:$0x0];
	_ =	sdelay $0x2  }
0xb8: {  	s31 =	sshll.u32 s1, $0xD;
	s1 =	sshrl.u32 s1, $0x2  }
0xb9: {  	s3 =	sand.u32 $0x4000, s31;
	s1 =	sadd.s32 s1, s30  }
0xba: {  	s0 =	sor.u32 s3, s0;
	s1 =	sshll.u32 s1, $0x11  }
0xbb: {  	s0 =	sor.u32 s1, s0  }
0xbc: {  	s0 =	sadd.s32 $0x8F2B, s0  }
0xbd: {  	[sflag:s0] =	ssyncadd.remote.s32 $0x1  }
0xbe: {  	_ =	sfence.sel $0xFFFF  }
0xbf: {  	[dreg:$0x0] =	wrdreg $0xFFFFFFFF;
	(pc) =	sbr.abs _section_cstart, $3  }
0xc0: {  	[dreg:$0x1] =	wrdreg $0xFFFFFFFF  }
0xc1: {  	_ =	task.clear_ibuf [dreg:s6], $0x2FFFF;
	_ =	strace $0x9FFFFFFF  }
0xc2: {  	(tm) =	ssettm $0x7FFFFFFF  }
0xc3: {  	_ =	shalt  }
tec
execute0_lowered:
.L_overlay_start_1:
0x0: {  	(tag) =	ssettag $0x1  }
0x1: {  	s0 =	rddreg [dreg:$0x0]  }
0x2: {  	s2 =	rddreg [dreg:$0x1]  }
0x3: {  	s3 =	simm.s32 $0x0;
	s13 =	stileid.u32;
	s5 =	srdreg.scid  }
0x4: {  	s28 =	simm.s32 $0x3E80;
	s30 =	simm.s32 $0x36B0;
	[smem:$0x7FF] =	sst s3  }
0x5: {  	s1 =	smul.u32 $0xC380, s13;
	s4 =	sadd.s32 $0x3400, s0;
	s6 =	sadd.s32 $0x265C00, s0  }
0x6: {  	s5 =	sand.u32 $0x1, s5;
	s9 =	sadd.s32 $0x1A2600, s0;
	s24 =	smul.u32 $0x30D40, s13  }
0x7: {  	s19 =	sshll.u32 s13, $0x6;
	_ =	strace $0x80000050;
	s8 =	smul.u32 $0xC3800, s5  }
0x8: {  	s10 =	sshll.u32 s5, $0x4;
	s11 =	ssub.s32 $0x2, s5;
	s21 =	smul.u32 $0x30D400, s5  }
0x9: {  	s7 =	sshrl.u32 s1, $0x3;
	s10 =	sor.u32 s13, s10;
	s12 =	sshrl.u32 s11, $0x1  }
0xa: {  	s7 =	sadd.s32 s7, s0;
	s8 =	sadd.s32 s1, s8;
	s10 =	smul.u32 $0x30D40, s10  }
0xb: {  	s17 =	ssub.s32 s11, s12;
	s1 =	sadd.s32 s1, s2;
	s8 =	sshrl.u32 s8, $0x3  }
0xc: {  	[dreg:$0x3] =	wrdreg s1;
	s18 =	sadd.s32 $0x329200, s7;
	s7 =	sor.u32 $0x1C04, s19  }
0xd: {  	s13 =	smax.u32 s17, $0x1;
	s1 =	sadd.s32 s24, s21;
	s21 =	simm.s32 $0x1F40  }
0xe: {  	s24 =	simm.s32 $0x0;
	s0 =	sadd.s32 s8, s0;
	s10 =	sshrl.u32 s10, $0x3  }
0xf: {  	[dreg:$0x4] =	wrdreg s18;
	s1 =	sadd.s32 $0x1F40, s1;
	s20 =	sadd.s32 s6, s10  }
0x10: {  	s22 =	sadd.s32 s9, s10;
	s23 =	sadd.s32 $0xFA, s10;
	s0 =	sadd.s32 $0x1BC00, s0  }
0x11: {  	s26 =	sadd.s32 $0x1F4, s10;
	s29 =	sadd.s32 $0x2EE, s10;
	[dreg:$0x5] =	wrdreg s20  }
0x12: {  	s31 =	sshrl.u32 s1, $0x3;
	s1 =	simm.s32 $0x3;
	[dreg:$0x6] =	wrdreg s22  }
0x13: {  	s25 =	sadd.s32 s6, s23;
	s5 =	sadd.s32 s9, s23;
	[dreg:$0x9] =	wrdreg s0  }
0x14: {  	s14 =	sadd.s32 s6, s26;
	s15 =	sadd.s32 s9, s26;
	s16 =	sadd.s32 s6, s29  }
0x15: {  	s17 =	sadd.s32 s9, s29;
	s18 =	sadd.s32 s31, s9;
	s19 =	sadd.s32 s31, s6  }
0x16: {  	s20 =	simm.s32 $0x4;
	s22 =	simm.s32 $0x7D0;
	[dreg:$0x7] =	wrdreg s25  }
0x17: {  	s26 =	simm.s32 $0x1;
	s0 =	simm.s32 $0x2;
	[dreg:$0x8] =	wrdreg s5  }
.LBB2_1:
0x18: {  	s5 =	rddreg [dreg:$0x3]  }
0x19: {  	s11 =	rddreg [dreg:$0x4];
	s25 =	sshrl.u32 s5, $0x3  }
0x1a: {  	[spmem:s25], [sflag:s7] =	dma.local [hbm:s11], $0x1870  }
0x1b: {  	_ =	swait.ge [sflag:s20], $0x1870  }
0x1c: {  	[sflag:s20] =	ssyncset.done $0x0  }
0x1d: {  	[sflag:s20] =	ssyncadd.s32 $0xFFFFE790  }
0x1e: {  	[bflag:$0x0] =	sbarrier.arrive $0xFFFF  }
0x1f: {  	s12 =	rddreg [dreg:$0x5]  }
0x20: {  	[tilespmem:s3], [sflag:$0x1] =	stream.linear.gather [hbm4b:s12+s3], $0x7D0, $0x38;
	[tilespmem:$0x1FC00] =	vst v63  }
0x21: {  	s23 =	rddreg [dreg:$0x6]  }
0x22: {  	[tilespmem:s21], [sflag:$0x1] =	stream.linear.gather [hbm4b:s23+s3], $0x7D0, $0x38;
	[tilespmem:$0x1FC00] =	vst v63  }
0x23: {  	s6 =	rddreg [dreg:$0x7]  }
0x24: {  	[tilespmem:s22], [sflag:$0x1] =	stream.linear.gather [hbm4b:s6+s3], $0x7D0, $0x38;
	[tilespmem:$0x1FC00] =	vst v63  }
0x25: {  	s8 =	rddreg [dreg:$0x8];
	s6 =	simm.s32 $0x2710  }
0x26: {  	[tilespmem:s6], [sflag:$0x1] =	stream.linear.gather [hbm4b:s8+s3], $0x7D0, $0x38;
	[tilespmem:$0x1FC00] =	vst v63  }
0x27: {  	s9 =	simm.s32 $0xFA0  }
0x28: {  	[tilespmem:s9], [sflag:$0x1] =	stream.linear.gather [hbm4b:s14+s3], $0x7D0, $0x38;
	[tilespmem:$0x1FC00] =	vst v63  }
0x29: {  	s10 =	simm.s32 $0x2EE0  }
0x2a: {  	[tilespmem:s10], [sflag:$0x1] =	stream.linear.gather [hbm4b:s15+s3], $0x7D0, $0x38;
	[tilespmem:$0x1FC00] =	vst v63  }
0x2b: {  	_ =	swait.ge [sflag:s26], $0x7D0  }
0x2c: {  	[sflag:s26] =	ssyncset.done $0x0  }
0x2d: {  	[sflag:s26] =	ssyncadd.s32 $0xFFFFF830  }
0x2e: {  	_ =	swait.ge [sflag:s26], $0x7D0  }
0x2f: {  	[sflag:s26] =	ssyncset.done $0x0  }
0x30: {  	[sflag:s26] =	ssyncadd.s32 $0xFFFFF830  }
0x31: {  	[tilespmem:s28], [sflag:$0x2] =	stream.indirect.gather [hbm4b:s4+s22], $0x8, s3, s22, $0xb8;
	[tilespmem:$0x1FC00] =	vst v63  }
0x32: {  	s11 =	simm.s32 $0x1770  }
0x33: {  	[tilespmem:s11], [sflag:$0x1] =	stream.linear.gather [hbm4b:s16+s3], $0x7D0, $0x38;
	[tilespmem:$0x1FC00] =	vst v63  }
0x34: {  	_ = 	snop  }
0x35: {  	[tilespmem:s30], [sflag:$0x1] =	stream.linear.gather [hbm4b:s17+s3], $0x7D0, $0x38;
	[tilespmem:$0x1FC00] =	vst v63  }
0x36: {  	_ =	swait.ge [sflag:s26], $0x7D0  }
0x37: {  	[sflag:s26] =	ssyncset.done $0x0  }
0x38: {  	[sflag:s26] =	ssyncadd.s32 $0xFFFFF830  }
0x39: {  	_ =	swait.ge [sflag:s26], $0x7D0  }
0x3a: {  	[sflag:s26] =	ssyncset.done $0x0  }
0x3b: {  	s12 =	simm.s32 $0x7D00;
	[sflag:s26] =	ssyncadd.s32 $0xFFFFF830  }
0x3c: {  	[tilespmem:s12], [sflag:$0x2] =	stream.indirect.gather [hbm4b:s4+s22], $0x8, s22, s22, $0xb8;
	[tilespmem:$0x1FC00] =	vst v63  }
0x3d: {  	_ =	swait.ge [sflag:s0], $0x3E80  }
0x3e: {  	p0 =	por $0x0, $0x0;
	[sflag:s0] =	ssyncset.done $0x0  }
0x3f: {  	s5 =	simm.s32 @!p0 $0x4;
	[sflag:s0] =	ssyncadd.s32 $0xFFFFC180  }
0x40: {  	[spmem:s2] =	stream.indirect.scatter.add.f32 [tilespmem:s28], [sflag:$0x3], $0x8, s21, s22, $0xb8;
	[tilespmem:$0x1FC00] =	vst v63  }
0x41: {  	s29 =	simm.s32 $0x6;
	s5 =	sand.u32 @!p0 $0x3, s5;
	_ =	swait.ge [sflag:s1], $0x3E80  }
0x42: {  	s5 =	smul.u32 @!p0 $0x7D0, s5;
	s9 =	simm.s32 $0x2;
	[sflag:s1] =	ssyncset.done $0x0  }
0x43: {  	s6 =	simm.s32 @!p0 $0x0;
	s23 =	sand.u32 $0x3, s9;
	[sflag:s1] =	ssyncadd.s32 $0xFFFFC180  }
0x44: {  	[tilespmem:s5], [sflag:$0x1] =	stream.linear.gather @!p0 [hbm4b:s19+s6], $0x7D0, $0x38;
	[tilespmem:$0x1FC00] =	vst v63  }
0x45: {  	s8 =	simm.s32 $0x5;
	s9 =	smul.u32 $0xFA00, s23;
	s5 =	sadd.s32 @!p0 $0x1F40, s5  }
0x46: {  	[tilespmem:s5], [sflag:$0x1] =	stream.linear.gather @!p0 [hbm4b:s18+s6], $0x7D0, $0x38;
	[tilespmem:$0x1FC00] =	vst v63  }
0x47: {  	s31 =	sadd.s32 $0xFA, s19;
	s8 =	sand.u32 $0x3, s8;
	_ =	swait.ge [sflag:s26], $0x7D0  }
0x48: {  	s9 =	sshrl.u32 s9, $0x2;
	s11 =	smul.u32 $0x1F40, s8;
	[sflag:s26] =	ssyncset.done $0x0  }
0x49: {  	s9 =	sadd.s32 $0x3E80, s9;
	s8 =	smul.u32 $0xFA00, s8;
	[sflag:s26] =	ssyncadd.s32 $0xFFFFF830  }
0x4a: {  	s11 =	sshrl.u32 s11, $0x2;
	s6 =	smul.u32 $0x1F40, s23;
	_ =	swait.ge [sflag:s26], $0x7D0  }
0x4b: {  	s5 =	simm.s32 $0x7;
	s23 =	sadd.s32 $0xFA, s18;
	[sflag:s26] =	ssyncset.done $0x0  }
0x4c: {  	s10 =	sshrl.u32 s6, $0x2;
	s6 =	simm.s32 $0x3;
	[sflag:s26] =	ssyncadd.s32 $0xFFFFF830  }
.LBB2_2:
0x4d: {  	[tilespmem:s9], [sflag:$0x2] =	stream.indirect.gather [hbm4b:s4+s22], $0x8, s10, s22, $0xb8;
	[tilespmem:$0x1FC00] =	vst v63  }
0x4e: {  	s9 =	smov.u32 s29;
	s29 =	smov.u32 s5  }
0x4f: {  	p1 =	sgt.u32 s6, $0x61;
	s10 =	sadd.s32 $0x1F40, s11;
	_ =	swait.ge [sflag:s0], $0x3E80  }
0x50: {  	s8 =	sshrl.u32 s8, $0x2;
	s11 =	sadd.s32 @!p1 $0xFFFFFFFF, s9;
	[sflag:s0] =	ssyncset.done $0x0  }
0x51: {  	s8 =	sadd.s32 $0x3E80, s8;
	s11 =	sand.u32 @!p1 $0x3, s11;
	[sflag:s0] =	ssyncadd.s32 $0xFFFFC180  }
0x52: {  	[spmem:s2] =	stream.indirect.scatter.add.f32 [tilespmem:s8], [sflag:$0x3], $0x8, s10, s22, $0xb8;
	[tilespmem:$0x1FC00] =	vst v63  }
0x53: {  	s5 =	sadd.s32 $0x1, s5;
	s8 =	smul.u32 @!p1 $0x7D0, s11;
	_ =	swait.ge [sflag:s1], $0x3E80  }
0x54: {  	p0 =	sne.s32 s5, $0x67;
	[sflag:s1] =	ssyncset.done $0x0  }
0x55: {  	s10 =	simm.s32 @!p1 $0x0;
	s11 =	sadd.s32 @!p1 $0x1F40, s8;
	[sflag:s1] =	ssyncadd.s32 $0xFFFFC180  }
0x56: {  	[tilespmem:s8], [sflag:$0x1] =	stream.linear.gather @!p1 [hbm4b:s31+s10], $0x7D0, $0x38;
	[tilespmem:$0x1FC00] =	vst v63  }
0x57: {  	s6 =	sand.u32 $0x3, s6  }
0x58: {  	[tilespmem:s11], [sflag:$0x1] =	stream.linear.gather @!p1 [hbm4b:s23+s10], $0x7D0, $0x38;
	[tilespmem:$0x1FC00] =	vst v63  }
0x59: {  	s8 =	smul.u32 $0xFA00, s6;
	_ =	swait.ge [sflag:s26], $0x7D0  }
0x5a: {  	s6 =	smul.u32 $0x1F40, s6;
	[sflag:s26] =	ssyncset.done $0x0  }
.Ltmp0:
0x5b: {  	s31 =	sadd.s32 $0xFA, s31;
	[sflag:s26] =	ssyncadd.s32 $0xFFFFF830;
	(pc) =	sbr.rel @p0 .LBB2_2-.Ltmp0, $4  }
0x5c: {  	s8 =	sshrl.u32 s8, $0x2;
	s11 =	sand.u32 $0x3, s9;
	s23 =	sadd.s32 $0xFA, s23  }
0x5d: {  	s9 =	sadd.s32 $0x3E80, s8;
	s12 =	smul.u32 $0x1F40, s11;
	_ =	swait.ge [sflag:s26], $0x7D0  }
0x5e: {  	s10 =	sshrl.u32 s6, $0x2;
	s8 =	smul.u32 $0xFA00, s11;
	[sflag:s26] =	ssyncset.done $0x0  }
0x5f: {  	s6 =	sadd.s32 $0xFFFFFFFD, s29;
	s11 =	sshrl.u32 s12, $0x2;
	[sflag:s26] =	ssyncadd.s32 $0xFFFFF830  }
0x60: {  	[tilespmem:s9], [sflag:$0x2] =	stream.indirect.gather [hbm4b:s4+s22], $0x8, s10, s22, $0xb8;
	[tilespmem:$0x1FC00] =	vst v63  }
0x61: {  	p0 =	sgt.u32 s6, $0x61;
	_ =	swait.ge [sflag:s0], $0x3E80  }
0x62: {  	s5 =	sadd.s32 $0x1F40, s11;
	s8 =	sshrl.u32 s8, $0x2;
	[sflag:s0] =	ssyncset.done $0x0  }
0x63: {  	s9 =	sadd.s32 @!p0 $0xFFFFFFFF, s29;
	s8 =	sadd.s32 $0x3E80, s8;
	[sflag:s0] =	ssyncadd.s32 $0xFFFFC180  }
0x64: {  	[spmem:s2] =	stream.indirect.scatter.add.f32 [tilespmem:s8], [sflag:$0x3], $0x8, s5, s22, $0xb8;
	[tilespmem:$0x1FC00] =	vst v63  }
0x65: {  	s5 =	sand.u32 @!p0 $0x3, s9;
	_ =	swait.ge [sflag:s1], $0x3E80  }
0x66: {  	s5 =	smul.u32 @!p0 $0x7D0, s5;
	[sflag:s1] =	ssyncset.done $0x0  }
0x67: {  	s8 =	simm.s32 @!p0 $0x0;
	[sflag:s1] =	ssyncadd.s32 $0xFFFFC180  }
0x68: {  	[tilespmem:s5], [sflag:$0x1] =	stream.linear.gather @!p0 [hbm4b:s31+s8], $0x7D0, $0x38;
	[tilespmem:$0x1FC00] =	vst v63  }
0x69: {  	s5 =	sadd.s32 @!p0 $0x1F40, s5  }
0x6a: {  	[tilespmem:s5], [sflag:$0x1] =	stream.linear.gather @!p0 [hbm4b:s23+s8], $0x7D0, $0x38;
	[tilespmem:$0x1FC00] =	vst v63  }
0x6b: {  	s9 =	sand.u32 $0x3, s6;
	_ =	swait.ge [sflag:s26], $0x7D0  }
0x6c: {  	s6 =	smul.u32 $0xFA00, s9;
	[sflag:s26] =	ssyncset.done $0x0  }
0x6d: {  	s10 =	sand.u32 $0x3, s29;
	[sflag:s26] =	ssyncadd.s32 $0xFFFFF830  }
0x6e: {  	s6 =	sshrl.u32 s6, $0x2;
	s5 =	smul.u32 $0x1F40, s9;
	_ =	swait.ge [sflag:s26], $0x7D0  }
0x6f: {  	s11 =	smul.u32 $0x1F40, s10;
	s6 =	sadd.s32 $0x3E80, s6;
	[sflag:s26] =	ssyncset.done $0x0  }
0x70: {  	s8 =	smul.u32 $0xFA00, s10;
	s5 =	sshrl.u32 s5, $0x2;
	[sflag:s26] =	ssyncadd.s32 $0xFFFFF830  }
0x71: {  	[tilespmem:s6], [sflag:$0x2] =	stream.indirect.gather [hbm4b:s4+s22], $0x8, s5, s22, $0xb8;
	[tilespmem:$0x1FC00] =	vst v63  }
0x72: {  	_ =	swait.ge [sflag:s0], $0x3E80  }
0x73: {  	s12 =	sshrl.u32 s11, $0x2;
	s23 =	sshrl.u32 s8, $0x2;
	[sflag:s0] =	ssyncset.done $0x0  }
0x74: {  	s5 =	sadd.s32 $0x1F40, s12;
	s6 =	sadd.s32 $0x3E80, s23;
	[sflag:s0] =	ssyncadd.s32 $0xFFFFC180  }
0x75: {  	[spmem:s2] =	stream.indirect.scatter.add.f32 [tilespmem:s6], [sflag:$0x3], $0x8, s5, s22, $0xb8;
	[tilespmem:$0x1FC00] =	vst v63  }
0x76: {  	_ =	swait.ge [sflag:s0], $0x3E80  }
0x77: {  	[sflag:s0] =	ssyncset.done $0x0  }
0x78: {  	s29 =	simm.s32 $0xFA00;
	[sflag:s0] =	ssyncadd.s32 $0xFFFFC180  }
0x79: {  	[spmem:s2] =	stream.indirect.scatter.add.f32 [tilespmem:s29], [sflag:$0x3], $0x8, s30, s22, $0xb8;
	[tilespmem:$0x1FC00] =	vst v63  }
0x7a: {  	_ =	swait.ge [sflag:s1], $0x3E80  }
0x7b: {  	[sflag:s1] =	ssyncset.done $0x0  }
0x7c: {  	[sflag:s1] =	ssyncadd.s32 $0xFFFFC180  }
0x7d: {  	_ =	swait.ge [sflag:s1], $0x3E80  }
0x7e: {  	[sflag:s1] =	ssyncset.done $0x0  }
0x7f: {  	s24 =	sadd.s32 $0x1, s24;
	[sflag:s1] =	ssyncadd.s32 $0xFFFFC180  }
0x80: {  	p0 =	sne.s32 s24, s13;
	[bflag:$0x0] =	sbarrier.arrive $0xFFFF  }
.Ltmp1:
0x81: {  	s31 =	rddreg [dreg:$0x9];
	(pc) =	sbr.rel @p0 .LBB2_1-.Ltmp1, $4  }
0x82: {  	[hbm:s31], [sflag:s7] =	dma.local [spmem:s25], $0x1870  }
0x83: {  	_ =	swait.ge [sflag:s20], $0x1870  }
0x84: {  	[sflag:s20] =	ssyncset.done $0x0  }
0x85: {  	[sflag:s20] =	ssyncadd.s32 $0xFFFFE790  }
0x86: {  	_ =	sfence.sel $0x180000  }
0x87: {  	[bflag:$0x0] =	sbarrier.arrive $0xFFFF  }
0x88: {  	_ =	strace $0x90000050  }
0x89: {  	s0 =	stileid.u32;
	[bflag:$0x2] =	sbarrier.arrive $0xFFFF  }
0x8a: {  	p0 =	sne.s32 s0, $0x0;
	s0 =	rddreg [dreg:$0x2]  }
0x8b: {  	s0 =	sadd.s32 @!p0 $0x100000, s0  }
0x8c: {  	[sflag:s0] =	ssyncadd.tile.s32 @!p0 $0x1;
	_ =	shalt  }
.Lfunc_end2:
_tile_overlayer_lowered:
.L_overlay_start_2:
0x8d: {  	(tag) =	ssettag $0x2  }
0x8e: {  	s0 =	rddreg [dreg:$0x0];
	s2 =	stileid.u32  }
0x8f: {  	s1 =	rddreg [dreg:$0x1];
	p0 =	sne.s32 s2, $0x0  }
0x90: {  	s3 =	rddreg [dreg:$0x2];
	[bflag:$0x3] =	sbarrier.arrive $0xFFFF;
	s2 =	simm.s32 @!p0 $0x1C04  }
0x91: {  	[timem:s3], [sflag:s2] =	dma.local @!p0 [hbm:s0], s1  }
0x92: {  	s0 =	simm.s32 @!p0 $0x4  }
0x93: {  	_ =	swait.ge @!p0 [sflag:s0], s1  }
0x94: {  	s1 =	ssub.s32 @!p0 $0x0, s1;
	[sflag:s0] =	ssyncset.done @!p0 $0x0  }
0x95: {  	[sflag:s0] =	ssyncadd.s32 @!p0 s1  }
0x96: {  	[bflag:$0x3] =	sbarrier.arrive $0xFFFF  }
0x97: {  	_ =	shalt  }

// kernel: kernel.23.cloned.1.call-start
scs
__scs_entry_jumppad:
0x0: {  	(pc) =	sbr.rel $0x88, $3  }
0x1: {  	(tag) =	ssettag $0x0;
	lr =	simm.s32 $0x1  }
0x2: {  	[smem:$0x3F8D] =	sst lr;
	_ =	strace $0xD0000000  }
0x3: {  	_ = 	snop  }
0x4: {  	_ = 	snop  }
0x5: {  	_ = 	snop  }
0x6: {  	_ = 	snop  }
0x7: {  	_ = 	snop  }
__scs_overlays_trampoline_lowered:
0x8: {  	[smem:$0x3F9C] =	sst s0  }
0x9: {  	[smem:$0x3F9D] =	sst s1  }
0xa: {  	[smem:$0x3F9E] =	sst s2  }
0xb: {  	[smem:$0x3F9F] =	sst s3  }
0xc: {  	[smem:$0x3FA0] =	sst s4  }
0xd: {  	[smem:$0x3FA1] =	sst s5  }
0xe: {  	[smem:$0x3FA2] =	sst s6  }
0xf: {  	[smem:$0x3FA3] =	sst s7  }
0x10: {  	[smem:$0x3FA4] =	sst s8  }
0x11: {  	[smem:$0x3FA5] =	sst s9;
	s0 =	simm.s32 @!p0 $0x0  }
0x12: {  	s1 =	sld [smem:$0x3F8B];
	s0 =	simm.s32 @p0 $0x1  }
0x13: {  	[smem:$0x3FA6] =	sst s0;
	s0 =	simm.s32 @!p1 $0x0  }
0x14: {  	s2 =	sld [smem:$0x3F8A];
	s0 =	simm.s32 @p1 $0x1  }
0x15: {  	[smem:$0x3FA7] =	sst s0;
	s0 =	simm.s32 @!p2 $0x0  }
0x16: {  	s3 =	sld [smem:$0x3FDB];
	s0 =	simm.s32 @p2 $0x1  }
0x17: {  	s4 =	simm.s32 $0x1BF5;
	[smem:$0x3FA9] =	sst s0  }
0x18: {  	s0 =	sld [smem:$0x3F8C];
	_ =	swait.ge [sflag:s4], $0x0  }
0x19: {  	s7 =	sld [smem:$0x3F8D]  }
0x1a: {  	s8 =	sadd.s32 $0xFFFFE003, lr  }
0x1b: {  	s9 =	sadd.s32 $0xFFFFFEF7, lr;
	s5 =	simm.s32 $0xFFFFFFFF;
	p2 =	slt.u32 s8, $0xFFFFF086  }
0x1c: {  	p1 =	slt.u32 s9, $0xF7A;
	s5 =	simm.s32 @!p2 $0x0  }
0x1d: {  	s5 =	simm.s32 @p1 $0x1;
	p0 =	seq.s32 s7, s2  }
0x1e: {  	s7 =	smul.u32 @!p0 $0xF7A, s2;
	p2 =	seq.s32 @!p0 s5, $0x0  }
0x1f: {  	s9 =	smul.u32 $0xF7A, s1;
	s8 =	simm.s32 @!p0 $0x1BF5;
	p2 =	por !p2, p0  }
0x20: {  	[sflag:s8] =	ssyncset.s32 @!p0 $0xFFFFF086;
	s6 =	sadd.s32 @!p0 s3, s7;
	s7 =	simm.s32 @!p0 $0x108  }
0x21: {  	s3 =	sadd.s32 s3, s9;
	s6 =	sadd.s32 @!p0 $0x88, s6;
	s7 =	simm.s32 @p2 $0x1082  }
0x22: {  	[simem:s7], [sflag:s8] =	dma.local @!p0 [hbm:s6], $0xF7A  }
0x23: {  	s9 =	sor.u32 $0xD0000000, s2;
	s6 =	simm.s32 $0x108;
	_ =	swait.ge @!p0 [sflag:s8], $0x0  }
0x24: {  	s3 =	sadd.s32 $0x88, s3;
	s6 =	simm.s32 @!p1 $0x1082;
	[sflag:s4] =	ssyncset.s32 $0xFFFFF086  }
0x25: {  	[simem:s6], [sflag:s4] =	dma.local [hbm:s3], $0xF7A  }
0x26: {  	[smem:$0x3F8D] =	sst s1;
	(tag) =	ssettag s2;
	_ =	strace s9  }
0x27: {  	s1 =	sld [smem:$0x3F9D]  }
0x28: {  	s2 =	sld [smem:$0x3F9E]  }
0x29: {  	s4 =	sld [smem:$0x3FA0]  }
0x2a: {  	p0 =	seq.s32 s5, $0x0;
	s5 =	sld [smem:$0x3FA1]  }
0x2b: {  	s6 =	sld [smem:$0x3FA2]  }
0x2c: {  	s7 =	sld [smem:$0x3FA3]  }
0x2d: {  	s3 =	simm.s32 $0x108;
	s8 =	sld [smem:$0x3FA4]  }
0x2e: {  	s3 =	simm.s32 @!p0 $0x1082;
	s9 =	sld [smem:$0x3FA5]  }
0x2f: {  	lr =	sadd.s32 s0, s3;
	s0 =	sld [smem:$0x3F9C]  }
0x30: {  	s3 =	sld [smem:$0x3F9F]  }
0x31: {  	[smem:$0x3FA8] =	sst s10  }
0x32: {  	s10 =	sld [smem:$0x3FA6];
	_ =	sdelay $0x3  }
0x33: {  	p0 =	seq.s32 s10, $0x1;
	s10 =	sld [smem:$0x3FA8];
	_ =	sdelay $0x3  }
0x34: {  	[smem:$0x3FA8] =	sst s10  }
0x35: {  	s10 =	sld [smem:$0x3FA7];
	_ =	sdelay $0x3  }
0x36: {  	p1 =	seq.s32 s10, $0x1;
	s10 =	sld [smem:$0x3FA8];
	_ =	sdelay $0x3  }
0x37: {  	[smem:$0x3FA8] =	sst s10  }
0x38: {  	s10 =	sld [smem:$0x3FA9]  }
0x39: {  	_ = 	snop;
	(pc) =	sbr.ind lr, $3  }
0x3a: {  	_ = 	snop  }
0x3b: {  	_ = 	snop  }
0x3c: {  	p2 =	seq.s32 s10, $0x1;
	s10 =	sld [smem:$0x3FA8]  }
0x3d: {  	_ =	shalt  }
0x3e: {  	_ =	shalt  }
0x3f: {  	_ =	shalt  }
0x40: {  	_ =	shalt  }
0x41: {  	_ =	shalt  }
0x42: {  	_ =	shalt  }
0x43: {  	_ =	shalt  }
0x44: {  	_ =	shalt  }
0x45: {  	_ =	shalt  }
0x46: {  	_ =	shalt  }
0x47: {  	_ =	shalt  }
0x48: {  	_ =	shalt  }
0x49: {  	_ =	shalt  }
0x4a: {  	_ =	shalt  }
0x4b: {  	_ =	shalt  }
0x4c: {  	_ =	shalt  }
0x4d: {  	_ =	shalt  }
0x4e: {  	_ =	shalt  }
0x4f: {  	_ =	shalt  }
0x50: {  	_ =	shalt  }
0x51: {  	_ =	shalt  }
0x52: {  	_ =	shalt  }
0x53: {  	_ =	shalt  }
0x54: {  	_ =	shalt  }
0x55: {  	_ =	shalt  }
0x56: {  	_ =	shalt  }
0x57: {  	_ =	shalt  }
0x58: {  	_ =	shalt  }
0x59: {  	_ =	shalt  }
0x5a: {  	_ =	shalt  }
0x5b: {  	_ =	shalt  }
0x5c: {  	_ =	shalt  }
0x5d: {  	_ =	shalt  }
0x5e: {  	_ =	shalt  }
0x5f: {  	_ =	shalt  }
0x60: {  	_ =	shalt  }
0x61: {  	_ =	shalt  }
0x62: {  	_ =	shalt  }
0x63: {  	_ =	shalt  }
0x64: {  	_ =	shalt  }
0x65: {  	_ =	shalt  }
0x66: {  	_ =	shalt  }
0x67: {  	_ =	shalt  }
0x68: {  	_ =	shalt  }
0x69: {  	_ =	shalt  }
0x6a: {  	_ =	shalt  }
0x6b: {  	_ =	shalt  }
0x6c: {  	_ =	shalt  }
0x6d: {  	_ =	shalt  }
0x6e: {  	_ =	shalt  }
0x6f: {  	_ =	shalt  }
0x70: {  	_ =	shalt  }
0x71: {  	_ =	shalt  }
0x72: {  	_ =	shalt  }
0x73: {  	_ =	shalt  }
0x74: {  	_ =	shalt  }
0x75: {  	_ =	shalt  }
0x76: {  	_ =	shalt  }
0x77: {  	_ =	shalt  }
0x78: {  	_ =	shalt  }
0x79: {  	_ =	shalt  }
0x7a: {  	_ =	shalt  }
0x7b: {  	_ =	shalt  }
0x7c: {  	_ =	shalt  }
0x7d: {  	_ =	shalt  }
0x7e: {  	_ =	shalt  }
0x7f: {  	_ =	shalt  }
0x80: {  	_ =	shalt  }
0x81: {  	_ =	shalt  }
0x82: {  	_ =	shalt  }
0x83: {  	_ =	shalt  }
0x84: {  	_ =	shalt  }
0x85: {  	_ =	shalt  }
0x86: {  	_ =	shalt  }
0x87: {  	_ =	shalt  }
.Lfunc_end0:
.L_simem_size_0:
called_computation.4_lowered:
.L_overlay_start_0:
0x88: {  	s2 =	sld [smem:$0x3FD9]  }
0x89: {  	s3 =	sld [smem:$0x3FFE];
	_ =	sdelay $0x1  }
0x8a: {  	s1 =	srdreg.scid  }
0x8b: {  	s0 =	sand.u32 $0x1, s1  }
0x8c: {  	s17 =	sshll.u32 s0, $0xA;
	s2 =	sadd.s32 s3, s2  }
0x8d: {  	s2 =	sadd.s32 s2, s17  }
0x8e: {  	[smem:$0x3FB4] =	sst s2  }
0x8f: {  	_ = 	snop  }
0x90: {  	s18 =	sld [smem:$0x3FD0];
	(tm) =	ssettm $0x1  }
0x91: {  	s19 =	sld [smem:$0x3FFB];
	_ =	sdelay $0x3  }
0x92: {  	_ =	strace s19  }
0x93: {  	s2 =	sld [smem:$0x3FFC];
	_ =	sdelay $0x3  }
0x94: {  	_ =	strace s2  }
0x95: {  	s2 =	sld [smem:$0x3FFD];
	_ =	sdelay $0x3  }
0x96: {  	_ =	strace s2  }
0x97: {  	_ =	strace $0x8FFFFFFF  }
0x98: {  	s20 =	sld [smem:$0x3FDB];
	_ =	sdelay $0x1  }
0x99: {  	s4 =	simm.s32 $_scs_section_size  }
0x9a: {  	s5 =	simm.s32 $_size__tile_overlayer_lowered;
	s6 =	simm.s32 $_tile_overlayer_lowered  }
0x9b: {  	s7 =	simm.s32 $0x1BFF;
	s21 =	sshll.u32 s6, $0x1;
	s4 =	sadd.s32 s4, s20  }
0x9c: {  	s22 =	simm.s32 $0x0;
	s5 =	sshll.u32 s5, $0x1;
	s6 =	sadd.s32 s21, s4  }
0x9d: {  	[timem:s22], [sflag:s7] =	dma.local [hbm:s6], s5  }
0x9e: {  	_ =	swait.ge [sflag:s7], s5  }
0x9f: {  	s5 =	ssub.s32 $0x0, s5;
	[sflag:s7] =	ssyncset.done $0x0  }
0xa0: {  	[sflag:s7] =	ssyncadd.s32 s5;
	_ =	sdelay $0x1  }
0xa1: {  	s23 =	simm.s32 $0x1B8B  }
0xa2: {  	_ =	swait.ge [sflag:s23], $0x1  }
0xa3: {  	[sflag:s23] =	ssyncset.done $0x0  }
0xa4: {  	[sflag:s23] =	ssyncadd.s32 $0xFFFFFFFF  }
0xa5: {  	s5 =	sld [smem:$0x0]  }
0xa6: {  	s6 =	sand.u32 $0xFFFFFFFE, s1  }
0xa7: {  	p0 =	sne.s32 s1, s6  }
0xa8: {  	s6 =	sshll.u32 @p0 s6, $0xE  }
0xa9: {  	s6 =	sadd.s32 @p0 $0x11B8D, s6;
	s7 =	sshll.u32 @p0 s5, $0x11  }
0xaa: {  	s6 =	sor.u32 @p0 s7, s6  }
0xab: {  	[sflag:s6] =	ssyncadd.remote.s32 @p0 $0x1;
	_ =	sdelay $0x1  }
0xac: {  	s6 =	simm.s32 @p0 $0x1B8D  }
0xad: {  	_ =	swait.eq @p0 [sflag:s6], $0x1  }
0xae: {  	[sflag:s6] =	ssyncadd.s32 @p0 $0xFFFFFFFF  }
0xaf: {  	s7 =	sshll.u32 @!p0 s1, $0xE  }
0xb0: {  	s7 =	sor.u32 @!p0 $0x4000, s7;
	s6 =	simm.s32 @!p0 $0x1B8D  }
0xb1: {  	s5 =	sshll.u32 @!p0 s5, $0x11;
	s7 =	sadd.s32 @!p0 $0x11B8D, s7;
	_ =	swait.eq @!p0 [sflag:s6], $0x1  }
0xb2: {  	s5 =	sor.u32 @!p0 s5, s7;
	[sflag:s6] =	ssyncadd.s32 @!p0 $0xFFFFFFFF  }
0xb3: {  	s25 =	simm.s32 $0x1B8E;
	s24 =	sld [smem:$0x3FFE];
	[sflag:s5] =	ssyncadd.remote.s32 @!p0 $0x1  }
0xb4: {  	s26 =	simm.s32 $execute0_lowered;
	[smem:$0x3FD2] =	sst s25  }
0xb5: {  	s6 =	sshll.u32 s26, $0x1;
	_ =	strace $0x80000052;
	[dreg:$0x1] =	wrdreg $0xFFFFFFFF  }
0xb6: {  	s28 =	simm.s32 $_size_execute0_lowered;
	s4 =	sadd.s32 s4, s6;
	[dreg:$0x0] =	wrdreg $0x0  }
0xb7: {  	s6 =	sshll.u32 s28, $0x1;
	[dreg:$0x2] =	wrdreg s4  }
0xb8: {  	[dreg:$0x3] =	wrdreg s6  }
0xb9: {  	[dreg:$0x4] =	wrdreg $0xC0  }
0xba: {  	_ =	task [dreg:s22], $0x5FFFF  }
0xbb: {  	[dreg:$0x1] =	wrdreg $0xFFFFFFFF  }
0xbc: {  	[dreg:$0x0] =	wrdreg $0x60  }
0xbd: {  	[dreg:$0x2] =	wrdreg s24  }
0xbe: {  	[dreg:$0x3] =	wrdreg s18  }
0xbf: {  	[dreg:$0x4] =	wrdreg $0x138800  }
0xc0: {  	[dreg:$0x5] =	wrdreg $0xA  }
0xc1: {  	_ =	task.clear_ibuf [dreg:s22], $0x6FFFF;
	_ =	strace $0x90000052  }
0xc2: {  	s29 =	simm.s32 $0xA;
	_ =	strace $0x80000054  }
0xc3: {  	_ =	swait.ge [sflag:s29], $0x1  }
0xc4: {  	[sflag:s29] =	ssyncadd.s32 $0xFFFFFFFF  }
0xc5: {  	_ =	strace $0x90000054  }
0xc6: {  	_ =	sfence  }
0xc7: {  	s30 =	sld [smem:$0x0];
	_ =	sdelay $0x2  }
0xc8: {  	s31 =	sshll.u32 s1, $0xD;
	s1 =	sshrl.u32 s1, $0x2  }
0xc9: {  	s4 =	sand.u32 $0x4000, s31;
	s1 =	sadd.s32 s1, s30  }
0xca: {  	s0 =	sor.u32 s4, s0;
	s1 =	sshll.u32 s1, $0x11  }
0xcb: {  	s0 =	sor.u32 s1, s0  }
0xcc: {  	s0 =	sadd.s32 $0x8F2B, s0  }
0xcd: {  	[sflag:s0] =	ssyncadd.remote.s32 $0x1  }
0xce: {  	_ =	sfence.sel $0xFFFF  }
0xcf: {  	[dreg:$0x0] =	wrdreg $0xFFFFFFFF;
	(pc) =	sbr.abs _section_cstart, $3  }
0xd0: {  	[dreg:$0x1] =	wrdreg $0xFFFFFFFF  }
0xd1: {  	_ =	task.clear_ibuf [dreg:s22], $0x2FFFF;
	_ =	strace $0x9FFFFFFF  }
0xd2: {  	(tm) =	ssettm $0x7FFFFFFF  }
0xd3: {  	_ =	shalt  }
tec
execute0_lowered:
.L_overlay_start_1:
0x0: {  	(tag) =	ssettag $0x1  }
0x1: {  	s0 =	rddreg [dreg:$0x0]  }
0x2: {  	s3 =	rddreg [dreg:$0x1]  }
0x3: {  	s1 =	rddreg [dreg:$0x2];
	s2 =	simm.s32 $0x0;
	s5 =	srdreg.scid  }
0x4: {  	s13 =	stileid.u32;
	s28 =	simm.s32 $0x3E80;
	s30 =	simm.s32 $0x36B0  }
0x5: {  	[smem:$0x7FF] =	sst s2;
	s4 =	sadd.s32 $0x4CA00, s0;
	s6 =	sadd.s32 $0x265C00, s0  }
0x6: {  	s5 =	sand.u32 $0x1, s5;
	s8 =	smul.u32 $0xC380, s13;
	s9 =	sadd.s32 $0x1A2600, s0  }
0x7: {  	s17 =	sshll.u32 s13, $0x6;
	s23 =	smul.u32 $0x30D40, s13;
	_ =	strace $0x80000053  }
0x8: {  	s7 =	sshll.u32 s5, $0x4;
	s10 =	ssub.s32 $0x2, s5;
	s18 =	smul.u32 $0xC3800, s5  }
0x9: {  	s5 =	smul.u32 $0x30D400, s5;
	s7 =	sor.u32 s13, s7;
	s11 =	sshrl.u32 s8, $0x3  }
0xa: {  	s12 =	sshrl.u32 s10, $0x1;
	s16 =	sadd.s32 s8, s1;
	s7 =	smul.u32 $0x30D40, s7  }
0xb: {  	s0 =	sadd.s32 s11, s0;
	s10 =	ssub.s32 s10, s12;
	[dreg:$0x4] =	wrdreg s16  }
0xc: {  	s21 =	sadd.s32 s8, s18;
	s26 =	sadd.s32 s23, s5;
	s0 =	sadd.s32 $0x329200, s0  }
0xd: {  	s13 =	smax.u32 s10, $0x1;
	s15 =	sshrl.u32 s7, $0x3;
	[dreg:$0x5] =	wrdreg s0  }
0xe: {  	s7 =	sor.u32 $0x1C04, s17;
	s0 =	sshrl.u32 s21, $0x3;
	s21 =	simm.s32 $0x1F40  }
0xf: {  	s19 =	sadd.s32 s6, s15;
	s20 =	sadd.s32 s9, s15;
	s22 =	sadd.s32 $0xFA, s15  }
0x10: {  	s0 =	sadd.s32 s3, s0;
	s25 =	sadd.s32 $0x1F4, s15;
	s29 =	sadd.s32 $0x2EE, s15  }
0x11: {  	s3 =	sadd.s32 $0x1F40, s26;
	s26 =	simm.s32 $0x1;
	[dreg:$0x6] =	wrdreg s19  }
0x12: {  	[dreg:$0x7] =	wrdreg s20;
	s24 =	sadd.s32 s6, s22;
	s8 =	sadd.s32 s9, s22  }
0x13: {  	[dreg:$0xa] =	wrdreg s0;
	s14 =	sadd.s32 s6, s25;
	s15 =	sadd.s32 s9, s25  }
0x14: {  	s16 =	sadd.s32 s6, s29;
	s31 =	sshrl.u32 s3, $0x3;
	s17 =	sadd.s32 s9, s29  }
0x15: {  	s20 =	simm.s32 $0x4;
	s22 =	simm.s32 $0x7D0;
	[dreg:$0x8] =	wrdreg s24  }
0x16: {  	s0 =	simm.s32 $0x2;
	s3 =	simm.s32 $0x3;
	[dreg:$0x9] =	wrdreg s8  }
0x17: {  	s18 =	sadd.s32 s31, s9;
	s19 =	sadd.s32 s31, s6;
	s24 =	simm.s32 $0x0  }
.LBB2_1:
0x18: {  	s5 =	rddreg [dreg:$0x4]  }
0x19: {  	s11 =	rddreg [dreg:$0x5];
	s25 =	sshrl.u32 s5, $0x3  }
0x1a: {  	[spmem:s25], [sflag:s7] =	dma.local [hbm:s11], $0x1870  }
0x1b: {  	_ =	swait.ge [sflag:s20], $0x1870  }
0x1c: {  	[sflag:s20] =	ssyncset.done $0x0  }
0x1d: {  	[sflag:s20] =	ssyncadd.s32 $0xFFFFE790  }
0x1e: {  	[bflag:$0x0] =	sbarrier.arrive $0xFFFF  }
0x1f: {  	s12 =	rddreg [dreg:$0x6]  }
0x20: {  	[tilespmem:s2], [sflag:$0x1] =	stream.linear.gather [hbm4b:s12+s2], $0x7D0, $0x38;
	[tilespmem:$0x1FC00] =	vst v63  }
0x21: {  	s23 =	rddreg [dreg:$0x7]  }
0x22: {  	[tilespmem:s21], [sflag:$0x1] =	stream.linear.gather [hbm4b:s23+s2], $0x7D0, $0x38;
	[tilespmem:$0x1FC00] =	vst v63  }
0x23: {  	s6 =	rddreg [dreg:$0x8]  }
0x24: {  	[tilespmem:s22], [sflag:$0x1] =	stream.linear.gather [hbm4b:s6+s2], $0x7D0, $0x38;
	[tilespmem:$0x1FC00] =	vst v63  }
0x25: {  	s8 =	rddreg [dreg:$0x9];
	s6 =	simm.s32 $0x2710  }
0x26: {  	[tilespmem:s6], [sflag:$0x1] =	stream.linear.gather [hbm4b:s8+s2], $0x7D0, $0x38;
	[tilespmem:$0x1FC00] =	vst v63  }
0x27: {  	s9 =	simm.s32 $0xFA0  }
0x28: {  	[tilespmem:s9], [sflag:$0x1] =	stream.linear.gather [hbm4b:s14+s2], $0x7D0, $0x38;
	[tilespmem:$0x1FC00] =	vst v63  }
0x29: {  	s10 =	simm.s32 $0x2EE0  }
0x2a: {  	[tilespmem:s10], [sflag:$0x1] =	stream.linear.gather [hbm4b:s15+s2], $0x7D0, $0x38;
	[tilespmem:$0x1FC00] =	vst v63  }
0x2b: {  	_ =	swait.ge [sflag:s26], $0x7D0  }
0x2c: {  	[sflag:s26] =	ssyncset.done $0x0  }
0x2d: {  	[sflag:s26] =	ssyncadd.s32 $0xFFFFF830  }
0x2e: {  	_ =	swait.ge [sflag:s26], $0x7D0  }
0x2f: {  	[sflag:s26] =	ssyncset.done $0x0  }
0x30: {  	[sflag:s26] =	ssyncadd.s32 $0xFFFFF830  }
0x31: {  	[tilespmem:s28], [sflag:$0x2] =	stream.indirect.gather [hbm4b:s4+s22], $0x8, s2, s22, $0xb8;
	[tilespmem:$0x1FC00] =	vst v63  }
0x32: {  	s11 =	simm.s32 $0x1770  }
0x33: {  	[tilespmem:s11], [sflag:$0x1] =	stream.linear.gather [hbm4b:s16+s2], $0x7D0, $0x38;
	[tilespmem:$0x1FC00] =	vst v63  }
0x34: {  	_ = 	snop  }
0x35: {  	[tilespmem:s30], [sflag:$0x1] =	stream.linear.gather [hbm4b:s17+s2], $0x7D0, $0x38;
	[tilespmem:$0x1FC00] =	vst v63  }
0x36: {  	_ =	swait.ge [sflag:s26], $0x7D0  }
0x37: {  	[sflag:s26] =	ssyncset.done $0x0  }
0x38: {  	[sflag:s26] =	ssyncadd.s32 $0xFFFFF830  }
0x39: {  	_ =	swait.ge [sflag:s26], $0x7D0  }
0x3a: {  	[sflag:s26] =	ssyncset.done $0x0  }
0x3b: {  	s12 =	simm.s32 $0x7D00;
	[sflag:s26] =	ssyncadd.s32 $0xFFFFF830  }
0x3c: {  	[tilespmem:s12], [sflag:$0x2] =	stream.indirect.gather [hbm4b:s4+s22], $0x8, s22, s22, $0xb8;
	[tilespmem:$0x1FC00] =	vst v63  }
0x3d: {  	_ =	swait.ge [sflag:s0], $0x3E80  }
0x3e: {  	p0 =	por $0x0, $0x0;
	[sflag:s0] =	ssyncset.done $0x0  }
0x3f: {  	s5 =	simm.s32 @!p0 $0x4;
	[sflag:s0] =	ssyncadd.s32 $0xFFFFC180  }
0x40: {  	[spmem:s1] =	stream.indirect.scatter.add.f32 [tilespmem:s28], [sflag:$0x3], $0x8, s21, s22, $0xb8;
	[tilespmem:$0x1FC00] =	vst v63  }
0x41: {  	s29 =	simm.s32 $0x6;
	s5 =	sand.u32 @!p0 $0x3, s5;
	_ =	swait.ge [sflag:s3], $0x3E80  }
0x42: {  	s5 =	smul.u32 @!p0 $0x7D0, s5;
	s9 =	simm.s32 $0x2;
	[sflag:s3] =	ssyncset.done $0x0  }
0x43: {  	s6 =	simm.s32 @!p0 $0x0;
	s23 =	sand.u32 $0x3, s9;
	[sflag:s3] =	ssyncadd.s32 $0xFFFFC180  }
0x44: {  	[tilespmem:s5], [sflag:$0x1] =	stream.linear.gather @!p0 [hbm4b:s19+s6], $0x7D0, $0x38;
	[tilespmem:$0x1FC00] =	vst v63  }
0x45: {  	s8 =	simm.s32 $0x5;
	s9 =	smul.u32 $0xFA00, s23;
	s5 =	sadd.s32 @!p0 $0x1F40, s5  }
0x46: {  	[tilespmem:s5], [sflag:$0x1] =	stream.linear.gather @!p0 [hbm4b:s18+s6], $0x7D0, $0x38;
	[tilespmem:$0x1FC00] =	vst v63  }
0x47: {  	s31 =	sadd.s32 $0xFA, s19;
	s8 =	sand.u32 $0x3, s8;
	_ =	swait.ge [sflag:s26], $0x7D0  }
0x48: {  	s9 =	sshrl.u32 s9, $0x2;
	s11 =	smul.u32 $0x1F40, s8;
	[sflag:s26] =	ssyncset.done $0x0  }
0x49: {  	s9 =	sadd.s32 $0x3E80, s9;
	s8 =	smul.u32 $0xFA00, s8;
	[sflag:s26] =	ssyncadd.s32 $0xFFFFF830  }
0x4a: {  	s11 =	sshrl.u32 s11, $0x2;
	s6 =	smul.u32 $0x1F40, s23;
	_ =	swait.ge [sflag:s26], $0x7D0  }
0x4b: {  	s5 =	simm.s32 $0x7;
	s23 =	sadd.s32 $0xFA, s18;
	[sflag:s26] =	ssyncset.done $0x0  }
0x4c: {  	s10 =	sshrl.u32 s6, $0x2;
	s6 =	simm.s32 $0x3;
	[sflag:s26] =	ssyncadd.s32 $0xFFFFF830  }
.LBB2_2:
0x4d: {  	[tilespmem:s9], [sflag:$0x2] =	stream.indirect.gather [hbm4b:s4+s22], $0x8, s10, s22, $0xb8;
	[tilespmem:$0x1FC00] =	vst v63  }
0x4e: {  	s9 =	smov.u32 s29;
	s29 =	smov.u32 s5  }
0x4f: {  	p1 =	sgt.u32 s6, $0x61;
	s10 =	sadd.s32 $0x1F40, s11;
	_ =	swait.ge [sflag:s0], $0x3E80  }
0x50: {  	s8 =	sshrl.u32 s8, $0x2;
	s11 =	sadd.s32 @!p1 $0xFFFFFFFF, s9;
	[sflag:s0] =	ssyncset.done $0x0  }
0x51: {  	s8 =	sadd.s32 $0x3E80, s8;
	s11 =	sand.u32 @!p1 $0x3, s11;
	[sflag:s0] =	ssyncadd.s32 $0xFFFFC180  }
0x52: {  	[spmem:s1] =	stream.indirect.scatter.add.f32 [tilespmem:s8], [sflag:$0x3], $0x8, s10, s22, $0xb8;
	[tilespmem:$0x1FC00] =	vst v63  }
0x53: {  	s5 =	sadd.s32 $0x1, s5;
	s8 =	smul.u32 @!p1 $0x7D0, s11;
	_ =	swait.ge [sflag:s3], $0x3E80  }
0x54: {  	p0 =	sne.s32 s5, $0x67;
	[sflag:s3] =	ssyncset.done $0x0  }
0x55: {  	s10 =	simm.s32 @!p1 $0x0;
	s11 =	sadd.s32 @!p1 $0x1F40, s8;
	[sflag:s3] =	ssyncadd.s32 $0xFFFFC180  }
0x56: {  	[tilespmem:s8], [sflag:$0x1] =	stream.linear.gather @!p1 [hbm4b:s31+s10], $0x7D0, $0x38;
	[tilespmem:$0x1FC00] =	vst v63  }
0x57: {  	s6 =	sand.u32 $0x3, s6  }
0x58: {  	[tilespmem:s11], [sflag:$0x1] =	stream.linear.gather @!p1 [hbm4b:s23+s10], $0x7D0, $0x38;
	[tilespmem:$0x1FC00] =	vst v63  }
0x59: {  	s8 =	smul.u32 $0xFA00, s6;
	_ =	swait.ge [sflag:s26], $0x7D0  }
0x5a: {  	s6 =	smul.u32 $0x1F40, s6;
	[sflag:s26] =	ssyncset.done $0x0  }
.Ltmp0:
0x5b: {  	s31 =	sadd.s32 $0xFA, s31;
	[sflag:s26] =	ssyncadd.s32 $0xFFFFF830;
	(pc) =	sbr.rel @p0 .LBB2_2-.Ltmp0, $4  }
0x5c: {  	s8 =	sshrl.u32 s8, $0x2;
	s11 =	sand.u32 $0x3, s9;
	s23 =	sadd.s32 $0xFA, s23  }
0x5d: {  	s9 =	sadd.s32 $0x3E80, s8;
	s12 =	smul.u32 $0x1F40, s11;
	_ =	swait.ge [sflag:s26], $0x7D0  }
0x5e: {  	s10 =	sshrl.u32 s6, $0x2;
	s8 =	smul.u32 $0xFA00, s11;
	[sflag:s26] =	ssyncset.done $0x0  }
0x5f: {  	s6 =	sadd.s32 $0xFFFFFFFD, s29;
	s11 =	sshrl.u32 s12, $0x2;
	[sflag:s26] =	ssyncadd.s32 $0xFFFFF830  }
0x60: {  	[tilespmem:s9], [sflag:$0x2] =	stream.indirect.gather [hbm4b:s4+s22], $0x8, s10, s22, $0xb8;
	[tilespmem:$0x1FC00] =	vst v63  }
0x61: {  	p0 =	sgt.u32 s6, $0x61;
	_ =	swait.ge [sflag:s0], $0x3E80  }
0x62: {  	s5 =	sadd.s32 $0x1F40, s11;
	s8 =	sshrl.u32 s8, $0x2;
	[sflag:s0] =	ssyncset.done $0x0  }
0x63: {  	s9 =	sadd.s32 @!p0 $0xFFFFFFFF, s29;
	s8 =	sadd.s32 $0x3E80, s8;
	[sflag:s0] =	ssyncadd.s32 $0xFFFFC180  }
0x64: {  	[spmem:s1] =	stream.indirect.scatter.add.f32 [tilespmem:s8], [sflag:$0x3], $0x8, s5, s22, $0xb8;
	[tilespmem:$0x1FC00] =	vst v63  }
0x65: {  	s5 =	sand.u32 @!p0 $0x3, s9;
	_ =	swait.ge [sflag:s3], $0x3E80  }
0x66: {  	s5 =	smul.u32 @!p0 $0x7D0, s5;
	[sflag:s3] =	ssyncset.done $0x0  }
0x67: {  	s8 =	simm.s32 @!p0 $0x0;
	[sflag:s3] =	ssyncadd.s32 $0xFFFFC180  }
0x68: {  	[tilespmem:s5], [sflag:$0x1] =	stream.linear.gather @!p0 [hbm4b:s31+s8], $0x7D0, $0x38;
	[tilespmem:$0x1FC00] =	vst v63  }
0x69: {  	s5 =	sadd.s32 @!p0 $0x1F40, s5  }
0x6a: {  	[tilespmem:s5], [sflag:$0x1] =	stream.linear.gather @!p0 [hbm4b:s23+s8], $0x7D0, $0x38;
	[tilespmem:$0x1FC00] =	vst v63  }
0x6b: {  	s9 =	sand.u32 $0x3, s6;
	_ =	swait.ge [sflag:s26], $0x7D0  }
0x6c: {  	s6 =	smul.u32 $0xFA00, s9;
	[sflag:s26] =	ssyncset.done $0x0  }
0x6d: {  	s10 =	sand.u32 $0x3, s29;
	[sflag:s26] =	ssyncadd.s32 $0xFFFFF830  }
0x6e: {  	s6 =	sshrl.u32 s6, $0x2;
	s5 =	smul.u32 $0x1F40, s9;
	_ =	swait.ge [sflag:s26], $0x7D0  }
0x6f: {  	s11 =	smul.u32 $0x1F40, s10;
	s6 =	sadd.s32 $0x3E80, s6;
	[sflag:s26] =	ssyncset.done $0x0  }
0x70: {  	s8 =	smul.u32 $0xFA00, s10;
	s5 =	sshrl.u32 s5, $0x2;
	[sflag:s26] =	ssyncadd.s32 $0xFFFFF830  }
0x71: {  	[tilespmem:s6], [sflag:$0x2] =	stream.indirect.gather [hbm4b:s4+s22], $0x8, s5, s22, $0xb8;
	[tilespmem:$0x1FC00] =	vst v63  }
0x72: {  	_ =	swait.ge [sflag:s0], $0x3E80  }
0x73: {  	s12 =	sshrl.u32 s11, $0x2;
	s23 =	sshrl.u32 s8, $0x2;
	[sflag:s0] =	ssyncset.done $0x0  }
0x74: {  	s5 =	sadd.s32 $0x1F40, s12;
	s6 =	sadd.s32 $0x3E80, s23;
	[sflag:s0] =	ssyncadd.s32 $0xFFFFC180  }
0x75: {  	[spmem:s1] =	stream.indirect.scatter.add.f32 [tilespmem:s6], [sflag:$0x3], $0x8, s5, s22, $0xb8;
	[tilespmem:$0x1FC00] =	vst v63  }
0x76: {  	_ =	swait.ge [sflag:s0], $0x3E80  }
0x77: {  	[sflag:s0] =	ssyncset.done $0x0  }
0x78: {  	s29 =	simm.s32 $0xFA00;
	[sflag:s0] =	ssyncadd.s32 $0xFFFFC180  }
0x79: {  	[spmem:s1] =	stream.indirect.scatter.add.f32 [tilespmem:s29], [sflag:$0x3], $0x8, s30, s22, $0xb8;
	[tilespmem:$0x1FC00] =	vst v63  }
0x7a: {  	_ =	swait.ge [sflag:s3], $0x3E80  }
0x7b: {  	[sflag:s3] =	ssyncset.done $0x0  }
0x7c: {  	[sflag:s3] =	ssyncadd.s32 $0xFFFFC180  }
0x7d: {  	_ =	swait.ge [sflag:s3], $0x3E80  }
0x7e: {  	[sflag:s3] =	ssyncset.done $0x0  }
0x7f: {  	s24 =	sadd.s32 $0x1, s24;
	[sflag:s3] =	ssyncadd.s32 $0xFFFFC180  }
0x80: {  	p0 =	sne.s32 s24, s13;
	[bflag:$0x0] =	sbarrier.arrive $0xFFFF  }
.Ltmp1:
0x81: {  	s31 =	rddreg [dreg:$0xa];
	(pc) =	sbr.rel @p0 .LBB2_1-.Ltmp1, $4  }
0x82: {  	[hbm:s31], [sflag:s7] =	dma.local [spmem:s25], $0x1870  }
0x83: {  	_ =	swait.ge [sflag:s20], $0x1870  }
0x84: {  	[sflag:s20] =	ssyncset.done $0x0  }
0x85: {  	[sflag:s20] =	ssyncadd.s32 $0xFFFFE790  }
0x86: {  	_ =	sfence.sel $0x180000  }
0x87: {  	[bflag:$0x0] =	sbarrier.arrive $0xFFFF  }
0x88: {  	_ =	strace $0x90000053  }
0x89: {  	s0 =	stileid.u32;
	[bflag:$0x2] =	sbarrier.arrive $0xFFFF  }
0x8a: {  	p0 =	sne.s32 s0, $0x0;
	s0 =	rddreg [dreg:$0x3]  }
0x8b: {  	s0 =	sadd.s32 @!p0 $0x100000, s0  }
0x8c: {  	[sflag:s0] =	ssyncadd.tile.s32 @!p0 $0x1;
	_ =	shalt  }
.Lfunc_end2:
_tile_overlayer_lowered:
.L_overlay_start_2:
0x8d: {  	(tag) =	ssettag $0x2  }
0x8e: {  	s0 =	rddreg [dreg:$0x0];
	s2 =	stileid.u32  }
0x8f: {  	s1 =	rddreg [dreg:$0x1];
	p0 =	sne.s32 s2, $0x0  }
0x90: {  	s3 =	rddreg [dreg:$0x2];
	[bflag:$0x3] =	sbarrier.arrive $0xFFFF;
	s2 =	simm.s32 @!p0 $0x1C04  }
0x91: {  	[timem:s3], [sflag:s2] =	dma.local @!p0 [hbm:s0], s1  }
0x92: {  	s0 =	simm.s32 @!p0 $0x4  }
0x93: {  	_ =	swait.ge @!p0 [sflag:s0], s1  }
0x94: {  	s1 =	ssub.s32 @!p0 $0x0, s1;
	[sflag:s0] =	ssyncset.done @!p0 $0x0  }
0x95: {  	[sflag:s0] =	ssyncadd.s32 @!p0 s1  }
0x96: {  	[bflag:$0x3] =	sbarrier.arrive $0xFFFF  }
0x97: {  	_ =	shalt  }

</sc_bundles>
